<compile_context>
chip_gen: v7x
topology: tpu7x:2x2x1
jax: 0.10.2.dev20260603
libtpu: 0.0.44.dev20260713+nightly
codegen_flags: <defaults>
</compile_context>

<pallas_src>
import jax
import jax.numpy as jnp
from jax import lax
from jax.experimental import pallas as pl
from jax.experimental.pallas import tpu as pltpu
from jax.experimental.pallas import tpu_sc as plsc

N = 10000
E = 320000
D = 128
Z = 64

NC = 2
NS = 16
NW = NC * NS
CH = 128
KCH = 80
E_PAD = NW * KCH * CH
PADR = 8
N2 = N + PADR
DPT = 624

_mesh = plsc.VectorSubcoreMesh(
    core_axis_name="c", subcore_axis_name="s", num_cores=NC, num_subcores=NS
)


def _deg_body(dstp_hbm, deg_hbm, deg_sh, dst_all, zv, ones_v, ones_t, dsem):
    cid = lax.axis_index("c")
    sid = lax.axis_index("s")
    wid = sid * NC + cid
    for i in range(DPT // 16):
        zv[pl.ds(i * 16, 16)] = jnp.zeros((16,), jnp.float32)
    for i in range(CH // 16):
        ones_v[pl.ds(i * 16, 16)] = jnp.ones((16,), jnp.float32)
    ones_t[...] = jnp.ones((16,), jnp.float32)
    pltpu.sync_copy(dstp_hbm.at[wid], dst_all)
    off = pl.multiple_of(sid * DPT, 8)
    pltpu.sync_copy(zv, deg_sh.at[pl.ds(off, DPT)])
    @pl.when(sid == NS - 1)
    def _():
        pltpu.sync_copy(zv.at[pl.ds(0, 16 + PADR)],
                        deg_sh.at[pl.ds(NS * DPT, 16 + PADR)])
    plsc.subcore_barrier()

    def chunk(k, carry):
        pltpu.async_copy(ones_v, deg_sh.at[dst_all.at[k]], dsem, add=True)
        return carry

    lax.fori_loop(0, KCH, chunk, 0)

    def chunk_drain(k, carry):
        pltpu.make_async_copy(ones_v, deg_sh.at[pl.ds(0, CH)], dsem).wait()
        return carry

    lax.fori_loop(0, KCH, chunk_drain, 0)
    plsc.subcore_barrier()
    hoff = pl.multiple_of(cid * N + sid * DPT, 8)
    pltpu.sync_copy(deg_sh.at[pl.ds(off, DPT)], zv)
    pltpu.sync_copy(zv, deg_hbm.at[pl.ds(hoff, DPT)])
    @pl.when(sid == NS - 1)
    def _():
        pltpu.sync_copy(deg_sh.at[pl.ds(NS * DPT, 16)], ones_t)
        pltpu.sync_copy(ones_t, deg_hbm.at[pl.ds(cid * N + NS * DPT, 16)])


_deg_call = pl.kernel(
    _deg_body,
    out_type=jax.ShapeDtypeStruct((NC * N,), jnp.float32),
    mesh=_mesh,
    scratch_types=[
        pltpu.VMEM_SHARED((N2,), jnp.float32),
        pltpu.VMEM((KCH, CH), jnp.int32),
        pltpu.VMEM((DPT,), jnp.float32),
        pltpu.VMEM((CH,), jnp.float32),
        pltpu.VMEM((16,), jnp.float32),
        pltpu.SemaphoreType.DMA,
    ],
)


_CP_SZ = (CH, CH, CH, CH, DPT - 4 * CH)


def _agg_body(g_hbm, srcp_hbm, dstp_hbm, zeros_hbm, part_hbm,
              acc_sh, dst_all, srcv0, srcv1, srcv2, srcv3, rows0, rows1,
              gsem, isem, ssem):
    cid = lax.axis_index("c")
    sid = lax.axis_index("s")
    wid = sid * NC + cid
    rows = [rows0, rows1]
    srcv = [srcv0, srcv1, srcv2, srcv3]

    def src_async(k, s):
        pltpu.async_copy(srcp_hbm.at[wid, k], srcv[s], isem)

    def src_wait(s):
        pltpu.make_async_copy(srcp_hbm.at[0, 0], srcv[s], isem).wait()

    def gather_start(s, b):
        pltpu.async_copy(g_hbm.at[srcv[s]], rows[b], gsem)

    def gather_wait(b):
        pltpu.make_async_copy(g_hbm.at[pl.ds(0, CH)], rows[b], gsem).wait()

    for k0 in range(1, 4):
        src_async(k0, k0)
    pltpu.sync_copy(zeros_hbm, rows1)
    pltpu.sync_copy(dstp_hbm.at[wid], dst_all)
    off = 0
    for sz in _CP_SZ:
        pltpu.sync_copy(rows1.at[pl.ds(0, sz)],
                        acc_sh.at[pl.ds(sid * DPT + off, sz)])
        off += sz
    @pl.when(sid == NS - 1)
    def _():
        pltpu.sync_copy(rows1.at[pl.ds(0, 16 + PADR)],
                        acc_sh.at[pl.ds(NS * DPT, 16 + PADR)])
    pltpu.sync_copy(srcp_hbm.at[wid, 0], srcv0)
    plsc.subcore_barrier()
    gather_start(0, 0)

    def scatter_drain():
        pltpu.make_async_copy(rows0, acc_sh.at[pl.ds(0, CH)], ssem).wait()

    def ring(j, carry):
        for u in range(4):
            k = j * 4 + u
            b = u % 2
            @pl.when(k + 1 < KCH)
            def _():
                src_wait((u + 1) % 4)
                @pl.when(k >= 1)
                def _():
                    scatter_drain()
                gather_start((u + 1) % 4, 1 - b)
            gather_wait(b)
            pltpu.async_copy(rows[b], acc_sh.at[dst_all.at[k]], ssem, add=True)
            @pl.when(k + 4 < KCH)
            def _():
                src_async(k + 4, u)
        return carry

    lax.fori_loop(0, KCH // 4, ring, 0)
    scatter_drain()
    scatter_drain()
    plsc.subcore_barrier()
    def wr_drain(sz):
        pltpu.make_async_copy(rows0.at[pl.ds(0, sz)],
                              part_hbm.at[0, pl.ds(0, sz)], isem).wait()

    off = 0
    for i, sz in enumerate(_CP_SZ):
        if i >= 2:
            wr_drain(_CP_SZ[i - 2])
        r0 = pl.multiple_of(sid * DPT + off, 8)
        pltpu.sync_copy(acc_sh.at[pl.ds(r0, sz)], rows[i % 2].at[pl.ds(0, sz)])
        pltpu.async_copy(rows[i % 2].at[pl.ds(0, sz)],
                         part_hbm.at[cid, pl.ds(r0, sz)], isem)
        off += sz
    wr_drain(_CP_SZ[3])
    wr_drain(_CP_SZ[4])
    @pl.when(sid == NS - 1)
    def _():
        pltpu.sync_copy(acc_sh.at[pl.ds(NS * DPT, 16)], rows0.at[pl.ds(0, 16)])
        pltpu.sync_copy(rows0.at[pl.ds(0, 16)], part_hbm.at[cid, pl.ds(NS * DPT, 16)])


_agg_call = pl.kernel(
    _agg_body,
    out_type=jax.ShapeDtypeStruct((NC, N, D), jnp.float32),
    mesh=_mesh,
    scratch_types=[
        pltpu.VMEM_SHARED((N2, D), jnp.float32),
        pltpu.VMEM((KCH, CH), jnp.int32),
        pltpu.VMEM((CH,), jnp.int32),
        pltpu.VMEM((CH,), jnp.int32),
        pltpu.VMEM((CH,), jnp.int32),
        pltpu.VMEM((CH,), jnp.int32),
        pltpu.VMEM((CH, D), jnp.float32),
        pltpu.VMEM((CH, D), jnp.float32),
        pltpu.SemaphoreType.DMA,
        pltpu.SemaphoreType.DMA,
        pltpu.SemaphoreType.DMA,
    ],
)


BM = 5000
GRID = N // BM


def _sinv(deg_blk):
    return lax.rsqrt(jnp.maximum(deg_blk[0] + deg_blk[1], 1.0))


def _tc1_body(x_ref, deg_ref, w1_ref, b1_ref, o_ref):
    xb = x_ref[...]
    nrm = jnp.sqrt(jnp.sum(xb * xb, axis=1, keepdims=True))
    xn = xb / jnp.maximum(nrm, 1e-12)
    s = _sinv(deg_ref[...])
    o_ref[...] = (jnp.dot(xn, w1_ref[...],
                          preferred_element_type=jnp.float32) + b1_ref[...]) * s


def _tc2_body(p_ref, deg_ref, w2_ref, b2_ref, o_ref):
    p = p_ref[...]
    s = _sinv(deg_ref[...])
    h = jax.nn.relu((p[0] + p[1]) * s)
    o_ref[...] = (jnp.dot(h, w2_ref[...],
                          preferred_element_type=jnp.float32) + b2_ref[...]) * s


def _tc3_body(p_ref, deg_ref, y_ref, wy_ref, by_ref, woh_ref, woy_ref, bo_ref,
              wz_ref, bz_ref, mu_ref, lv_ref):
    p = p_ref[...]
    s = _sinv(deg_ref[...])
    h2 = (p[0] + p[1]) * s
    ye = jnp.dot(y_ref[...], wy_ref[...],
                 preferred_element_type=jnp.float32) + by_ref[...]
    out = (jnp.dot(h2, woh_ref[...], preferred_element_type=jnp.float32)
           + jnp.dot(ye, woy_ref[...], preferred_element_type=jnp.float32)
           + bo_ref[...])
    z = jnp.dot(out, wz_ref[...], preferred_element_type=jnp.float32) + bz_ref[...]
    e = jnp.where(z > 0, z, jnp.exp(jnp.minimum(z, 0.0)) - 1.0)
    mu_ref[...] = e[:, :Z]
    lv_ref[...] = e[:, Z:]


def _row_spec(shape_tail):
    return pl.BlockSpec((BM,) + shape_tail, lambda i: (i,) + (0,) * len(shape_tail))


_deg_spec = pl.BlockSpec((NC, BM, 1), lambda i: (0, i, 0))
_w_spec = pl.BlockSpec((D, D), lambda i: (0, 0))
_b_spec = pl.BlockSpec((1, D), lambda i: (0, 0))
_p_spec = pl.BlockSpec((NC, BM, D), lambda i: (0, i, 0))
_o_shape = jax.ShapeDtypeStruct((N, D), jnp.float32)
_o_spec = _row_spec((D,))

_tc1_call = pl.pallas_call(
    _tc1_body,
    grid=(GRID,),
    in_specs=[_row_spec((D,)), _deg_spec, _w_spec, _b_spec],
    out_specs=_o_spec,
    out_shape=_o_shape,
)

_tc2_call = pl.pallas_call(
    _tc2_body,
    grid=(GRID,),
    in_specs=[_p_spec, _deg_spec, _w_spec, _b_spec],
    out_specs=_o_spec,
    out_shape=_o_shape,
)

_tc3_call = pl.pallas_call(
    _tc3_body,
    grid=(GRID,),
    in_specs=[_p_spec, _deg_spec, _row_spec((8,)),
              pl.BlockSpec((8, D), lambda i: (0, 0)), _b_spec,
              _w_spec, _w_spec, _b_spec, _w_spec, _b_spec],
    out_specs=[_row_spec((Z,)), _row_spec((Z,))],
    out_shape=[jax.ShapeDtypeStruct((N, Z), jnp.float32),
               jax.ShapeDtypeStruct((N, Z), jnp.float32)],
)


@jax.jit
def kernel(x, adj, y, W1, b1, W2, b2, Wy, by, Wo, bo, Wmu, bmu, Wlv, blv):
    pad = E_PAD - E
    pi = jnp.arange(pad, dtype=jnp.int32)
    srcp = jnp.concatenate([adj[0], (pi * 13) % N]).reshape(NW, KCH, CH)
    dstp = jnp.concatenate([adj[1], N + (pi % PADR)]).reshape(NW, KCH, CH)
    zeros_rows = jnp.zeros((CH, D), jnp.float32)

    degp = _deg_call(dstp)
    deg3 = degp.reshape(NC, N, 1)

    g1 = _tc1_call(x, deg3, W1, b1.reshape(1, D))
    p1 = _agg_call(g1, srcp, dstp, zeros_rows)
    g2 = _tc2_call(p1, deg3, W2, b2.reshape(1, D))
    p2 = _agg_call(g2, srcp, dstp, zeros_rows)

    y8 = jnp.concatenate([y, jnp.zeros((N, 1), jnp.float32)], axis=1)
    wy8 = jnp.concatenate([Wy, jnp.zeros((1, D), jnp.float32)], axis=0)
    wz = jnp.concatenate([Wmu, Wlv], axis=1)
    bz = jnp.concatenate([bmu, blv]).reshape(1, D)
    mu, logvar = _tc3_call(p2, deg3, y8, wy8, by.reshape(1, D),
                           Wo[:D], Wo[D:], bo.reshape(1, D), wz, bz)
    return mu, logvar

# --- scband reference (transcript-rebuilt; emitter-appended) ---
"""Pipeline reference for scband-z-encoder-58506044506605 (READ-ONLY COPY).

The authoritative reference and input builder live on the scoring server;
editing this copy changes nothing except your own understanding.
"""

import jax, jax.numpy as jnp
import numpy as np

N = 10000
E = 320000
D = 128   # input_size (d_feat)
H = 128   # hidden_size
O = 128   # output_size
C = 7     # num_class
Z = 64    # args.z_dim


def setup_inputs(seed: int = 0) -> dict:
    key = jax.random.key(seed)
    ks = jax.random.split(key, 16)
    x = jax.random.normal(ks[0], (N, D), dtype=jnp.float32)
    adj = jax.random.randint(ks[1], (2, E), 0, N, dtype=jnp.int32)
    y = jax.random.uniform(ks[2], (N, C), dtype=jnp.float32)
    def lin(k, fan_in, fan_out):
        s = 1.0 / np.sqrt(fan_in)
        kw, kb = jax.random.split(k)
        W = jax.random.uniform(kw, (fan_in, fan_out), dtype=jnp.float32, minval=-s, maxval=s)
        b = jax.random.uniform(kb, (fan_out,), dtype=jnp.float32, minval=-s, maxval=s)
        return W, b
    W1, b1 = lin(ks[3], D, H)      # GCN layer 1
    W2, b2 = lin(ks[4], H, O)      # GCN layer 2
    Wy, by = lin(ks[5], C, O)      # y_fc_emb
    Wo, bo = lin(ks[6], O * 2, O)  # out_fc
    Wmu, bmu = lin(ks[7], O, Z)    # z_fc_mu
    Wlv, blv = lin(ks[8], O, Z)    # z_fc_logvar
    return {"x": x, "adj": adj, "y": y,
            "W1": W1, "b1": b1, "W2": W2, "b2": b2,
            "Wy": Wy, "by": by, "Wo": Wo, "bo": bo,
            "Wmu": Wmu, "bmu": bmu, "Wlv": Wlv, "blv": blv}


def _gcn_agg(h, src, dst, w):
    # normalized sparse adjacency matmul: A_hat @ h via gather + scatter-add
    msgs = h[src] * w[:, None]
    return jax.ops.segment_sum(msgs, dst, num_segments=N)


def reference(x, adj, y, W1, b1, W2, b2, Wy, by, Wo, bo, Wmu, bmu, Wlv, blv):
    # F.normalize(x): row-wise L2 normalization with eps like torch
    norm = jnp.sqrt(jnp.sum(x * x, axis=1, keepdims=True))
    xn = x / jnp.maximum(norm, 1e-12)
    src = adj[0]
    dst = adj[1]
    # symmetric GCN normalization D^-1/2 A D^-1/2 edge weights
    deg = jnp.zeros((N,), dtype=jnp.float32).at[dst].add(1.0)
    deg = jnp.maximum(deg, 1.0)
    w = 1.0 / jnp.sqrt(deg[src] * deg[dst])
    # GCN layer 1 (dropout=0.6 is identity in eval mode)
    h = xn @ W1 + b1
    h = _gcn_agg(h, src, dst, w)
    h = jax.nn.relu(h)
    # GCN layer 2
    h = h @ W2 + b2
    h = _gcn_agg(h, src, dst, w)
    # label embedding branch
    y_emb = y @ Wy + by
    out = jnp.concatenate([h, y_emb], axis=1)
    out = out @ Wo + bo
    mu = jax.nn.elu(out @ Wmu + bmu)
    logvar = jax.nn.elu(out @ Wlv + blv)
    return (mu, logvar)

if __name__ == "__main__":
    import jax
    _d = setup_inputs()
    print(jax.jit(kernel)(*tuple(_d.values())))

</pallas_src>

<mosaic_0001>
#map = affine_map<(d0, d1) -> (0, 0)>
#map1 = affine_map<(d0, d1) -> (0, 0, 0)>
module attributes {stable_mosaic.version = 14 : i64} {
  func.func @_agg_body(%arg0: i32, %arg1: i32, %arg2: memref<10000x128xf32, #tpu.memory_space<hbm>>, %arg3: memref<32x80x128xi32, #tpu.memory_space<hbm>>, %arg4: memref<32x80x128xi32, #tpu.memory_space<hbm>>, %arg5: memref<128x128xf32, #tpu.memory_space<hbm>>, %arg6: memref<2x10000x128xf32, #tpu.memory_space<hbm>>, %arg7: memref<10008x128xf32, #tpu.memory_space<vmem_shared>>, %arg8: memref<80x128xi32, #tpu.memory_space<vmem>>, %arg9: memref<128xi32, #tpu.memory_space<vmem>>, %arg10: memref<128xi32, #tpu.memory_space<vmem>>, %arg11: memref<128xi32, #tpu.memory_space<vmem>>, %arg12: memref<128xi32, #tpu.memory_space<vmem>>, %arg13: memref<128x128xf32, #tpu.memory_space<vmem>>, %arg14: memref<128x128xf32, #tpu.memory_space<vmem>>, %arg15: memref<!tpu.dma_semaphore, #tpu.memory_space<semaphore_mem>>, %arg16: memref<!tpu.dma_semaphore, #tpu.memory_space<semaphore_mem>>, %arg17: memref<!tpu.dma_semaphore, #tpu.memory_space<semaphore_mem>>) attributes {dimension_semantics = [#tpu.dimension_semantics<core_parallel>, #tpu.dimension_semantics<subcore_parallel>], iteration_bounds = array<i64: 2, 16>, scalar_prefetch = 0 : i64, scratch_operands = 11 : i64, tpu.core_type = #tpu.core_type<sc_vector_subcore>, window_params = [{transform_indices = #map}, {transform_indices = #map1}, {transform_indices = #map1}, {transform_indices = #map}, {transform_indices = #map1}]} {
    %mul3A = arith.constant 2 : i32
    %mul3A_0 = arith.muli %arg1, %mul3A : i32
    %add3A = arith.addi %mul3A_0, %arg0 : i32
    %dma_start3A = arith.constant 1 : i32
    %dma_start3A_1 = arith.constant 0 : i32
    %dma_start3A_2 = tpu.memref_slice %arg3[%add3A, %dma_start3A, %dma_start3A_1] : memref<32x80x128xi32, #tpu.memory_space<hbm>> -> memref<1x1x128xi32, #tpu.memory_space<hbm>>
    %dma_start3A_3 = tpu.memref_squeeze %dma_start3A_2 : memref<1x1x128xi32, #tpu.memory_space<hbm>> -> memref<128xi32, #tpu.memory_space<hbm>>
    %dma_start3A_4 = arith.constant 0 : i32
    %dma_start3A_5 = tpu.memref_slice %arg3[%add3A, %dma_start3A, %dma_start3A_4] : memref<32x80x128xi32, #tpu.memory_space<hbm>> -> memref<1x1x128xi32, #tpu.memory_space<hbm>>
    %dma_start3A_6 = tpu.memref_squeeze %dma_start3A_5 : memref<1x1x128xi32, #tpu.memory_space<hbm>> -> memref<128xi32, #tpu.memory_space<hbm>>
    tpu.enqueue_dma source(%dma_start3A_6 : memref<128xi32, #tpu.memory_space<hbm>>) target(%arg10 : memref<128xi32, #tpu.memory_space<vmem>>) target_semaphore(%arg16 : memref<!tpu.dma_semaphore, #tpu.memory_space<semaphore_mem>>)
    %dma_start3A_7 = arith.constant 2 : i32
    %dma_start3A_8 = arith.constant 0 : i32
    %dma_start3A_9 = tpu.memref_slice %arg3[%add3A, %dma_start3A_7, %dma_start3A_8] : memref<32x80x128xi32, #tpu.memory_space<hbm>> -> memref<1x1x128xi32, #tpu.memory_space<hbm>>
    %dma_start3A_10 = tpu.memref_squeeze %dma_start3A_9 : memref<1x1x128xi32, #tpu.memory_space<hbm>> -> memref<128xi32, #tpu.memory_space<hbm>>
    %dma_start3A_11 = arith.constant 0 : i32
    %dma_start3A_12 = tpu.memref_slice %arg3[%add3A, %dma_start3A_7, %dma_start3A_11] : memref<32x80x128xi32, #tpu.memory_space<hbm>> -> memref<1x1x128xi32, #tpu.memory_space<hbm>>
    %dma_start3A_13 = tpu.memref_squeeze %dma_start3A_12 : memref<1x1x128xi32, #tpu.memory_space<hbm>> -> memref<128xi32, #tpu.memory_space<hbm>>
    tpu.enqueue_dma source(%dma_start3A_13 : memref<128xi32, #tpu.memory_space<hbm>>) target(%arg11 : memref<128xi32, #tpu.memory_space<vmem>>) target_semaphore(%arg16 : memref<!tpu.dma_semaphore, #tpu.memory_space<semaphore_mem>>)
    %dma_start3A_14 = arith.constant 3 : i32
    %dma_start3A_15 = arith.constant 0 : i32
    %dma_start3A_16 = tpu.memref_slice %arg3[%add3A, %dma_start3A_14, %dma_start3A_15] : memref<32x80x128xi32, #tpu.memory_space<hbm>> -> memref<1x1x128xi32, #tpu.memory_space<hbm>>
    %dma_start3A_17 = tpu.memref_squeeze %dma_start3A_16 : memref<1x1x128xi32, #tpu.memory_space<hbm>> -> memref<128xi32, #tpu.memory_space<hbm>>
    %dma_start3A_18 = arith.constant 0 : i32
    %dma_start3A_19 = tpu.memref_slice %arg3[%add3A, %dma_start3A_14, %dma_start3A_18] : memref<32x80x128xi32, #tpu.memory_space<hbm>> -> memref<1x1x128xi32, #tpu.memory_space<hbm>>
    %dma_start3A_20 = tpu.memref_squeeze %dma_start3A_19 : memref<1x1x128xi32, #tpu.memory_space<hbm>> -> memref<128xi32, #tpu.memory_space<hbm>>
    tpu.enqueue_dma source(%dma_start3A_20 : memref<128xi32, #tpu.memory_space<hbm>>) target(%arg12 : memref<128xi32, #tpu.memory_space<vmem>>) target_semaphore(%arg16 : memref<!tpu.dma_semaphore, #tpu.memory_space<semaphore_mem>>)
    "tpu.region"() ({
      %run_scoped3A_227 = tpu.sem_alloc : memref<!tpu.dma_semaphore, #tpu.memory_space<semaphore_mem>>
      tpu.enqueue_dma source(%arg5 : memref<128x128xf32, #tpu.memory_space<hbm>>) target(%arg14 : memref<128x128xf32, #tpu.memory_space<vmem>>) target_semaphore(%run_scoped3A_227 : memref<!tpu.dma_semaphore, #tpu.memory_space<semaphore_mem>>)
      tpu.wait_dma2 semaphore(%run_scoped3A_227 : memref<!tpu.dma_semaphore, #tpu.memory_space<semaphore_mem>>) src(%arg5 : memref<128x128xf32, #tpu.memory_space<hbm>>) dst(%arg14 : memref<128x128xf32, #tpu.memory_space<vmem>>)
      tpu.yield
    }) : () -> ()
    "tpu.region"() ({
      %run_scoped3A_227 = tpu.sem_alloc : memref<!tpu.dma_semaphore, #tpu.memory_space<semaphore_mem>>
      %dma_start3A_228 = arith.constant 0 : i32
      %dma_start3A_229 = arith.constant 0 : i32
      %dma_start3A_230 = tpu.memref_slice %arg4[%add3A, %dma_start3A_228, %dma_start3A_229] : memref<32x80x128xi32, #tpu.memory_space<hbm>> -> memref<1x80x128xi32, #tpu.memory_space<hbm>>
      %dma_start3A_231 = tpu.memref_squeeze %dma_start3A_230 : memref<1x80x128xi32, #tpu.memory_space<hbm>> -> memref<80x128xi32, #tpu.memory_space<hbm>>
      %dma_start3A_232 = arith.constant 0 : i32
      %dma_start3A_233 = arith.constant 0 : i32
      %dma_start3A_234 = tpu.memref_slice %arg4[%add3A, %dma_start3A_232, %dma_start3A_233] : memref<32x80x128xi32, #tpu.memory_space<hbm>> -> memref<1x80x128xi32, #tpu.memory_space<hbm>>
      %dma_start3A_235 = tpu.memref_squeeze %dma_start3A_234 : memref<1x80x128xi32, #tpu.memory_space<hbm>> -> memref<80x128xi32, #tpu.memory_space<hbm>>
      tpu.enqueue_dma source(%dma_start3A_235 : memref<80x128xi32, #tpu.memory_space<hbm>>) target(%arg8 : memref<80x128xi32, #tpu.memory_space<vmem>>) target_semaphore(%run_scoped3A_227 : memref<!tpu.dma_semaphore, #tpu.memory_space<semaphore_mem>>)
      %dma_wait3A_236 = arith.constant 0 : i32
      %dma_wait3A_237 = arith.constant 0 : i32
      %dma_wait3A_238 = tpu.memref_slice %arg4[%add3A, %dma_wait3A_236, %dma_wait3A_237] : memref<32x80x128xi32, #tpu.memory_space<hbm>> -> memref<1x80x128xi32, #tpu.memory_space<hbm>>
      %dma_wait3A_239 = tpu.memref_squeeze %dma_wait3A_238 : memref<1x80x128xi32, #tpu.memory_space<hbm>> -> memref<80x128xi32, #tpu.memory_space<hbm>>
      %dma_wait3A_240 = arith.constant 0 : i32
      %dma_wait3A_241 = arith.constant 0 : i32
      %dma_wait3A_242 = tpu.memref_slice %arg4[%add3A, %dma_wait3A_240, %dma_wait3A_241] : memref<32x80x128xi32, #tpu.memory_space<hbm>> -> memref<1x80x128xi32, #tpu.memory_space<hbm>>
      %dma_wait3A_243 = tpu.memref_squeeze %dma_wait3A_242 : memref<1x80x128xi32, #tpu.memory_space<hbm>> -> memref<80x128xi32, #tpu.memory_space<hbm>>
      tpu.wait_dma2 semaphore(%run_scoped3A_227 : memref<!tpu.dma_semaphore, #tpu.memory_space<semaphore_mem>>) src(%dma_wait3A_243 : memref<80x128xi32, #tpu.memory_space<hbm>>) dst(%arg8 : memref<80x128xi32, #tpu.memory_space<vmem>>)
      tpu.yield
    }) : () -> ()
    %mul3A_21 = arith.constant 624 : i32
    %mul3A_22 = arith.muli %arg1, %mul3A_21 : i32
    %add3A_23 = arith.constant 0 : i32
    %add3A_24 = arith.addi %mul3A_22, %add3A_23 : i32
    "tpu.region"() ({
      %run_scoped3A_227 = tpu.sem_alloc : memref<!tpu.dma_semaphore, #tpu.memory_space<semaphore_mem>>
      %dma_start3A_228 = arith.constant 0 : i32
      %dma_start3A_229 = arith.constant 0 : i32
      %dma_start3A_230 = tpu.memref_slice %arg14[%dma_start3A_228, %dma_start3A_229] : memref<128x128xf32, #tpu.memory_space<vmem>> -> memref<128x128xf32, #tpu.memory_space<vmem>>
      %dma_start3A_231 = arith.constant 0 : i32
      %dma_start3A_232 = tpu.memref_slice %arg7[%add3A_24, %dma_start3A_231] : memref<10008x128xf32, #tpu.memory_space<vmem_shared>> -> memref<128x128xf32, #tpu.memory_space<vmem_shared>>
      %dma_start3A_233 = arith.constant 0 : i32
      %dma_start3A_234 = tpu.memref_slice %arg7[%add3A_24, %dma_start3A_233] : memref<10008x128xf32, #tpu.memory_space<vmem_shared>> -> memref<128x128xf32, #tpu.memory_space<vmem_shared>>
      %dma_start3A_235 = arith.constant 0 : i32
      %dma_start3A_236 = arith.constant 0 : i32
      %dma_start3A_237 = tpu.memref_slice %arg14[%dma_start3A_235, %dma_start3A_236] : memref<128x128xf32, #tpu.memory_space<vmem>> -> memref<128x128xf32, #tpu.memory_space<vmem>>
      tpu.enqueue_dma source(%dma_start3A_237 : memref<128x128xf32, #tpu.memory_space<vmem>>) target(%dma_start3A_234 : memref<128x128xf32, #tpu.memory_space<vmem_shared>>) target_semaphore(%run_scoped3A_227 : memref<!tpu.dma_semaphore, #tpu.memory_space<semaphore_mem>>)
      %dma_wait3A_238 = arith.constant 0 : i32
      %dma_wait3A_239 = arith.constant 0 : i32
      %dma_wait3A_240 = tpu.memref_slice %arg14[%dma_wait3A_238, %dma_wait3A_239] : memref<128x128xf32, #tpu.memory_space<vmem>> -> memref<128x128xf32, #tpu.memory_space<vmem>>
      %dma_wait3A_241 = arith.constant 0 : i32
      %dma_wait3A_242 = tpu.memref_slice %arg7[%add3A_24, %dma_wait3A_241] : memref<10008x128xf32, #tpu.memory_space<vmem_shared>> -> memref<128x128xf32, #tpu.memory_space<vmem_shared>>
      %dma_wait3A_243 = arith.constant 0 : i32
      %dma_wait3A_244 = tpu.memref_slice %arg7[%add3A_24, %dma_wait3A_243] : memref<10008x128xf32, #tpu.memory_space<vmem_shared>> -> memref<128x128xf32, #tpu.memory_space<vmem_shared>>
      %dma_wait3A_245 = arith.constant 0 : i32
      %dma_wait3A_246 = arith.constant 0 : i32
      %dma_wait3A_247 = tpu.memref_slice %arg14[%dma_wait3A_245, %dma_wait3A_246] : memref<128x128xf32, #tpu.memory_space<vmem>> -> memref<128x128xf32, #tpu.memory_space<vmem>>
      tpu.wait_dma2 semaphore(%run_scoped3A_227 : memref<!tpu.dma_semaphore, #tpu.memory_space<semaphore_mem>>) src(%dma_wait3A_247 : memref<128x128xf32, #tpu.memory_space<vmem>>) dst(%dma_wait3A_244 : memref<128x128xf32, #tpu.memory_space<vmem_shared>>)
      tpu.yield
    }) : () -> ()
    %mul3A_25 = arith.constant 624 : i32
    %mul3A_26 = arith.muli %arg1, %mul3A_25 : i32
    %add3A_27 = arith.constant 128 : i32
    %add3A_28 = arith.addi %mul3A_26, %add3A_27 : i32
    "tpu.region"() ({
      %run_scoped3A_227 = tpu.sem_alloc : memref<!tpu.dma_semaphore, #tpu.memory_space<semaphore_mem>>
      %dma_start3A_228 = arith.constant 0 : i32
      %dma_start3A_229 = arith.constant 0 : i32
      %dma_start3A_230 = tpu.memref_slice %arg14[%dma_start3A_228, %dma_start3A_229] : memref<128x128xf32, #tpu.memory_space<vmem>> -> memref<128x128xf32, #tpu.memory_space<vmem>>
      %dma_start3A_231 = arith.constant 0 : i32
      %dma_start3A_232 = tpu.memref_slice %arg7[%add3A_28, %dma_start3A_231] : memref<10008x128xf32, #tpu.memory_space<vmem_shared>> -> memref<128x128xf32, #tpu.memory_space<vmem_shared>>
      %dma_start3A_233 = arith.constant 0 : i32
      %dma_start3A_234 = tpu.memref_slice %arg7[%add3A_28, %dma_start3A_233] : memref<10008x128xf32, #tpu.memory_space<vmem_shared>> -> memref<128x128xf32, #tpu.memory_space<vmem_shared>>
      %dma_start3A_235 = arith.constant 0 : i32
      %dma_start3A_236 = arith.constant 0 : i32
      %dma_start3A_237 = tpu.memref_slice %arg14[%dma_start3A_235, %dma_start3A_236] : memref<128x128xf32, #tpu.memory_space<vmem>> -> memref<128x128xf32, #tpu.memory_space<vmem>>
      tpu.enqueue_dma source(%dma_start3A_237 : memref<128x128xf32, #tpu.memory_space<vmem>>) target(%dma_start3A_234 : memref<128x128xf32, #tpu.memory_space<vmem_shared>>) target_semaphore(%run_scoped3A_227 : memref<!tpu.dma_semaphore, #tpu.memory_space<semaphore_mem>>)
      %dma_wait3A_238 = arith.constant 0 : i32
      %dma_wait3A_239 = arith.constant 0 : i32
      %dma_wait3A_240 = tpu.memref_slice %arg14[%dma_wait3A_238, %dma_wait3A_239] : memref<128x128xf32, #tpu.memory_space<vmem>> -> memref<128x128xf32, #tpu.memory_space<vmem>>
      %dma_wait3A_241 = arith.constant 0 : i32
      %dma_wait3A_242 = tpu.memref_slice %arg7[%add3A_28, %dma_wait3A_241] : memref<10008x128xf32, #tpu.memory_space<vmem_shared>> -> memref<128x128xf32, #tpu.memory_space<vmem_shared>>
      %dma_wait3A_243 = arith.constant 0 : i32
      %dma_wait3A_244 = tpu.memref_slice %arg7[%add3A_28, %dma_wait3A_243] : memref<10008x128xf32, #tpu.memory_space<vmem_shared>> -> memref<128x128xf32, #tpu.memory_space<vmem_shared>>
      %dma_wait3A_245 = arith.constant 0 : i32
      %dma_wait3A_246 = arith.constant 0 : i32
      %dma_wait3A_247 = tpu.memref_slice %arg14[%dma_wait3A_245, %dma_wait3A_246] : memref<128x128xf32, #tpu.memory_space<vmem>> -> memref<128x128xf32, #tpu.memory_space<vmem>>
      tpu.wait_dma2 semaphore(%run_scoped3A_227 : memref<!tpu.dma_semaphore, #tpu.memory_space<semaphore_mem>>) src(%dma_wait3A_247 : memref<128x128xf32, #tpu.memory_space<vmem>>) dst(%dma_wait3A_244 : memref<128x128xf32, #tpu.memory_space<vmem_shared>>)
      tpu.yield
    }) : () -> ()
    %mul3A_29 = arith.constant 624 : i32
    %mul3A_30 = arith.muli %arg1, %mul3A_29 : i32
    %add3A_31 = arith.constant 256 : i32
    %add3A_32 = arith.addi %mul3A_30, %add3A_31 : i32
    "tpu.region"() ({
      %run_scoped3A_227 = tpu.sem_alloc : memref<!tpu.dma_semaphore, #tpu.memory_space<semaphore_mem>>
      %dma_start3A_228 = arith.constant 0 : i32
      %dma_start3A_229 = arith.constant 0 : i32
      %dma_start3A_230 = tpu.memref_slice %arg14[%dma_start3A_228, %dma_start3A_229] : memref<128x128xf32, #tpu.memory_space<vmem>> -> memref<128x128xf32, #tpu.memory_space<vmem>>
      %dma_start3A_231 = arith.constant 0 : i32
      %dma_start3A_232 = tpu.memref_slice %arg7[%add3A_32, %dma_start3A_231] : memref<10008x128xf32, #tpu.memory_space<vmem_shared>> -> memref<128x128xf32, #tpu.memory_space<vmem_shared>>
      %dma_start3A_233 = arith.constant 0 : i32
      %dma_start3A_234 = tpu.memref_slice %arg7[%add3A_32, %dma_start3A_233] : memref<10008x128xf32, #tpu.memory_space<vmem_shared>> -> memref<128x128xf32, #tpu.memory_space<vmem_shared>>
      %dma_start3A_235 = arith.constant 0 : i32
      %dma_start3A_236 = arith.constant 0 : i32
      %dma_start3A_237 = tpu.memref_slice %arg14[%dma_start3A_235, %dma_start3A_236] : memref<128x128xf32, #tpu.memory_space<vmem>> -> memref<128x128xf32, #tpu.memory_space<vmem>>
      tpu.enqueue_dma source(%dma_start3A_237 : memref<128x128xf32, #tpu.memory_space<vmem>>) target(%dma_start3A_234 : memref<128x128xf32, #tpu.memory_space<vmem_shared>>) target_semaphore(%run_scoped3A_227 : memref<!tpu.dma_semaphore, #tpu.memory_space<semaphore_mem>>)
      %dma_wait3A_238 = arith.constant 0 : i32
      %dma_wait3A_239 = arith.constant 0 : i32
      %dma_wait3A_240 = tpu.memref_slice %arg14[%dma_wait3A_238, %dma_wait3A_239] : memref<128x128xf32, #tpu.memory_space<vmem>> -> memref<128x128xf32, #tpu.memory_space<vmem>>
      %dma_wait3A_241 = arith.constant 0 : i32
      %dma_wait3A_242 = tpu.memref_slice %arg7[%add3A_32, %dma_wait3A_241] : memref<10008x128xf32, #tpu.memory_space<vmem_shared>> -> memref<128x128xf32, #tpu.memory_space<vmem_shared>>
      %dma_wait3A_243 = arith.constant 0 : i32
      %dma_wait3A_244 = tpu.memref_slice %arg7[%add3A_32, %dma_wait3A_243] : memref<10008x128xf32, #tpu.memory_space<vmem_shared>> -> memref<128x128xf32, #tpu.memory_space<vmem_shared>>
      %dma_wait3A_245 = arith.constant 0 : i32
      %dma_wait3A_246 = arith.constant 0 : i32
      %dma_wait3A_247 = tpu.memref_slice %arg14[%dma_wait3A_245, %dma_wait3A_246] : memref<128x128xf32, #tpu.memory_space<vmem>> -> memref<128x128xf32, #tpu.memory_space<vmem>>
      tpu.wait_dma2 semaphore(%run_scoped3A_227 : memref<!tpu.dma_semaphore, #tpu.memory_space<semaphore_mem>>) src(%dma_wait3A_247 : memref<128x128xf32, #tpu.memory_space<vmem>>) dst(%dma_wait3A_244 : memref<128x128xf32, #tpu.memory_space<vmem_shared>>)
      tpu.yield
    }) : () -> ()
    %mul3A_33 = arith.constant 624 : i32
    %mul3A_34 = arith.muli %arg1, %mul3A_33 : i32
    %add3A_35 = arith.constant 384 : i32
    %add3A_36 = arith.addi %mul3A_34, %add3A_35 : i32
    "tpu.region"() ({
      %run_scoped3A_227 = tpu.sem_alloc : memref<!tpu.dma_semaphore, #tpu.memory_space<semaphore_mem>>
      %dma_start3A_228 = arith.constant 0 : i32
      %dma_start3A_229 = arith.constant 0 : i32
      %dma_start3A_230 = tpu.memref_slice %arg14[%dma_start3A_228, %dma_start3A_229] : memref<128x128xf32, #tpu.memory_space<vmem>> -> memref<128x128xf32, #tpu.memory_space<vmem>>
      %dma_start3A_231 = arith.constant 0 : i32
      %dma_start3A_232 = tpu.memref_slice %arg7[%add3A_36, %dma_start3A_231] : memref<10008x128xf32, #tpu.memory_space<vmem_shared>> -> memref<128x128xf32, #tpu.memory_space<vmem_shared>>
      %dma_start3A_233 = arith.constant 0 : i32
      %dma_start3A_234 = tpu.memref_slice %arg7[%add3A_36, %dma_start3A_233] : memref<10008x128xf32, #tpu.memory_space<vmem_shared>> -> memref<128x128xf32, #tpu.memory_space<vmem_shared>>
      %dma_start3A_235 = arith.constant 0 : i32
      %dma_start3A_236 = arith.constant 0 : i32
      %dma_start3A_237 = tpu.memref_slice %arg14[%dma_start3A_235, %dma_start3A_236] : memref<128x128xf32, #tpu.memory_space<vmem>> -> memref<128x128xf32, #tpu.memory_space<vmem>>
      tpu.enqueue_dma source(%dma_start3A_237 : memref<128x128xf32, #tpu.memory_space<vmem>>) target(%dma_start3A_234 : memref<128x128xf32, #tpu.memory_space<vmem_shared>>) target_semaphore(%run_scoped3A_227 : memref<!tpu.dma_semaphore, #tpu.memory_space<semaphore_mem>>)
      %dma_wait3A_238 = arith.constant 0 : i32
      %dma_wait3A_239 = arith.constant 0 : i32
      %dma_wait3A_240 = tpu.memref_slice %arg14[%dma_wait3A_238, %dma_wait3A_239] : memref<128x128xf32, #tpu.memory_space<vmem>> -> memref<128x128xf32, #tpu.memory_space<vmem>>
      %dma_wait3A_241 = arith.constant 0 : i32
      %dma_wait3A_242 = tpu.memref_slice %arg7[%add3A_36, %dma_wait3A_241] : memref<10008x128xf32, #tpu.memory_space<vmem_shared>> -> memref<128x128xf32, #tpu.memory_space<vmem_shared>>
      %dma_wait3A_243 = arith.constant 0 : i32
      %dma_wait3A_244 = tpu.memref_slice %arg7[%add3A_36, %dma_wait3A_243] : memref<10008x128xf32, #tpu.memory_space<vmem_shared>> -> memref<128x128xf32, #tpu.memory_space<vmem_shared>>
      %dma_wait3A_245 = arith.constant 0 : i32
      %dma_wait3A_246 = arith.constant 0 : i32
      %dma_wait3A_247 = tpu.memref_slice %arg14[%dma_wait3A_245, %dma_wait3A_246] : memref<128x128xf32, #tpu.memory_space<vmem>> -> memref<128x128xf32, #tpu.memory_space<vmem>>
      tpu.wait_dma2 semaphore(%run_scoped3A_227 : memref<!tpu.dma_semaphore, #tpu.memory_space<semaphore_mem>>) src(%dma_wait3A_247 : memref<128x128xf32, #tpu.memory_space<vmem>>) dst(%dma_wait3A_244 : memref<128x128xf32, #tpu.memory_space<vmem_shared>>)
      tpu.yield
    }) : () -> ()
    %mul3A_37 = arith.constant 624 : i32
    %mul3A_38 = arith.muli %arg1, %mul3A_37 : i32
    %add3A_39 = arith.constant 512 : i32
    %add3A_40 = arith.addi %mul3A_38, %add3A_39 : i32
    "tpu.region"() ({
      %run_scoped3A_227 = tpu.sem_alloc : memref<!tpu.dma_semaphore, #tpu.memory_space<semaphore_mem>>
      %dma_start3A_228 = arith.constant 0 : i32
      %dma_start3A_229 = arith.constant 0 : i32
      %dma_start3A_230 = tpu.memref_slice %arg14[%dma_start3A_228, %dma_start3A_229] : memref<128x128xf32, #tpu.memory_space<vmem>> -> memref<112x128xf32, #tpu.memory_space<vmem>>
      %dma_start3A_231 = arith.constant 0 : i32
      %dma_start3A_232 = tpu.memref_slice %arg7[%add3A_40, %dma_start3A_231] : memref<10008x128xf32, #tpu.memory_space<vmem_shared>> -> memref<112x128xf32, #tpu.memory_space<vmem_shared>>
      %dma_start3A_233 = arith.constant 0 : i32
      %dma_start3A_234 = tpu.memref_slice %arg7[%add3A_40, %dma_start3A_233] : memref<10008x128xf32, #tpu.memory_space<vmem_shared>> -> memref<112x128xf32, #tpu.memory_space<vmem_shared>>
      %dma_start3A_235 = arith.constant 0 : i32
      %dma_start3A_236 = arith.constant 0 : i32
      %dma_start3A_237 = tpu.memref_slice %arg14[%dma_start3A_235, %dma_start3A_236] : memref<128x128xf32, #tpu.memory_space<vmem>> -> memref<112x128xf32, #tpu.memory_space<vmem>>
      tpu.enqueue_dma source(%dma_start3A_237 : memref<112x128xf32, #tpu.memory_space<vmem>>) target(%dma_start3A_234 : memref<112x128xf32, #tpu.memory_space<vmem_shared>>) target_semaphore(%run_scoped3A_227 : memref<!tpu.dma_semaphore, #tpu.memory_space<semaphore_mem>>)
      %dma_wait3A_238 = arith.constant 0 : i32
      %dma_wait3A_239 = arith.constant 0 : i32
      %dma_wait3A_240 = tpu.memref_slice %arg14[%dma_wait3A_238, %dma_wait3A_239] : memref<128x128xf32, #tpu.memory_space<vmem>> -> memref<112x128xf32, #tpu.memory_space<vmem>>
      %dma_wait3A_241 = arith.constant 0 : i32
      %dma_wait3A_242 = tpu.memref_slice %arg7[%add3A_40, %dma_wait3A_241] : memref<10008x128xf32, #tpu.memory_space<vmem_shared>> -> memref<112x128xf32, #tpu.memory_space<vmem_shared>>
      %dma_wait3A_243 = arith.constant 0 : i32
      %dma_wait3A_244 = tpu.memref_slice %arg7[%add3A_40, %dma_wait3A_243] : memref<10008x128xf32, #tpu.memory_space<vmem_shared>> -> memref<112x128xf32, #tpu.memory_space<vmem_shared>>
      %dma_wait3A_245 = arith.constant 0 : i32
      %dma_wait3A_246 = arith.constant 0 : i32
      %dma_wait3A_247 = tpu.memref_slice %arg14[%dma_wait3A_245, %dma_wait3A_246] : memref<128x128xf32, #tpu.memory_space<vmem>> -> memref<112x128xf32, #tpu.memory_space<vmem>>
      tpu.wait_dma2 semaphore(%run_scoped3A_227 : memref<!tpu.dma_semaphore, #tpu.memory_space<semaphore_mem>>) src(%dma_wait3A_247 : memref<112x128xf32, #tpu.memory_space<vmem>>) dst(%dma_wait3A_244 : memref<112x128xf32, #tpu.memory_space<vmem_shared>>)
      tpu.yield
    }) : () -> ()
    %eq3A = arith.constant 15 : i32
    %eq3A_41 = arith.cmpi eq, %arg1, %eq3A : i32
    %convert_element_type3A = arith.extui %eq3A_41 : i1 to i32
    %cond3A = arith.constant 0 : i32
    %cond3A_42 = arith.cmpi ne, %convert_element_type3A, %cond3A : i32
    scf.if %cond3A_42 {
      "tpu.region"() ({
        %run_scoped3A_227 = tpu.sem_alloc : memref<!tpu.dma_semaphore, #tpu.memory_space<semaphore_mem>>
        %dma_start3A_228 = arith.constant 0 : i32
        %dma_start3A_229 = arith.constant 0 : i32
        %dma_start3A_230 = tpu.memref_slice %arg14[%dma_start3A_228, %dma_start3A_229] : memref<128x128xf32, #tpu.memory_space<vmem>> -> memref<24x128xf32, #tpu.memory_space<vmem>>
        %dma_start3A_231 = arith.constant 9984 : i32
        %dma_start3A_232 = arith.constant 0 : i32
        %dma_start3A_233 = tpu.memref_slice %arg7[%dma_start3A_231, %dma_start3A_232] : memref<10008x128xf32, #tpu.memory_space<vmem_shared>> -> memref<24x128xf32, #tpu.memory_space<vmem_shared>>
        %dma_start3A_234 = arith.constant 9984 : i32
        %dma_start3A_235 = arith.constant 0 : i32
        %dma_start3A_236 = tpu.memref_slice %arg7[%dma_start3A_234, %dma_start3A_235] : memref<10008x128xf32, #tpu.memory_space<vmem_shared>> -> memref<24x128xf32, #tpu.memory_space<vmem_shared>>
        %dma_start3A_237 = arith.constant 0 : i32
        %dma_start3A_238 = arith.constant 0 : i32
        %dma_start3A_239 = tpu.memref_slice %arg14[%dma_start3A_237, %dma_start3A_238] : memref<128x128xf32, #tpu.memory_space<vmem>> -> memref<24x128xf32, #tpu.memory_space<vmem>>
        tpu.enqueue_dma source(%dma_start3A_239 : memref<24x128xf32, #tpu.memory_space<vmem>>) target(%dma_start3A_236 : memref<24x128xf32, #tpu.memory_space<vmem_shared>>) target_semaphore(%run_scoped3A_227 : memref<!tpu.dma_semaphore, #tpu.memory_space<semaphore_mem>>)
        %dma_wait3A_240 = arith.constant 0 : i32
        %dma_wait3A_241 = arith.constant 0 : i32
        %dma_wait3A_242 = tpu.memref_slice %arg14[%dma_wait3A_240, %dma_wait3A_241] : memref<128x128xf32, #tpu.memory_space<vmem>> -> memref<24x128xf32, #tpu.memory_space<vmem>>
        %dma_wait3A_243 = arith.constant 9984 : i32
        %dma_wait3A_244 = arith.constant 0 : i32
        %dma_wait3A_245 = tpu.memref_slice %arg7[%dma_wait3A_243, %dma_wait3A_244] : memref<10008x128xf32, #tpu.memory_space<vmem_shared>> -> memref<24x128xf32, #tpu.memory_space<vmem_shared>>
        %dma_wait3A_246 = arith.constant 9984 : i32
        %dma_wait3A_247 = arith.constant 0 : i32
        %dma_wait3A_248 = tpu.memref_slice %arg7[%dma_wait3A_246, %dma_wait3A_247] : memref<10008x128xf32, #tpu.memory_space<vmem_shared>> -> memref<24x128xf32, #tpu.memory_space<vmem_shared>>
        %dma_wait3A_249 = arith.constant 0 : i32
        %dma_wait3A_250 = arith.constant 0 : i32
        %dma_wait3A_251 = tpu.memref_slice %arg14[%dma_wait3A_249, %dma_wait3A_250] : memref<128x128xf32, #tpu.memory_space<vmem>> -> memref<24x128xf32, #tpu.memory_space<vmem>>
        tpu.wait_dma2 semaphore(%run_scoped3A_227 : memref<!tpu.dma_semaphore, #tpu.memory_space<semaphore_mem>>) src(%dma_wait3A_251 : memref<24x128xf32, #tpu.memory_space<vmem>>) dst(%dma_wait3A_248 : memref<24x128xf32, #tpu.memory_space<vmem_shared>>)
        tpu.yield
      }) : () -> ()
    } else {
    }
    %run_scoped3A = arith.constant 0 : i32
    "tpu.region"() ({
      %run_scoped3A_227 = tpu.sem_alloc : memref<!tpu.dma_semaphore, #tpu.memory_space<semaphore_mem>>
      %dma_start3A_228 = arith.constant 0 : i32
      %dma_start3A_229 = tpu.memref_slice %arg3[%add3A, %run_scoped3A, %dma_start3A_228] : memref<32x80x128xi32, #tpu.memory_space<hbm>> -> memref<1x1x128xi32, #tpu.memory_space<hbm>>
      %dma_start3A_230 = tpu.memref_squeeze %dma_start3A_229 : memref<1x1x128xi32, #tpu.memory_space<hbm>> -> memref<128xi32, #tpu.memory_space<hbm>>
      %dma_start3A_231 = arith.constant 0 : i32
      %dma_start3A_232 = tpu.memref_slice %arg3[%add3A, %run_scoped3A, %dma_start3A_231] : memref<32x80x128xi32, #tpu.memory_space<hbm>> -> memref<1x1x128xi32, #tpu.memory_space<hbm>>
      %dma_start3A_233 = tpu.memref_squeeze %dma_start3A_232 : memref<1x1x128xi32, #tpu.memory_space<hbm>> -> memref<128xi32, #tpu.memory_space<hbm>>
      tpu.enqueue_dma source(%dma_start3A_233 : memref<128xi32, #tpu.memory_space<hbm>>) target(%arg9 : memref<128xi32, #tpu.memory_space<vmem>>) target_semaphore(%run_scoped3A_227 : memref<!tpu.dma_semaphore, #tpu.memory_space<semaphore_mem>>)
      %dma_wait3A_234 = arith.constant 0 : i32
      %dma_wait3A_235 = tpu.memref_slice %arg3[%add3A, %run_scoped3A, %dma_wait3A_234] : memref<32x80x128xi32, #tpu.memory_space<hbm>> -> memref<1x1x128xi32, #tpu.memory_space<hbm>>
      %dma_wait3A_236 = tpu.memref_squeeze %dma_wait3A_235 : memref<1x1x128xi32, #tpu.memory_space<hbm>> -> memref<128xi32, #tpu.memory_space<hbm>>
      %dma_wait3A_237 = arith.constant 0 : i32
      %dma_wait3A_238 = tpu.memref_slice %arg3[%add3A, %run_scoped3A, %dma_wait3A_237] : memref<32x80x128xi32, #tpu.memory_space<hbm>> -> memref<1x1x128xi32, #tpu.memory_space<hbm>>
      %dma_wait3A_239 = tpu.memref_squeeze %dma_wait3A_238 : memref<1x1x128xi32, #tpu.memory_space<hbm>> -> memref<128xi32, #tpu.memory_space<hbm>>
      tpu.wait_dma2 semaphore(%run_scoped3A_227 : memref<!tpu.dma_semaphore, #tpu.memory_space<semaphore_mem>>) src(%dma_wait3A_239 : memref<128xi32, #tpu.memory_space<hbm>>) dst(%arg9 : memref<128xi32, #tpu.memory_space<vmem>>)
      tpu.yield
    }) : () -> ()
    %barrier3A = arith.constant 0 : index
    tpu.barrier barrier_id(%barrier3A)
    %dma_start3A_43 = arith.constant 0 : i32
    %dma_start3A_44 = arith.constant 0 : i32
    %dma_start3A_45 = tpu.memref_slice %arg2[%dma_start3A_43, %dma_start3A_44] : memref<10000x128xf32, #tpu.memory_space<hbm>> -> memref<10000x128xf32, #tpu.memory_space<hbm>>
    tpu.enqueue_indirect_dma source(%dma_start3A_45 : memref<10000x128xf32, #tpu.memory_space<hbm>>) target(%arg13 : memref<128x128xf32, #tpu.memory_space<vmem>>) offsets(%arg9 : memref<128xi32, #tpu.memory_space<vmem>>) semaphore(%arg15 : memref<!tpu.dma_semaphore, #tpu.memory_space<semaphore_mem>>)
    %scan3A = arith.constant 0 : i32
    %scan3A_46 = arith.constant 0 : i32
    %scan3A_47 = arith.constant 20 : i32
    %scan3A_48 = arith.addi %scan3A_46, %scan3A_47 : i32
    %scan3A_49 = arith.constant 1 : i32
    scf.for %scan3A_227 = %scan3A_46 to %scan3A_48 step %scan3A_49  : i32 {
      %mul3A_228 = arith.constant 4 : i32
      %mul3A_229 = arith.muli %scan3A_227, %mul3A_228 : i32
      %add3A_230 = arith.constant 0 : i32
      %add3A_231 = arith.addi %mul3A_229, %add3A_230 : i32
      %add3A_232 = arith.constant 1 : i32
      %add3A_233 = arith.addi %add3A_231, %add3A_232 : i32
      %lt3A = arith.constant 80 : i32
      %lt3A_234 = arith.cmpi slt, %add3A_233, %lt3A : i32
      %convert_element_type3A_235 = arith.extui %lt3A_234 : i1 to i32
      %cond3A_236 = arith.constant 0 : i32
      %cond3A_237 = arith.cmpi ne, %convert_element_type3A_235, %cond3A_236 : i32
      scf.if %cond3A_237 {
        %dma_wait3A_347 = arith.constant 0 : i32
        %dma_wait3A_348 = arith.constant 0 : i32
        %dma_wait3A_349 = arith.constant 0 : i32
        %dma_wait3A_350 = tpu.memref_slice %arg3[%dma_wait3A_347, %dma_wait3A_348, %dma_wait3A_349] : memref<32x80x128xi32, #tpu.memory_space<hbm>> -> memref<1x1x128xi32, #tpu.memory_space<hbm>>
        %dma_wait3A_351 = tpu.memref_squeeze %dma_wait3A_350 : memref<1x1x128xi32, #tpu.memory_space<hbm>> -> memref<128xi32, #tpu.memory_space<hbm>>
        %dma_wait3A_352 = arith.constant 0 : i32
        %dma_wait3A_353 = tpu.memref_slice %arg3[%dma_wait3A_347, %dma_wait3A_348, %dma_wait3A_352] : memref<32x80x128xi32, #tpu.memory_space<hbm>> -> memref<1x1x128xi32, #tpu.memory_space<hbm>>
        %dma_wait3A_354 = tpu.memref_squeeze %dma_wait3A_353 : memref<1x1x128xi32, #tpu.memory_space<hbm>> -> memref<128xi32, #tpu.memory_space<hbm>>
        tpu.wait_dma2 semaphore(%arg16 : memref<!tpu.dma_semaphore, #tpu.memory_space<semaphore_mem>>) src(%dma_wait3A_354 : memref<128xi32, #tpu.memory_space<hbm>>) dst(%arg10 : memref<128xi32, #tpu.memory_space<vmem>>)
        %ge3A = arith.constant 1 : i32
        %ge3A_355 = arith.cmpi sge, %add3A_231, %ge3A : i32
        %convert_element_type3A_356 = arith.extui %ge3A_355 : i1 to i32
        %cond3A_357 = arith.constant 0 : i32
        %cond3A_358 = arith.cmpi ne, %convert_element_type3A_356, %cond3A_357 : i32
        scf.if %cond3A_358 {
          %dma_wait3A_362 = arith.constant 0 : i32
          %dma_wait3A_363 = arith.constant 0 : i32
          %dma_wait3A_364 = tpu.memref_slice %arg7[%dma_wait3A_362, %dma_wait3A_363] : memref<10008x128xf32, #tpu.memory_space<vmem_shared>> -> memref<128x128xf32, #tpu.memory_space<vmem_shared>>
          %dma_wait3A_365 = arith.constant 0 : i32
          %dma_wait3A_366 = arith.constant 0 : i32
          %dma_wait3A_367 = tpu.memref_slice %arg7[%dma_wait3A_365, %dma_wait3A_366] : memref<10008x128xf32, #tpu.memory_space<vmem_shared>> -> memref<128x128xf32, #tpu.memory_space<vmem_shared>>
          tpu.wait_dma2 semaphore(%arg17 : memref<!tpu.dma_semaphore, #tpu.memory_space<semaphore_mem>>) src(%arg13 : memref<128x128xf32, #tpu.memory_space<vmem>>) dst(%dma_wait3A_367 : memref<128x128xf32, #tpu.memory_space<vmem_shared>>)
        } else {
        }
        %dma_start3A_359 = arith.constant 0 : i32
        %dma_start3A_360 = arith.constant 0 : i32
        %dma_start3A_361 = tpu.memref_slice %arg2[%dma_start3A_359, %dma_start3A_360] : memref<10000x128xf32, #tpu.memory_space<hbm>> -> memref<10000x128xf32, #tpu.memory_space<hbm>>
        tpu.enqueue_indirect_dma source(%dma_start3A_361 : memref<10000x128xf32, #tpu.memory_space<hbm>>) target(%arg14 : memref<128x128xf32, #tpu.memory_space<vmem>>) offsets(%arg10 : memref<128xi32, #tpu.memory_space<vmem>>) semaphore(%arg15 : memref<!tpu.dma_semaphore, #tpu.memory_space<semaphore_mem>>)
      } else {
      }
      %dma_wait3A_238 = arith.constant 0 : i32
      %dma_wait3A_239 = arith.constant 0 : i32
      %dma_wait3A_240 = tpu.memref_slice %arg2[%dma_wait3A_238, %dma_wait3A_239] : memref<10000x128xf32, #tpu.memory_space<hbm>> -> memref<128x128xf32, #tpu.memory_space<hbm>>
      %dma_wait3A_241 = arith.constant 0 : i32
      %dma_wait3A_242 = arith.constant 0 : i32
      %dma_wait3A_243 = tpu.memref_slice %arg2[%dma_wait3A_241, %dma_wait3A_242] : memref<10000x128xf32, #tpu.memory_space<hbm>> -> memref<128x128xf32, #tpu.memory_space<hbm>>
      tpu.wait_dma2 semaphore(%arg15 : memref<!tpu.dma_semaphore, #tpu.memory_space<semaphore_mem>>) src(%dma_wait3A_243 : memref<128x128xf32, #tpu.memory_space<hbm>>) dst(%arg13 : memref<128x128xf32, #tpu.memory_space<vmem>>)
      %dma_start3A_244 = arith.constant 0 : i32
      %dma_start3A_245 = tpu.memref_slice %arg8[%add3A_231, %dma_start3A_244] : memref<80x128xi32, #tpu.memory_space<vmem>> -> memref<1x128xi32, #tpu.memory_space<vmem>>
      %dma_start3A_246 = tpu.memref_squeeze %dma_start3A_245 : memref<1x128xi32, #tpu.memory_space<vmem>> -> memref<128xi32, #tpu.memory_space<vmem>>
      %dma_start3A_247 = arith.constant 0 : i32
      %dma_start3A_248 = arith.constant 0 : i32
      %dma_start3A_249 = tpu.memref_slice %arg7[%dma_start3A_247, %dma_start3A_248] : memref<10008x128xf32, #tpu.memory_space<vmem_shared>> -> memref<10008x128xf32, #tpu.memory_space<vmem_shared>>
      tpu.enqueue_indirect_dma source(%arg13 : memref<128x128xf32, #tpu.memory_space<vmem>>) target(%dma_start3A_249 : memref<10008x128xf32, #tpu.memory_space<vmem_shared>>) offsets(%dma_start3A_246 : memref<128xi32, #tpu.memory_space<vmem>>) semaphore(%arg17 : memref<!tpu.dma_semaphore, #tpu.memory_space<semaphore_mem>>) {add = true}
      %add3A_250 = arith.constant 4 : i32
      %add3A_251 = arith.addi %add3A_231, %add3A_250 : i32
      %lt3A_252 = arith.constant 80 : i32
      %lt3A_253 = arith.cmpi slt, %add3A_251, %lt3A_252 : i32
      %convert_element_type3A_254 = arith.extui %lt3A_253 : i1 to i32
      %cond3A_255 = arith.constant 0 : i32
      %cond3A_256 = arith.cmpi ne, %convert_element_type3A_254, %cond3A_255 : i32
      scf.if %cond3A_256 {
        %add3A_347 = arith.constant 4 : i32
        %add3A_348 = arith.addi %add3A_231, %add3A_347 : i32
        %dma_start3A_349 = arith.constant 0 : i32
        %dma_start3A_350 = tpu.memref_slice %arg3[%add3A, %add3A_348, %dma_start3A_349] : memref<32x80x128xi32, #tpu.memory_space<hbm>> -> memref<1x1x128xi32, #tpu.memory_space<hbm>>
        %dma_start3A_351 = tpu.memref_squeeze %dma_start3A_350 : memref<1x1x128xi32, #tpu.memory_space<hbm>> -> memref<128xi32, #tpu.memory_space<hbm>>
        %dma_start3A_352 = arith.constant 0 : i32
        %dma_start3A_353 = tpu.memref_slice %arg3[%add3A, %add3A_348, %dma_start3A_352] : memref<32x80x128xi32, #tpu.memory_space<hbm>> -> memref<1x1x128xi32, #tpu.memory_space<hbm>>
        %dma_start3A_354 = tpu.memref_squeeze %dma_start3A_353 : memref<1x1x128xi32, #tpu.memory_space<hbm>> -> memref<128xi32, #tpu.memory_space<hbm>>
        tpu.enqueue_dma source(%dma_start3A_354 : memref<128xi32, #tpu.memory_space<hbm>>) target(%arg9 : memref<128xi32, #tpu.memory_space<vmem>>) target_semaphore(%arg16 : memref<!tpu.dma_semaphore, #tpu.memory_space<semaphore_mem>>)
      } else {
      }
      %mul3A_257 = arith.constant 4 : i32
      %mul3A_258 = arith.muli %scan3A_227, %mul3A_257 : i32
      %add3A_259 = arith.constant 1 : i32
      %add3A_260 = arith.addi %mul3A_258, %add3A_259 : i32
      %add3A_261 = arith.constant 1 : i32
      %add3A_262 = arith.addi %add3A_260, %add3A_261 : i32
      %lt3A_263 = arith.constant 80 : i32
      %lt3A_264 = arith.cmpi slt, %add3A_262, %lt3A_263 : i32
      %convert_element_type3A_265 = arith.extui %lt3A_264 : i1 to i32
      %cond3A_266 = arith.constant 0 : i32
      %cond3A_267 = arith.cmpi ne, %convert_element_type3A_265, %cond3A_266 : i32
      scf.if %cond3A_267 {
        %dma_wait3A_347 = arith.constant 0 : i32
        %dma_wait3A_348 = arith.constant 0 : i32
        %dma_wait3A_349 = arith.constant 0 : i32
        %dma_wait3A_350 = tpu.memref_slice %arg3[%dma_wait3A_347, %dma_wait3A_348, %dma_wait3A_349] : memref<32x80x128xi32, #tpu.memory_space<hbm>> -> memref<1x1x128xi32, #tpu.memory_space<hbm>>
        %dma_wait3A_351 = tpu.memref_squeeze %dma_wait3A_350 : memref<1x1x128xi32, #tpu.memory_space<hbm>> -> memref<128xi32, #tpu.memory_space<hbm>>
        %dma_wait3A_352 = arith.constant 0 : i32
        %dma_wait3A_353 = tpu.memref_slice %arg3[%dma_wait3A_347, %dma_wait3A_348, %dma_wait3A_352] : memref<32x80x128xi32, #tpu.memory_space<hbm>> -> memref<1x1x128xi32, #tpu.memory_space<hbm>>
        %dma_wait3A_354 = tpu.memref_squeeze %dma_wait3A_353 : memref<1x1x128xi32, #tpu.memory_space<hbm>> -> memref<128xi32, #tpu.memory_space<hbm>>
        tpu.wait_dma2 semaphore(%arg16 : memref<!tpu.dma_semaphore, #tpu.memory_space<semaphore_mem>>) src(%dma_wait3A_354 : memref<128xi32, #tpu.memory_space<hbm>>) dst(%arg11 : memref<128xi32, #tpu.memory_space<vmem>>)
        %ge3A = arith.constant 1 : i32
        %ge3A_355 = arith.cmpi sge, %add3A_260, %ge3A : i32
        %convert_element_type3A_356 = arith.extui %ge3A_355 : i1 to i32
        %cond3A_357 = arith.constant 0 : i32
        %cond3A_358 = arith.cmpi ne, %convert_element_type3A_356, %cond3A_357 : i32
        scf.if %cond3A_358 {
          %dma_wait3A_362 = arith.constant 0 : i32
          %dma_wait3A_363 = arith.constant 0 : i32
          %dma_wait3A_364 = tpu.memref_slice %arg7[%dma_wait3A_362, %dma_wait3A_363] : memref<10008x128xf32, #tpu.memory_space<vmem_shared>> -> memref<128x128xf32, #tpu.memory_space<vmem_shared>>
          %dma_wait3A_365 = arith.constant 0 : i32
          %dma_wait3A_366 = arith.constant 0 : i32
          %dma_wait3A_367 = tpu.memref_slice %arg7[%dma_wait3A_365, %dma_wait3A_366] : memref<10008x128xf32, #tpu.memory_space<vmem_shared>> -> memref<128x128xf32, #tpu.memory_space<vmem_shared>>
          tpu.wait_dma2 semaphore(%arg17 : memref<!tpu.dma_semaphore, #tpu.memory_space<semaphore_mem>>) src(%arg13 : memref<128x128xf32, #tpu.memory_space<vmem>>) dst(%dma_wait3A_367 : memref<128x128xf32, #tpu.memory_space<vmem_shared>>)
        } else {
        }
        %dma_start3A_359 = arith.constant 0 : i32
        %dma_start3A_360 = arith.constant 0 : i32
        %dma_start3A_361 = tpu.memref_slice %arg2[%dma_start3A_359, %dma_start3A_360] : memref<10000x128xf32, #tpu.memory_space<hbm>> -> memref<10000x128xf32, #tpu.memory_space<hbm>>
        tpu.enqueue_indirect_dma source(%dma_start3A_361 : memref<10000x128xf32, #tpu.memory_space<hbm>>) target(%arg13 : memref<128x128xf32, #tpu.memory_space<vmem>>) offsets(%arg11 : memref<128xi32, #tpu.memory_space<vmem>>) semaphore(%arg15 : memref<!tpu.dma_semaphore, #tpu.memory_space<semaphore_mem>>)
      } else {
      }
      %dma_wait3A_268 = arith.constant 0 : i32
      %dma_wait3A_269 = arith.constant 0 : i32
      %dma_wait3A_270 = tpu.memref_slice %arg2[%dma_wait3A_268, %dma_wait3A_269] : memref<10000x128xf32, #tpu.memory_space<hbm>> -> memref<128x128xf32, #tpu.memory_space<hbm>>
      %dma_wait3A_271 = arith.constant 0 : i32
      %dma_wait3A_272 = arith.constant 0 : i32
      %dma_wait3A_273 = tpu.memref_slice %arg2[%dma_wait3A_271, %dma_wait3A_272] : memref<10000x128xf32, #tpu.memory_space<hbm>> -> memref<128x128xf32, #tpu.memory_space<hbm>>
      tpu.wait_dma2 semaphore(%arg15 : memref<!tpu.dma_semaphore, #tpu.memory_space<semaphore_mem>>) src(%dma_wait3A_273 : memref<128x128xf32, #tpu.memory_space<hbm>>) dst(%arg14 : memref<128x128xf32, #tpu.memory_space<vmem>>)
      %dma_start3A_274 = arith.constant 0 : i32
      %dma_start3A_275 = tpu.memref_slice %arg8[%add3A_260, %dma_start3A_274] : memref<80x128xi32, #tpu.memory_space<vmem>> -> memref<1x128xi32, #tpu.memory_space<vmem>>
      %dma_start3A_276 = tpu.memref_squeeze %dma_start3A_275 : memref<1x128xi32, #tpu.memory_space<vmem>> -> memref<128xi32, #tpu.memory_space<vmem>>
      %dma_start3A_277 = arith.constant 0 : i32
      %dma_start3A_278 = arith.constant 0 : i32
      %dma_start3A_279 = tpu.memref_slice %arg7[%dma_start3A_277, %dma_start3A_278] : memref<10008x128xf32, #tpu.memory_space<vmem_shared>> -> memref<10008x128xf32, #tpu.memory_space<vmem_shared>>
      tpu.enqueue_indirect_dma source(%arg14 : memref<128x128xf32, #tpu.memory_space<vmem>>) target(%dma_start3A_279 : memref<10008x128xf32, #tpu.memory_space<vmem_shared>>) offsets(%dma_start3A_276 : memref<128xi32, #tpu.memory_space<vmem>>) semaphore(%arg17 : memref<!tpu.dma_semaphore, #tpu.memory_space<semaphore_mem>>) {add = true}
      %add3A_280 = arith.constant 4 : i32
      %add3A_281 = arith.addi %add3A_260, %add3A_280 : i32
      %lt3A_282 = arith.constant 80 : i32
      %lt3A_283 = arith.cmpi slt, %add3A_281, %lt3A_282 : i32
      %convert_element_type3A_284 = arith.extui %lt3A_283 : i1 to i32
      %cond3A_285 = arith.constant 0 : i32
      %cond3A_286 = arith.cmpi ne, %convert_element_type3A_284, %cond3A_285 : i32
      scf.if %cond3A_286 {
        %add3A_347 = arith.constant 4 : i32
        %add3A_348 = arith.addi %add3A_260, %add3A_347 : i32
        %dma_start3A_349 = arith.constant 0 : i32
        %dma_start3A_350 = tpu.memref_slice %arg3[%add3A, %add3A_348, %dma_start3A_349] : memref<32x80x128xi32, #tpu.memory_space<hbm>> -> memref<1x1x128xi32, #tpu.memory_space<hbm>>
        %dma_start3A_351 = tpu.memref_squeeze %dma_start3A_350 : memref<1x1x128xi32, #tpu.memory_space<hbm>> -> memref<128xi32, #tpu.memory_space<hbm>>
        %dma_start3A_352 = arith.constant 0 : i32
        %dma_start3A_353 = tpu.memref_slice %arg3[%add3A, %add3A_348, %dma_start3A_352] : memref<32x80x128xi32, #tpu.memory_space<hbm>> -> memref<1x1x128xi32, #tpu.memory_space<hbm>>
        %dma_start3A_354 = tpu.memref_squeeze %dma_start3A_353 : memref<1x1x128xi32, #tpu.memory_space<hbm>> -> memref<128xi32, #tpu.memory_space<hbm>>
        tpu.enqueue_dma source(%dma_start3A_354 : memref<128xi32, #tpu.memory_space<hbm>>) target(%arg10 : memref<128xi32, #tpu.memory_space<vmem>>) target_semaphore(%arg16 : memref<!tpu.dma_semaphore, #tpu.memory_space<semaphore_mem>>)
      } else {
      }
      %mul3A_287 = arith.constant 4 : i32
      %mul3A_288 = arith.muli %scan3A_227, %mul3A_287 : i32
      %add3A_289 = arith.constant 2 : i32
      %add3A_290 = arith.addi %mul3A_288, %add3A_289 : i32
      %add3A_291 = arith.constant 1 : i32
      %add3A_292 = arith.addi %add3A_290, %add3A_291 : i32
      %lt3A_293 = arith.constant 80 : i32
      %lt3A_294 = arith.cmpi slt, %add3A_292, %lt3A_293 : i32
      %convert_element_type3A_295 = arith.extui %lt3A_294 : i1 to i32
      %cond3A_296 = arith.constant 0 : i32
      %cond3A_297 = arith.cmpi ne, %convert_element_type3A_295, %cond3A_296 : i32
      scf.if %cond3A_297 {
        %dma_wait3A_347 = arith.constant 0 : i32
        %dma_wait3A_348 = arith.constant 0 : i32
        %dma_wait3A_349 = arith.constant 0 : i32
        %dma_wait3A_350 = tpu.memref_slice %arg3[%dma_wait3A_347, %dma_wait3A_348, %dma_wait3A_349] : memref<32x80x128xi32, #tpu.memory_space<hbm>> -> memref<1x1x128xi32, #tpu.memory_space<hbm>>
        %dma_wait3A_351 = tpu.memref_squeeze %dma_wait3A_350 : memref<1x1x128xi32, #tpu.memory_space<hbm>> -> memref<128xi32, #tpu.memory_space<hbm>>
        %dma_wait3A_352 = arith.constant 0 : i32
        %dma_wait3A_353 = tpu.memref_slice %arg3[%dma_wait3A_347, %dma_wait3A_348, %dma_wait3A_352] : memref<32x80x128xi32, #tpu.memory_space<hbm>> -> memref<1x1x128xi32, #tpu.memory_space<hbm>>
        %dma_wait3A_354 = tpu.memref_squeeze %dma_wait3A_353 : memref<1x1x128xi32, #tpu.memory_space<hbm>> -> memref<128xi32, #tpu.memory_space<hbm>>
        tpu.wait_dma2 semaphore(%arg16 : memref<!tpu.dma_semaphore, #tpu.memory_space<semaphore_mem>>) src(%dma_wait3A_354 : memref<128xi32, #tpu.memory_space<hbm>>) dst(%arg12 : memref<128xi32, #tpu.memory_space<vmem>>)
        %ge3A = arith.constant 1 : i32
        %ge3A_355 = arith.cmpi sge, %add3A_290, %ge3A : i32
        %convert_element_type3A_356 = arith.extui %ge3A_355 : i1 to i32
        %cond3A_357 = arith.constant 0 : i32
        %cond3A_358 = arith.cmpi ne, %convert_element_type3A_356, %cond3A_357 : i32
        scf.if %cond3A_358 {
          %dma_wait3A_362 = arith.constant 0 : i32
          %dma_wait3A_363 = arith.constant 0 : i32
          %dma_wait3A_364 = tpu.memref_slice %arg7[%dma_wait3A_362, %dma_wait3A_363] : memref<10008x128xf32, #tpu.memory_space<vmem_shared>> -> memref<128x128xf32, #tpu.memory_space<vmem_shared>>
          %dma_wait3A_365 = arith.constant 0 : i32
          %dma_wait3A_366 = arith.constant 0 : i32
          %dma_wait3A_367 = tpu.memref_slice %arg7[%dma_wait3A_365, %dma_wait3A_366] : memref<10008x128xf32, #tpu.memory_space<vmem_shared>> -> memref<128x128xf32, #tpu.memory_space<vmem_shared>>
          tpu.wait_dma2 semaphore(%arg17 : memref<!tpu.dma_semaphore, #tpu.memory_space<semaphore_mem>>) src(%arg13 : memref<128x128xf32, #tpu.memory_space<vmem>>) dst(%dma_wait3A_367 : memref<128x128xf32, #tpu.memory_space<vmem_shared>>)
        } else {
        }
        %dma_start3A_359 = arith.constant 0 : i32
        %dma_start3A_360 = arith.constant 0 : i32
        %dma_start3A_361 = tpu.memref_slice %arg2[%dma_start3A_359, %dma_start3A_360] : memref<10000x128xf32, #tpu.memory_space<hbm>> -> memref<10000x128xf32, #tpu.memory_space<hbm>>
        tpu.enqueue_indirect_dma source(%dma_start3A_361 : memref<10000x128xf32, #tpu.memory_space<hbm>>) target(%arg14 : memref<128x128xf32, #tpu.memory_space<vmem>>) offsets(%arg12 : memref<128xi32, #tpu.memory_space<vmem>>) semaphore(%arg15 : memref<!tpu.dma_semaphore, #tpu.memory_space<semaphore_mem>>)
      } else {
      }
      %dma_wait3A_298 = arith.constant 0 : i32
      %dma_wait3A_299 = arith.constant 0 : i32
      %dma_wait3A_300 = tpu.memref_slice %arg2[%dma_wait3A_298, %dma_wait3A_299] : memref<10000x128xf32, #tpu.memory_space<hbm>> -> memref<128x128xf32, #tpu.memory_space<hbm>>
      %dma_wait3A_301 = arith.constant 0 : i32
      %dma_wait3A_302 = arith.constant 0 : i32
      %dma_wait3A_303 = tpu.memref_slice %arg2[%dma_wait3A_301, %dma_wait3A_302] : memref<10000x128xf32, #tpu.memory_space<hbm>> -> memref<128x128xf32, #tpu.memory_space<hbm>>
      tpu.wait_dma2 semaphore(%arg15 : memref<!tpu.dma_semaphore, #tpu.memory_space<semaphore_mem>>) src(%dma_wait3A_303 : memref<128x128xf32, #tpu.memory_space<hbm>>) dst(%arg13 : memref<128x128xf32, #tpu.memory_space<vmem>>)
      %dma_start3A_304 = arith.constant 0 : i32
      %dma_start3A_305 = tpu.memref_slice %arg8[%add3A_290, %dma_start3A_304] : memref<80x128xi32, #tpu.memory_space<vmem>> -> memref<1x128xi32, #tpu.memory_space<vmem>>
      %dma_start3A_306 = tpu.memref_squeeze %dma_start3A_305 : memref<1x128xi32, #tpu.memory_space<vmem>> -> memref<128xi32, #tpu.memory_space<vmem>>
      %dma_start3A_307 = arith.constant 0 : i32
      %dma_start3A_308 = arith.constant 0 : i32
      %dma_start3A_309 = tpu.memref_slice %arg7[%dma_start3A_307, %dma_start3A_308] : memref<10008x128xf32, #tpu.memory_space<vmem_shared>> -> memref<10008x128xf32, #tpu.memory_space<vmem_shared>>
      tpu.enqueue_indirect_dma source(%arg13 : memref<128x128xf32, #tpu.memory_space<vmem>>) target(%dma_start3A_309 : memref<10008x128xf32, #tpu.memory_space<vmem_shared>>) offsets(%dma_start3A_306 : memref<128xi32, #tpu.memory_space<vmem>>) semaphore(%arg17 : memref<!tpu.dma_semaphore, #tpu.memory_space<semaphore_mem>>) {add = true}
      %add3A_310 = arith.constant 4 : i32
      %add3A_311 = arith.addi %add3A_290, %add3A_310 : i32
      %lt3A_312 = arith.constant 80 : i32
      %lt3A_313 = arith.cmpi slt, %add3A_311, %lt3A_312 : i32
      %convert_element_type3A_314 = arith.extui %lt3A_313 : i1 to i32
      %cond3A_315 = arith.constant 0 : i32
      %cond3A_316 = arith.cmpi ne, %convert_element_type3A_314, %cond3A_315 : i32
      scf.if %cond3A_316 {
        %add3A_347 = arith.constant 4 : i32
        %add3A_348 = arith.addi %add3A_290, %add3A_347 : i32
        %dma_start3A_349 = arith.constant 0 : i32
        %dma_start3A_350 = tpu.memref_slice %arg3[%add3A, %add3A_348, %dma_start3A_349] : memref<32x80x128xi32, #tpu.memory_space<hbm>> -> memref<1x1x128xi32, #tpu.memory_space<hbm>>
        %dma_start3A_351 = tpu.memref_squeeze %dma_start3A_350 : memref<1x1x128xi32, #tpu.memory_space<hbm>> -> memref<128xi32, #tpu.memory_space<hbm>>
        %dma_start3A_352 = arith.constant 0 : i32
        %dma_start3A_353 = tpu.memref_slice %arg3[%add3A, %add3A_348, %dma_start3A_352] : memref<32x80x128xi32, #tpu.memory_space<hbm>> -> memref<1x1x128xi32, #tpu.memory_space<hbm>>
        %dma_start3A_354 = tpu.memref_squeeze %dma_start3A_353 : memref<1x1x128xi32, #tpu.memory_space<hbm>> -> memref<128xi32, #tpu.memory_space<hbm>>
        tpu.enqueue_dma source(%dma_start3A_354 : memref<128xi32, #tpu.memory_space<hbm>>) target(%arg11 : memref<128xi32, #tpu.memory_space<vmem>>) target_semaphore(%arg16 : memref<!tpu.dma_semaphore, #tpu.memory_space<semaphore_mem>>)
      } else {
      }
      %mul3A_317 = arith.constant 4 : i32
      %mul3A_318 = arith.muli %scan3A_227, %mul3A_317 : i32
      %add3A_319 = arith.constant 3 : i32
      %add3A_320 = arith.addi %mul3A_318, %add3A_319 : i32
      %add3A_321 = arith.constant 1 : i32
      %add3A_322 = arith.addi %add3A_320, %add3A_321 : i32
      %lt3A_323 = arith.constant 80 : i32
      %lt3A_324 = arith.cmpi slt, %add3A_322, %lt3A_323 : i32
      %convert_element_type3A_325 = arith.extui %lt3A_324 : i1 to i32
      %cond3A_326 = arith.constant 0 : i32
      %cond3A_327 = arith.cmpi ne, %convert_element_type3A_325, %cond3A_326 : i32
      scf.if %cond3A_327 {
        %dma_wait3A_347 = arith.constant 0 : i32
        %dma_wait3A_348 = arith.constant 0 : i32
        %dma_wait3A_349 = arith.constant 0 : i32
        %dma_wait3A_350 = tpu.memref_slice %arg3[%dma_wait3A_347, %dma_wait3A_348, %dma_wait3A_349] : memref<32x80x128xi32, #tpu.memory_space<hbm>> -> memref<1x1x128xi32, #tpu.memory_space<hbm>>
        %dma_wait3A_351 = tpu.memref_squeeze %dma_wait3A_350 : memref<1x1x128xi32, #tpu.memory_space<hbm>> -> memref<128xi32, #tpu.memory_space<hbm>>
        %dma_wait3A_352 = arith.constant 0 : i32
        %dma_wait3A_353 = tpu.memref_slice %arg3[%dma_wait3A_347, %dma_wait3A_348, %dma_wait3A_352] : memref<32x80x128xi32, #tpu.memory_space<hbm>> -> memref<1x1x128xi32, #tpu.memory_space<hbm>>
        %dma_wait3A_354 = tpu.memref_squeeze %dma_wait3A_353 : memref<1x1x128xi32, #tpu.memory_space<hbm>> -> memref<128xi32, #tpu.memory_space<hbm>>
        tpu.wait_dma2 semaphore(%arg16 : memref<!tpu.dma_semaphore, #tpu.memory_space<semaphore_mem>>) src(%dma_wait3A_354 : memref<128xi32, #tpu.memory_space<hbm>>) dst(%arg9 : memref<128xi32, #tpu.memory_space<vmem>>)
        %ge3A = arith.constant 1 : i32
        %ge3A_355 = arith.cmpi sge, %add3A_320, %ge3A : i32
        %convert_element_type3A_356 = arith.extui %ge3A_355 : i1 to i32
        %cond3A_357 = arith.constant 0 : i32
        %cond3A_358 = arith.cmpi ne, %convert_element_type3A_356, %cond3A_357 : i32
        scf.if %cond3A_358 {
          %dma_wait3A_362 = arith.constant 0 : i32
          %dma_wait3A_363 = arith.constant 0 : i32
          %dma_wait3A_364 = tpu.memref_slice %arg7[%dma_wait3A_362, %dma_wait3A_363] : memref<10008x128xf32, #tpu.memory_space<vmem_shared>> -> memref<128x128xf32, #tpu.memory_space<vmem_shared>>
          %dma_wait3A_365 = arith.constant 0 : i32
          %dma_wait3A_366 = arith.constant 0 : i32
          %dma_wait3A_367 = tpu.memref_slice %arg7[%dma_wait3A_365, %dma_wait3A_366] : memref<10008x128xf32, #tpu.memory_space<vmem_shared>> -> memref<128x128xf32, #tpu.memory_space<vmem_shared>>
          tpu.wait_dma2 semaphore(%arg17 : memref<!tpu.dma_semaphore, #tpu.memory_space<semaphore_mem>>) src(%arg13 : memref<128x128xf32, #tpu.memory_space<vmem>>) dst(%dma_wait3A_367 : memref<128x128xf32, #tpu.memory_space<vmem_shared>>)
        } else {
        }
        %dma_start3A_359 = arith.constant 0 : i32
        %dma_start3A_360 = arith.constant 0 : i32
        %dma_start3A_361 = tpu.memref_slice %arg2[%dma_start3A_359, %dma_start3A_360] : memref<10000x128xf32, #tpu.memory_space<hbm>> -> memref<10000x128xf32, #tpu.memory_space<hbm>>
        tpu.enqueue_indirect_dma source(%dma_start3A_361 : memref<10000x128xf32, #tpu.memory_space<hbm>>) target(%arg13 : memref<128x128xf32, #tpu.memory_space<vmem>>) offsets(%arg9 : memref<128xi32, #tpu.memory_space<vmem>>) semaphore(%arg15 : memref<!tpu.dma_semaphore, #tpu.memory_space<semaphore_mem>>)
      } else {
      }
      %dma_wait3A_328 = arith.constant 0 : i32
      %dma_wait3A_329 = arith.constant 0 : i32
      %dma_wait3A_330 = tpu.memref_slice %arg2[%dma_wait3A_328, %dma_wait3A_329] : memref<10000x128xf32, #tpu.memory_space<hbm>> -> memref<128x128xf32, #tpu.memory_space<hbm>>
      %dma_wait3A_331 = arith.constant 0 : i32
      %dma_wait3A_332 = arith.constant 0 : i32
      %dma_wait3A_333 = tpu.memref_slice %arg2[%dma_wait3A_331, %dma_wait3A_332] : memref<10000x128xf32, #tpu.memory_space<hbm>> -> memref<128x128xf32, #tpu.memory_space<hbm>>
      tpu.wait_dma2 semaphore(%arg15 : memref<!tpu.dma_semaphore, #tpu.memory_space<semaphore_mem>>) src(%dma_wait3A_333 : memref<128x128xf32, #tpu.memory_space<hbm>>) dst(%arg14 : memref<128x128xf32, #tpu.memory_space<vmem>>)
      %dma_start3A_334 = arith.constant 0 : i32
      %dma_start3A_335 = tpu.memref_slice %arg8[%add3A_320, %dma_start3A_334] : memref<80x128xi32, #tpu.memory_space<vmem>> -> memref<1x128xi32, #tpu.memory_space<vmem>>
      %dma_start3A_336 = tpu.memref_squeeze %dma_start3A_335 : memref<1x128xi32, #tpu.memory_space<vmem>> -> memref<128xi32, #tpu.memory_space<vmem>>
      %dma_start3A_337 = arith.constant 0 : i32
      %dma_start3A_338 = arith.constant 0 : i32
      %dma_start3A_339 = tpu.memref_slice %arg7[%dma_start3A_337, %dma_start3A_338] : memref<10008x128xf32, #tpu.memory_space<vmem_shared>> -> memref<10008x128xf32, #tpu.memory_space<vmem_shared>>
      tpu.enqueue_indirect_dma source(%arg14 : memref<128x128xf32, #tpu.memory_space<vmem>>) target(%dma_start3A_339 : memref<10008x128xf32, #tpu.memory_space<vmem_shared>>) offsets(%dma_start3A_336 : memref<128xi32, #tpu.memory_space<vmem>>) semaphore(%arg17 : memref<!tpu.dma_semaphore, #tpu.memory_space<semaphore_mem>>) {add = true}
      %add3A_340 = arith.constant 4 : i32
      %add3A_341 = arith.addi %add3A_320, %add3A_340 : i32
      %lt3A_342 = arith.constant 80 : i32
      %lt3A_343 = arith.cmpi slt, %add3A_341, %lt3A_342 : i32
      %convert_element_type3A_344 = arith.extui %lt3A_343 : i1 to i32
      %cond3A_345 = arith.constant 0 : i32
      %cond3A_346 = arith.cmpi ne, %convert_element_type3A_344, %cond3A_345 : i32
      scf.if %cond3A_346 {
        %add3A_347 = arith.constant 4 : i32
        %add3A_348 = arith.addi %add3A_320, %add3A_347 : i32
        %dma_start3A_349 = arith.constant 0 : i32
        %dma_start3A_350 = tpu.memref_slice %arg3[%add3A, %add3A_348, %dma_start3A_349] : memref<32x80x128xi32, #tpu.memory_space<hbm>> -> memref<1x1x128xi32, #tpu.memory_space<hbm>>
        %dma_start3A_351 = tpu.memref_squeeze %dma_start3A_350 : memref<1x1x128xi32, #tpu.memory_space<hbm>> -> memref<128xi32, #tpu.memory_space<hbm>>
        %dma_start3A_352 = arith.constant 0 : i32
        %dma_start3A_353 = tpu.memref_slice %arg3[%add3A, %add3A_348, %dma_start3A_352] : memref<32x80x128xi32, #tpu.memory_space<hbm>> -> memref<1x1x128xi32, #tpu.memory_space<hbm>>
        %dma_start3A_354 = tpu.memref_squeeze %dma_start3A_353 : memref<1x1x128xi32, #tpu.memory_space<hbm>> -> memref<128xi32, #tpu.memory_space<hbm>>
        tpu.enqueue_dma source(%dma_start3A_354 : memref<128xi32, #tpu.memory_space<hbm>>) target(%arg12 : memref<128xi32, #tpu.memory_space<vmem>>) target_semaphore(%arg16 : memref<!tpu.dma_semaphore, #tpu.memory_space<semaphore_mem>>)
      } else {
      }
    }
    %scan3A_50 = arith.constant 20 : i32
    %dma_wait3A = arith.constant 0 : i32
    %dma_wait3A_51 = arith.constant 0 : i32
    %dma_wait3A_52 = tpu.memref_slice %arg7[%dma_wait3A, %dma_wait3A_51] : memref<10008x128xf32, #tpu.memory_space<vmem_shared>> -> memref<128x128xf32, #tpu.memory_space<vmem_shared>>
    %dma_wait3A_53 = arith.constant 0 : i32
    %dma_wait3A_54 = arith.constant 0 : i32
    %dma_wait3A_55 = tpu.memref_slice %arg7[%dma_wait3A_53, %dma_wait3A_54] : memref<10008x128xf32, #tpu.memory_space<vmem_shared>> -> memref<128x128xf32, #tpu.memory_space<vmem_shared>>
    tpu.wait_dma2 semaphore(%arg17 : memref<!tpu.dma_semaphore, #tpu.memory_space<semaphore_mem>>) src(%arg13 : memref<128x128xf32, #tpu.memory_space<vmem>>) dst(%dma_wait3A_55 : memref<128x128xf32, #tpu.memory_space<vmem_shared>>)
    %dma_wait3A_56 = arith.constant 0 : i32
    %dma_wait3A_57 = arith.constant 0 : i32
    %dma_wait3A_58 = tpu.memref_slice %arg7[%dma_wait3A_56, %dma_wait3A_57] : memref<10008x128xf32, #tpu.memory_space<vmem_shared>> -> memref<128x128xf32, #tpu.memory_space<vmem_shared>>
    %dma_wait3A_59 = arith.constant 0 : i32
    %dma_wait3A_60 = arith.constant 0 : i32
    %dma_wait3A_61 = tpu.memref_slice %arg7[%dma_wait3A_59, %dma_wait3A_60] : memref<10008x128xf32, #tpu.memory_space<vmem_shared>> -> memref<128x128xf32, #tpu.memory_space<vmem_shared>>
    tpu.wait_dma2 semaphore(%arg17 : memref<!tpu.dma_semaphore, #tpu.memory_space<semaphore_mem>>) src(%arg13 : memref<128x128xf32, #tpu.memory_space<vmem>>) dst(%dma_wait3A_61 : memref<128x128xf32, #tpu.memory_space<vmem_shared>>)
    %barrier3A_62 = arith.constant 0 : index
    tpu.barrier barrier_id(%barrier3A_62)
    %mul3A_63 = arith.constant 624 : i32
    %mul3A_64 = arith.muli %arg1, %mul3A_63 : i32
    %add3A_65 = arith.constant 0 : i32
    %add3A_66 = arith.addi %mul3A_64, %add3A_65 : i32
    %multiple_of3A = tpu.assume_multiple %add3A_66, 8 : i32
    "tpu.region"() ({
      %run_scoped3A_227 = tpu.sem_alloc : memref<!tpu.dma_semaphore, #tpu.memory_space<semaphore_mem>>
      %dma_start3A_228 = arith.constant 0 : i32
      %dma_start3A_229 = arith.constant 0 : i32
      %dma_start3A_230 = tpu.memref_slice %arg13[%dma_start3A_228, %dma_start3A_229] : memref<128x128xf32, #tpu.memory_space<vmem>> -> memref<128x128xf32, #tpu.memory_space<vmem>>
      %dma_start3A_231 = arith.constant 0 : i32
      %dma_start3A_232 = tpu.memref_slice %arg7[%multiple_of3A, %dma_start3A_231] : memref<10008x128xf32, #tpu.memory_space<vmem_shared>> -> memref<128x128xf32, #tpu.memory_space<vmem_shared>>
      %dma_start3A_233 = arith.constant 0 : i32
      %dma_start3A_234 = arith.constant 0 : i32
      %dma_start3A_235 = tpu.memref_slice %arg13[%dma_start3A_233, %dma_start3A_234] : memref<128x128xf32, #tpu.memory_space<vmem>> -> memref<128x128xf32, #tpu.memory_space<vmem>>
      %dma_start3A_236 = arith.constant 0 : i32
      %dma_start3A_237 = tpu.memref_slice %arg7[%multiple_of3A, %dma_start3A_236] : memref<10008x128xf32, #tpu.memory_space<vmem_shared>> -> memref<128x128xf32, #tpu.memory_space<vmem_shared>>
      tpu.enqueue_dma source(%dma_start3A_237 : memref<128x128xf32, #tpu.memory_space<vmem_shared>>) target(%dma_start3A_235 : memref<128x128xf32, #tpu.memory_space<vmem>>) target_semaphore(%run_scoped3A_227 : memref<!tpu.dma_semaphore, #tpu.memory_space<semaphore_mem>>)
      %dma_wait3A_238 = arith.constant 0 : i32
      %dma_wait3A_239 = arith.constant 0 : i32
      %dma_wait3A_240 = tpu.memref_slice %arg13[%dma_wait3A_238, %dma_wait3A_239] : memref<128x128xf32, #tpu.memory_space<vmem>> -> memref<128x128xf32, #tpu.memory_space<vmem>>
      %dma_wait3A_241 = arith.constant 0 : i32
      %dma_wait3A_242 = tpu.memref_slice %arg7[%multiple_of3A, %dma_wait3A_241] : memref<10008x128xf32, #tpu.memory_space<vmem_shared>> -> memref<128x128xf32, #tpu.memory_space<vmem_shared>>
      %dma_wait3A_243 = arith.constant 0 : i32
      %dma_wait3A_244 = arith.constant 0 : i32
      %dma_wait3A_245 = tpu.memref_slice %arg13[%dma_wait3A_243, %dma_wait3A_244] : memref<128x128xf32, #tpu.memory_space<vmem>> -> memref<128x128xf32, #tpu.memory_space<vmem>>
      %dma_wait3A_246 = arith.constant 0 : i32
      %dma_wait3A_247 = tpu.memref_slice %arg7[%multiple_of3A, %dma_wait3A_246] : memref<10008x128xf32, #tpu.memory_space<vmem_shared>> -> memref<128x128xf32, #tpu.memory_space<vmem_shared>>
      tpu.wait_dma2 semaphore(%run_scoped3A_227 : memref<!tpu.dma_semaphore, #tpu.memory_space<semaphore_mem>>) src(%dma_wait3A_247 : memref<128x128xf32, #tpu.memory_space<vmem_shared>>) dst(%dma_wait3A_245 : memref<128x128xf32, #tpu.memory_space<vmem>>)
      tpu.yield
    }) : () -> ()
    %dma_start3A_67 = arith.constant 0 : i32
    %dma_start3A_68 = arith.constant 0 : i32
    %dma_start3A_69 = tpu.memref_slice %arg13[%dma_start3A_67, %dma_start3A_68] : memref<128x128xf32, #tpu.memory_space<vmem>> -> memref<128x128xf32, #tpu.memory_space<vmem>>
    %dma_start3A_70 = arith.constant 0 : i32
    %dma_start3A_71 = tpu.memref_slice %arg6[%arg0, %multiple_of3A, %dma_start3A_70] : memref<2x10000x128xf32, #tpu.memory_space<hbm>> -> memref<1x128x128xf32, #tpu.memory_space<hbm>>
    %dma_start3A_72 = tpu.memref_squeeze %dma_start3A_71 : memref<1x128x128xf32, #tpu.memory_space<hbm>> -> memref<128x128xf32, #tpu.memory_space<hbm>>
    %dma_start3A_73 = arith.constant 0 : i32
    %dma_start3A_74 = tpu.memref_slice %arg6[%arg0, %multiple_of3A, %dma_start3A_73] : memref<2x10000x128xf32, #tpu.memory_space<hbm>> -> memref<1x128x128xf32, #tpu.memory_space<hbm>>
    %dma_start3A_75 = tpu.memref_squeeze %dma_start3A_74 : memref<1x128x128xf32, #tpu.memory_space<hbm>> -> memref<128x128xf32, #tpu.memory_space<hbm>>
    %dma_start3A_76 = arith.constant 0 : i32
    %dma_start3A_77 = arith.constant 0 : i32
    %dma_start3A_78 = tpu.memref_slice %arg13[%dma_start3A_76, %dma_start3A_77] : memref<128x128xf32, #tpu.memory_space<vmem>> -> memref<128x128xf32, #tpu.memory_space<vmem>>
    tpu.enqueue_dma source(%dma_start3A_78 : memref<128x128xf32, #tpu.memory_space<vmem>>) target(%dma_start3A_75 : memref<128x128xf32, #tpu.memory_space<hbm>>) target_semaphore(%arg16 : memref<!tpu.dma_semaphore, #tpu.memory_space<semaphore_mem>>)
    %mul3A_79 = arith.constant 624 : i32
    %mul3A_80 = arith.muli %arg1, %mul3A_79 : i32
    %add3A_81 = arith.constant 128 : i32
    %add3A_82 = arith.addi %mul3A_80, %add3A_81 : i32
    %multiple_of3A_83 = tpu.assume_multiple %add3A_82, 8 : i32
    "tpu.region"() ({
      %run_scoped3A_227 = tpu.sem_alloc : memref<!tpu.dma_semaphore, #tpu.memory_space<semaphore_mem>>
      %dma_start3A_228 = arith.constant 0 : i32
      %dma_start3A_229 = arith.constant 0 : i32
      %dma_start3A_230 = tpu.memref_slice %arg14[%dma_start3A_228, %dma_start3A_229] : memref<128x128xf32, #tpu.memory_space<vmem>> -> memref<128x128xf32, #tpu.memory_space<vmem>>
      %dma_start3A_231 = arith.constant 0 : i32
      %dma_start3A_232 = tpu.memref_slice %arg7[%multiple_of3A_83, %dma_start3A_231] : memref<10008x128xf32, #tpu.memory_space<vmem_shared>> -> memref<128x128xf32, #tpu.memory_space<vmem_shared>>
      %dma_start3A_233 = arith.constant 0 : i32
      %dma_start3A_234 = arith.constant 0 : i32
      %dma_start3A_235 = tpu.memref_slice %arg14[%dma_start3A_233, %dma_start3A_234] : memref<128x128xf32, #tpu.memory_space<vmem>> -> memref<128x128xf32, #tpu.memory_space<vmem>>
      %dma_start3A_236 = arith.constant 0 : i32
      %dma_start3A_237 = tpu.memref_slice %arg7[%multiple_of3A_83, %dma_start3A_236] : memref<10008x128xf32, #tpu.memory_space<vmem_shared>> -> memref<128x128xf32, #tpu.memory_space<vmem_shared>>
      tpu.enqueue_dma source(%dma_start3A_237 : memref<128x128xf32, #tpu.memory_space<vmem_shared>>) target(%dma_start3A_235 : memref<128x128xf32, #tpu.memory_space<vmem>>) target_semaphore(%run_scoped3A_227 : memref<!tpu.dma_semaphore, #tpu.memory_space<semaphore_mem>>)
      %dma_wait3A_238 = arith.constant 0 : i32
      %dma_wait3A_239 = arith.constant 0 : i32
      %dma_wait3A_240 = tpu.memref_slice %arg14[%dma_wait3A_238, %dma_wait3A_239] : memref<128x128xf32, #tpu.memory_space<vmem>> -> memref<128x128xf32, #tpu.memory_space<vmem>>
      %dma_wait3A_241 = arith.constant 0 : i32
      %dma_wait3A_242 = tpu.memref_slice %arg7[%multiple_of3A_83, %dma_wait3A_241] : memref<10008x128xf32, #tpu.memory_space<vmem_shared>> -> memref<128x128xf32, #tpu.memory_space<vmem_shared>>
      %dma_wait3A_243 = arith.constant 0 : i32
      %dma_wait3A_244 = arith.constant 0 : i32
      %dma_wait3A_245 = tpu.memref_slice %arg14[%dma_wait3A_243, %dma_wait3A_244] : memref<128x128xf32, #tpu.memory_space<vmem>> -> memref<128x128xf32, #tpu.memory_space<vmem>>
      %dma_wait3A_246 = arith.constant 0 : i32
      %dma_wait3A_247 = tpu.memref_slice %arg7[%multiple_of3A_83, %dma_wait3A_246] : memref<10008x128xf32, #tpu.memory_space<vmem_shared>> -> memref<128x128xf32, #tpu.memory_space<vmem_shared>>
      tpu.wait_dma2 semaphore(%run_scoped3A_227 : memref<!tpu.dma_semaphore, #tpu.memory_space<semaphore_mem>>) src(%dma_wait3A_247 : memref<128x128xf32, #tpu.memory_space<vmem_shared>>) dst(%dma_wait3A_245 : memref<128x128xf32, #tpu.memory_space<vmem>>)
      tpu.yield
    }) : () -> ()
    %dma_start3A_84 = arith.constant 0 : i32
    %dma_start3A_85 = arith.constant 0 : i32
    %dma_start3A_86 = tpu.memref_slice %arg14[%dma_start3A_84, %dma_start3A_85] : memref<128x128xf32, #tpu.memory_space<vmem>> -> memref<128x128xf32, #tpu.memory_space<vmem>>
    %dma_start3A_87 = arith.constant 0 : i32
    %dma_start3A_88 = tpu.memref_slice %arg6[%arg0, %multiple_of3A_83, %dma_start3A_87] : memref<2x10000x128xf32, #tpu.memory_space<hbm>> -> memref<1x128x128xf32, #tpu.memory_space<hbm>>
    %dma_start3A_89 = tpu.memref_squeeze %dma_start3A_88 : memref<1x128x128xf32, #tpu.memory_space<hbm>> -> memref<128x128xf32, #tpu.memory_space<hbm>>
    %dma_start3A_90 = arith.constant 0 : i32
    %dma_start3A_91 = tpu.memref_slice %arg6[%arg0, %multiple_of3A_83, %dma_start3A_90] : memref<2x10000x128xf32, #tpu.memory_space<hbm>> -> memref<1x128x128xf32, #tpu.memory_space<hbm>>
    %dma_start3A_92 = tpu.memref_squeeze %dma_start3A_91 : memref<1x128x128xf32, #tpu.memory_space<hbm>> -> memref<128x128xf32, #tpu.memory_space<hbm>>
    %dma_start3A_93 = arith.constant 0 : i32
    %dma_start3A_94 = arith.constant 0 : i32
    %dma_start3A_95 = tpu.memref_slice %arg14[%dma_start3A_93, %dma_start3A_94] : memref<128x128xf32, #tpu.memory_space<vmem>> -> memref<128x128xf32, #tpu.memory_space<vmem>>
    tpu.enqueue_dma source(%dma_start3A_95 : memref<128x128xf32, #tpu.memory_space<vmem>>) target(%dma_start3A_92 : memref<128x128xf32, #tpu.memory_space<hbm>>) target_semaphore(%arg16 : memref<!tpu.dma_semaphore, #tpu.memory_space<semaphore_mem>>)
    %dma_wait3A_96 = arith.constant 0 : i32
    %dma_wait3A_97 = arith.constant 0 : i32
    %dma_wait3A_98 = arith.constant 0 : i32
    %dma_wait3A_99 = tpu.memref_slice %arg13[%dma_wait3A_97, %dma_wait3A_98] : memref<128x128xf32, #tpu.memory_space<vmem>> -> memref<128x128xf32, #tpu.memory_space<vmem>>
    %dma_wait3A_100 = arith.constant 0 : i32
    %dma_wait3A_101 = arith.constant 0 : i32
    %dma_wait3A_102 = tpu.memref_slice %arg6[%dma_wait3A_96, %dma_wait3A_100, %dma_wait3A_101] : memref<2x10000x128xf32, #tpu.memory_space<hbm>> -> memref<1x128x128xf32, #tpu.memory_space<hbm>>
    %dma_wait3A_103 = tpu.memref_squeeze %dma_wait3A_102 : memref<1x128x128xf32, #tpu.memory_space<hbm>> -> memref<128x128xf32, #tpu.memory_space<hbm>>
    %dma_wait3A_104 = arith.constant 0 : i32
    %dma_wait3A_105 = arith.constant 0 : i32
    %dma_wait3A_106 = tpu.memref_slice %arg6[%dma_wait3A_96, %dma_wait3A_104, %dma_wait3A_105] : memref<2x10000x128xf32, #tpu.memory_space<hbm>> -> memref<1x128x128xf32, #tpu.memory_space<hbm>>
    %dma_wait3A_107 = tpu.memref_squeeze %dma_wait3A_106 : memref<1x128x128xf32, #tpu.memory_space<hbm>> -> memref<128x128xf32, #tpu.memory_space<hbm>>
    %dma_wait3A_108 = arith.constant 0 : i32
    %dma_wait3A_109 = arith.constant 0 : i32
    %dma_wait3A_110 = tpu.memref_slice %arg13[%dma_wait3A_108, %dma_wait3A_109] : memref<128x128xf32, #tpu.memory_space<vmem>> -> memref<128x128xf32, #tpu.memory_space<vmem>>
    tpu.wait_dma2 semaphore(%arg16 : memref<!tpu.dma_semaphore, #tpu.memory_space<semaphore_mem>>) src(%dma_wait3A_110 : memref<128x128xf32, #tpu.memory_space<vmem>>) dst(%dma_wait3A_107 : memref<128x128xf32, #tpu.memory_space<hbm>>)
    %mul3A_111 = arith.constant 624 : i32
    %mul3A_112 = arith.muli %arg1, %mul3A_111 : i32
    %add3A_113 = arith.constant 256 : i32
    %add3A_114 = arith.addi %mul3A_112, %add3A_113 : i32
    %multiple_of3A_115 = tpu.assume_multiple %add3A_114, 8 : i32
    "tpu.region"() ({
      %run_scoped3A_227 = tpu.sem_alloc : memref<!tpu.dma_semaphore, #tpu.memory_space<semaphore_mem>>
      %dma_start3A_228 = arith.constant 0 : i32
      %dma_start3A_229 = arith.constant 0 : i32
      %dma_start3A_230 = tpu.memref_slice %arg13[%dma_start3A_228, %dma_start3A_229] : memref<128x128xf32, #tpu.memory_space<vmem>> -> memref<128x128xf32, #tpu.memory_space<vmem>>
      %dma_start3A_231 = arith.constant 0 : i32
      %dma_start3A_232 = tpu.memref_slice %arg7[%multiple_of3A_115, %dma_start3A_231] : memref<10008x128xf32, #tpu.memory_space<vmem_shared>> -> memref<128x128xf32, #tpu.memory_space<vmem_shared>>
      %dma_start3A_233 = arith.constant 0 : i32
      %dma_start3A_234 = arith.constant 0 : i32
      %dma_start3A_235 = tpu.memref_slice %arg13[%dma_start3A_233, %dma_start3A_234] : memref<128x128xf32, #tpu.memory_space<vmem>> -> memref<128x128xf32, #tpu.memory_space<vmem>>
      %dma_start3A_236 = arith.constant 0 : i32
      %dma_start3A_237 = tpu.memref_slice %arg7[%multiple_of3A_115, %dma_start3A_236] : memref<10008x128xf32, #tpu.memory_space<vmem_shared>> -> memref<128x128xf32, #tpu.memory_space<vmem_shared>>
      tpu.enqueue_dma source(%dma_start3A_237 : memref<128x128xf32, #tpu.memory_space<vmem_shared>>) target(%dma_start3A_235 : memref<128x128xf32, #tpu.memory_space<vmem>>) target_semaphore(%run_scoped3A_227 : memref<!tpu.dma_semaphore, #tpu.memory_space<semaphore_mem>>)
      %dma_wait3A_238 = arith.constant 0 : i32
      %dma_wait3A_239 = arith.constant 0 : i32
      %dma_wait3A_240 = tpu.memref_slice %arg13[%dma_wait3A_238, %dma_wait3A_239] : memref<128x128xf32, #tpu.memory_space<vmem>> -> memref<128x128xf32, #tpu.memory_space<vmem>>
      %dma_wait3A_241 = arith.constant 0 : i32
      %dma_wait3A_242 = tpu.memref_slice %arg7[%multiple_of3A_115, %dma_wait3A_241] : memref<10008x128xf32, #tpu.memory_space<vmem_shared>> -> memref<128x128xf32, #tpu.memory_space<vmem_shared>>
      %dma_wait3A_243 = arith.constant 0 : i32
      %dma_wait3A_244 = arith.constant 0 : i32
      %dma_wait3A_245 = tpu.memref_slice %arg13[%dma_wait3A_243, %dma_wait3A_244] : memref<128x128xf32, #tpu.memory_space<vmem>> -> memref<128x128xf32, #tpu.memory_space<vmem>>
      %dma_wait3A_246 = arith.constant 0 : i32
      %dma_wait3A_247 = tpu.memref_slice %arg7[%multiple_of3A_115, %dma_wait3A_246] : memref<10008x128xf32, #tpu.memory_space<vmem_shared>> -> memref<128x128xf32, #tpu.memory_space<vmem_shared>>
      tpu.wait_dma2 semaphore(%run_scoped3A_227 : memref<!tpu.dma_semaphore, #tpu.memory_space<semaphore_mem>>) src(%dma_wait3A_247 : memref<128x128xf32, #tpu.memory_space<vmem_shared>>) dst(%dma_wait3A_245 : memref<128x128xf32, #tpu.memory_space<vmem>>)
      tpu.yield
    }) : () -> ()
    %dma_start3A_116 = arith.constant 0 : i32
    %dma_start3A_117 = arith.constant 0 : i32
    %dma_start3A_118 = tpu.memref_slice %arg13[%dma_start3A_116, %dma_start3A_117] : memref<128x128xf32, #tpu.memory_space<vmem>> -> memref<128x128xf32, #tpu.memory_space<vmem>>
    %dma_start3A_119 = arith.constant 0 : i32
    %dma_start3A_120 = tpu.memref_slice %arg6[%arg0, %multiple_of3A_115, %dma_start3A_119] : memref<2x10000x128xf32, #tpu.memory_space<hbm>> -> memref<1x128x128xf32, #tpu.memory_space<hbm>>
    %dma_start3A_121 = tpu.memref_squeeze %dma_start3A_120 : memref<1x128x128xf32, #tpu.memory_space<hbm>> -> memref<128x128xf32, #tpu.memory_space<hbm>>
    %dma_start3A_122 = arith.constant 0 : i32
    %dma_start3A_123 = tpu.memref_slice %arg6[%arg0, %multiple_of3A_115, %dma_start3A_122] : memref<2x10000x128xf32, #tpu.memory_space<hbm>> -> memref<1x128x128xf32, #tpu.memory_space<hbm>>
    %dma_start3A_124 = tpu.memref_squeeze %dma_start3A_123 : memref<1x128x128xf32, #tpu.memory_space<hbm>> -> memref<128x128xf32, #tpu.memory_space<hbm>>
    %dma_start3A_125 = arith.constant 0 : i32
    %dma_start3A_126 = arith.constant 0 : i32
    %dma_start3A_127 = tpu.memref_slice %arg13[%dma_start3A_125, %dma_start3A_126] : memref<128x128xf32, #tpu.memory_space<vmem>> -> memref<128x128xf32, #tpu.memory_space<vmem>>
    tpu.enqueue_dma source(%dma_start3A_127 : memref<128x128xf32, #tpu.memory_space<vmem>>) target(%dma_start3A_124 : memref<128x128xf32, #tpu.memory_space<hbm>>) target_semaphore(%arg16 : memref<!tpu.dma_semaphore, #tpu.memory_space<semaphore_mem>>)
    %dma_wait3A_128 = arith.constant 0 : i32
    %dma_wait3A_129 = arith.constant 0 : i32
    %dma_wait3A_130 = arith.constant 0 : i32
    %dma_wait3A_131 = tpu.memref_slice %arg13[%dma_wait3A_129, %dma_wait3A_130] : memref<128x128xf32, #tpu.memory_space<vmem>> -> memref<128x128xf32, #tpu.memory_space<vmem>>
    %dma_wait3A_132 = arith.constant 0 : i32
    %dma_wait3A_133 = arith.constant 0 : i32
    %dma_wait3A_134 = tpu.memref_slice %arg6[%dma_wait3A_128, %dma_wait3A_132, %dma_wait3A_133] : memref<2x10000x128xf32, #tpu.memory_space<hbm>> -> memref<1x128x128xf32, #tpu.memory_space<hbm>>
    %dma_wait3A_135 = tpu.memref_squeeze %dma_wait3A_134 : memref<1x128x128xf32, #tpu.memory_space<hbm>> -> memref<128x128xf32, #tpu.memory_space<hbm>>
    %dma_wait3A_136 = arith.constant 0 : i32
    %dma_wait3A_137 = arith.constant 0 : i32
    %dma_wait3A_138 = tpu.memref_slice %arg6[%dma_wait3A_128, %dma_wait3A_136, %dma_wait3A_137] : memref<2x10000x128xf32, #tpu.memory_space<hbm>> -> memref<1x128x128xf32, #tpu.memory_space<hbm>>
    %dma_wait3A_139 = tpu.memref_squeeze %dma_wait3A_138 : memref<1x128x128xf32, #tpu.memory_space<hbm>> -> memref<128x128xf32, #tpu.memory_space<hbm>>
    %dma_wait3A_140 = arith.constant 0 : i32
    %dma_wait3A_141 = arith.constant 0 : i32
    %dma_wait3A_142 = tpu.memref_slice %arg13[%dma_wait3A_140, %dma_wait3A_141] : memref<128x128xf32, #tpu.memory_space<vmem>> -> memref<128x128xf32, #tpu.memory_space<vmem>>
    tpu.wait_dma2 semaphore(%arg16 : memref<!tpu.dma_semaphore, #tpu.memory_space<semaphore_mem>>) src(%dma_wait3A_142 : memref<128x128xf32, #tpu.memory_space<vmem>>) dst(%dma_wait3A_139 : memref<128x128xf32, #tpu.memory_space<hbm>>)
    %mul3A_143 = arith.constant 624 : i32
    %mul3A_144 = arith.muli %arg1, %mul3A_143 : i32
    %add3A_145 = arith.constant 384 : i32
    %add3A_146 = arith.addi %mul3A_144, %add3A_145 : i32
    %multiple_of3A_147 = tpu.assume_multiple %add3A_146, 8 : i32
    "tpu.region"() ({
      %run_scoped3A_227 = tpu.sem_alloc : memref<!tpu.dma_semaphore, #tpu.memory_space<semaphore_mem>>
      %dma_start3A_228 = arith.constant 0 : i32
      %dma_start3A_229 = arith.constant 0 : i32
      %dma_start3A_230 = tpu.memref_slice %arg14[%dma_start3A_228, %dma_start3A_229] : memref<128x128xf32, #tpu.memory_space<vmem>> -> memref<128x128xf32, #tpu.memory_space<vmem>>
      %dma_start3A_231 = arith.constant 0 : i32
      %dma_start3A_232 = tpu.memref_slice %arg7[%multiple_of3A_147, %dma_start3A_231] : memref<10008x128xf32, #tpu.memory_space<vmem_shared>> -> memref<128x128xf32, #tpu.memory_space<vmem_shared>>
      %dma_start3A_233 = arith.constant 0 : i32
      %dma_start3A_234 = arith.constant 0 : i32
      %dma_start3A_235 = tpu.memref_slice %arg14[%dma_start3A_233, %dma_start3A_234] : memref<128x128xf32, #tpu.memory_space<vmem>> -> memref<128x128xf32, #tpu.memory_space<vmem>>
      %dma_start3A_236 = arith.constant 0 : i32
      %dma_start3A_237 = tpu.memref_slice %arg7[%multiple_of3A_147, %dma_start3A_236] : memref<10008x128xf32, #tpu.memory_space<vmem_shared>> -> memref<128x128xf32, #tpu.memory_space<vmem_shared>>
      tpu.enqueue_dma source(%dma_start3A_237 : memref<128x128xf32, #tpu.memory_space<vmem_shared>>) target(%dma_start3A_235 : memref<128x128xf32, #tpu.memory_space<vmem>>) target_semaphore(%run_scoped3A_227 : memref<!tpu.dma_semaphore, #tpu.memory_space<semaphore_mem>>)
      %dma_wait3A_238 = arith.constant 0 : i32
      %dma_wait3A_239 = arith.constant 0 : i32
      %dma_wait3A_240 = tpu.memref_slice %arg14[%dma_wait3A_238, %dma_wait3A_239] : memref<128x128xf32, #tpu.memory_space<vmem>> -> memref<128x128xf32, #tpu.memory_space<vmem>>
      %dma_wait3A_241 = arith.constant 0 : i32
      %dma_wait3A_242 = tpu.memref_slice %arg7[%multiple_of3A_147, %dma_wait3A_241] : memref<10008x128xf32, #tpu.memory_space<vmem_shared>> -> memref<128x128xf32, #tpu.memory_space<vmem_shared>>
      %dma_wait3A_243 = arith.constant 0 : i32
      %dma_wait3A_244 = arith.constant 0 : i32
      %dma_wait3A_245 = tpu.memref_slice %arg14[%dma_wait3A_243, %dma_wait3A_244] : memref<128x128xf32, #tpu.memory_space<vmem>> -> memref<128x128xf32, #tpu.memory_space<vmem>>
      %dma_wait3A_246 = arith.constant 0 : i32
      %dma_wait3A_247 = tpu.memref_slice %arg7[%multiple_of3A_147, %dma_wait3A_246] : memref<10008x128xf32, #tpu.memory_space<vmem_shared>> -> memref<128x128xf32, #tpu.memory_space<vmem_shared>>
      tpu.wait_dma2 semaphore(%run_scoped3A_227 : memref<!tpu.dma_semaphore, #tpu.memory_space<semaphore_mem>>) src(%dma_wait3A_247 : memref<128x128xf32, #tpu.memory_space<vmem_shared>>) dst(%dma_wait3A_245 : memref<128x128xf32, #tpu.memory_space<vmem>>)
      tpu.yield
    }) : () -> ()
    %dma_start3A_148 = arith.constant 0 : i32
    %dma_start3A_149 = arith.constant 0 : i32
    %dma_start3A_150 = tpu.memref_slice %arg14[%dma_start3A_148, %dma_start3A_149] : memref<128x128xf32, #tpu.memory_space<vmem>> -> memref<128x128xf32, #tpu.memory_space<vmem>>
    %dma_start3A_151 = arith.constant 0 : i32
    %dma_start3A_152 = tpu.memref_slice %arg6[%arg0, %multiple_of3A_147, %dma_start3A_151] : memref<2x10000x128xf32, #tpu.memory_space<hbm>> -> memref<1x128x128xf32, #tpu.memory_space<hbm>>
    %dma_start3A_153 = tpu.memref_squeeze %dma_start3A_152 : memref<1x128x128xf32, #tpu.memory_space<hbm>> -> memref<128x128xf32, #tpu.memory_space<hbm>>
    %dma_start3A_154 = arith.constant 0 : i32
    %dma_start3A_155 = tpu.memref_slice %arg6[%arg0, %multiple_of3A_147, %dma_start3A_154] : memref<2x10000x128xf32, #tpu.memory_space<hbm>> -> memref<1x128x128xf32, #tpu.memory_space<hbm>>
    %dma_start3A_156 = tpu.memref_squeeze %dma_start3A_155 : memref<1x128x128xf32, #tpu.memory_space<hbm>> -> memref<128x128xf32, #tpu.memory_space<hbm>>
    %dma_start3A_157 = arith.constant 0 : i32
    %dma_start3A_158 = arith.constant 0 : i32
    %dma_start3A_159 = tpu.memref_slice %arg14[%dma_start3A_157, %dma_start3A_158] : memref<128x128xf32, #tpu.memory_space<vmem>> -> memref<128x128xf32, #tpu.memory_space<vmem>>
    tpu.enqueue_dma source(%dma_start3A_159 : memref<128x128xf32, #tpu.memory_space<vmem>>) target(%dma_start3A_156 : memref<128x128xf32, #tpu.memory_space<hbm>>) target_semaphore(%arg16 : memref<!tpu.dma_semaphore, #tpu.memory_space<semaphore_mem>>)
    %dma_wait3A_160 = arith.constant 0 : i32
    %dma_wait3A_161 = arith.constant 0 : i32
    %dma_wait3A_162 = arith.constant 0 : i32
    %dma_wait3A_163 = tpu.memref_slice %arg13[%dma_wait3A_161, %dma_wait3A_162] : memref<128x128xf32, #tpu.memory_space<vmem>> -> memref<128x128xf32, #tpu.memory_space<vmem>>
    %dma_wait3A_164 = arith.constant 0 : i32
    %dma_wait3A_165 = arith.constant 0 : i32
    %dma_wait3A_166 = tpu.memref_slice %arg6[%dma_wait3A_160, %dma_wait3A_164, %dma_wait3A_165] : memref<2x10000x128xf32, #tpu.memory_space<hbm>> -> memref<1x128x128xf32, #tpu.memory_space<hbm>>
    %dma_wait3A_167 = tpu.memref_squeeze %dma_wait3A_166 : memref<1x128x128xf32, #tpu.memory_space<hbm>> -> memref<128x128xf32, #tpu.memory_space<hbm>>
    %dma_wait3A_168 = arith.constant 0 : i32
    %dma_wait3A_169 = arith.constant 0 : i32
    %dma_wait3A_170 = tpu.memref_slice %arg6[%dma_wait3A_160, %dma_wait3A_168, %dma_wait3A_169] : memref<2x10000x128xf32, #tpu.memory_space<hbm>> -> memref<1x128x128xf32, #tpu.memory_space<hbm>>
    %dma_wait3A_171 = tpu.memref_squeeze %dma_wait3A_170 : memref<1x128x128xf32, #tpu.memory_space<hbm>> -> memref<128x128xf32, #tpu.memory_space<hbm>>
    %dma_wait3A_172 = arith.constant 0 : i32
    %dma_wait3A_173 = arith.constant 0 : i32
    %dma_wait3A_174 = tpu.memref_slice %arg13[%dma_wait3A_172, %dma_wait3A_173] : memref<128x128xf32, #tpu.memory_space<vmem>> -> memref<128x128xf32, #tpu.memory_space<vmem>>
    tpu.wait_dma2 semaphore(%arg16 : memref<!tpu.dma_semaphore, #tpu.memory_space<semaphore_mem>>) src(%dma_wait3A_174 : memref<128x128xf32, #tpu.memory_space<vmem>>) dst(%dma_wait3A_171 : memref<128x128xf32, #tpu.memory_space<hbm>>)
    %mul3A_175 = arith.constant 624 : i32
    %mul3A_176 = arith.muli %arg1, %mul3A_175 : i32
    %add3A_177 = arith.constant 512 : i32
    %add3A_178 = arith.addi %mul3A_176, %add3A_177 : i32
    %multiple_of3A_179 = tpu.assume_multiple %add3A_178, 8 : i32
    "tpu.region"() ({
      %run_scoped3A_227 = tpu.sem_alloc : memref<!tpu.dma_semaphore, #tpu.memory_space<semaphore_mem>>
      %dma_start3A_228 = arith.constant 0 : i32
      %dma_start3A_229 = arith.constant 0 : i32
      %dma_start3A_230 = tpu.memref_slice %arg13[%dma_start3A_228, %dma_start3A_229] : memref<128x128xf32, #tpu.memory_space<vmem>> -> memref<112x128xf32, #tpu.memory_space<vmem>>
      %dma_start3A_231 = arith.constant 0 : i32
      %dma_start3A_232 = tpu.memref_slice %arg7[%multiple_of3A_179, %dma_start3A_231] : memref<10008x128xf32, #tpu.memory_space<vmem_shared>> -> memref<112x128xf32, #tpu.memory_space<vmem_shared>>
      %dma_start3A_233 = arith.constant 0 : i32
      %dma_start3A_234 = arith.constant 0 : i32
      %dma_start3A_235 = tpu.memref_slice %arg13[%dma_start3A_233, %dma_start3A_234] : memref<128x128xf32, #tpu.memory_space<vmem>> -> memref<112x128xf32, #tpu.memory_space<vmem>>
      %dma_start3A_236 = arith.constant 0 : i32
      %dma_start3A_237 = tpu.memref_slice %arg7[%multiple_of3A_179, %dma_start3A_236] : memref<10008x128xf32, #tpu.memory_space<vmem_shared>> -> memref<112x128xf32, #tpu.memory_space<vmem_shared>>
      tpu.enqueue_dma source(%dma_start3A_237 : memref<112x128xf32, #tpu.memory_space<vmem_shared>>) target(%dma_start3A_235 : memref<112x128xf32, #tpu.memory_space<vmem>>) target_semaphore(%run_scoped3A_227 : memref<!tpu.dma_semaphore, #tpu.memory_space<semaphore_mem>>)
      %dma_wait3A_238 = arith.constant 0 : i32
      %dma_wait3A_239 = arith.constant 0 : i32
      %dma_wait3A_240 = tpu.memref_slice %arg13[%dma_wait3A_238, %dma_wait3A_239] : memref<128x128xf32, #tpu.memory_space<vmem>> -> memref<112x128xf32, #tpu.memory_space<vmem>>
      %dma_wait3A_241 = arith.constant 0 : i32
      %dma_wait3A_242 = tpu.memref_slice %arg7[%multiple_of3A_179, %dma_wait3A_241] : memref<10008x128xf32, #tpu.memory_space<vmem_shared>> -> memref<112x128xf32, #tpu.memory_space<vmem_shared>>
      %dma_wait3A_243 = arith.constant 0 : i32
      %dma_wait3A_244 = arith.constant 0 : i32
      %dma_wait3A_245 = tpu.memref_slice %arg13[%dma_wait3A_243, %dma_wait3A_244] : memref<128x128xf32, #tpu.memory_space<vmem>> -> memref<112x128xf32, #tpu.memory_space<vmem>>
      %dma_wait3A_246 = arith.constant 0 : i32
      %dma_wait3A_247 = tpu.memref_slice %arg7[%multiple_of3A_179, %dma_wait3A_246] : memref<10008x128xf32, #tpu.memory_space<vmem_shared>> -> memref<112x128xf32, #tpu.memory_space<vmem_shared>>
      tpu.wait_dma2 semaphore(%run_scoped3A_227 : memref<!tpu.dma_semaphore, #tpu.memory_space<semaphore_mem>>) src(%dma_wait3A_247 : memref<112x128xf32, #tpu.memory_space<vmem_shared>>) dst(%dma_wait3A_245 : memref<112x128xf32, #tpu.memory_space<vmem>>)
      tpu.yield
    }) : () -> ()
    %dma_start3A_180 = arith.constant 0 : i32
    %dma_start3A_181 = arith.constant 0 : i32
    %dma_start3A_182 = tpu.memref_slice %arg13[%dma_start3A_180, %dma_start3A_181] : memref<128x128xf32, #tpu.memory_space<vmem>> -> memref<112x128xf32, #tpu.memory_space<vmem>>
    %dma_start3A_183 = arith.constant 0 : i32
    %dma_start3A_184 = tpu.memref_slice %arg6[%arg0, %multiple_of3A_179, %dma_start3A_183] : memref<2x10000x128xf32, #tpu.memory_space<hbm>> -> memref<1x112x128xf32, #tpu.memory_space<hbm>>
    %dma_start3A_185 = tpu.memref_squeeze %dma_start3A_184 : memref<1x112x128xf32, #tpu.memory_space<hbm>> -> memref<112x128xf32, #tpu.memory_space<hbm>>
    %dma_start3A_186 = arith.constant 0 : i32
    %dma_start3A_187 = tpu.memref_slice %arg6[%arg0, %multiple_of3A_179, %dma_start3A_186] : memref<2x10000x128xf32, #tpu.memory_space<hbm>> -> memref<1x112x128xf32, #tpu.memory_space<hbm>>
    %dma_start3A_188 = tpu.memref_squeeze %dma_start3A_187 : memref<1x112x128xf32, #tpu.memory_space<hbm>> -> memref<112x128xf32, #tpu.memory_space<hbm>>
    %dma_start3A_189 = arith.constant 0 : i32
    %dma_start3A_190 = arith.constant 0 : i32
    %dma_start3A_191 = tpu.memref_slice %arg13[%dma_start3A_189, %dma_start3A_190] : memref<128x128xf32, #tpu.memory_space<vmem>> -> memref<112x128xf32, #tpu.memory_space<vmem>>
    tpu.enqueue_dma source(%dma_start3A_191 : memref<112x128xf32, #tpu.memory_space<vmem>>) target(%dma_start3A_188 : memref<112x128xf32, #tpu.memory_space<hbm>>) target_semaphore(%arg16 : memref<!tpu.dma_semaphore, #tpu.memory_space<semaphore_mem>>)
    %dma_wait3A_192 = arith.constant 0 : i32
    %dma_wait3A_193 = arith.constant 0 : i32
    %dma_wait3A_194 = arith.constant 0 : i32
    %dma_wait3A_195 = tpu.memref_slice %arg13[%dma_wait3A_193, %dma_wait3A_194] : memref<128x128xf32, #tpu.memory_space<vmem>> -> memref<128x128xf32, #tpu.memory_space<vmem>>
    %dma_wait3A_196 = arith.constant 0 : i32
    %dma_wait3A_197 = arith.constant 0 : i32
    %dma_wait3A_198 = tpu.memref_slice %arg6[%dma_wait3A_192, %dma_wait3A_196, %dma_wait3A_197] : memref<2x10000x128xf32, #tpu.memory_space<hbm>> -> memref<1x128x128xf32, #tpu.memory_space<hbm>>
    %dma_wait3A_199 = tpu.memref_squeeze %dma_wait3A_198 : memref<1x128x128xf32, #tpu.memory_space<hbm>> -> memref<128x128xf32, #tpu.memory_space<hbm>>
    %dma_wait3A_200 = arith.constant 0 : i32
    %dma_wait3A_201 = arith.constant 0 : i32
    %dma_wait3A_202 = tpu.memref_slice %arg6[%dma_wait3A_192, %dma_wait3A_200, %dma_wait3A_201] : memref<2x10000x128xf32, #tpu.memory_space<hbm>> -> memref<1x128x128xf32, #tpu.memory_space<hbm>>
    %dma_wait3A_203 = tpu.memref_squeeze %dma_wait3A_202 : memref<1x128x128xf32, #tpu.memory_space<hbm>> -> memref<128x128xf32, #tpu.memory_space<hbm>>
    %dma_wait3A_204 = arith.constant 0 : i32
    %dma_wait3A_205 = arith.constant 0 : i32
    %dma_wait3A_206 = tpu.memref_slice %arg13[%dma_wait3A_204, %dma_wait3A_205] : memref<128x128xf32, #tpu.memory_space<vmem>> -> memref<128x128xf32, #tpu.memory_space<vmem>>
    tpu.wait_dma2 semaphore(%arg16 : memref<!tpu.dma_semaphore, #tpu.memory_space<semaphore_mem>>) src(%dma_wait3A_206 : memref<128x128xf32, #tpu.memory_space<vmem>>) dst(%dma_wait3A_203 : memref<128x128xf32, #tpu.memory_space<hbm>>)
    %dma_wait3A_207 = arith.constant 0 : i32
    %dma_wait3A_208 = arith.constant 0 : i32
    %dma_wait3A_209 = arith.constant 0 : i32
    %dma_wait3A_210 = tpu.memref_slice %arg13[%dma_wait3A_208, %dma_wait3A_209] : memref<128x128xf32, #tpu.memory_space<vmem>> -> memref<112x128xf32, #tpu.memory_space<vmem>>
    %dma_wait3A_211 = arith.constant 0 : i32
    %dma_wait3A_212 = arith.constant 0 : i32
    %dma_wait3A_213 = tpu.memref_slice %arg6[%dma_wait3A_207, %dma_wait3A_211, %dma_wait3A_212] : memref<2x10000x128xf32, #tpu.memory_space<hbm>> -> memref<1x112x128xf32, #tpu.memory_space<hbm>>
    %dma_wait3A_214 = tpu.memref_squeeze %dma_wait3A_213 : memref<1x112x128xf32, #tpu.memory_space<hbm>> -> memref<112x128xf32, #tpu.memory_space<hbm>>
    %dma_wait3A_215 = arith.constant 0 : i32
    %dma_wait3A_216 = arith.constant 0 : i32
    %dma_wait3A_217 = tpu.memref_slice %arg6[%dma_wait3A_207, %dma_wait3A_215, %dma_wait3A_216] : memref<2x10000x128xf32, #tpu.memory_space<hbm>> -> memref<1x112x128xf32, #tpu.memory_space<hbm>>
    %dma_wait3A_218 = tpu.memref_squeeze %dma_wait3A_217 : memref<1x112x128xf32, #tpu.memory_space<hbm>> -> memref<112x128xf32, #tpu.memory_space<hbm>>
    %dma_wait3A_219 = arith.constant 0 : i32
    %dma_wait3A_220 = arith.constant 0 : i32
    %dma_wait3A_221 = tpu.memref_slice %arg13[%dma_wait3A_219, %dma_wait3A_220] : memref<128x128xf32, #tpu.memory_space<vmem>> -> memref<112x128xf32, #tpu.memory_space<vmem>>
    tpu.wait_dma2 semaphore(%arg16 : memref<!tpu.dma_semaphore, #tpu.memory_space<semaphore_mem>>) src(%dma_wait3A_221 : memref<112x128xf32, #tpu.memory_space<vmem>>) dst(%dma_wait3A_218 : memref<112x128xf32, #tpu.memory_space<hbm>>)
    %eq3A_222 = arith.constant 15 : i32
    %eq3A_223 = arith.cmpi eq, %arg1, %eq3A_222 : i32
    %convert_element_type3A_224 = arith.extui %eq3A_223 : i1 to i32
    %cond3A_225 = arith.constant 0 : i32
    %cond3A_226 = arith.cmpi ne, %convert_element_type3A_224, %cond3A_225 : i32
    scf.if %cond3A_226 {
      "tpu.region"() ({
        %run_scoped3A_227 = tpu.sem_alloc : memref<!tpu.dma_semaphore, #tpu.memory_space<semaphore_mem>>
        %dma_start3A_228 = arith.constant 0 : i32
        %dma_start3A_229 = arith.constant 0 : i32
        %dma_start3A_230 = tpu.memref_slice %arg13[%dma_start3A_228, %dma_start3A_229] : memref<128x128xf32, #tpu.memory_space<vmem>> -> memref<16x128xf32, #tpu.memory_space<vmem>>
        %dma_start3A_231 = arith.constant 9984 : i32
        %dma_start3A_232 = arith.constant 0 : i32
        %dma_start3A_233 = tpu.memref_slice %arg7[%dma_start3A_231, %dma_start3A_232] : memref<10008x128xf32, #tpu.memory_space<vmem_shared>> -> memref<16x128xf32, #tpu.memory_space<vmem_shared>>
        %dma_start3A_234 = arith.constant 0 : i32
        %dma_start3A_235 = arith.constant 0 : i32
        %dma_start3A_236 = tpu.memref_slice %arg13[%dma_start3A_234, %dma_start3A_235] : memref<128x128xf32, #tpu.memory_space<vmem>> -> memref<16x128xf32, #tpu.memory_space<vmem>>
        %dma_start3A_237 = arith.constant 9984 : i32
        %dma_start3A_238 = arith.constant 0 : i32
        %dma_start3A_239 = tpu.memref_slice %arg7[%dma_start3A_237, %dma_start3A_238] : memref<10008x128xf32, #tpu.memory_space<vmem_shared>> -> memref<16x128xf32, #tpu.memory_space<vmem_shared>>
        tpu.enqueue_dma source(%dma_start3A_239 : memref<16x128xf32, #tpu.memory_space<vmem_shared>>) target(%dma_start3A_236 : memref<16x128xf32, #tpu.memory_space<vmem>>) target_semaphore(%run_scoped3A_227 : memref<!tpu.dma_semaphore, #tpu.memory_space<semaphore_mem>>)
        %dma_wait3A_240 = arith.constant 0 : i32
        %dma_wait3A_241 = arith.constant 0 : i32
        %dma_wait3A_242 = tpu.memref_slice %arg13[%dma_wait3A_240, %dma_wait3A_241] : memref<128x128xf32, #tpu.memory_space<vmem>> -> memref<16x128xf32, #tpu.memory_space<vmem>>
        %dma_wait3A_243 = arith.constant 9984 : i32
        %dma_wait3A_244 = arith.constant 0 : i32
        %dma_wait3A_245 = tpu.memref_slice %arg7[%dma_wait3A_243, %dma_wait3A_244] : memref<10008x128xf32, #tpu.memory_space<vmem_shared>> -> memref<16x128xf32, #tpu.memory_space<vmem_shared>>
        %dma_wait3A_246 = arith.constant 0 : i32
        %dma_wait3A_247 = arith.constant 0 : i32
        %dma_wait3A_248 = tpu.memref_slice %arg13[%dma_wait3A_246, %dma_wait3A_247] : memref<128x128xf32, #tpu.memory_space<vmem>> -> memref<16x128xf32, #tpu.memory_space<vmem>>
        %dma_wait3A_249 = arith.constant 9984 : i32
        %dma_wait3A_250 = arith.constant 0 : i32
        %dma_wait3A_251 = tpu.memref_slice %arg7[%dma_wait3A_249, %dma_wait3A_250] : memref<10008x128xf32, #tpu.memory_space<vmem_shared>> -> memref<16x128xf32, #tpu.memory_space<vmem_shared>>
        tpu.wait_dma2 semaphore(%run_scoped3A_227 : memref<!tpu.dma_semaphore, #tpu.memory_space<semaphore_mem>>) src(%dma_wait3A_251 : memref<16x128xf32, #tpu.memory_space<vmem_shared>>) dst(%dma_wait3A_248 : memref<16x128xf32, #tpu.memory_space<vmem>>)
        tpu.yield
      }) : () -> ()
      "tpu.region"() ({
        %run_scoped3A_227 = tpu.sem_alloc : memref<!tpu.dma_semaphore, #tpu.memory_space<semaphore_mem>>
        %dma_start3A_228 = arith.constant 0 : i32
        %dma_start3A_229 = arith.constant 0 : i32
        %dma_start3A_230 = tpu.memref_slice %arg13[%dma_start3A_228, %dma_start3A_229] : memref<128x128xf32, #tpu.memory_space<vmem>> -> memref<16x128xf32, #tpu.memory_space<vmem>>
        %dma_start3A_231 = arith.constant 9984 : i32
        %dma_start3A_232 = arith.constant 0 : i32
        %dma_start3A_233 = tpu.memref_slice %arg6[%arg0, %dma_start3A_231, %dma_start3A_232] : memref<2x10000x128xf32, #tpu.memory_space<hbm>> -> memref<1x16x128xf32, #tpu.memory_space<hbm>>
        %dma_start3A_234 = tpu.memref_squeeze %dma_start3A_233 : memref<1x16x128xf32, #tpu.memory_space<hbm>> -> memref<16x128xf32, #tpu.memory_space<hbm>>
        %dma_start3A_235 = arith.constant 9984 : i32
        %dma_start3A_236 = arith.constant 0 : i32
        %dma_start3A_237 = tpu.memref_slice %arg6[%arg0, %dma_start3A_235, %dma_start3A_236] : memref<2x10000x128xf32, #tpu.memory_space<hbm>> -> memref<1x16x128xf32, #tpu.memory_space<hbm>>
        %dma_start3A_238 = tpu.memref_squeeze %dma_start3A_237 : memref<1x16x128xf32, #tpu.memory_space<hbm>> -> memref<16x128xf32, #tpu.memory_space<hbm>>
        %dma_start3A_239 = arith.constant 0 : i32
        %dma_start3A_240 = arith.constant 0 : i32
        %dma_start3A_241 = tpu.memref_slice %arg13[%dma_start3A_239, %dma_start3A_240] : memref<128x128xf32, #tpu.memory_space<vmem>> -> memref<16x128xf32, #tpu.memory_space<vmem>>
        tpu.enqueue_dma source(%dma_start3A_241 : memref<16x128xf32, #tpu.memory_space<vmem>>) target(%dma_start3A_238 : memref<16x128xf32, #tpu.memory_space<hbm>>) target_semaphore(%run_scoped3A_227 : memref<!tpu.dma_semaphore, #tpu.memory_space<semaphore_mem>>)
        %dma_wait3A_242 = arith.constant 0 : i32
        %dma_wait3A_243 = arith.constant 0 : i32
        %dma_wait3A_244 = tpu.memref_slice %arg13[%dma_wait3A_242, %dma_wait3A_243] : memref<128x128xf32, #tpu.memory_space<vmem>> -> memref<16x128xf32, #tpu.memory_space<vmem>>
        %dma_wait3A_245 = arith.constant 9984 : i32
        %dma_wait3A_246 = arith.constant 0 : i32
        %dma_wait3A_247 = tpu.memref_slice %arg6[%arg0, %dma_wait3A_245, %dma_wait3A_246] : memref<2x10000x128xf32, #tpu.memory_space<hbm>> -> memref<1x16x128xf32, #tpu.memory_space<hbm>>
        %dma_wait3A_248 = tpu.memref_squeeze %dma_wait3A_247 : memref<1x16x128xf32, #tpu.memory_space<hbm>> -> memref<16x128xf32, #tpu.memory_space<hbm>>
        %dma_wait3A_249 = arith.constant 9984 : i32
        %dma_wait3A_250 = arith.constant 0 : i32
        %dma_wait3A_251 = tpu.memref_slice %arg6[%arg0, %dma_wait3A_249, %dma_wait3A_250] : memref<2x10000x128xf32, #tpu.memory_space<hbm>> -> memref<1x16x128xf32, #tpu.memory_space<hbm>>
        %dma_wait3A_252 = tpu.memref_squeeze %dma_wait3A_251 : memref<1x16x128xf32, #tpu.memory_space<hbm>> -> memref<16x128xf32, #tpu.memory_space<hbm>>
        %dma_wait3A_253 = arith.constant 0 : i32
        %dma_wait3A_254 = arith.constant 0 : i32
        %dma_wait3A_255 = tpu.memref_slice %arg13[%dma_wait3A_253, %dma_wait3A_254] : memref<128x128xf32, #tpu.memory_space<vmem>> -> memref<16x128xf32, #tpu.memory_space<vmem>>
        tpu.wait_dma2 semaphore(%run_scoped3A_227 : memref<!tpu.dma_semaphore, #tpu.memory_space<semaphore_mem>>) src(%dma_wait3A_255 : memref<16x128xf32, #tpu.memory_space<vmem>>) dst(%dma_wait3A_252 : memref<16x128xf32, #tpu.memory_space<hbm>>)
        tpu.yield
      }) : () -> ()
    } else {
    }
    return
  }
}

#map = affine_map<(d0, d1) -> (0, 0, 0)>
#map1 = affine_map<(d0, d1) -> (0)>
module attributes {stable_mosaic.version = 14 : i64} {
  func.func @_deg_body(%arg0: i32, %arg1: i32, %arg2: memref<32x80x128xi32, #tpu.memory_space<hbm>>, %arg3: memref<20000xf32, #tpu.memory_space<hbm>>, %arg4: memref<10008xf32, #tpu.memory_space<vmem_shared>>, %arg5: memref<80x128xi32, #tpu.memory_space<vmem>>, %arg6: memref<624xf32, #tpu.memory_space<vmem>>, %arg7: memref<128xf32, #tpu.memory_space<vmem>>, %arg8: memref<16xf32, #tpu.memory_space<vmem>>, %arg9: memref<!tpu.dma_semaphore, #tpu.memory_space<semaphore_mem>>) attributes {dimension_semantics = [#tpu.dimension_semantics<core_parallel>, #tpu.dimension_semantics<subcore_parallel>], iteration_bounds = array<i64: 2, 16>, scalar_prefetch = 0 : i64, scratch_operands = 6 : i64, tpu.core_type = #tpu.core_type<sc_vector_subcore>, window_params = [{transform_indices = #map}, {transform_indices = #map1}]} {
    %mul3A = arith.constant 2 : i32
    %mul3A_0 = arith.muli %arg1, %mul3A : i32
    %add3A = arith.addi %mul3A_0, %arg0 : i32
    %broadcast_in_dim3A = arith.constant 0.000000e+00 : f32
    %broadcast_in_dim3A_1 = vector.broadcast %broadcast_in_dim3A : f32 to vector<16xf32>
    %swap3A = arith.constant 0 : index
    %swap3A_2 = tpu.vector_load %arg6[%swap3A] {strides = array<i32>} : memref<624xf32, #tpu.memory_space<vmem>>, vector<16xf32>,
    %swap3A_3 = vector.shape_cast %swap3A_2 : vector<16xf32> to vector<16xf32>
    %swap3A_4 = vector.shape_cast %broadcast_in_dim3A_1 : vector<16xf32> to vector<16xf32>
    tpu.vector_store %arg6[%swap3A], %swap3A_4 {strides = array<i32>} : memref<624xf32, #tpu.memory_space<vmem>>, vector<16xf32>,
    %broadcast_in_dim3A_5 = arith.constant 0.000000e+00 : f32
    %broadcast_in_dim3A_6 = vector.broadcast %broadcast_in_dim3A_5 : f32 to vector<16xf32>
    %swap3A_7 = arith.constant 16 : index
    %swap3A_8 = tpu.vector_load %arg6[%swap3A_7] {strides = array<i32>} : memref<624xf32, #tpu.memory_space<vmem>>, vector<16xf32>,
    %swap3A_9 = vector.shape_cast %swap3A_8 : vector<16xf32> to vector<16xf32>
    %swap3A_10 = vector.shape_cast %broadcast_in_dim3A_6 : vector<16xf32> to vector<16xf32>
    tpu.vector_store %arg6[%swap3A_7], %swap3A_10 {strides = array<i32>} : memref<624xf32, #tpu.memory_space<vmem>>, vector<16xf32>,
    %broadcast_in_dim3A_11 = arith.constant 0.000000e+00 : f32
    %broadcast_in_dim3A_12 = vector.broadcast %broadcast_in_dim3A_11 : f32 to vector<16xf32>
    %swap3A_13 = arith.constant 32 : index
    %swap3A_14 = tpu.vector_load %arg6[%swap3A_13] {strides = array<i32>} : memref<624xf32, #tpu.memory_space<vmem>>, vector<16xf32>,
    %swap3A_15 = vector.shape_cast %swap3A_14 : vector<16xf32> to vector<16xf32>
    %swap3A_16 = vector.shape_cast %broadcast_in_dim3A_12 : vector<16xf32> to vector<16xf32>
    tpu.vector_store %arg6[%swap3A_13], %swap3A_16 {strides = array<i32>} : memref<624xf32, #tpu.memory_space<vmem>>, vector<16xf32>,
    %broadcast_in_dim3A_17 = arith.constant 0.000000e+00 : f32
    %broadcast_in_dim3A_18 = vector.broadcast %broadcast_in_dim3A_17 : f32 to vector<16xf32>
    %swap3A_19 = arith.constant 48 : index
    %swap3A_20 = tpu.vector_load %arg6[%swap3A_19] {strides = array<i32>} : memref<624xf32, #tpu.memory_space<vmem>>, vector<16xf32>,
    %swap3A_21 = vector.shape_cast %swap3A_20 : vector<16xf32> to vector<16xf32>
    %swap3A_22 = vector.shape_cast %broadcast_in_dim3A_18 : vector<16xf32> to vector<16xf32>
    tpu.vector_store %arg6[%swap3A_19], %swap3A_22 {strides = array<i32>} : memref<624xf32, #tpu.memory_space<vmem>>, vector<16xf32>,
    %broadcast_in_dim3A_23 = arith.constant 0.000000e+00 : f32
    %broadcast_in_dim3A_24 = vector.broadcast %broadcast_in_dim3A_23 : f32 to vector<16xf32>
    %swap3A_25 = arith.constant 64 : index
    %swap3A_26 = tpu.vector_load %arg6[%swap3A_25] {strides = array<i32>} : memref<624xf32, #tpu.memory_space<vmem>>, vector<16xf32>,
    %swap3A_27 = vector.shape_cast %swap3A_26 : vector<16xf32> to vector<16xf32>
    %swap3A_28 = vector.shape_cast %broadcast_in_dim3A_24 : vector<16xf32> to vector<16xf32>
    tpu.vector_store %arg6[%swap3A_25], %swap3A_28 {strides = array<i32>} : memref<624xf32, #tpu.memory_space<vmem>>, vector<16xf32>,
    %broadcast_in_dim3A_29 = arith.constant 0.000000e+00 : f32
    %broadcast_in_dim3A_30 = vector.broadcast %broadcast_in_dim3A_29 : f32 to vector<16xf32>
    %swap3A_31 = arith.constant 80 : index
    %swap3A_32 = tpu.vector_load %arg6[%swap3A_31] {strides = array<i32>} : memref<624xf32, #tpu.memory_space<vmem>>, vector<16xf32>,
    %swap3A_33 = vector.shape_cast %swap3A_32 : vector<16xf32> to vector<16xf32>
    %swap3A_34 = vector.shape_cast %broadcast_in_dim3A_30 : vector<16xf32> to vector<16xf32>
    tpu.vector_store %arg6[%swap3A_31], %swap3A_34 {strides = array<i32>} : memref<624xf32, #tpu.memory_space<vmem>>, vector<16xf32>,
    %broadcast_in_dim3A_35 = arith.constant 0.000000e+00 : f32
    %broadcast_in_dim3A_36 = vector.broadcast %broadcast_in_dim3A_35 : f32 to vector<16xf32>
    %swap3A_37 = arith.constant 96 : index
    %swap3A_38 = tpu.vector_load %arg6[%swap3A_37] {strides = array<i32>} : memref<624xf32, #tpu.memory_space<vmem>>, vector<16xf32>,
    %swap3A_39 = vector.shape_cast %swap3A_38 : vector<16xf32> to vector<16xf32>
    %swap3A_40 = vector.shape_cast %broadcast_in_dim3A_36 : vector<16xf32> to vector<16xf32>
    tpu.vector_store %arg6[%swap3A_37], %swap3A_40 {strides = array<i32>} : memref<624xf32, #tpu.memory_space<vmem>>, vector<16xf32>,
    %broadcast_in_dim3A_41 = arith.constant 0.000000e+00 : f32
    %broadcast_in_dim3A_42 = vector.broadcast %broadcast_in_dim3A_41 : f32 to vector<16xf32>
    %swap3A_43 = arith.constant 112 : index
    %swap3A_44 = tpu.vector_load %arg6[%swap3A_43] {strides = array<i32>} : memref<624xf32, #tpu.memory_space<vmem>>, vector<16xf32>,
    %swap3A_45 = vector.shape_cast %swap3A_44 : vector<16xf32> to vector<16xf32>
    %swap3A_46 = vector.shape_cast %broadcast_in_dim3A_42 : vector<16xf32> to vector<16xf32>
    tpu.vector_store %arg6[%swap3A_43], %swap3A_46 {strides = array<i32>} : memref<624xf32, #tpu.memory_space<vmem>>, vector<16xf32>,
    %broadcast_in_dim3A_47 = arith.constant 0.000000e+00 : f32
    %broadcast_in_dim3A_48 = vector.broadcast %broadcast_in_dim3A_47 : f32 to vector<16xf32>
    %swap3A_49 = arith.constant 128 : index
    %swap3A_50 = tpu.vector_load %arg6[%swap3A_49] {strides = array<i32>} : memref<624xf32, #tpu.memory_space<vmem>>, vector<16xf32>,
    %swap3A_51 = vector.shape_cast %swap3A_50 : vector<16xf32> to vector<16xf32>
    %swap3A_52 = vector.shape_cast %broadcast_in_dim3A_48 : vector<16xf32> to vector<16xf32>
    tpu.vector_store %arg6[%swap3A_49], %swap3A_52 {strides = array<i32>} : memref<624xf32, #tpu.memory_space<vmem>>, vector<16xf32>,
    %broadcast_in_dim3A_53 = arith.constant 0.000000e+00 : f32
    %broadcast_in_dim3A_54 = vector.broadcast %broadcast_in_dim3A_53 : f32 to vector<16xf32>
    %swap3A_55 = arith.constant 144 : index
    %swap3A_56 = tpu.vector_load %arg6[%swap3A_55] {strides = array<i32>} : memref<624xf32, #tpu.memory_space<vmem>>, vector<16xf32>,
    %swap3A_57 = vector.shape_cast %swap3A_56 : vector<16xf32> to vector<16xf32>
    %swap3A_58 = vector.shape_cast %broadcast_in_dim3A_54 : vector<16xf32> to vector<16xf32>
    tpu.vector_store %arg6[%swap3A_55], %swap3A_58 {strides = array<i32>} : memref<624xf32, #tpu.memory_space<vmem>>, vector<16xf32>,
    %broadcast_in_dim3A_59 = arith.constant 0.000000e+00 : f32
    %broadcast_in_dim3A_60 = vector.broadcast %broadcast_in_dim3A_59 : f32 to vector<16xf32>
    %swap3A_61 = arith.constant 160 : index
    %swap3A_62 = tpu.vector_load %arg6[%swap3A_61] {strides = array<i32>} : memref<624xf32, #tpu.memory_space<vmem>>, vector<16xf32>,
    %swap3A_63 = vector.shape_cast %swap3A_62 : vector<16xf32> to vector<16xf32>
    %swap3A_64 = vector.shape_cast %broadcast_in_dim3A_60 : vector<16xf32> to vector<16xf32>
    tpu.vector_store %arg6[%swap3A_61], %swap3A_64 {strides = array<i32>} : memref<624xf32, #tpu.memory_space<vmem>>, vector<16xf32>,
    %broadcast_in_dim3A_65 = arith.constant 0.000000e+00 : f32
    %broadcast_in_dim3A_66 = vector.broadcast %broadcast_in_dim3A_65 : f32 to vector<16xf32>
    %swap3A_67 = arith.constant 176 : index
    %swap3A_68 = tpu.vector_load %arg6[%swap3A_67] {strides = array<i32>} : memref<624xf32, #tpu.memory_space<vmem>>, vector<16xf32>,
    %swap3A_69 = vector.shape_cast %swap3A_68 : vector<16xf32> to vector<16xf32>
    %swap3A_70 = vector.shape_cast %broadcast_in_dim3A_66 : vector<16xf32> to vector<16xf32>
    tpu.vector_store %arg6[%swap3A_67], %swap3A_70 {strides = array<i32>} : memref<624xf32, #tpu.memory_space<vmem>>, vector<16xf32>,
    %broadcast_in_dim3A_71 = arith.constant 0.000000e+00 : f32
    %broadcast_in_dim3A_72 = vector.broadcast %broadcast_in_dim3A_71 : f32 to vector<16xf32>
    %swap3A_73 = arith.constant 192 : index
    %swap3A_74 = tpu.vector_load %arg6[%swap3A_73] {strides = array<i32>} : memref<624xf32, #tpu.memory_space<vmem>>, vector<16xf32>,
    %swap3A_75 = vector.shape_cast %swap3A_74 : vector<16xf32> to vector<16xf32>
    %swap3A_76 = vector.shape_cast %broadcast_in_dim3A_72 : vector<16xf32> to vector<16xf32>
    tpu.vector_store %arg6[%swap3A_73], %swap3A_76 {strides = array<i32>} : memref<624xf32, #tpu.memory_space<vmem>>, vector<16xf32>,
    %broadcast_in_dim3A_77 = arith.constant 0.000000e+00 : f32
    %broadcast_in_dim3A_78 = vector.broadcast %broadcast_in_dim3A_77 : f32 to vector<16xf32>
    %swap3A_79 = arith.constant 208 : index
    %swap3A_80 = tpu.vector_load %arg6[%swap3A_79] {strides = array<i32>} : memref<624xf32, #tpu.memory_space<vmem>>, vector<16xf32>,
    %swap3A_81 = vector.shape_cast %swap3A_80 : vector<16xf32> to vector<16xf32>
    %swap3A_82 = vector.shape_cast %broadcast_in_dim3A_78 : vector<16xf32> to vector<16xf32>
    tpu.vector_store %arg6[%swap3A_79], %swap3A_82 {strides = array<i32>} : memref<624xf32, #tpu.memory_space<vmem>>, vector<16xf32>,
    %broadcast_in_dim3A_83 = arith.constant 0.000000e+00 : f32
    %broadcast_in_dim3A_84 = vector.broadcast %broadcast_in_dim3A_83 : f32 to vector<16xf32>
    %swap3A_85 = arith.constant 224 : index
    %swap3A_86 = tpu.vector_load %arg6[%swap3A_85] {strides = array<i32>} : memref<624xf32, #tpu.memory_space<vmem>>, vector<16xf32>,
    %swap3A_87 = vector.shape_cast %swap3A_86 : vector<16xf32> to vector<16xf32>
    %swap3A_88 = vector.shape_cast %broadcast_in_dim3A_84 : vector<16xf32> to vector<16xf32>
    tpu.vector_store %arg6[%swap3A_85], %swap3A_88 {strides = array<i32>} : memref<624xf32, #tpu.memory_space<vmem>>, vector<16xf32>,
    %broadcast_in_dim3A_89 = arith.constant 0.000000e+00 : f32
    %broadcast_in_dim3A_90 = vector.broadcast %broadcast_in_dim3A_89 : f32 to vector<16xf32>
    %swap3A_91 = arith.constant 240 : index
    %swap3A_92 = tpu.vector_load %arg6[%swap3A_91] {strides = array<i32>} : memref<624xf32, #tpu.memory_space<vmem>>, vector<16xf32>,
    %swap3A_93 = vector.shape_cast %swap3A_92 : vector<16xf32> to vector<16xf32>
    %swap3A_94 = vector.shape_cast %broadcast_in_dim3A_90 : vector<16xf32> to vector<16xf32>
    tpu.vector_store %arg6[%swap3A_91], %swap3A_94 {strides = array<i32>} : memref<624xf32, #tpu.memory_space<vmem>>, vector<16xf32>,
    %broadcast_in_dim3A_95 = arith.constant 0.000000e+00 : f32
    %broadcast_in_dim3A_96 = vector.broadcast %broadcast_in_dim3A_95 : f32 to vector<16xf32>
    %swap3A_97 = arith.constant 256 : index
    %swap3A_98 = tpu.vector_load %arg6[%swap3A_97] {strides = array<i32>} : memref<624xf32, #tpu.memory_space<vmem>>, vector<16xf32>,
    %swap3A_99 = vector.shape_cast %swap3A_98 : vector<16xf32> to vector<16xf32>
    %swap3A_100 = vector.shape_cast %broadcast_in_dim3A_96 : vector<16xf32> to vector<16xf32>
    tpu.vector_store %arg6[%swap3A_97], %swap3A_100 {strides = array<i32>} : memref<624xf32, #tpu.memory_space<vmem>>, vector<16xf32>,
    %broadcast_in_dim3A_101 = arith.constant 0.000000e+00 : f32
    %broadcast_in_dim3A_102 = vector.broadcast %broadcast_in_dim3A_101 : f32 to vector<16xf32>
    %swap3A_103 = arith.constant 272 : index
    %swap3A_104 = tpu.vector_load %arg6[%swap3A_103] {strides = array<i32>} : memref<624xf32, #tpu.memory_space<vmem>>, vector<16xf32>,
    %swap3A_105 = vector.shape_cast %swap3A_104 : vector<16xf32> to vector<16xf32>
    %swap3A_106 = vector.shape_cast %broadcast_in_dim3A_102 : vector<16xf32> to vector<16xf32>
    tpu.vector_store %arg6[%swap3A_103], %swap3A_106 {strides = array<i32>} : memref<624xf32, #tpu.memory_space<vmem>>, vector<16xf32>,
    %broadcast_in_dim3A_107 = arith.constant 0.000000e+00 : f32
    %broadcast_in_dim3A_108 = vector.broadcast %broadcast_in_dim3A_107 : f32 to vector<16xf32>
    %swap3A_109 = arith.constant 288 : index
    %swap3A_110 = tpu.vector_load %arg6[%swap3A_109] {strides = array<i32>} : memref<624xf32, #tpu.memory_space<vmem>>, vector<16xf32>,
    %swap3A_111 = vector.shape_cast %swap3A_110 : vector<16xf32> to vector<16xf32>
    %swap3A_112 = vector.shape_cast %broadcast_in_dim3A_108 : vector<16xf32> to vector<16xf32>
    tpu.vector_store %arg6[%swap3A_109], %swap3A_112 {strides = array<i32>} : memref<624xf32, #tpu.memory_space<vmem>>, vector<16xf32>,
    %broadcast_in_dim3A_113 = arith.constant 0.000000e+00 : f32
    %broadcast_in_dim3A_114 = vector.broadcast %broadcast_in_dim3A_113 : f32 to vector<16xf32>
    %swap3A_115 = arith.constant 304 : index
    %swap3A_116 = tpu.vector_load %arg6[%swap3A_115] {strides = array<i32>} : memref<624xf32, #tpu.memory_space<vmem>>, vector<16xf32>,
    %swap3A_117 = vector.shape_cast %swap3A_116 : vector<16xf32> to vector<16xf32>
    %swap3A_118 = vector.shape_cast %broadcast_in_dim3A_114 : vector<16xf32> to vector<16xf32>
    tpu.vector_store %arg6[%swap3A_115], %swap3A_118 {strides = array<i32>} : memref<624xf32, #tpu.memory_space<vmem>>, vector<16xf32>,
    %broadcast_in_dim3A_119 = arith.constant 0.000000e+00 : f32
    %broadcast_in_dim3A_120 = vector.broadcast %broadcast_in_dim3A_119 : f32 to vector<16xf32>
    %swap3A_121 = arith.constant 320 : index
    %swap3A_122 = tpu.vector_load %arg6[%swap3A_121] {strides = array<i32>} : memref<624xf32, #tpu.memory_space<vmem>>, vector<16xf32>,
    %swap3A_123 = vector.shape_cast %swap3A_122 : vector<16xf32> to vector<16xf32>
    %swap3A_124 = vector.shape_cast %broadcast_in_dim3A_120 : vector<16xf32> to vector<16xf32>
    tpu.vector_store %arg6[%swap3A_121], %swap3A_124 {strides = array<i32>} : memref<624xf32, #tpu.memory_space<vmem>>, vector<16xf32>,
    %broadcast_in_dim3A_125 = arith.constant 0.000000e+00 : f32
    %broadcast_in_dim3A_126 = vector.broadcast %broadcast_in_dim3A_125 : f32 to vector<16xf32>
    %swap3A_127 = arith.constant 336 : index
    %swap3A_128 = tpu.vector_load %arg6[%swap3A_127] {strides = array<i32>} : memref<624xf32, #tpu.memory_space<vmem>>, vector<16xf32>,
    %swap3A_129 = vector.shape_cast %swap3A_128 : vector<16xf32> to vector<16xf32>
    %swap3A_130 = vector.shape_cast %broadcast_in_dim3A_126 : vector<16xf32> to vector<16xf32>
    tpu.vector_store %arg6[%swap3A_127], %swap3A_130 {strides = array<i32>} : memref<624xf32, #tpu.memory_space<vmem>>, vector<16xf32>,
    %broadcast_in_dim3A_131 = arith.constant 0.000000e+00 : f32
    %broadcast_in_dim3A_132 = vector.broadcast %broadcast_in_dim3A_131 : f32 to vector<16xf32>
    %swap3A_133 = arith.constant 352 : index
    %swap3A_134 = tpu.vector_load %arg6[%swap3A_133] {strides = array<i32>} : memref<624xf32, #tpu.memory_space<vmem>>, vector<16xf32>,
    %swap3A_135 = vector.shape_cast %swap3A_134 : vector<16xf32> to vector<16xf32>
    %swap3A_136 = vector.shape_cast %broadcast_in_dim3A_132 : vector<16xf32> to vector<16xf32>
    tpu.vector_store %arg6[%swap3A_133], %swap3A_136 {strides = array<i32>} : memref<624xf32, #tpu.memory_space<vmem>>, vector<16xf32>,
    %broadcast_in_dim3A_137 = arith.constant 0.000000e+00 : f32
    %broadcast_in_dim3A_138 = vector.broadcast %broadcast_in_dim3A_137 : f32 to vector<16xf32>
    %swap3A_139 = arith.constant 368 : index
    %swap3A_140 = tpu.vector_load %arg6[%swap3A_139] {strides = array<i32>} : memref<624xf32, #tpu.memory_space<vmem>>, vector<16xf32>,
    %swap3A_141 = vector.shape_cast %swap3A_140 : vector<16xf32> to vector<16xf32>
    %swap3A_142 = vector.shape_cast %broadcast_in_dim3A_138 : vector<16xf32> to vector<16xf32>
    tpu.vector_store %arg6[%swap3A_139], %swap3A_142 {strides = array<i32>} : memref<624xf32, #tpu.memory_space<vmem>>, vector<16xf32>,
    %broadcast_in_dim3A_143 = arith.constant 0.000000e+00 : f32
    %broadcast_in_dim3A_144 = vector.broadcast %broadcast_in_dim3A_143 : f32 to vector<16xf32>
    %swap3A_145 = arith.constant 384 : index
    %swap3A_146 = tpu.vector_load %arg6[%swap3A_145] {strides = array<i32>} : memref<624xf32, #tpu.memory_space<vmem>>, vector<16xf32>,
    %swap3A_147 = vector.shape_cast %swap3A_146 : vector<16xf32> to vector<16xf32>
    %swap3A_148 = vector.shape_cast %broadcast_in_dim3A_144 : vector<16xf32> to vector<16xf32>
    tpu.vector_store %arg6[%swap3A_145], %swap3A_148 {strides = array<i32>} : memref<624xf32, #tpu.memory_space<vmem>>, vector<16xf32>,
    %broadcast_in_dim3A_149 = arith.constant 0.000000e+00 : f32
    %broadcast_in_dim3A_150 = vector.broadcast %broadcast_in_dim3A_149 : f32 to vector<16xf32>
    %swap3A_151 = arith.constant 400 : index
    %swap3A_152 = tpu.vector_load %arg6[%swap3A_151] {strides = array<i32>} : memref<624xf32, #tpu.memory_space<vmem>>, vector<16xf32>,
    %swap3A_153 = vector.shape_cast %swap3A_152 : vector<16xf32> to vector<16xf32>
    %swap3A_154 = vector.shape_cast %broadcast_in_dim3A_150 : vector<16xf32> to vector<16xf32>
    tpu.vector_store %arg6[%swap3A_151], %swap3A_154 {strides = array<i32>} : memref<624xf32, #tpu.memory_space<vmem>>, vector<16xf32>,
    %broadcast_in_dim3A_155 = arith.constant 0.000000e+00 : f32
    %broadcast_in_dim3A_156 = vector.broadcast %broadcast_in_dim3A_155 : f32 to vector<16xf32>
    %swap3A_157 = arith.constant 416 : index
    %swap3A_158 = tpu.vector_load %arg6[%swap3A_157] {strides = array<i32>} : memref<624xf32, #tpu.memory_space<vmem>>, vector<16xf32>,
    %swap3A_159 = vector.shape_cast %swap3A_158 : vector<16xf32> to vector<16xf32>
    %swap3A_160 = vector.shape_cast %broadcast_in_dim3A_156 : vector<16xf32> to vector<16xf32>
    tpu.vector_store %arg6[%swap3A_157], %swap3A_160 {strides = array<i32>} : memref<624xf32, #tpu.memory_space<vmem>>, vector<16xf32>,
    %broadcast_in_dim3A_161 = arith.constant 0.000000e+00 : f32
    %broadcast_in_dim3A_162 = vector.broadcast %broadcast_in_dim3A_161 : f32 to vector<16xf32>
    %swap3A_163 = arith.constant 432 : index
    %swap3A_164 = tpu.vector_load %arg6[%swap3A_163] {strides = array<i32>} : memref<624xf32, #tpu.memory_space<vmem>>, vector<16xf32>,
    %swap3A_165 = vector.shape_cast %swap3A_164 : vector<16xf32> to vector<16xf32>
    %swap3A_166 = vector.shape_cast %broadcast_in_dim3A_162 : vector<16xf32> to vector<16xf32>
    tpu.vector_store %arg6[%swap3A_163], %swap3A_166 {strides = array<i32>} : memref<624xf32, #tpu.memory_space<vmem>>, vector<16xf32>,
    %broadcast_in_dim3A_167 = arith.constant 0.000000e+00 : f32
    %broadcast_in_dim3A_168 = vector.broadcast %broadcast_in_dim3A_167 : f32 to vector<16xf32>
    %swap3A_169 = arith.constant 448 : index
    %swap3A_170 = tpu.vector_load %arg6[%swap3A_169] {strides = array<i32>} : memref<624xf32, #tpu.memory_space<vmem>>, vector<16xf32>,
    %swap3A_171 = vector.shape_cast %swap3A_170 : vector<16xf32> to vector<16xf32>
    %swap3A_172 = vector.shape_cast %broadcast_in_dim3A_168 : vector<16xf32> to vector<16xf32>
    tpu.vector_store %arg6[%swap3A_169], %swap3A_172 {strides = array<i32>} : memref<624xf32, #tpu.memory_space<vmem>>, vector<16xf32>,
    %broadcast_in_dim3A_173 = arith.constant 0.000000e+00 : f32
    %broadcast_in_dim3A_174 = vector.broadcast %broadcast_in_dim3A_173 : f32 to vector<16xf32>
    %swap3A_175 = arith.constant 464 : index
    %swap3A_176 = tpu.vector_load %arg6[%swap3A_175] {strides = array<i32>} : memref<624xf32, #tpu.memory_space<vmem>>, vector<16xf32>,
    %swap3A_177 = vector.shape_cast %swap3A_176 : vector<16xf32> to vector<16xf32>
    %swap3A_178 = vector.shape_cast %broadcast_in_dim3A_174 : vector<16xf32> to vector<16xf32>
    tpu.vector_store %arg6[%swap3A_175], %swap3A_178 {strides = array<i32>} : memref<624xf32, #tpu.memory_space<vmem>>, vector<16xf32>,
    %broadcast_in_dim3A_179 = arith.constant 0.000000e+00 : f32
    %broadcast_in_dim3A_180 = vector.broadcast %broadcast_in_dim3A_179 : f32 to vector<16xf32>
    %swap3A_181 = arith.constant 480 : index
    %swap3A_182 = tpu.vector_load %arg6[%swap3A_181] {strides = array<i32>} : memref<624xf32, #tpu.memory_space<vmem>>, vector<16xf32>,
    %swap3A_183 = vector.shape_cast %swap3A_182 : vector<16xf32> to vector<16xf32>
    %swap3A_184 = vector.shape_cast %broadcast_in_dim3A_180 : vector<16xf32> to vector<16xf32>
    tpu.vector_store %arg6[%swap3A_181], %swap3A_184 {strides = array<i32>} : memref<624xf32, #tpu.memory_space<vmem>>, vector<16xf32>,
    %broadcast_in_dim3A_185 = arith.constant 0.000000e+00 : f32
    %broadcast_in_dim3A_186 = vector.broadcast %broadcast_in_dim3A_185 : f32 to vector<16xf32>
    %swap3A_187 = arith.constant 496 : index
    %swap3A_188 = tpu.vector_load %arg6[%swap3A_187] {strides = array<i32>} : memref<624xf32, #tpu.memory_space<vmem>>, vector<16xf32>,
    %swap3A_189 = vector.shape_cast %swap3A_188 : vector<16xf32> to vector<16xf32>
    %swap3A_190 = vector.shape_cast %broadcast_in_dim3A_186 : vector<16xf32> to vector<16xf32>
    tpu.vector_store %arg6[%swap3A_187], %swap3A_190 {strides = array<i32>} : memref<624xf32, #tpu.memory_space<vmem>>, vector<16xf32>,
    %broadcast_in_dim3A_191 = arith.constant 0.000000e+00 : f32
    %broadcast_in_dim3A_192 = vector.broadcast %broadcast_in_dim3A_191 : f32 to vector<16xf32>
    %swap3A_193 = arith.constant 512 : index
    %swap3A_194 = tpu.vector_load %arg6[%swap3A_193] {strides = array<i32>} : memref<624xf32, #tpu.memory_space<vmem>>, vector<16xf32>,
    %swap3A_195 = vector.shape_cast %swap3A_194 : vector<16xf32> to vector<16xf32>
    %swap3A_196 = vector.shape_cast %broadcast_in_dim3A_192 : vector<16xf32> to vector<16xf32>
    tpu.vector_store %arg6[%swap3A_193], %swap3A_196 {strides = array<i32>} : memref<624xf32, #tpu.memory_space<vmem>>, vector<16xf32>,
    %broadcast_in_dim3A_197 = arith.constant 0.000000e+00 : f32
    %broadcast_in_dim3A_198 = vector.broadcast %broadcast_in_dim3A_197 : f32 to vector<16xf32>
    %swap3A_199 = arith.constant 528 : index
    %swap3A_200 = tpu.vector_load %arg6[%swap3A_199] {strides = array<i32>} : memref<624xf32, #tpu.memory_space<vmem>>, vector<16xf32>,
    %swap3A_201 = vector.shape_cast %swap3A_200 : vector<16xf32> to vector<16xf32>
    %swap3A_202 = vector.shape_cast %broadcast_in_dim3A_198 : vector<16xf32> to vector<16xf32>
    tpu.vector_store %arg6[%swap3A_199], %swap3A_202 {strides = array<i32>} : memref<624xf32, #tpu.memory_space<vmem>>, vector<16xf32>,
    %broadcast_in_dim3A_203 = arith.constant 0.000000e+00 : f32
    %broadcast_in_dim3A_204 = vector.broadcast %broadcast_in_dim3A_203 : f32 to vector<16xf32>
    %swap3A_205 = arith.constant 544 : index
    %swap3A_206 = tpu.vector_load %arg6[%swap3A_205] {strides = array<i32>} : memref<624xf32, #tpu.memory_space<vmem>>, vector<16xf32>,
    %swap3A_207 = vector.shape_cast %swap3A_206 : vector<16xf32> to vector<16xf32>
    %swap3A_208 = vector.shape_cast %broadcast_in_dim3A_204 : vector<16xf32> to vector<16xf32>
    tpu.vector_store %arg6[%swap3A_205], %swap3A_208 {strides = array<i32>} : memref<624xf32, #tpu.memory_space<vmem>>, vector<16xf32>,
    %broadcast_in_dim3A_209 = arith.constant 0.000000e+00 : f32
    %broadcast_in_dim3A_210 = vector.broadcast %broadcast_in_dim3A_209 : f32 to vector<16xf32>
    %swap3A_211 = arith.constant 560 : index
    %swap3A_212 = tpu.vector_load %arg6[%swap3A_211] {strides = array<i32>} : memref<624xf32, #tpu.memory_space<vmem>>, vector<16xf32>,
    %swap3A_213 = vector.shape_cast %swap3A_212 : vector<16xf32> to vector<16xf32>
    %swap3A_214 = vector.shape_cast %broadcast_in_dim3A_210 : vector<16xf32> to vector<16xf32>
    tpu.vector_store %arg6[%swap3A_211], %swap3A_214 {strides = array<i32>} : memref<624xf32, #tpu.memory_space<vmem>>, vector<16xf32>,
    %broadcast_in_dim3A_215 = arith.constant 0.000000e+00 : f32
    %broadcast_in_dim3A_216 = vector.broadcast %broadcast_in_dim3A_215 : f32 to vector<16xf32>
    %swap3A_217 = arith.constant 576 : index
    %swap3A_218 = tpu.vector_load %arg6[%swap3A_217] {strides = array<i32>} : memref<624xf32, #tpu.memory_space<vmem>>, vector<16xf32>,
    %swap3A_219 = vector.shape_cast %swap3A_218 : vector<16xf32> to vector<16xf32>
    %swap3A_220 = vector.shape_cast %broadcast_in_dim3A_216 : vector<16xf32> to vector<16xf32>
    tpu.vector_store %arg6[%swap3A_217], %swap3A_220 {strides = array<i32>} : memref<624xf32, #tpu.memory_space<vmem>>, vector<16xf32>,
    %broadcast_in_dim3A_221 = arith.constant 0.000000e+00 : f32
    %broadcast_in_dim3A_222 = vector.broadcast %broadcast_in_dim3A_221 : f32 to vector<16xf32>
    %swap3A_223 = arith.constant 592 : index
    %swap3A_224 = tpu.vector_load %arg6[%swap3A_223] {strides = array<i32>} : memref<624xf32, #tpu.memory_space<vmem>>, vector<16xf32>,
    %swap3A_225 = vector.shape_cast %swap3A_224 : vector<16xf32> to vector<16xf32>
    %swap3A_226 = vector.shape_cast %broadcast_in_dim3A_222 : vector<16xf32> to vector<16xf32>
    tpu.vector_store %arg6[%swap3A_223], %swap3A_226 {strides = array<i32>} : memref<624xf32, #tpu.memory_space<vmem>>, vector<16xf32>,
    %broadcast_in_dim3A_227 = arith.constant 0.000000e+00 : f32
    %broadcast_in_dim3A_228 = vector.broadcast %broadcast_in_dim3A_227 : f32 to vector<16xf32>
    %swap3A_229 = arith.constant 608 : index
    %swap3A_230 = tpu.vector_load %arg6[%swap3A_229] {strides = array<i32>} : memref<624xf32, #tpu.memory_space<vmem>>, vector<16xf32>,
    %swap3A_231 = vector.shape_cast %swap3A_230 : vector<16xf32> to vector<16xf32>
    %swap3A_232 = vector.shape_cast %broadcast_in_dim3A_228 : vector<16xf32> to vector<16xf32>
    tpu.vector_store %arg6[%swap3A_229], %swap3A_232 {strides = array<i32>} : memref<624xf32, #tpu.memory_space<vmem>>, vector<16xf32>,
    %broadcast_in_dim3A_233 = arith.constant 1.000000e+00 : f32
    %broadcast_in_dim3A_234 = vector.broadcast %broadcast_in_dim3A_233 : f32 to vector<16xf32>
    %swap3A_235 = arith.constant 0 : index
    %swap3A_236 = tpu.vector_load %arg7[%swap3A_235] {strides = array<i32>} : memref<128xf32, #tpu.memory_space<vmem>>, vector<16xf32>,
    %swap3A_237 = vector.shape_cast %swap3A_236 : vector<16xf32> to vector<16xf32>
    %swap3A_238 = vector.shape_cast %broadcast_in_dim3A_234 : vector<16xf32> to vector<16xf32>
    tpu.vector_store %arg7[%swap3A_235], %swap3A_238 {strides = array<i32>} : memref<128xf32, #tpu.memory_space<vmem>>, vector<16xf32>,
    %broadcast_in_dim3A_239 = arith.constant 1.000000e+00 : f32
    %broadcast_in_dim3A_240 = vector.broadcast %broadcast_in_dim3A_239 : f32 to vector<16xf32>
    %swap3A_241 = arith.constant 16 : index
    %swap3A_242 = tpu.vector_load %arg7[%swap3A_241] {strides = array<i32>} : memref<128xf32, #tpu.memory_space<vmem>>, vector<16xf32>,
    %swap3A_243 = vector.shape_cast %swap3A_242 : vector<16xf32> to vector<16xf32>
    %swap3A_244 = vector.shape_cast %broadcast_in_dim3A_240 : vector<16xf32> to vector<16xf32>
    tpu.vector_store %arg7[%swap3A_241], %swap3A_244 {strides = array<i32>} : memref<128xf32, #tpu.memory_space<vmem>>, vector<16xf32>,
    %broadcast_in_dim3A_245 = arith.constant 1.000000e+00 : f32
    %broadcast_in_dim3A_246 = vector.broadcast %broadcast_in_dim3A_245 : f32 to vector<16xf32>
    %swap3A_247 = arith.constant 32 : index
    %swap3A_248 = tpu.vector_load %arg7[%swap3A_247] {strides = array<i32>} : memref<128xf32, #tpu.memory_space<vmem>>, vector<16xf32>,
    %swap3A_249 = vector.shape_cast %swap3A_248 : vector<16xf32> to vector<16xf32>
    %swap3A_250 = vector.shape_cast %broadcast_in_dim3A_246 : vector<16xf32> to vector<16xf32>
    tpu.vector_store %arg7[%swap3A_247], %swap3A_250 {strides = array<i32>} : memref<128xf32, #tpu.memory_space<vmem>>, vector<16xf32>,
    %broadcast_in_dim3A_251 = arith.constant 1.000000e+00 : f32
    %broadcast_in_dim3A_252 = vector.broadcast %broadcast_in_dim3A_251 : f32 to vector<16xf32>
    %swap3A_253 = arith.constant 48 : index
    %swap3A_254 = tpu.vector_load %arg7[%swap3A_253] {strides = array<i32>} : memref<128xf32, #tpu.memory_space<vmem>>, vector<16xf32>,
    %swap3A_255 = vector.shape_cast %swap3A_254 : vector<16xf32> to vector<16xf32>
    %swap3A_256 = vector.shape_cast %broadcast_in_dim3A_252 : vector<16xf32> to vector<16xf32>
    tpu.vector_store %arg7[%swap3A_253], %swap3A_256 {strides = array<i32>} : memref<128xf32, #tpu.memory_space<vmem>>, vector<16xf32>,
    %broadcast_in_dim3A_257 = arith.constant 1.000000e+00 : f32
    %broadcast_in_dim3A_258 = vector.broadcast %broadcast_in_dim3A_257 : f32 to vector<16xf32>
    %swap3A_259 = arith.constant 64 : index
    %swap3A_260 = tpu.vector_load %arg7[%swap3A_259] {strides = array<i32>} : memref<128xf32, #tpu.memory_space<vmem>>, vector<16xf32>,
    %swap3A_261 = vector.shape_cast %swap3A_260 : vector<16xf32> to vector<16xf32>
    %swap3A_262 = vector.shape_cast %broadcast_in_dim3A_258 : vector<16xf32> to vector<16xf32>
    tpu.vector_store %arg7[%swap3A_259], %swap3A_262 {strides = array<i32>} : memref<128xf32, #tpu.memory_space<vmem>>, vector<16xf32>,
    %broadcast_in_dim3A_263 = arith.constant 1.000000e+00 : f32
    %broadcast_in_dim3A_264 = vector.broadcast %broadcast_in_dim3A_263 : f32 to vector<16xf32>
    %swap3A_265 = arith.constant 80 : index
    %swap3A_266 = tpu.vector_load %arg7[%swap3A_265] {strides = array<i32>} : memref<128xf32, #tpu.memory_space<vmem>>, vector<16xf32>,
    %swap3A_267 = vector.shape_cast %swap3A_266 : vector<16xf32> to vector<16xf32>
    %swap3A_268 = vector.shape_cast %broadcast_in_dim3A_264 : vector<16xf32> to vector<16xf32>
    tpu.vector_store %arg7[%swap3A_265], %swap3A_268 {strides = array<i32>} : memref<128xf32, #tpu.memory_space<vmem>>, vector<16xf32>,
    %broadcast_in_dim3A_269 = arith.constant 1.000000e+00 : f32
    %broadcast_in_dim3A_270 = vector.broadcast %broadcast_in_dim3A_269 : f32 to vector<16xf32>
    %swap3A_271 = arith.constant 96 : index
    %swap3A_272 = tpu.vector_load %arg7[%swap3A_271] {strides = array<i32>} : memref<128xf32, #tpu.memory_space<vmem>>, vector<16xf32>,
    %swap3A_273 = vector.shape_cast %swap3A_272 : vector<16xf32> to vector<16xf32>
    %swap3A_274 = vector.shape_cast %broadcast_in_dim3A_270 : vector<16xf32> to vector<16xf32>
    tpu.vector_store %arg7[%swap3A_271], %swap3A_274 {strides = array<i32>} : memref<128xf32, #tpu.memory_space<vmem>>, vector<16xf32>,
    %broadcast_in_dim3A_275 = arith.constant 1.000000e+00 : f32
    %broadcast_in_dim3A_276 = vector.broadcast %broadcast_in_dim3A_275 : f32 to vector<16xf32>
    %swap3A_277 = arith.constant 112 : index
    %swap3A_278 = tpu.vector_load %arg7[%swap3A_277] {strides = array<i32>} : memref<128xf32, #tpu.memory_space<vmem>>, vector<16xf32>,
    %swap3A_279 = vector.shape_cast %swap3A_278 : vector<16xf32> to vector<16xf32>
    %swap3A_280 = vector.shape_cast %broadcast_in_dim3A_276 : vector<16xf32> to vector<16xf32>
    tpu.vector_store %arg7[%swap3A_277], %swap3A_280 {strides = array<i32>} : memref<128xf32, #tpu.memory_space<vmem>>, vector<16xf32>,
    %broadcast_in_dim3A_281 = arith.constant 1.000000e+00 : f32
    %broadcast_in_dim3A_282 = vector.broadcast %broadcast_in_dim3A_281 : f32 to vector<16xf32>
    %swap3A_283 = arith.constant 0 : index
    %swap3A_284 = tpu.vector_load %arg8[%swap3A_283] {strides = array<i32>} : memref<16xf32, #tpu.memory_space<vmem>>, vector<16xf32>,
    %swap3A_285 = vector.shape_cast %swap3A_284 : vector<16xf32> to vector<16xf32>
    %swap3A_286 = vector.shape_cast %broadcast_in_dim3A_282 : vector<16xf32> to vector<16xf32>
    tpu.vector_store %arg8[%swap3A_283], %swap3A_286 {strides = array<i32>} : memref<16xf32, #tpu.memory_space<vmem>>, vector<16xf32>,
    "tpu.region"() ({
      %run_scoped3A = tpu.sem_alloc : memref<!tpu.dma_semaphore, #tpu.memory_space<semaphore_mem>>
      %dma_start3A = arith.constant 0 : i32
      %dma_start3A_314 = arith.constant 0 : i32
      %dma_start3A_315 = tpu.memref_slice %arg2[%add3A, %dma_start3A, %dma_start3A_314] : memref<32x80x128xi32, #tpu.memory_space<hbm>> -> memref<1x80x128xi32, #tpu.memory_space<hbm>>
      %dma_start3A_316 = tpu.memref_squeeze %dma_start3A_315 : memref<1x80x128xi32, #tpu.memory_space<hbm>> -> memref<80x128xi32, #tpu.memory_space<hbm>>
      %dma_start3A_317 = arith.constant 0 : i32
      %dma_start3A_318 = arith.constant 0 : i32
      %dma_start3A_319 = tpu.memref_slice %arg2[%add3A, %dma_start3A_317, %dma_start3A_318] : memref<32x80x128xi32, #tpu.memory_space<hbm>> -> memref<1x80x128xi32, #tpu.memory_space<hbm>>
      %dma_start3A_320 = tpu.memref_squeeze %dma_start3A_319 : memref<1x80x128xi32, #tpu.memory_space<hbm>> -> memref<80x128xi32, #tpu.memory_space<hbm>>
      tpu.enqueue_dma source(%dma_start3A_320 : memref<80x128xi32, #tpu.memory_space<hbm>>) target(%arg5 : memref<80x128xi32, #tpu.memory_space<vmem>>) target_semaphore(%run_scoped3A : memref<!tpu.dma_semaphore, #tpu.memory_space<semaphore_mem>>)
      %dma_wait3A = arith.constant 0 : i32
      %dma_wait3A_321 = arith.constant 0 : i32
      %dma_wait3A_322 = tpu.memref_slice %arg2[%add3A, %dma_wait3A, %dma_wait3A_321] : memref<32x80x128xi32, #tpu.memory_space<hbm>> -> memref<1x80x128xi32, #tpu.memory_space<hbm>>
      %dma_wait3A_323 = tpu.memref_squeeze %dma_wait3A_322 : memref<1x80x128xi32, #tpu.memory_space<hbm>> -> memref<80x128xi32, #tpu.memory_space<hbm>>
      %dma_wait3A_324 = arith.constant 0 : i32
      %dma_wait3A_325 = arith.constant 0 : i32
      %dma_wait3A_326 = tpu.memref_slice %arg2[%add3A, %dma_wait3A_324, %dma_wait3A_325] : memref<32x80x128xi32, #tpu.memory_space<hbm>> -> memref<1x80x128xi32, #tpu.memory_space<hbm>>
      %dma_wait3A_327 = tpu.memref_squeeze %dma_wait3A_326 : memref<1x80x128xi32, #tpu.memory_space<hbm>> -> memref<80x128xi32, #tpu.memory_space<hbm>>
      tpu.wait_dma2 semaphore(%run_scoped3A : memref<!tpu.dma_semaphore, #tpu.memory_space<semaphore_mem>>) src(%dma_wait3A_327 : memref<80x128xi32, #tpu.memory_space<hbm>>) dst(%arg5 : memref<80x128xi32, #tpu.memory_space<vmem>>)
      tpu.yield
    }) : () -> ()
    %mul3A_287 = arith.constant 624 : i32
    %mul3A_288 = arith.muli %arg1, %mul3A_287 : i32
    %multiple_of3A = tpu.assume_multiple %mul3A_288, 8 : i32
    "tpu.region"() ({
      %run_scoped3A = tpu.sem_alloc : memref<!tpu.dma_semaphore, #tpu.memory_space<semaphore_mem>>
      %dma_start3A = tpu.memref_slice %arg4[%multiple_of3A] : memref<10008xf32, #tpu.memory_space<vmem_shared>> -> memref<624xf32, #tpu.memory_space<vmem_shared>>
      %dma_start3A_314 = tpu.memref_slice %arg4[%multiple_of3A] : memref<10008xf32, #tpu.memory_space<vmem_shared>> -> memref<624xf32, #tpu.memory_space<vmem_shared>>
      tpu.enqueue_dma source(%arg6 : memref<624xf32, #tpu.memory_space<vmem>>) target(%dma_start3A_314 : memref<624xf32, #tpu.memory_space<vmem_shared>>) target_semaphore(%run_scoped3A : memref<!tpu.dma_semaphore, #tpu.memory_space<semaphore_mem>>)
      %dma_wait3A = tpu.memref_slice %arg4[%multiple_of3A] : memref<10008xf32, #tpu.memory_space<vmem_shared>> -> memref<624xf32, #tpu.memory_space<vmem_shared>>
      %dma_wait3A_315 = tpu.memref_slice %arg4[%multiple_of3A] : memref<10008xf32, #tpu.memory_space<vmem_shared>> -> memref<624xf32, #tpu.memory_space<vmem_shared>>
      tpu.wait_dma2 semaphore(%run_scoped3A : memref<!tpu.dma_semaphore, #tpu.memory_space<semaphore_mem>>) src(%arg6 : memref<624xf32, #tpu.memory_space<vmem>>) dst(%dma_wait3A_315 : memref<624xf32, #tpu.memory_space<vmem_shared>>)
      tpu.yield
    }) : () -> ()
    %eq3A = arith.constant 15 : i32
    %eq3A_289 = arith.cmpi eq, %arg1, %eq3A : i32
    %convert_element_type3A = arith.extui %eq3A_289 : i1 to i32
    %cond3A = arith.constant 0 : i32
    %cond3A_290 = arith.cmpi ne, %convert_element_type3A, %cond3A : i32
    scf.if %cond3A_290 {
      "tpu.region"() ({
        %run_scoped3A = tpu.sem_alloc : memref<!tpu.dma_semaphore, #tpu.memory_space<semaphore_mem>>
        %dma_start3A = arith.constant 0 : i32
        %dma_start3A_314 = tpu.memref_slice %arg6[%dma_start3A] : memref<624xf32, #tpu.memory_space<vmem>> -> memref<24xf32, #tpu.memory_space<vmem>>
        %dma_start3A_315 = arith.constant 9984 : i32
        %dma_start3A_316 = tpu.memref_slice %arg4[%dma_start3A_315] : memref<10008xf32, #tpu.memory_space<vmem_shared>> -> memref<24xf32, #tpu.memory_space<vmem_shared>>
        %dma_start3A_317 = arith.constant 9984 : i32
        %dma_start3A_318 = tpu.memref_slice %arg4[%dma_start3A_317] : memref<10008xf32, #tpu.memory_space<vmem_shared>> -> memref<24xf32, #tpu.memory_space<vmem_shared>>
        %dma_start3A_319 = arith.constant 0 : i32
        %dma_start3A_320 = tpu.memref_slice %arg6[%dma_start3A_319] : memref<624xf32, #tpu.memory_space<vmem>> -> memref<24xf32, #tpu.memory_space<vmem>>
        tpu.enqueue_dma source(%dma_start3A_320 : memref<24xf32, #tpu.memory_space<vmem>>) target(%dma_start3A_318 : memref<24xf32, #tpu.memory_space<vmem_shared>>) target_semaphore(%run_scoped3A : memref<!tpu.dma_semaphore, #tpu.memory_space<semaphore_mem>>)
        %dma_wait3A = arith.constant 0 : i32
        %dma_wait3A_321 = tpu.memref_slice %arg6[%dma_wait3A] : memref<624xf32, #tpu.memory_space<vmem>> -> memref<24xf32, #tpu.memory_space<vmem>>
        %dma_wait3A_322 = arith.constant 9984 : i32
        %dma_wait3A_323 = tpu.memref_slice %arg4[%dma_wait3A_322] : memref<10008xf32, #tpu.memory_space<vmem_shared>> -> memref<24xf32, #tpu.memory_space<vmem_shared>>
        %dma_wait3A_324 = arith.constant 9984 : i32
        %dma_wait3A_325 = tpu.memref_slice %arg4[%dma_wait3A_324] : memref<10008xf32, #tpu.memory_space<vmem_shared>> -> memref<24xf32, #tpu.memory_space<vmem_shared>>
        %dma_wait3A_326 = arith.constant 0 : i32
        %dma_wait3A_327 = tpu.memref_slice %arg6[%dma_wait3A_326] : memref<624xf32, #tpu.memory_space<vmem>> -> memref<24xf32, #tpu.memory_space<vmem>>
        tpu.wait_dma2 semaphore(%run_scoped3A : memref<!tpu.dma_semaphore, #tpu.memory_space<semaphore_mem>>) src(%dma_wait3A_327 : memref<24xf32, #tpu.memory_space<vmem>>) dst(%dma_wait3A_325 : memref<24xf32, #tpu.memory_space<vmem_shared>>)
        tpu.yield
      }) : () -> ()
    } else {
    }
    %barrier3A = arith.constant 0 : index
    tpu.barrier barrier_id(%barrier3A)
    %scan3A = arith.constant 0 : i32
    %scan3A_291 = arith.constant 0 : i32
    %scan3A_292 = arith.constant 80 : i32
    %scan3A_293 = arith.addi %scan3A_291, %scan3A_292 : i32
    %scan3A_294 = arith.constant 1 : i32
    scf.for %scan3A_314 = %scan3A_291 to %scan3A_293 step %scan3A_294  : i32 {
      %dma_start3A = arith.constant 0 : i32
      %dma_start3A_315 = tpu.memref_slice %arg5[%scan3A_314, %dma_start3A] : memref<80x128xi32, #tpu.memory_space<vmem>> -> memref<1x128xi32, #tpu.memory_space<vmem>>
      %dma_start3A_316 = tpu.memref_squeeze %dma_start3A_315 : memref<1x128xi32, #tpu.memory_space<vmem>> -> memref<128xi32, #tpu.memory_space<vmem>>
      %dma_start3A_317 = arith.constant 0 : i32
      %dma_start3A_318 = tpu.memref_slice %arg4[%dma_start3A_317] : memref<10008xf32, #tpu.memory_space<vmem_shared>> -> memref<10008xf32, #tpu.memory_space<vmem_shared>>
      tpu.enqueue_indirect_dma source(%arg7 : memref<128xf32, #tpu.memory_space<vmem>>) target(%dma_start3A_318 : memref<10008xf32, #tpu.memory_space<vmem_shared>>) offsets(%dma_start3A_316 : memref<128xi32, #tpu.memory_space<vmem>>) semaphore(%arg9 : memref<!tpu.dma_semaphore, #tpu.memory_space<semaphore_mem>>) {add = true}
    }
    %scan3A_295 = arith.constant 80 : i32
    %scan3A_296 = arith.constant 0 : i32
    %scan3A_297 = arith.constant 0 : i32
    %scan3A_298 = arith.constant 80 : i32
    %scan3A_299 = arith.addi %scan3A_297, %scan3A_298 : i32
    %scan3A_300 = arith.constant 1 : i32
    scf.for %scan3A_314 = %scan3A_297 to %scan3A_299 step %scan3A_300  : i32 {
      %dma_wait3A = arith.constant 0 : i32
      %dma_wait3A_315 = tpu.memref_slice %arg4[%dma_wait3A] : memref<10008xf32, #tpu.memory_space<vmem_shared>> -> memref<128xf32, #tpu.memory_space<vmem_shared>>
      %dma_wait3A_316 = arith.constant 0 : i32
      %dma_wait3A_317 = tpu.memref_slice %arg4[%dma_wait3A_316] : memref<10008xf32, #tpu.memory_space<vmem_shared>> -> memref<128xf32, #tpu.memory_space<vmem_shared>>
      tpu.wait_dma2 semaphore(%arg9 : memref<!tpu.dma_semaphore, #tpu.memory_space<semaphore_mem>>) src(%arg7 : memref<128xf32, #tpu.memory_space<vmem>>) dst(%dma_wait3A_317 : memref<128xf32, #tpu.memory_space<vmem_shared>>)
    }
    %scan3A_301 = arith.constant 80 : i32
    %barrier3A_302 = arith.constant 0 : index
    tpu.barrier barrier_id(%barrier3A_302)
    %mul3A_303 = arith.constant 10000 : i32
    %mul3A_304 = arith.muli %arg0, %mul3A_303 : i32
    %mul3A_305 = arith.constant 624 : i32
    %mul3A_306 = arith.muli %arg1, %mul3A_305 : i32
    %add3A_307 = arith.addi %mul3A_304, %mul3A_306 : i32
    %multiple_of3A_308 = tpu.assume_multiple %add3A_307, 8 : i32
    "tpu.region"() ({
      %run_scoped3A = tpu.sem_alloc : memref<!tpu.dma_semaphore, #tpu.memory_space<semaphore_mem>>
      %dma_start3A = tpu.memref_slice %arg4[%multiple_of3A] : memref<10008xf32, #tpu.memory_space<vmem_shared>> -> memref<624xf32, #tpu.memory_space<vmem_shared>>
      %dma_start3A_314 = tpu.memref_slice %arg4[%multiple_of3A] : memref<10008xf32, #tpu.memory_space<vmem_shared>> -> memref<624xf32, #tpu.memory_space<vmem_shared>>
      tpu.enqueue_dma source(%dma_start3A_314 : memref<624xf32, #tpu.memory_space<vmem_shared>>) target(%arg6 : memref<624xf32, #tpu.memory_space<vmem>>) target_semaphore(%run_scoped3A : memref<!tpu.dma_semaphore, #tpu.memory_space<semaphore_mem>>)
      %dma_wait3A = tpu.memref_slice %arg4[%multiple_of3A] : memref<10008xf32, #tpu.memory_space<vmem_shared>> -> memref<624xf32, #tpu.memory_space<vmem_shared>>
      %dma_wait3A_315 = tpu.memref_slice %arg4[%multiple_of3A] : memref<10008xf32, #tpu.memory_space<vmem_shared>> -> memref<624xf32, #tpu.memory_space<vmem_shared>>
      tpu.wait_dma2 semaphore(%run_scoped3A : memref<!tpu.dma_semaphore, #tpu.memory_space<semaphore_mem>>) src(%dma_wait3A_315 : memref<624xf32, #tpu.memory_space<vmem_shared>>) dst(%arg6 : memref<624xf32, #tpu.memory_space<vmem>>)
      tpu.yield
    }) : () -> ()
    "tpu.region"() ({
      %run_scoped3A = tpu.sem_alloc : memref<!tpu.dma_semaphore, #tpu.memory_space<semaphore_mem>>
      %dma_start3A = tpu.memref_slice %arg3[%multiple_of3A_308] : memref<20000xf32, #tpu.memory_space<hbm>> -> memref<624xf32, #tpu.memory_space<hbm>>
      %dma_start3A_314 = tpu.memref_slice %arg3[%multiple_of3A_308] : memref<20000xf32, #tpu.memory_space<hbm>> -> memref<624xf32, #tpu.memory_space<hbm>>
      tpu.enqueue_dma source(%arg6 : memref<624xf32, #tpu.memory_space<vmem>>) target(%dma_start3A_314 : memref<624xf32, #tpu.memory_space<hbm>>) target_semaphore(%run_scoped3A : memref<!tpu.dma_semaphore, #tpu.memory_space<semaphore_mem>>)
      %dma_wait3A = tpu.memref_slice %arg3[%multiple_of3A_308] : memref<20000xf32, #tpu.memory_space<hbm>> -> memref<624xf32, #tpu.memory_space<hbm>>
      %dma_wait3A_315 = tpu.memref_slice %arg3[%multiple_of3A_308] : memref<20000xf32, #tpu.memory_space<hbm>> -> memref<624xf32, #tpu.memory_space<hbm>>
      tpu.wait_dma2 semaphore(%run_scoped3A : memref<!tpu.dma_semaphore, #tpu.memory_space<semaphore_mem>>) src(%arg6 : memref<624xf32, #tpu.memory_space<vmem>>) dst(%dma_wait3A_315 : memref<624xf32, #tpu.memory_space<hbm>>)
      tpu.yield
    }) : () -> ()
    %eq3A_309 = arith.constant 15 : i32
    %eq3A_310 = arith.cmpi eq, %arg1, %eq3A_309 : i32
    %convert_element_type3A_311 = arith.extui %eq3A_310 : i1 to i32
    %cond3A_312 = arith.constant 0 : i32
    %cond3A_313 = arith.cmpi ne, %convert_element_type3A_311, %cond3A_312 : i32
    scf.if %cond3A_313 {
      "tpu.region"() ({
        %run_scoped3A = tpu.sem_alloc : memref<!tpu.dma_semaphore, #tpu.memory_space<semaphore_mem>>
        %dma_start3A = arith.constant 9984 : i32
        %dma_start3A_318 = tpu.memref_slice %arg4[%dma_start3A] : memref<10008xf32, #tpu.memory_space<vmem_shared>> -> memref<16xf32, #tpu.memory_space<vmem_shared>>
        %dma_start3A_319 = arith.constant 9984 : i32
        %dma_start3A_320 = tpu.memref_slice %arg4[%dma_start3A_319] : memref<10008xf32, #tpu.memory_space<vmem_shared>> -> memref<16xf32, #tpu.memory_space<vmem_shared>>
        tpu.enqueue_dma source(%dma_start3A_320 : memref<16xf32, #tpu.memory_space<vmem_shared>>) target(%arg8 : memref<16xf32, #tpu.memory_space<vmem>>) target_semaphore(%run_scoped3A : memref<!tpu.dma_semaphore, #tpu.memory_space<semaphore_mem>>)
        %dma_wait3A = arith.constant 9984 : i32
        %dma_wait3A_321 = tpu.memref_slice %arg4[%dma_wait3A] : memref<10008xf32, #tpu.memory_space<vmem_shared>> -> memref<16xf32, #tpu.memory_space<vmem_shared>>
        %dma_wait3A_322 = arith.constant 9984 : i32
        %dma_wait3A_323 = tpu.memref_slice %arg4[%dma_wait3A_322] : memref<10008xf32, #tpu.memory_space<vmem_shared>> -> memref<16xf32, #tpu.memory_space<vmem_shared>>
        tpu.wait_dma2 semaphore(%run_scoped3A : memref<!tpu.dma_semaphore, #tpu.memory_space<semaphore_mem>>) src(%dma_wait3A_323 : memref<16xf32, #tpu.memory_space<vmem_shared>>) dst(%arg8 : memref<16xf32, #tpu.memory_space<vmem>>)
        tpu.yield
      }) : () -> ()
      %mul3A_314 = arith.constant 10000 : i32
      %mul3A_315 = arith.muli %arg0, %mul3A_314 : i32
      %add3A_316 = arith.constant 9984 : i32
      %add3A_317 = arith.addi %mul3A_315, %add3A_316 : i32
      "tpu.region"() ({
        %run_scoped3A = tpu.sem_alloc : memref<!tpu.dma_semaphore, #tpu.memory_space<semaphore_mem>>
        %dma_start3A = tpu.memref_slice %arg3[%add3A_317] : memref<20000xf32, #tpu.memory_space<hbm>> -> memref<16xf32, #tpu.memory_space<hbm>>
        %dma_start3A_318 = tpu.memref_slice %arg3[%add3A_317] : memref<20000xf32, #tpu.memory_space<hbm>> -> memref<16xf32, #tpu.memory_space<hbm>>
        tpu.enqueue_dma source(%arg8 : memref<16xf32, #tpu.memory_space<vmem>>) target(%dma_start3A_318 : memref<16xf32, #tpu.memory_space<hbm>>) target_semaphore(%run_scoped3A : memref<!tpu.dma_semaphore, #tpu.memory_space<semaphore_mem>>)
        %dma_wait3A = tpu.memref_slice %arg3[%add3A_317] : memref<20000xf32, #tpu.memory_space<hbm>> -> memref<16xf32, #tpu.memory_space<hbm>>
        %dma_wait3A_319 = tpu.memref_slice %arg3[%add3A_317] : memref<20000xf32, #tpu.memory_space<hbm>> -> memref<16xf32, #tpu.memory_space<hbm>>
        tpu.wait_dma2 semaphore(%run_scoped3A : memref<!tpu.dma_semaphore, #tpu.memory_space<semaphore_mem>>) src(%arg8 : memref<16xf32, #tpu.memory_space<vmem>>) dst(%dma_wait3A_319 : memref<16xf32, #tpu.memory_space<hbm>>)
        tpu.yield
      }) : () -> ()
    } else {
    }
    return
  }
}

#map = affine_map<(d0, d1) -> (0, 0)>
#map1 = affine_map<(d0, d1) -> (0, 0, 0)>
module attributes {stable_mosaic.version = 14 : i64} {
  func.func @_agg_body(%arg0: i32, %arg1: i32, %arg2: memref<10000x128xf32, #tpu.memory_space<hbm>>, %arg3: memref<32x80x128xi32, #tpu.memory_space<hbm>>, %arg4: memref<32x80x128xi32, #tpu.memory_space<hbm>>, %arg5: memref<128x128xf32, #tpu.memory_space<hbm>>, %arg6: memref<2x10000x128xf32, #tpu.memory_space<hbm>>, %arg7: memref<10008x128xf32, #tpu.memory_space<vmem_shared>>, %arg8: memref<80x128xi32, #tpu.memory_space<vmem>>, %arg9: memref<128xi32, #tpu.memory_space<vmem>>, %arg10: memref<128xi32, #tpu.memory_space<vmem>>, %arg11: memref<128xi32, #tpu.memory_space<vmem>>, %arg12: memref<128xi32, #tpu.memory_space<vmem>>, %arg13: memref<128x128xf32, #tpu.memory_space<vmem>>, %arg14: memref<128x128xf32, #tpu.memory_space<vmem>>, %arg15: memref<!tpu.dma_semaphore, #tpu.memory_space<semaphore_mem>>, %arg16: memref<!tpu.dma_semaphore, #tpu.memory_space<semaphore_mem>>, %arg17: memref<!tpu.dma_semaphore, #tpu.memory_space<semaphore_mem>>) attributes {dimension_semantics = [#tpu.dimension_semantics<core_parallel>, #tpu.dimension_semantics<subcore_parallel>], iteration_bounds = array<i64: 2, 16>, scalar_prefetch = 0 : i64, scratch_operands = 11 : i64, tpu.core_type = #tpu.core_type<sc_vector_subcore>, window_params = [{transform_indices = #map}, {transform_indices = #map1}, {transform_indices = #map1}, {transform_indices = #map}, {transform_indices = #map1}]} {
    %mul3A = arith.constant 2 : i32
    %mul3A_0 = arith.muli %arg1, %mul3A : i32
    %add3A = arith.addi %mul3A_0, %arg0 : i32
    %dma_start3A = arith.constant 1 : i32
    %dma_start3A_1 = arith.constant 0 : i32
    %dma_start3A_2 = tpu.memref_slice %arg3[%add3A, %dma_start3A, %dma_start3A_1] : memref<32x80x128xi32, #tpu.memory_space<hbm>> -> memref<1x1x128xi32, #tpu.memory_space<hbm>>
    %dma_start3A_3 = tpu.memref_squeeze %dma_start3A_2 : memref<1x1x128xi32, #tpu.memory_space<hbm>> -> memref<128xi32, #tpu.memory_space<hbm>>
    %dma_start3A_4 = arith.constant 0 : i32
    %dma_start3A_5 = tpu.memref_slice %arg3[%add3A, %dma_start3A, %dma_start3A_4] : memref<32x80x128xi32, #tpu.memory_space<hbm>> -> memref<1x1x128xi32, #tpu.memory_space<hbm>>
    %dma_start3A_6 = tpu.memref_squeeze %dma_start3A_5 : memref<1x1x128xi32, #tpu.memory_space<hbm>> -> memref<128xi32, #tpu.memory_space<hbm>>
    tpu.enqueue_dma source(%dma_start3A_6 : memref<128xi32, #tpu.memory_space<hbm>>) target(%arg10 : memref<128xi32, #tpu.memory_space<vmem>>) target_semaphore(%arg16 : memref<!tpu.dma_semaphore, #tpu.memory_space<semaphore_mem>>)
    %dma_start3A_7 = arith.constant 2 : i32
    %dma_start3A_8 = arith.constant 0 : i32
    %dma_start3A_9 = tpu.memref_slice %arg3[%add3A, %dma_start3A_7, %dma_start3A_8] : memref<32x80x128xi32, #tpu.memory_space<hbm>> -> memref<1x1x128xi32, #tpu.memory_space<hbm>>
    %dma_start3A_10 = tpu.memref_squeeze %dma_start3A_9 : memref<1x1x128xi32, #tpu.memory_space<hbm>> -> memref<128xi32, #tpu.memory_space<hbm>>
    %dma_start3A_11 = arith.constant 0 : i32
    %dma_start3A_12 = tpu.memref_slice %arg3[%add3A, %dma_start3A_7, %dma_start3A_11] : memref<32x80x128xi32, #tpu.memory_space<hbm>> -> memref<1x1x128xi32, #tpu.memory_space<hbm>>
    %dma_start3A_13 = tpu.memref_squeeze %dma_start3A_12 : memref<1x1x128xi32, #tpu.memory_space<hbm>> -> memref<128xi32, #tpu.memory_space<hbm>>
    tpu.enqueue_dma source(%dma_start3A_13 : memref<128xi32, #tpu.memory_space<hbm>>) target(%arg11 : memref<128xi32, #tpu.memory_space<vmem>>) target_semaphore(%arg16 : memref<!tpu.dma_semaphore, #tpu.memory_space<semaphore_mem>>)
    %dma_start3A_14 = arith.constant 3 : i32
    %dma_start3A_15 = arith.constant 0 : i32
    %dma_start3A_16 = tpu.memref_slice %arg3[%add3A, %dma_start3A_14, %dma_start3A_15] : memref<32x80x128xi32, #tpu.memory_space<hbm>> -> memref<1x1x128xi32, #tpu.memory_space<hbm>>
    %dma_start3A_17 = tpu.memref_squeeze %dma_start3A_16 : memref<1x1x128xi32, #tpu.memory_space<hbm>> -> memref<128xi32, #tpu.memory_space<hbm>>
    %dma_start3A_18 = arith.constant 0 : i32
    %dma_start3A_19 = tpu.memref_slice %arg3[%add3A, %dma_start3A_14, %dma_start3A_18] : memref<32x80x128xi32, #tpu.memory_space<hbm>> -> memref<1x1x128xi32, #tpu.memory_space<hbm>>
    %dma_start3A_20 = tpu.memref_squeeze %dma_start3A_19 : memref<1x1x128xi32, #tpu.memory_space<hbm>> -> memref<128xi32, #tpu.memory_space<hbm>>
    tpu.enqueue_dma source(%dma_start3A_20 : memref<128xi32, #tpu.memory_space<hbm>>) target(%arg12 : memref<128xi32, #tpu.memory_space<vmem>>) target_semaphore(%arg16 : memref<!tpu.dma_semaphore, #tpu.memory_space<semaphore_mem>>)
    "tpu.region"() ({
      %run_scoped3A_227 = tpu.sem_alloc : memref<!tpu.dma_semaphore, #tpu.memory_space<semaphore_mem>>
      tpu.enqueue_dma source(%arg5 : memref<128x128xf32, #tpu.memory_space<hbm>>) target(%arg14 : memref<128x128xf32, #tpu.memory_space<vmem>>) target_semaphore(%run_scoped3A_227 : memref<!tpu.dma_semaphore, #tpu.memory_space<semaphore_mem>>)
      tpu.wait_dma2 semaphore(%run_scoped3A_227 : memref<!tpu.dma_semaphore, #tpu.memory_space<semaphore_mem>>) src(%arg5 : memref<128x128xf32, #tpu.memory_space<hbm>>) dst(%arg14 : memref<128x128xf32, #tpu.memory_space<vmem>>)
      tpu.yield
    }) : () -> ()
    "tpu.region"() ({
      %run_scoped3A_227 = tpu.sem_alloc : memref<!tpu.dma_semaphore, #tpu.memory_space<semaphore_mem>>
      %dma_start3A_228 = arith.constant 0 : i32
      %dma_start3A_229 = arith.constant 0 : i32
      %dma_start3A_230 = tpu.memref_slice %arg4[%add3A, %dma_start3A_228, %dma_start3A_229] : memref<32x80x128xi32, #tpu.memory_space<hbm>> -> memref<1x80x128xi32, #tpu.memory_space<hbm>>
      %dma_start3A_231 = tpu.memref_squeeze %dma_start3A_230 : memref<1x80x128xi32, #tpu.memory_space<hbm>> -> memref<80x128xi32, #tpu.memory_space<hbm>>
      %dma_start3A_232 = arith.constant 0 : i32
      %dma_start3A_233 = arith.constant 0 : i32
      %dma_start3A_234 = tpu.memref_slice %arg4[%add3A, %dma_start3A_232, %dma_start3A_233] : memref<32x80x128xi32, #tpu.memory_space<hbm>> -> memref<1x80x128xi32, #tpu.memory_space<hbm>>
      %dma_start3A_235 = tpu.memref_squeeze %dma_start3A_234 : memref<1x80x128xi32, #tpu.memory_space<hbm>> -> memref<80x128xi32, #tpu.memory_space<hbm>>
      tpu.enqueue_dma source(%dma_start3A_235 : memref<80x128xi32, #tpu.memory_space<hbm>>) target(%arg8 : memref<80x128xi32, #tpu.memory_space<vmem>>) target_semaphore(%run_scoped3A_227 : memref<!tpu.dma_semaphore, #tpu.memory_space<semaphore_mem>>)
      %dma_wait3A_236 = arith.constant 0 : i32
      %dma_wait3A_237 = arith.constant 0 : i32
      %dma_wait3A_238 = tpu.memref_slice %arg4[%add3A, %dma_wait3A_236, %dma_wait3A_237] : memref<32x80x128xi32, #tpu.memory_space<hbm>> -> memref<1x80x128xi32, #tpu.memory_space<hbm>>
      %dma_wait3A_239 = tpu.memref_squeeze %dma_wait3A_238 : memref<1x80x128xi32, #tpu.memory_space<hbm>> -> memref<80x128xi32, #tpu.memory_space<hbm>>
      %dma_wait3A_240 = arith.constant 0 : i32
      %dma_wait3A_241 = arith.constant 0 : i32
      %dma_wait3A_242 = tpu.memref_slice %arg4[%add3A, %dma_wait3A_240, %dma_wait3A_241] : memref<32x80x128xi32, #tpu.memory_space<hbm>> -> memref<1x80x128xi32, #tpu.memory_space<hbm>>
      %dma_wait3A_243 = tpu.memref_squeeze %dma_wait3A_242 : memref<1x80x128xi32, #tpu.memory_space<hbm>> -> memref<80x128xi32, #tpu.memory_space<hbm>>
      tpu.wait_dma2 semaphore(%run_scoped3A_227 : memref<!tpu.dma_semaphore, #tpu.memory_space<semaphore_mem>>) src(%dma_wait3A_243 : memref<80x128xi32, #tpu.memory_space<hbm>>) dst(%arg8 : memref<80x128xi32, #tpu.memory_space<vmem>>)
      tpu.yield
    }) : () -> ()
    %mul3A_21 = arith.constant 624 : i32
    %mul3A_22 = arith.muli %arg1, %mul3A_21 : i32
    %add3A_23 = arith.constant 0 : i32
    %add3A_24 = arith.addi %mul3A_22, %add3A_23 : i32
    "tpu.region"() ({
      %run_scoped3A_227 = tpu.sem_alloc : memref<!tpu.dma_semaphore, #tpu.memory_space<semaphore_mem>>
      %dma_start3A_228 = arith.constant 0 : i32
      %dma_start3A_229 = arith.constant 0 : i32
      %dma_start3A_230 = tpu.memref_slice %arg14[%dma_start3A_228, %dma_start3A_229] : memref<128x128xf32, #tpu.memory_space<vmem>> -> memref<128x128xf32, #tpu.memory_space<vmem>>
      %dma_start3A_231 = arith.constant 0 : i32
      %dma_start3A_232 = tpu.memref_slice %arg7[%add3A_24, %dma_start3A_231] : memref<10008x128xf32, #tpu.memory_space<vmem_shared>> -> memref<128x128xf32, #tpu.memory_space<vmem_shared>>
      %dma_start3A_233 = arith.constant 0 : i32
      %dma_start3A_234 = tpu.memref_slice %arg7[%add3A_24, %dma_start3A_233] : memref<10008x128xf32, #tpu.memory_space<vmem_shared>> -> memref<128x128xf32, #tpu.memory_space<vmem_shared>>
      %dma_start3A_235 = arith.constant 0 : i32
      %dma_start3A_236 = arith.constant 0 : i32
      %dma_start3A_237 = tpu.memref_slice %arg14[%dma_start3A_235, %dma_start3A_236] : memref<128x128xf32, #tpu.memory_space<vmem>> -> memref<128x128xf32, #tpu.memory_space<vmem>>
      tpu.enqueue_dma source(%dma_start3A_237 : memref<128x128xf32, #tpu.memory_space<vmem>>) target(%dma_start3A_234 : memref<128x128xf32, #tpu.memory_space<vmem_shared>>) target_semaphore(%run_scoped3A_227 : memref<!tpu.dma_semaphore, #tpu.memory_space<semaphore_mem>>)
      %dma_wait3A_238 = arith.constant 0 : i32
      %dma_wait3A_239 = arith.constant 0 : i32
      %dma_wait3A_240 = tpu.memref_slice %arg14[%dma_wait3A_238, %dma_wait3A_239] : memref<128x128xf32, #tpu.memory_space<vmem>> -> memref<128x128xf32, #tpu.memory_space<vmem>>
      %dma_wait3A_241 = arith.constant 0 : i32
      %dma_wait3A_242 = tpu.memref_slice %arg7[%add3A_24, %dma_wait3A_241] : memref<10008x128xf32, #tpu.memory_space<vmem_shared>> -> memref<128x128xf32, #tpu.memory_space<vmem_shared>>
      %dma_wait3A_243 = arith.constant 0 : i32
      %dma_wait3A_244 = tpu.memref_slice %arg7[%add3A_24, %dma_wait3A_243] : memref<10008x128xf32, #tpu.memory_space<vmem_shared>> -> memref<128x128xf32, #tpu.memory_space<vmem_shared>>
      %dma_wait3A_245 = arith.constant 0 : i32
      %dma_wait3A_246 = arith.constant 0 : i32
      %dma_wait3A_247 = tpu.memref_slice %arg14[%dma_wait3A_245, %dma_wait3A_246] : memref<128x128xf32, #tpu.memory_space<vmem>> -> memref<128x128xf32, #tpu.memory_space<vmem>>
      tpu.wait_dma2 semaphore(%run_scoped3A_227 : memref<!tpu.dma_semaphore, #tpu.memory_space<semaphore_mem>>) src(%dma_wait3A_247 : memref<128x128xf32, #tpu.memory_space<vmem>>) dst(%dma_wait3A_244 : memref<128x128xf32, #tpu.memory_space<vmem_shared>>)
      tpu.yield
    }) : () -> ()
    %mul3A_25 = arith.constant 624 : i32
    %mul3A_26 = arith.muli %arg1, %mul3A_25 : i32
    %add3A_27 = arith.constant 128 : i32
    %add3A_28 = arith.addi %mul3A_26, %add3A_27 : i32
    "tpu.region"() ({
      %run_scoped3A_227 = tpu.sem_alloc : memref<!tpu.dma_semaphore, #tpu.memory_space<semaphore_mem>>
      %dma_start3A_228 = arith.constant 0 : i32
      %dma_start3A_229 = arith.constant 0 : i32
      %dma_start3A_230 = tpu.memref_slice %arg14[%dma_start3A_228, %dma_start3A_229] : memref<128x128xf32, #tpu.memory_space<vmem>> -> memref<128x128xf32, #tpu.memory_space<vmem>>
      %dma_start3A_231 = arith.constant 0 : i32
      %dma_start3A_232 = tpu.memref_slice %arg7[%add3A_28, %dma_start3A_231] : memref<10008x128xf32, #tpu.memory_space<vmem_shared>> -> memref<128x128xf32, #tpu.memory_space<vmem_shared>>
      %dma_start3A_233 = arith.constant 0 : i32
      %dma_start3A_234 = tpu.memref_slice %arg7[%add3A_28, %dma_start3A_233] : memref<10008x128xf32, #tpu.memory_space<vmem_shared>> -> memref<128x128xf32, #tpu.memory_space<vmem_shared>>
      %dma_start3A_235 = arith.constant 0 : i32
      %dma_start3A_236 = arith.constant 0 : i32
      %dma_start3A_237 = tpu.memref_slice %arg14[%dma_start3A_235, %dma_start3A_236] : memref<128x128xf32, #tpu.memory_space<vmem>> -> memref<128x128xf32, #tpu.memory_space<vmem>>
      tpu.enqueue_dma source(%dma_start3A_237 : memref<128x128xf32, #tpu.memory_space<vmem>>) target(%dma_start3A_234 : memref<128x128xf32, #tpu.memory_space<vmem_shared>>) target_semaphore(%run_scoped3A_227 : memref<!tpu.dma_semaphore, #tpu.memory_space<semaphore_mem>>)
      %dma_wait3A_238 = arith.constant 0 : i32
      %dma_wait3A_239 = arith.constant 0 : i32
      %dma_wait3A_240 = tpu.memref_slice %arg14[%dma_wait3A_238, %dma_wait3A_239] : memref<128x128xf32, #tpu.memory_space<vmem>> -> memref<128x128xf32, #tpu.memory_space<vmem>>
      %dma_wait3A_241 = arith.constant 0 : i32
      %dma_wait3A_242 = tpu.memref_slice %arg7[%add3A_28, %dma_wait3A_241] : memref<10008x128xf32, #tpu.memory_space<vmem_shared>> -> memref<128x128xf32, #tpu.memory_space<vmem_shared>>
      %dma_wait3A_243 = arith.constant 0 : i32
      %dma_wait3A_244 = tpu.memref_slice %arg7[%add3A_28, %dma_wait3A_243] : memref<10008x128xf32, #tpu.memory_space<vmem_shared>> -> memref<128x128xf32, #tpu.memory_space<vmem_shared>>
      %dma_wait3A_245 = arith.constant 0 : i32
      %dma_wait3A_246 = arith.constant 0 : i32
      %dma_wait3A_247 = tpu.memref_slice %arg14[%dma_wait3A_245, %dma_wait3A_246] : memref<128x128xf32, #tpu.memory_space<vmem>> -> memref<128x128xf32, #tpu.memory_space<vmem>>
      tpu.wait_dma2 semaphore(%run_scoped3A_227 : memref<!tpu.dma_semaphore, #tpu.memory_space<semaphore_mem>>) src(%dma_wait3A_247 : memref<128x128xf32, #tpu.memory_space<vmem>>) dst(%dma_wait3A_244 : memref<128x128xf32, #tpu.memory_space<vmem_shared>>)
      tpu.yield
    }) : () -> ()
    %mul3A_29 = arith.constant 624 : i32
    %mul3A_30 = arith.muli %arg1, %mul3A_29 : i32
    %add3A_31 = arith.constant 256 : i32
    %add3A_32 = arith.addi %mul3A_30, %add3A_31 : i32
    "tpu.region"() ({
      %run_scoped3A_227 = tpu.sem_alloc : memref<!tpu.dma_semaphore, #tpu.memory_space<semaphore_mem>>
      %dma_start3A_228 = arith.constant 0 : i32
      %dma_start3A_229 = arith.constant 0 : i32
      %dma_start3A_230 = tpu.memref_slice %arg14[%dma_start3A_228, %dma_start3A_229] : memref<128x128xf32, #tpu.memory_space<vmem>> -> memref<128x128xf32, #tpu.memory_space<vmem>>
      %dma_start3A_231 = arith.constant 0 : i32
      %dma_start3A_232 = tpu.memref_slice %arg7[%add3A_32, %dma_start3A_231] : memref<10008x128xf32, #tpu.memory_space<vmem_shared>> -> memref<128x128xf32, #tpu.memory_space<vmem_shared>>
      %dma_start3A_233 = arith.constant 0 : i32
      %dma_start3A_234 = tpu.memref_slice %arg7[%add3A_32, %dma_start3A_233] : memref<10008x128xf32, #tpu.memory_space<vmem_shared>> -> memref<128x128xf32, #tpu.memory_space<vmem_shared>>
      %dma_start3A_235 = arith.constant 0 : i32
      %dma_start3A_236 = arith.constant 0 : i32
      %dma_start3A_237 = tpu.memref_slice %arg14[%dma_start3A_235, %dma_start3A_236] : memref<128x128xf32, #tpu.memory_space<vmem>> -> memref<128x128xf32, #tpu.memory_space<vmem>>
      tpu.enqueue_dma source(%dma_start3A_237 : memref<128x128xf32, #tpu.memory_space<vmem>>) target(%dma_start3A_234 : memref<128x128xf32, #tpu.memory_space<vmem_shared>>) target_semaphore(%run_scoped3A_227 : memref<!tpu.dma_semaphore, #tpu.memory_space<semaphore_mem>>)
      %dma_wait3A_238 = arith.constant 0 : i32
      %dma_wait3A_239 = arith.constant 0 : i32
      %dma_wait3A_240 = tpu.memref_slice %arg14[%dma_wait3A_238, %dma_wait3A_239] : memref<128x128xf32, #tpu.memory_space<vmem>> -> memref<128x128xf32, #tpu.memory_space<vmem>>
      %dma_wait3A_241 = arith.constant 0 : i32
      %dma_wait3A_242 = tpu.memref_slice %arg7[%add3A_32, %dma_wait3A_241] : memref<10008x128xf32, #tpu.memory_space<vmem_shared>> -> memref<128x128xf32, #tpu.memory_space<vmem_shared>>
      %dma_wait3A_243 = arith.constant 0 : i32
      %dma_wait3A_244 = tpu.memref_slice %arg7[%add3A_32, %dma_wait3A_243] : memref<10008x128xf32, #tpu.memory_space<vmem_shared>> -> memref<128x128xf32, #tpu.memory_space<vmem_shared>>
      %dma_wait3A_245 = arith.constant 0 : i32
      %dma_wait3A_246 = arith.constant 0 : i32
      %dma_wait3A_247 = tpu.memref_slice %arg14[%dma_wait3A_245, %dma_wait3A_246] : memref<128x128xf32, #tpu.memory_space<vmem>> -> memref<128x128xf32, #tpu.memory_space<vmem>>
      tpu.wait_dma2 semaphore(%run_scoped3A_227 : memref<!tpu.dma_semaphore, #tpu.memory_space<semaphore_mem>>) src(%dma_wait3A_247 : memref<128x128xf32, #tpu.memory_space<vmem>>) dst(%dma_wait3A_244 : memref<128x128xf32, #tpu.memory_space<vmem_shared>>)
      tpu.yield
    }) : () -> ()
    %mul3A_33 = arith.constant 624 : i32
    %mul3A_34 = arith.muli %arg1, %mul3A_33 : i32
    %add3A_35 = arith.constant 384 : i32
    %add3A_36 = arith.addi %mul3A_34, %add3A_35 : i32
    "tpu.region"() ({
      %run_scoped3A_227 = tpu.sem_alloc : memref<!tpu.dma_semaphore, #tpu.memory_space<semaphore_mem>>
      %dma_start3A_228 = arith.constant 0 : i32
      %dma_start3A_229 = arith.constant 0 : i32
      %dma_start3A_230 = tpu.memref_slice %arg14[%dma_start3A_228, %dma_start3A_229] : memref<128x128xf32, #tpu.memory_space<vmem>> -> memref<128x128xf32, #tpu.memory_space<vmem>>
      %dma_start3A_231 = arith.constant 0 : i32
      %dma_start3A_232 = tpu.memref_slice %arg7[%add3A_36, %dma_start3A_231] : memref<10008x128xf32, #tpu.memory_space<vmem_shared>> -> memref<128x128xf32, #tpu.memory_space<vmem_shared>>
      %dma_start3A_233 = arith.constant 0 : i32
      %dma_start3A_234 = tpu.memref_slice %arg7[%add3A_36, %dma_start3A_233] : memref<10008x128xf32, #tpu.memory_space<vmem_shared>> -> memref<128x128xf32, #tpu.memory_space<vmem_shared>>
      %dma_start3A_235 = arith.constant 0 : i32
      %dma_start3A_236 = arith.constant 0 : i32
      %dma_start3A_237 = tpu.memref_slice %arg14[%dma_start3A_235, %dma_start3A_236] : memref<128x128xf32, #tpu.memory_space<vmem>> -> memref<128x128xf32, #tpu.memory_space<vmem>>
      tpu.enqueue_dma source(%dma_start3A_237 : memref<128x128xf32, #tpu.memory_space<vmem>>) target(%dma_start3A_234 : memref<128x128xf32, #tpu.memory_space<vmem_shared>>) target_semaphore(%run_scoped3A_227 : memref<!tpu.dma_semaphore, #tpu.memory_space<semaphore_mem>>)
      %dma_wait3A_238 = arith.constant 0 : i32
      %dma_wait3A_239 = arith.constant 0 : i32
      %dma_wait3A_240 = tpu.memref_slice %arg14[%dma_wait3A_238, %dma_wait3A_239] : memref<128x128xf32, #tpu.memory_space<vmem>> -> memref<128x128xf32, #tpu.memory_space<vmem>>
      %dma_wait3A_241 = arith.constant 0 : i32
      %dma_wait3A_242 = tpu.memref_slice %arg7[%add3A_36, %dma_wait3A_241] : memref<10008x128xf32, #tpu.memory_space<vmem_shared>> -> memref<128x128xf32, #tpu.memory_space<vmem_shared>>
      %dma_wait3A_243 = arith.constant 0 : i32
      %dma_wait3A_244 = tpu.memref_slice %arg7[%add3A_36, %dma_wait3A_243] : memref<10008x128xf32, #tpu.memory_space<vmem_shared>> -> memref<128x128xf32, #tpu.memory_space<vmem_shared>>
      %dma_wait3A_245 = arith.constant 0 : i32
      %dma_wait3A_246 = arith.constant 0 : i32
      %dma_wait3A_247 = tpu.memref_slice %arg14[%dma_wait3A_245, %dma_wait3A_246] : memref<128x128xf32, #tpu.memory_space<vmem>> -> memref<128x128xf32, #tpu.memory_space<vmem>>
      tpu.wait_dma2 semaphore(%run_scoped3A_227 : memref<!tpu.dma_semaphore, #tpu.memory_space<semaphore_mem>>) src(%dma_wait3A_247 : memref<128x128xf32, #tpu.memory_space<vmem>>) dst(%dma_wait3A_244 : memref<128x128xf32, #tpu.memory_space<vmem_shared>>)
      tpu.yield
    }) : () -> ()
    %mul3A_37 = arith.constant 624 : i32
    %mul3A_38 = arith.muli %arg1, %mul3A_37 : i32
    %add3A_39 = arith.constant 512 : i32
    %add3A_40 = arith.addi %mul3A_38, %add3A_39 : i32
    "tpu.region"() ({
      %run_scoped3A_227 = tpu.sem_alloc : memref<!tpu.dma_semaphore, #tpu.memory_space<semaphore_mem>>
      %dma_start3A_228 = arith.constant 0 : i32
      %dma_start3A_229 = arith.constant 0 : i32
      %dma_start3A_230 = tpu.memref_slice %arg14[%dma_start3A_228, %dma_start3A_229] : memref<128x128xf32, #tpu.memory_space<vmem>> -> memref<112x128xf32, #tpu.memory_space<vmem>>
      %dma_start3A_231 = arith.constant 0 : i32
      %dma_start3A_232 = tpu.memref_slice %arg7[%add3A_40, %dma_start3A_231] : memref<10008x128xf32, #tpu.memory_space<vmem_shared>> -> memref<112x128xf32, #tpu.memory_space<vmem_shared>>
      %dma_start3A_233 = arith.constant 0 : i32
      %dma_start3A_234 = tpu.memref_slice %arg7[%add3A_40, %dma_start3A_233] : memref<10008x128xf32, #tpu.memory_space<vmem_shared>> -> memref<112x128xf32, #tpu.memory_space<vmem_shared>>
      %dma_start3A_235 = arith.constant 0 : i32
      %dma_start3A_236 = arith.constant 0 : i32
      %dma_start3A_237 = tpu.memref_slice %arg14[%dma_start3A_235, %dma_start3A_236] : memref<128x128xf32, #tpu.memory_space<vmem>> -> memref<112x128xf32, #tpu.memory_space<vmem>>
      tpu.enqueue_dma source(%dma_start3A_237 : memref<112x128xf32, #tpu.memory_space<vmem>>) target(%dma_start3A_234 : memref<112x128xf32, #tpu.memory_space<vmem_shared>>) target_semaphore(%run_scoped3A_227 : memref<!tpu.dma_semaphore, #tpu.memory_space<semaphore_mem>>)
      %dma_wait3A_238 = arith.constant 0 : i32
      %dma_wait3A_239 = arith.constant 0 : i32
      %dma_wait3A_240 = tpu.memref_slice %arg14[%dma_wait3A_238, %dma_wait3A_239] : memref<128x128xf32, #tpu.memory_space<vmem>> -> memref<112x128xf32, #tpu.memory_space<vmem>>
      %dma_wait3A_241 = arith.constant 0 : i32
      %dma_wait3A_242 = tpu.memref_slice %arg7[%add3A_40, %dma_wait3A_241] : memref<10008x128xf32, #tpu.memory_space<vmem_shared>> -> memref<112x128xf32, #tpu.memory_space<vmem_shared>>
      %dma_wait3A_243 = arith.constant 0 : i32
      %dma_wait3A_244 = tpu.memref_slice %arg7[%add3A_40, %dma_wait3A_243] : memref<10008x128xf32, #tpu.memory_space<vmem_shared>> -> memref<112x128xf32, #tpu.memory_space<vmem_shared>>
      %dma_wait3A_245 = arith.constant 0 : i32
      %dma_wait3A_246 = arith.constant 0 : i32
      %dma_wait3A_247 = tpu.memref_slice %arg14[%dma_wait3A_245, %dma_wait3A_246] : memref<128x128xf32, #tpu.memory_space<vmem>> -> memref<112x128xf32, #tpu.memory_space<vmem>>
      tpu.wait_dma2 semaphore(%run_scoped3A_227 : memref<!tpu.dma_semaphore, #tpu.memory_space<semaphore_mem>>) src(%dma_wait3A_247 : memref<112x128xf32, #tpu.memory_space<vmem>>) dst(%dma_wait3A_244 : memref<112x128xf32, #tpu.memory_space<vmem_shared>>)
      tpu.yield
    }) : () -> ()
    %eq3A = arith.constant 15 : i32
    %eq3A_41 = arith.cmpi eq, %arg1, %eq3A : i32
    %convert_element_type3A = arith.extui %eq3A_41 : i1 to i32
    %cond3A = arith.constant 0 : i32
    %cond3A_42 = arith.cmpi ne, %convert_element_type3A, %cond3A : i32
    scf.if %cond3A_42 {
      "tpu.region"() ({
        %run_scoped3A_227 = tpu.sem_alloc : memref<!tpu.dma_semaphore, #tpu.memory_space<semaphore_mem>>
        %dma_start3A_228 = arith.constant 0 : i32
        %dma_start3A_229 = arith.constant 0 : i32
        %dma_start3A_230 = tpu.memref_slice %arg14[%dma_start3A_228, %dma_start3A_229] : memref<128x128xf32, #tpu.memory_space<vmem>> -> memref<24x128xf32, #tpu.memory_space<vmem>>
        %dma_start3A_231 = arith.constant 9984 : i32
        %dma_start3A_232 = arith.constant 0 : i32
        %dma_start3A_233 = tpu.memref_slice %arg7[%dma_start3A_231, %dma_start3A_232] : memref<10008x128xf32, #tpu.memory_space<vmem_shared>> -> memref<24x128xf32, #tpu.memory_space<vmem_shared>>
        %dma_start3A_234 = arith.constant 9984 : i32
        %dma_start3A_235 = arith.constant 0 : i32
        %dma_start3A_236 = tpu.memref_slice %arg7[%dma_start3A_234, %dma_start3A_235] : memref<10008x128xf32, #tpu.memory_space<vmem_shared>> -> memref<24x128xf32, #tpu.memory_space<vmem_shared>>
        %dma_start3A_237 = arith.constant 0 : i32
        %dma_start3A_238 = arith.constant 0 : i32
        %dma_start3A_239 = tpu.memref_slice %arg14[%dma_start3A_237, %dma_start3A_238] : memref<128x128xf32, #tpu.memory_space<vmem>> -> memref<24x128xf32, #tpu.memory_space<vmem>>
        tpu.enqueue_dma source(%dma_start3A_239 : memref<24x128xf32, #tpu.memory_space<vmem>>) target(%dma_start3A_236 : memref<24x128xf32, #tpu.memory_space<vmem_shared>>) target_semaphore(%run_scoped3A_227 : memref<!tpu.dma_semaphore, #tpu.memory_space<semaphore_mem>>)
        %dma_wait3A_240 = arith.constant 0 : i32
        %dma_wait3A_241 = arith.constant 0 : i32
        %dma_wait3A_242 = tpu.memref_slice %arg14[%dma_wait3A_240, %dma_wait3A_241] : memref<128x128xf32, #tpu.memory_space<vmem>> -> memref<24x128xf32, #tpu.memory_space<vmem>>
        %dma_wait3A_243 = arith.constant 9984 : i32
        %dma_wait3A_244 = arith.constant 0 : i32
        %dma_wait3A_245 = tpu.memref_slice %arg7[%dma_wait3A_243, %dma_wait3A_244] : memref<10008x128xf32, #tpu.memory_space<vmem_shared>> -> memref<24x128xf32, #tpu.memory_space<vmem_shared>>
        %dma_wait3A_246 = arith.constant 9984 : i32
        %dma_wait3A_247 = arith.constant 0 : i32
        %dma_wait3A_248 = tpu.memref_slice %arg7[%dma_wait3A_246, %dma_wait3A_247] : memref<10008x128xf32, #tpu.memory_space<vmem_shared>> -> memref<24x128xf32, #tpu.memory_space<vmem_shared>>
        %dma_wait3A_249 = arith.constant 0 : i32
        %dma_wait3A_250 = arith.constant 0 : i32
        %dma_wait3A_251 = tpu.memref_slice %arg14[%dma_wait3A_249, %dma_wait3A_250] : memref<128x128xf32, #tpu.memory_space<vmem>> -> memref<24x128xf32, #tpu.memory_space<vmem>>
        tpu.wait_dma2 semaphore(%run_scoped3A_227 : memref<!tpu.dma_semaphore, #tpu.memory_space<semaphore_mem>>) src(%dma_wait3A_251 : memref<24x128xf32, #tpu.memory_space<vmem>>) dst(%dma_wait3A_248 : memref<24x128xf32, #tpu.memory_space<vmem_shared>>)
        tpu.yield
      }) : () -> ()
    } else {
    }
    %run_scoped3A = arith.constant 0 : i32
    "tpu.region"() ({
      %run_scoped3A_227 = tpu.sem_alloc : memref<!tpu.dma_semaphore, #tpu.memory_space<semaphore_mem>>
      %dma_start3A_228 = arith.constant 0 : i32
      %dma_start3A_229 = tpu.memref_slice %arg3[%add3A, %run_scoped3A, %dma_start3A_228] : memref<32x80x128xi32, #tpu.memory_space<hbm>> -> memref<1x1x128xi32, #tpu.memory_space<hbm>>
      %dma_start3A_230 = tpu.memref_squeeze %dma_start3A_229 : memref<1x1x128xi32, #tpu.memory_space<hbm>> -> memref<128xi32, #tpu.memory_space<hbm>>
      %dma_start3A_231 = arith.constant 0 : i32
      %dma_start3A_232 = tpu.memref_slice %arg3[%add3A, %run_scoped3A, %dma_start3A_231] : memref<32x80x128xi32, #tpu.memory_space<hbm>> -> memref<1x1x128xi32, #tpu.memory_space<hbm>>
      %dma_start3A_233 = tpu.memref_squeeze %dma_start3A_232 : memref<1x1x128xi32, #tpu.memory_space<hbm>> -> memref<128xi32, #tpu.memory_space<hbm>>
      tpu.enqueue_dma source(%dma_start3A_233 : memref<128xi32, #tpu.memory_space<hbm>>) target(%arg9 : memref<128xi32, #tpu.memory_space<vmem>>) target_semaphore(%run_scoped3A_227 : memref<!tpu.dma_semaphore, #tpu.memory_space<semaphore_mem>>)
      %dma_wait3A_234 = arith.constant 0 : i32
      %dma_wait3A_235 = tpu.memref_slice %arg3[%add3A, %run_scoped3A, %dma_wait3A_234] : memref<32x80x128xi32, #tpu.memory_space<hbm>> -> memref<1x1x128xi32, #tpu.memory_space<hbm>>
      %dma_wait3A_236 = tpu.memref_squeeze %dma_wait3A_235 : memref<1x1x128xi32, #tpu.memory_space<hbm>> -> memref<128xi32, #tpu.memory_space<hbm>>
      %dma_wait3A_237 = arith.constant 0 : i32
      %dma_wait3A_238 = tpu.memref_slice %arg3[%add3A, %run_scoped3A, %dma_wait3A_237] : memref<32x80x128xi32, #tpu.memory_space<hbm>> -> memref<1x1x128xi32, #tpu.memory_space<hbm>>
      %dma_wait3A_239 = tpu.memref_squeeze %dma_wait3A_238 : memref<1x1x128xi32, #tpu.memory_space<hbm>> -> memref<128xi32, #tpu.memory_space<hbm>>
      tpu.wait_dma2 semaphore(%run_scoped3A_227 : memref<!tpu.dma_semaphore, #tpu.memory_space<semaphore_mem>>) src(%dma_wait3A_239 : memref<128xi32, #tpu.memory_space<hbm>>) dst(%arg9 : memref<128xi32, #tpu.memory_space<vmem>>)
      tpu.yield
    }) : () -> ()
    %barrier3A = arith.constant 0 : index
    tpu.barrier barrier_id(%barrier3A)
    %dma_start3A_43 = arith.constant 0 : i32
    %dma_start3A_44 = arith.constant 0 : i32
    %dma_start3A_45 = tpu.memref_slice %arg2[%dma_start3A_43, %dma_start3A_44] : memref<10000x128xf32, #tpu.memory_space<hbm>> -> memref<10000x128xf32, #tpu.memory_space<hbm>>
    tpu.enqueue_indirect_dma source(%dma_start3A_45 : memref<10000x128xf32, #tpu.memory_space<hbm>>) target(%arg13 : memref<128x128xf32, #tpu.memory_space<vmem>>) offsets(%arg9 : memref<128xi32, #tpu.memory_space<vmem>>) semaphore(%arg15 : memref<!tpu.dma_semaphore, #tpu.memory_space<semaphore_mem>>)
    %scan3A = arith.constant 0 : i32
    %scan3A_46 = arith.constant 0 : i32
    %scan3A_47 = arith.constant 20 : i32
    %scan3A_48 = arith.addi %scan3A_46, %scan3A_47 : i32
    %scan3A_49 = arith.constant 1 : i32
    scf.for %scan3A_227 = %scan3A_46 to %scan3A_48 step %scan3A_49  : i32 {
      %mul3A_228 = arith.constant 4 : i32
      %mul3A_229 = arith.muli %scan3A_227, %mul3A_228 : i32
      %add3A_230 = arith.constant 0 : i32
      %add3A_231 = arith.addi %mul3A_229, %add3A_230 : i32
      %add3A_232 = arith.constant 1 : i32
      %add3A_233 = arith.addi %add3A_231, %add3A_232 : i32
      %lt3A = arith.constant 80 : i32
      %lt3A_234 = arith.cmpi slt, %add3A_233, %lt3A : i32
      %convert_element_type3A_235 = arith.extui %lt3A_234 : i1 to i32
      %cond3A_236 = arith.constant 0 : i32
      %cond3A_237 = arith.cmpi ne, %convert_element_type3A_235, %cond3A_236 : i32
      scf.if %cond3A_237 {
        %dma_wait3A_347 = arith.constant 0 : i32
        %dma_wait3A_348 = arith.constant 0 : i32
        %dma_wait3A_349 = arith.constant 0 : i32
        %dma_wait3A_350 = tpu.memref_slice %arg3[%dma_wait3A_347, %dma_wait3A_348, %dma_wait3A_349] : memref<32x80x128xi32, #tpu.memory_space<hbm>> -> memref<1x1x128xi32, #tpu.memory_space<hbm>>
        %dma_wait3A_351 = tpu.memref_squeeze %dma_wait3A_350 : memref<1x1x128xi32, #tpu.memory_space<hbm>> -> memref<128xi32, #tpu.memory_space<hbm>>
        %dma_wait3A_352 = arith.constant 0 : i32
        %dma_wait3A_353 = tpu.memref_slice %arg3[%dma_wait3A_347, %dma_wait3A_348, %dma_wait3A_352] : memref<32x80x128xi32, #tpu.memory_space<hbm>> -> memref<1x1x128xi32, #tpu.memory_space<hbm>>
        %dma_wait3A_354 = tpu.memref_squeeze %dma_wait3A_353 : memref<1x1x128xi32, #tpu.memory_space<hbm>> -> memref<128xi32, #tpu.memory_space<hbm>>
        tpu.wait_dma2 semaphore(%arg16 : memref<!tpu.dma_semaphore, #tpu.memory_space<semaphore_mem>>) src(%dma_wait3A_354 : memref<128xi32, #tpu.memory_space<hbm>>) dst(%arg10 : memref<128xi32, #tpu.memory_space<vmem>>)
        %ge3A = arith.constant 1 : i32
        %ge3A_355 = arith.cmpi sge, %add3A_231, %ge3A : i32
        %convert_element_type3A_356 = arith.extui %ge3A_355 : i1 to i32
        %cond3A_357 = arith.constant 0 : i32
        %cond3A_358 = arith.cmpi ne, %convert_element_type3A_356, %cond3A_357 : i32
        scf.if %cond3A_358 {
          %dma_wait3A_362 = arith.constant 0 : i32
          %dma_wait3A_363 = arith.constant 0 : i32
          %dma_wait3A_364 = tpu.memref_slice %arg7[%dma_wait3A_362, %dma_wait3A_363] : memref<10008x128xf32, #tpu.memory_space<vmem_shared>> -> memref<128x128xf32, #tpu.memory_space<vmem_shared>>
          %dma_wait3A_365 = arith.constant 0 : i32
          %dma_wait3A_366 = arith.constant 0 : i32
          %dma_wait3A_367 = tpu.memref_slice %arg7[%dma_wait3A_365, %dma_wait3A_366] : memref<10008x128xf32, #tpu.memory_space<vmem_shared>> -> memref<128x128xf32, #tpu.memory_space<vmem_shared>>
          tpu.wait_dma2 semaphore(%arg17 : memref<!tpu.dma_semaphore, #tpu.memory_space<semaphore_mem>>) src(%arg13 : memref<128x128xf32, #tpu.memory_space<vmem>>) dst(%dma_wait3A_367 : memref<128x128xf32, #tpu.memory_space<vmem_shared>>)
        } else {
        }
        %dma_start3A_359 = arith.constant 0 : i32
        %dma_start3A_360 = arith.constant 0 : i32
        %dma_start3A_361 = tpu.memref_slice %arg2[%dma_start3A_359, %dma_start3A_360] : memref<10000x128xf32, #tpu.memory_space<hbm>> -> memref<10000x128xf32, #tpu.memory_space<hbm>>
        tpu.enqueue_indirect_dma source(%dma_start3A_361 : memref<10000x128xf32, #tpu.memory_space<hbm>>) target(%arg14 : memref<128x128xf32, #tpu.memory_space<vmem>>) offsets(%arg10 : memref<128xi32, #tpu.memory_space<vmem>>) semaphore(%arg15 : memref<!tpu.dma_semaphore, #tpu.memory_space<semaphore_mem>>)
      } else {
      }
      %dma_wait3A_238 = arith.constant 0 : i32
      %dma_wait3A_239 = arith.constant 0 : i32
      %dma_wait3A_240 = tpu.memref_slice %arg2[%dma_wait3A_238, %dma_wait3A_239] : memref<10000x128xf32, #tpu.memory_space<hbm>> -> memref<128x128xf32, #tpu.memory_space<hbm>>
      %dma_wait3A_241 = arith.constant 0 : i32
      %dma_wait3A_242 = arith.constant 0 : i32
      %dma_wait3A_243 = tpu.memref_slice %arg2[%dma_wait3A_241, %dma_wait3A_242] : memref<10000x128xf32, #tpu.memory_space<hbm>> -> memref<128x128xf32, #tpu.memory_space<hbm>>
      tpu.wait_dma2 semaphore(%arg15 : memref<!tpu.dma_semaphore, #tpu.memory_space<semaphore_mem>>) src(%dma_wait3A_243 : memref<128x128xf32, #tpu.memory_space<hbm>>) dst(%arg13 : memref<128x128xf32, #tpu.memory_space<vmem>>)
      %dma_start3A_244 = arith.constant 0 : i32
      %dma_start3A_245 = tpu.memref_slice %arg8[%add3A_231, %dma_start3A_244] : memref<80x128xi32, #tpu.memory_space<vmem>> -> memref<1x128xi32, #tpu.memory_space<vmem>>
      %dma_start3A_246 = tpu.memref_squeeze %dma_start3A_245 : memref<1x128xi32, #tpu.memory_space<vmem>> -> memref<128xi32, #tpu.memory_space<vmem>>
      %dma_start3A_247 = arith.constant 0 : i32
      %dma_start3A_248 = arith.constant 0 : i32
      %dma_start3A_249 = tpu.memref_slice %arg7[%dma_start3A_247, %dma_start3A_248] : memref<10008x128xf32, #tpu.memory_space<vmem_shared>> -> memref<10008x128xf32, #tpu.memory_space<vmem_shared>>
      tpu.enqueue_indirect_dma source(%arg13 : memref<128x128xf32, #tpu.memory_space<vmem>>) target(%dma_start3A_249 : memref<10008x128xf32, #tpu.memory_space<vmem_shared>>) offsets(%dma_start3A_246 : memref<128xi32, #tpu.memory_space<vmem>>) semaphore(%arg17 : memref<!tpu.dma_semaphore, #tpu.memory_space<semaphore_mem>>) {add = true}
      %add3A_250 = arith.constant 4 : i32
      %add3A_251 = arith.addi %add3A_231, %add3A_250 : i32
      %lt3A_252 = arith.constant 80 : i32
      %lt3A_253 = arith.cmpi slt, %add3A_251, %lt3A_252 : i32
      %convert_element_type3A_254 = arith.extui %lt3A_253 : i1 to i32
      %cond3A_255 = arith.constant 0 : i32
      %cond3A_256 = arith.cmpi ne, %convert_element_type3A_254, %cond3A_255 : i32
      scf.if %cond3A_256 {
        %add3A_347 = arith.constant 4 : i32
        %add3A_348 = arith.addi %add3A_231, %add3A_347 : i32
        %dma_start3A_349 = arith.constant 0 : i32
        %dma_start3A_350 = tpu.memref_slice %arg3[%add3A, %add3A_348, %dma_start3A_349] : memref<32x80x128xi32, #tpu.memory_space<hbm>> -> memref<1x1x128xi32, #tpu.memory_space<hbm>>
        %dma_start3A_351 = tpu.memref_squeeze %dma_start3A_350 : memref<1x1x128xi32, #tpu.memory_space<hbm>> -> memref<128xi32, #tpu.memory_space<hbm>>
        %dma_start3A_352 = arith.constant 0 : i32
        %dma_start3A_353 = tpu.memref_slice %arg3[%add3A, %add3A_348, %dma_start3A_352] : memref<32x80x128xi32, #tpu.memory_space<hbm>> -> memref<1x1x128xi32, #tpu.memory_space<hbm>>
        %dma_start3A_354 = tpu.memref_squeeze %dma_start3A_353 : memref<1x1x128xi32, #tpu.memory_space<hbm>> -> memref<128xi32, #tpu.memory_space<hbm>>
        tpu.enqueue_dma source(%dma_start3A_354 : memref<128xi32, #tpu.memory_space<hbm>>) target(%arg9 : memref<128xi32, #tpu.memory_space<vmem>>) target_semaphore(%arg16 : memref<!tpu.dma_semaphore, #tpu.memory_space<semaphore_mem>>)
      } else {
      }
      %mul3A_257 = arith.constant 4 : i32
      %mul3A_258 = arith.muli %scan3A_227, %mul3A_257 : i32
      %add3A_259 = arith.constant 1 : i32
      %add3A_260 = arith.addi %mul3A_258, %add3A_259 : i32
      %add3A_261 = arith.constant 1 : i32
      %add3A_262 = arith.addi %add3A_260, %add3A_261 : i32
      %lt3A_263 = arith.constant 80 : i32
      %lt3A_264 = arith.cmpi slt, %add3A_262, %lt3A_263 : i32
      %convert_element_type3A_265 = arith.extui %lt3A_264 : i1 to i32
      %cond3A_266 = arith.constant 0 : i32
      %cond3A_267 = arith.cmpi ne, %convert_element_type3A_265, %cond3A_266 : i32
      scf.if %cond3A_267 {
        %dma_wait3A_347 = arith.constant 0 : i32
        %dma_wait3A_348 = arith.constant 0 : i32
        %dma_wait3A_349 = arith.constant 0 : i32
        %dma_wait3A_350 = tpu.memref_slice %arg3[%dma_wait3A_347, %dma_wait3A_348, %dma_wait3A_349] : memref<32x80x128xi32, #tpu.memory_space<hbm>> -> memref<1x1x128xi32, #tpu.memory_space<hbm>>
        %dma_wait3A_351 = tpu.memref_squeeze %dma_wait3A_350 : memref<1x1x128xi32, #tpu.memory_space<hbm>> -> memref<128xi32, #tpu.memory_space<hbm>>
        %dma_wait3A_352 = arith.constant 0 : i32
        %dma_wait3A_353 = tpu.memref_slice %arg3[%dma_wait3A_347, %dma_wait3A_348, %dma_wait3A_352] : memref<32x80x128xi32, #tpu.memory_space<hbm>> -> memref<1x1x128xi32, #tpu.memory_space<hbm>>
        %dma_wait3A_354 = tpu.memref_squeeze %dma_wait3A_353 : memref<1x1x128xi32, #tpu.memory_space<hbm>> -> memref<128xi32, #tpu.memory_space<hbm>>
        tpu.wait_dma2 semaphore(%arg16 : memref<!tpu.dma_semaphore, #tpu.memory_space<semaphore_mem>>) src(%dma_wait3A_354 : memref<128xi32, #tpu.memory_space<hbm>>) dst(%arg11 : memref<128xi32, #tpu.memory_space<vmem>>)
        %ge3A = arith.constant 1 : i32
        %ge3A_355 = arith.cmpi sge, %add3A_260, %ge3A : i32
        %convert_element_type3A_356 = arith.extui %ge3A_355 : i1 to i32
        %cond3A_357 = arith.constant 0 : i32
        %cond3A_358 = arith.cmpi ne, %convert_element_type3A_356, %cond3A_357 : i32
        scf.if %cond3A_358 {
          %dma_wait3A_362 = arith.constant 0 : i32
          %dma_wait3A_363 = arith.constant 0 : i32
          %dma_wait3A_364 = tpu.memref_slice %arg7[%dma_wait3A_362, %dma_wait3A_363] : memref<10008x128xf32, #tpu.memory_space<vmem_shared>> -> memref<128x128xf32, #tpu.memory_space<vmem_shared>>
          %dma_wait3A_365 = arith.constant 0 : i32
          %dma_wait3A_366 = arith.constant 0 : i32
          %dma_wait3A_367 = tpu.memref_slice %arg7[%dma_wait3A_365, %dma_wait3A_366] : memref<10008x128xf32, #tpu.memory_space<vmem_shared>> -> memref<128x128xf32, #tpu.memory_space<vmem_shared>>
          tpu.wait_dma2 semaphore(%arg17 : memref<!tpu.dma_semaphore, #tpu.memory_space<semaphore_mem>>) src(%arg13 : memref<128x128xf32, #tpu.memory_space<vmem>>) dst(%dma_wait3A_367 : memref<128x128xf32, #tpu.memory_space<vmem_shared>>)
        } else {
        }
        %dma_start3A_359 = arith.constant 0 : i32
        %dma_start3A_360 = arith.constant 0 : i32
        %dma_start3A_361 = tpu.memref_slice %arg2[%dma_start3A_359, %dma_start3A_360] : memref<10000x128xf32, #tpu.memory_space<hbm>> -> memref<10000x128xf32, #tpu.memory_space<hbm>>
        tpu.enqueue_indirect_dma source(%dma_start3A_361 : memref<10000x128xf32, #tpu.memory_space<hbm>>) target(%arg13 : memref<128x128xf32, #tpu.memory_space<vmem>>) offsets(%arg11 : memref<128xi32, #tpu.memory_space<vmem>>) semaphore(%arg15 : memref<!tpu.dma_semaphore, #tpu.memory_space<semaphore_mem>>)
      } else {
      }
      %dma_wait3A_268 = arith.constant 0 : i32
      %dma_wait3A_269 = arith.constant 0 : i32
      %dma_wait3A_270 = tpu.memref_slice %arg2[%dma_wait3A_268, %dma_wait3A_269] : memref<10000x128xf32, #tpu.memory_space<hbm>> -> memref<128x128xf32, #tpu.memory_space<hbm>>
      %dma_wait3A_271 = arith.constant 0 : i32
      %dma_wait3A_272 = arith.constant 0 : i32
      %dma_wait3A_273 = tpu.memref_slice %arg2[%dma_wait3A_271, %dma_wait3A_272] : memref<10000x128xf32, #tpu.memory_space<hbm>> -> memref<128x128xf32, #tpu.memory_space<hbm>>
      tpu.wait_dma2 semaphore(%arg15 : memref<!tpu.dma_semaphore, #tpu.memory_space<semaphore_mem>>) src(%dma_wait3A_273 : memref<128x128xf32, #tpu.memory_space<hbm>>) dst(%arg14 : memref<128x128xf32, #tpu.memory_space<vmem>>)
      %dma_start3A_274 = arith.constant 0 : i32
      %dma_start3A_275 = tpu.memref_slice %arg8[%add3A_260, %dma_start3A_274] : memref<80x128xi32, #tpu.memory_space<vmem>> -> memref<1x128xi32, #tpu.memory_space<vmem>>
      %dma_start3A_276 = tpu.memref_squeeze %dma_start3A_275 : memref<1x128xi32, #tpu.memory_space<vmem>> -> memref<128xi32, #tpu.memory_space<vmem>>
      %dma_start3A_277 = arith.constant 0 : i32
      %dma_start3A_278 = arith.constant 0 : i32
      %dma_start3A_279 = tpu.memref_slice %arg7[%dma_start3A_277, %dma_start3A_278] : memref<10008x128xf32, #tpu.memory_space<vmem_shared>> -> memref<10008x128xf32, #tpu.memory_space<vmem_shared>>
      tpu.enqueue_indirect_dma source(%arg14 : memref<128x128xf32, #tpu.memory_space<vmem>>) target(%dma_start3A_279 : memref<10008x128xf32, #tpu.memory_space<vmem_shared>>) offsets(%dma_start3A_276 : memref<128xi32, #tpu.memory_space<vmem>>) semaphore(%arg17 : memref<!tpu.dma_semaphore, #tpu.memory_space<semaphore_mem>>) {add = true}
      %add3A_280 = arith.constant 4 : i32
      %add3A_281 = arith.addi %add3A_260, %add3A_280 : i32
      %lt3A_282 = arith.constant 80 : i32
      %lt3A_283 = arith.cmpi slt, %add3A_281, %lt3A_282 : i32
      %convert_element_type3A_284 = arith.extui %lt3A_283 : i1 to i32
      %cond3A_285 = arith.constant 0 : i32
      %cond3A_286 = arith.cmpi ne, %convert_element_type3A_284, %cond3A_285 : i32
      scf.if %cond3A_286 {
        %add3A_347 = arith.constant 4 : i32
        %add3A_348 = arith.addi %add3A_260, %add3A_347 : i32
        %dma_start3A_349 = arith.constant 0 : i32
        %dma_start3A_350 = tpu.memref_slice %arg3[%add3A, %add3A_348, %dma_start3A_349] : memref<32x80x128xi32, #tpu.memory_space<hbm>> -> memref<1x1x128xi32, #tpu.memory_space<hbm>>
        %dma_start3A_351 = tpu.memref_squeeze %dma_start3A_350 : memref<1x1x128xi32, #tpu.memory_space<hbm>> -> memref<128xi32, #tpu.memory_space<hbm>>
        %dma_start3A_352 = arith.constant 0 : i32
        %dma_start3A_353 = tpu.memref_slice %arg3[%add3A, %add3A_348, %dma_start3A_352] : memref<32x80x128xi32, #tpu.memory_space<hbm>> -> memref<1x1x128xi32, #tpu.memory_space<hbm>>
        %dma_start3A_354 = tpu.memref_squeeze %dma_start3A_353 : memref<1x1x128xi32, #tpu.memory_space<hbm>> -> memref<128xi32, #tpu.memory_space<hbm>>
        tpu.enqueue_dma source(%dma_start3A_354 : memref<128xi32, #tpu.memory_space<hbm>>) target(%arg10 : memref<128xi32, #tpu.memory_space<vmem>>) target_semaphore(%arg16 : memref<!tpu.dma_semaphore, #tpu.memory_space<semaphore_mem>>)
      } else {
      }
      %mul3A_287 = arith.constant 4 : i32
      %mul3A_288 = arith.muli %scan3A_227, %mul3A_287 : i32
      %add3A_289 = arith.constant 2 : i32
      %add3A_290 = arith.addi %mul3A_288, %add3A_289 : i32
      %add3A_291 = arith.constant 1 : i32
      %add3A_292 = arith.addi %add3A_290, %add3A_291 : i32
      %lt3A_293 = arith.constant 80 : i32
      %lt3A_294 = arith.cmpi slt, %add3A_292, %lt3A_293 : i32
      %convert_element_type3A_295 = arith.extui %lt3A_294 : i1 to i32
      %cond3A_296 = arith.constant 0 : i32
      %cond3A_297 = arith.cmpi ne, %convert_element_type3A_295, %cond3A_296 : i32
      scf.if %cond3A_297 {
        %dma_wait3A_347 = arith.constant 0 : i32
        %dma_wait3A_348 = arith.constant 0 : i32
        %dma_wait3A_349 = arith.constant 0 : i32
        %dma_wait3A_350 = tpu.memref_slice %arg3[%dma_wait3A_347, %dma_wait3A_348, %dma_wait3A_349] : memref<32x80x128xi32, #tpu.memory_space<hbm>> -> memref<1x1x128xi32, #tpu.memory_space<hbm>>
        %dma_wait3A_351 = tpu.memref_squeeze %dma_wait3A_350 : memref<1x1x128xi32, #tpu.memory_space<hbm>> -> memref<128xi32, #tpu.memory_space<hbm>>
        %dma_wait3A_352 = arith.constant 0 : i32
        %dma_wait3A_353 = tpu.memref_slice %arg3[%dma_wait3A_347, %dma_wait3A_348, %dma_wait3A_352] : memref<32x80x128xi32, #tpu.memory_space<hbm>> -> memref<1x1x128xi32, #tpu.memory_space<hbm>>
        %dma_wait3A_354 = tpu.memref_squeeze %dma_wait3A_353 : memref<1x1x128xi32, #tpu.memory_space<hbm>> -> memref<128xi32, #tpu.memory_space<hbm>>
        tpu.wait_dma2 semaphore(%arg16 : memref<!tpu.dma_semaphore, #tpu.memory_space<semaphore_mem>>) src(%dma_wait3A_354 : memref<128xi32, #tpu.memory_space<hbm>>) dst(%arg12 : memref<128xi32, #tpu.memory_space<vmem>>)
        %ge3A = arith.constant 1 : i32
        %ge3A_355 = arith.cmpi sge, %add3A_290, %ge3A : i32
        %convert_element_type3A_356 = arith.extui %ge3A_355 : i1 to i32
        %cond3A_357 = arith.constant 0 : i32
        %cond3A_358 = arith.cmpi ne, %convert_element_type3A_356, %cond3A_357 : i32
        scf.if %cond3A_358 {
          %dma_wait3A_362 = arith.constant 0 : i32
          %dma_wait3A_363 = arith.constant 0 : i32
          %dma_wait3A_364 = tpu.memref_slice %arg7[%dma_wait3A_362, %dma_wait3A_363] : memref<10008x128xf32, #tpu.memory_space<vmem_shared>> -> memref<128x128xf32, #tpu.memory_space<vmem_shared>>
          %dma_wait3A_365 = arith.constant 0 : i32
          %dma_wait3A_366 = arith.constant 0 : i32
          %dma_wait3A_367 = tpu.memref_slice %arg7[%dma_wait3A_365, %dma_wait3A_366] : memref<10008x128xf32, #tpu.memory_space<vmem_shared>> -> memref<128x128xf32, #tpu.memory_space<vmem_shared>>
          tpu.wait_dma2 semaphore(%arg17 : memref<!tpu.dma_semaphore, #tpu.memory_space<semaphore_mem>>) src(%arg13 : memref<128x128xf32, #tpu.memory_space<vmem>>) dst(%dma_wait3A_367 : memref<128x128xf32, #tpu.memory_space<vmem_shared>>)
        } else {
        }
        %dma_start3A_359 = arith.constant 0 : i32
        %dma_start3A_360 = arith.constant 0 : i32
        %dma_start3A_361 = tpu.memref_slice %arg2[%dma_start3A_359, %dma_start3A_360] : memref<10000x128xf32, #tpu.memory_space<hbm>> -> memref<10000x128xf32, #tpu.memory_space<hbm>>
        tpu.enqueue_indirect_dma source(%dma_start3A_361 : memref<10000x128xf32, #tpu.memory_space<hbm>>) target(%arg14 : memref<128x128xf32, #tpu.memory_space<vmem>>) offsets(%arg12 : memref<128xi32, #tpu.memory_space<vmem>>) semaphore(%arg15 : memref<!tpu.dma_semaphore, #tpu.memory_space<semaphore_mem>>)
      } else {
      }
      %dma_wait3A_298 = arith.constant 0 : i32
      %dma_wait3A_299 = arith.constant 0 : i32
      %dma_wait3A_300 = tpu.memref_slice %arg2[%dma_wait3A_298, %dma_wait3A_299] : memref<10000x128xf32, #tpu.memory_space<hbm>> -> memref<128x128xf32, #tpu.memory_space<hbm>>
      %dma_wait3A_301 = arith.constant 0 : i32
      %dma_wait3A_302 = arith.constant 0 : i32
      %dma_wait3A_303 = tpu.memref_slice %arg2[%dma_wait3A_301, %dma_wait3A_302] : memref<10000x128xf32, #tpu.memory_space<hbm>> -> memref<128x128xf32, #tpu.memory_space<hbm>>
      tpu.wait_dma2 semaphore(%arg15 : memref<!tpu.dma_semaphore, #tpu.memory_space<semaphore_mem>>) src(%dma_wait3A_303 : memref<128x128xf32, #tpu.memory_space<hbm>>) dst(%arg13 : memref<128x128xf32, #tpu.memory_space<vmem>>)
      %dma_start3A_304 = arith.constant 0 : i32
      %dma_start3A_305 = tpu.memref_slice %arg8[%add3A_290, %dma_start3A_304] : memref<80x128xi32, #tpu.memory_space<vmem>> -> memref<1x128xi32, #tpu.memory_space<vmem>>
      %dma_start3A_306 = tpu.memref_squeeze %dma_start3A_305 : memref<1x128xi32, #tpu.memory_space<vmem>> -> memref<128xi32, #tpu.memory_space<vmem>>
      %dma_start3A_307 = arith.constant 0 : i32
      %dma_start3A_308 = arith.constant 0 : i32
      %dma_start3A_309 = tpu.memref_slice %arg7[%dma_start3A_307, %dma_start3A_308] : memref<10008x128xf32, #tpu.memory_space<vmem_shared>> -> memref<10008x128xf32, #tpu.memory_space<vmem_shared>>
      tpu.enqueue_indirect_dma source(%arg13 : memref<128x128xf32, #tpu.memory_space<vmem>>) target(%dma_start3A_309 : memref<10008x128xf32, #tpu.memory_space<vmem_shared>>) offsets(%dma_start3A_306 : memref<128xi32, #tpu.memory_space<vmem>>) semaphore(%arg17 : memref<!tpu.dma_semaphore, #tpu.memory_space<semaphore_mem>>) {add = true}
      %add3A_310 = arith.constant 4 : i32
      %add3A_311 = arith.addi %add3A_290, %add3A_310 : i32
      %lt3A_312 = arith.constant 80 : i32
      %lt3A_313 = arith.cmpi slt, %add3A_311, %lt3A_312 : i32
      %convert_element_type3A_314 = arith.extui %lt3A_313 : i1 to i32
      %cond3A_315 = arith.constant 0 : i32
      %cond3A_316 = arith.cmpi ne, %convert_element_type3A_314, %cond3A_315 : i32
      scf.if %cond3A_316 {
        %add3A_347 = arith.constant 4 : i32
        %add3A_348 = arith.addi %add3A_290, %add3A_347 : i32
        %dma_start3A_349 = arith.constant 0 : i32
        %dma_start3A_350 = tpu.memref_slice %arg3[%add3A, %add3A_348, %dma_start3A_349] : memref<32x80x128xi32, #tpu.memory_space<hbm>> -> memref<1x1x128xi32, #tpu.memory_space<hbm>>
        %dma_start3A_351 = tpu.memref_squeeze %dma_start3A_350 : memref<1x1x128xi32, #tpu.memory_space<hbm>> -> memref<128xi32, #tpu.memory_space<hbm>>
        %dma_start3A_352 = arith.constant 0 : i32
        %dma_start3A_353 = tpu.memref_slice %arg3[%add3A, %add3A_348, %dma_start3A_352] : memref<32x80x128xi32, #tpu.memory_space<hbm>> -> memref<1x1x128xi32, #tpu.memory_space<hbm>>
        %dma_start3A_354 = tpu.memref_squeeze %dma_start3A_353 : memref<1x1x128xi32, #tpu.memory_space<hbm>> -> memref<128xi32, #tpu.memory_space<hbm>>
        tpu.enqueue_dma source(%dma_start3A_354 : memref<128xi32, #tpu.memory_space<hbm>>) target(%arg11 : memref<128xi32, #tpu.memory_space<vmem>>) target_semaphore(%arg16 : memref<!tpu.dma_semaphore, #tpu.memory_space<semaphore_mem>>)
      } else {
      }
      %mul3A_317 = arith.constant 4 : i32
      %mul3A_318 = arith.muli %scan3A_227, %mul3A_317 : i32
      %add3A_319 = arith.constant 3 : i32
      %add3A_320 = arith.addi %mul3A_318, %add3A_319 : i32
      %add3A_321 = arith.constant 1 : i32
      %add3A_322 = arith.addi %add3A_320, %add3A_321 : i32
      %lt3A_323 = arith.constant 80 : i32
      %lt3A_324 = arith.cmpi slt, %add3A_322, %lt3A_323 : i32
      %convert_element_type3A_325 = arith.extui %lt3A_324 : i1 to i32
      %cond3A_326 = arith.constant 0 : i32
      %cond3A_327 = arith.cmpi ne, %convert_element_type3A_325, %cond3A_326 : i32
      scf.if %cond3A_327 {
        %dma_wait3A_347 = arith.constant 0 : i32
        %dma_wait3A_348 = arith.constant 0 : i32
        %dma_wait3A_349 = arith.constant 0 : i32
        %dma_wait3A_350 = tpu.memref_slice %arg3[%dma_wait3A_347, %dma_wait3A_348, %dma_wait3A_349] : memref<32x80x128xi32, #tpu.memory_space<hbm>> -> memref<1x1x128xi32, #tpu.memory_space<hbm>>
        %dma_wait3A_351 = tpu.memref_squeeze %dma_wait3A_350 : memref<1x1x128xi32, #tpu.memory_space<hbm>> -> memref<128xi32, #tpu.memory_space<hbm>>
        %dma_wait3A_352 = arith.constant 0 : i32
        %dma_wait3A_353 = tpu.memref_slice %arg3[%dma_wait3A_347, %dma_wait3A_348, %dma_wait3A_352] : memref<32x80x128xi32, #tpu.memory_space<hbm>> -> memref<1x1x128xi32, #tpu.memory_space<hbm>>
        %dma_wait3A_354 = tpu.memref_squeeze %dma_wait3A_353 : memref<1x1x128xi32, #tpu.memory_space<hbm>> -> memref<128xi32, #tpu.memory_space<hbm>>
        tpu.wait_dma2 semaphore(%arg16 : memref<!tpu.dma_semaphore, #tpu.memory_space<semaphore_mem>>) src(%dma_wait3A_354 : memref<128xi32, #tpu.memory_space<hbm>>) dst(%arg9 : memref<128xi32, #tpu.memory_space<vmem>>)
        %ge3A = arith.constant 1 : i32
        %ge3A_355 = arith.cmpi sge, %add3A_320, %ge3A : i32
        %convert_element_type3A_356 = arith.extui %ge3A_355 : i1 to i32
        %cond3A_357 = arith.constant 0 : i32
        %cond3A_358 = arith.cmpi ne, %convert_element_type3A_356, %cond3A_357 : i32
        scf.if %cond3A_358 {
          %dma_wait3A_362 = arith.constant 0 : i32
          %dma_wait3A_363 = arith.constant 0 : i32
          %dma_wait3A_364 = tpu.memref_slice %arg7[%dma_wait3A_362, %dma_wait3A_363] : memref<10008x128xf32, #tpu.memory_space<vmem_shared>> -> memref<128x128xf32, #tpu.memory_space<vmem_shared>>
          %dma_wait3A_365 = arith.constant 0 : i32
          %dma_wait3A_366 = arith.constant 0 : i32
          %dma_wait3A_367 = tpu.memref_slice %arg7[%dma_wait3A_365, %dma_wait3A_366] : memref<10008x128xf32, #tpu.memory_space<vmem_shared>> -> memref<128x128xf32, #tpu.memory_space<vmem_shared>>
          tpu.wait_dma2 semaphore(%arg17 : memref<!tpu.dma_semaphore, #tpu.memory_space<semaphore_mem>>) src(%arg13 : memref<128x128xf32, #tpu.memory_space<vmem>>) dst(%dma_wait3A_367 : memref<128x128xf32, #tpu.memory_space<vmem_shared>>)
        } else {
        }
        %dma_start3A_359 = arith.constant 0 : i32
        %dma_start3A_360 = arith.constant 0 : i32
        %dma_start3A_361 = tpu.memref_slice %arg2[%dma_start3A_359, %dma_start3A_360] : memref<10000x128xf32, #tpu.memory_space<hbm>> -> memref<10000x128xf32, #tpu.memory_space<hbm>>
        tpu.enqueue_indirect_dma source(%dma_start3A_361 : memref<10000x128xf32, #tpu.memory_space<hbm>>) target(%arg13 : memref<128x128xf32, #tpu.memory_space<vmem>>) offsets(%arg9 : memref<128xi32, #tpu.memory_space<vmem>>) semaphore(%arg15 : memref<!tpu.dma_semaphore, #tpu.memory_space<semaphore_mem>>)
      } else {
      }
      %dma_wait3A_328 = arith.constant 0 : i32
      %dma_wait3A_329 = arith.constant 0 : i32
      %dma_wait3A_330 = tpu.memref_slice %arg2[%dma_wait3A_328, %dma_wait3A_329] : memref<10000x128xf32, #tpu.memory_space<hbm>> -> memref<128x128xf32, #tpu.memory_space<hbm>>
      %dma_wait3A_331 = arith.constant 0 : i32
      %dma_wait3A_332 = arith.constant 0 : i32
      %dma_wait3A_333 = tpu.memref_slice %arg2[%dma_wait3A_331, %dma_wait3A_332] : memref<10000x128xf32, #tpu.memory_space<hbm>> -> memref<128x128xf32, #tpu.memory_space<hbm>>
      tpu.wait_dma2 semaphore(%arg15 : memref<!tpu.dma_semaphore, #tpu.memory_space<semaphore_mem>>) src(%dma_wait3A_333 : memref<128x128xf32, #tpu.memory_space<hbm>>) dst(%arg14 : memref<128x128xf32, #tpu.memory_space<vmem>>)
      %dma_start3A_334 = arith.constant 0 : i32
      %dma_start3A_335 = tpu.memref_slice %arg8[%add3A_320, %dma_start3A_334] : memref<80x128xi32, #tpu.memory_space<vmem>> -> memref<1x128xi32, #tpu.memory_space<vmem>>
      %dma_start3A_336 = tpu.memref_squeeze %dma_start3A_335 : memref<1x128xi32, #tpu.memory_space<vmem>> -> memref<128xi32, #tpu.memory_space<vmem>>
      %dma_start3A_337 = arith.constant 0 : i32
      %dma_start3A_338 = arith.constant 0 : i32
      %dma_start3A_339 = tpu.memref_slice %arg7[%dma_start3A_337, %dma_start3A_338] : memref<10008x128xf32, #tpu.memory_space<vmem_shared>> -> memref<10008x128xf32, #tpu.memory_space<vmem_shared>>
      tpu.enqueue_indirect_dma source(%arg14 : memref<128x128xf32, #tpu.memory_space<vmem>>) target(%dma_start3A_339 : memref<10008x128xf32, #tpu.memory_space<vmem_shared>>) offsets(%dma_start3A_336 : memref<128xi32, #tpu.memory_space<vmem>>) semaphore(%arg17 : memref<!tpu.dma_semaphore, #tpu.memory_space<semaphore_mem>>) {add = true}
      %add3A_340 = arith.constant 4 : i32
      %add3A_341 = arith.addi %add3A_320, %add3A_340 : i32
      %lt3A_342 = arith.constant 80 : i32
      %lt3A_343 = arith.cmpi slt, %add3A_341, %lt3A_342 : i32
      %convert_element_type3A_344 = arith.extui %lt3A_343 : i1 to i32
      %cond3A_345 = arith.constant 0 : i32
      %cond3A_346 = arith.cmpi ne, %convert_element_type3A_344, %cond3A_345 : i32
      scf.if %cond3A_346 {
        %add3A_347 = arith.constant 4 : i32
        %add3A_348 = arith.addi %add3A_320, %add3A_347 : i32
        %dma_start3A_349 = arith.constant 0 : i32
        %dma_start3A_350 = tpu.memref_slice %arg3[%add3A, %add3A_348, %dma_start3A_349] : memref<32x80x128xi32, #tpu.memory_space<hbm>> -> memref<1x1x128xi32, #tpu.memory_space<hbm>>
        %dma_start3A_351 = tpu.memref_squeeze %dma_start3A_350 : memref<1x1x128xi32, #tpu.memory_space<hbm>> -> memref<128xi32, #tpu.memory_space<hbm>>
        %dma_start3A_352 = arith.constant 0 : i32
        %dma_start3A_353 = tpu.memref_slice %arg3[%add3A, %add3A_348, %dma_start3A_352] : memref<32x80x128xi32, #tpu.memory_space<hbm>> -> memref<1x1x128xi32, #tpu.memory_space<hbm>>
        %dma_start3A_354 = tpu.memref_squeeze %dma_start3A_353 : memref<1x1x128xi32, #tpu.memory_space<hbm>> -> memref<128xi32, #tpu.memory_space<hbm>>
        tpu.enqueue_dma source(%dma_start3A_354 : memref<128xi32, #tpu.memory_space<hbm>>) target(%arg12 : memref<128xi32, #tpu.memory_space<vmem>>) target_semaphore(%arg16 : memref<!tpu.dma_semaphore, #tpu.memory_space<semaphore_mem>>)
      } else {
      }
    }
    %scan3A_50 = arith.constant 20 : i32
    %dma_wait3A = arith.constant 0 : i32
    %dma_wait3A_51 = arith.constant 0 : i32
    %dma_wait3A_52 = tpu.memref_slice %arg7[%dma_wait3A, %dma_wait3A_51] : memref<10008x128xf32, #tpu.memory_space<vmem_shared>> -> memref<128x128xf32, #tpu.memory_space<vmem_shared>>
    %dma_wait3A_53 = arith.constant 0 : i32
    %dma_wait3A_54 = arith.constant 0 : i32
    %dma_wait3A_55 = tpu.memref_slice %arg7[%dma_wait3A_53, %dma_wait3A_54] : memref<10008x128xf32, #tpu.memory_space<vmem_shared>> -> memref<128x128xf32, #tpu.memory_space<vmem_shared>>
    tpu.wait_dma2 semaphore(%arg17 : memref<!tpu.dma_semaphore, #tpu.memory_space<semaphore_mem>>) src(%arg13 : memref<128x128xf32, #tpu.memory_space<vmem>>) dst(%dma_wait3A_55 : memref<128x128xf32, #tpu.memory_space<vmem_shared>>)
    %dma_wait3A_56 = arith.constant 0 : i32
    %dma_wait3A_57 = arith.constant 0 : i32
    %dma_wait3A_58 = tpu.memref_slice %arg7[%dma_wait3A_56, %dma_wait3A_57] : memref<10008x128xf32, #tpu.memory_space<vmem_shared>> -> memref<128x128xf32, #tpu.memory_space<vmem_shared>>
    %dma_wait3A_59 = arith.constant 0 : i32
    %dma_wait3A_60 = arith.constant 0 : i32
    %dma_wait3A_61 = tpu.memref_slice %arg7[%dma_wait3A_59, %dma_wait3A_60] : memref<10008x128xf32, #tpu.memory_space<vmem_shared>> -> memref<128x128xf32, #tpu.memory_space<vmem_shared>>
    tpu.wait_dma2 semaphore(%arg17 : memref<!tpu.dma_semaphore, #tpu.memory_space<semaphore_mem>>) src(%arg13 : memref<128x128xf32, #tpu.memory_space<vmem>>) dst(%dma_wait3A_61 : memref<128x128xf32, #tpu.memory_space<vmem_shared>>)
    %barrier3A_62 = arith.constant 0 : index
    tpu.barrier barrier_id(%barrier3A_62)
    %mul3A_63 = arith.constant 624 : i32
    %mul3A_64 = arith.muli %arg1, %mul3A_63 : i32
    %add3A_65 = arith.constant 0 : i32
    %add3A_66 = arith.addi %mul3A_64, %add3A_65 : i32
    %multiple_of3A = tpu.assume_multiple %add3A_66, 8 : i32
    "tpu.region"() ({
      %run_scoped3A_227 = tpu.sem_alloc : memref<!tpu.dma_semaphore, #tpu.memory_space<semaphore_mem>>
      %dma_start3A_228 = arith.constant 0 : i32
      %dma_start3A_229 = arith.constant 0 : i32
      %dma_start3A_230 = tpu.memref_slice %arg13[%dma_start3A_228, %dma_start3A_229] : memref<128x128xf32, #tpu.memory_space<vmem>> -> memref<128x128xf32, #tpu.memory_space<vmem>>
      %dma_start3A_231 = arith.constant 0 : i32
      %dma_start3A_232 = tpu.memref_slice %arg7[%multiple_of3A, %dma_start3A_231] : memref<10008x128xf32, #tpu.memory_space<vmem_shared>> -> memref<128x128xf32, #tpu.memory_space<vmem_shared>>
      %dma_start3A_233 = arith.constant 0 : i32
      %dma_start3A_234 = arith.constant 0 : i32
      %dma_start3A_235 = tpu.memref_slice %arg13[%dma_start3A_233, %dma_start3A_234] : memref<128x128xf32, #tpu.memory_space<vmem>> -> memref<128x128xf32, #tpu.memory_space<vmem>>
      %dma_start3A_236 = arith.constant 0 : i32
      %dma_start3A_237 = tpu.memref_slice %arg7[%multiple_of3A, %dma_start3A_236] : memref<10008x128xf32, #tpu.memory_space<vmem_shared>> -> memref<128x128xf32, #tpu.memory_space<vmem_shared>>
      tpu.enqueue_dma source(%dma_start3A_237 : memref<128x128xf32, #tpu.memory_space<vmem_shared>>) target(%dma_start3A_235 : memref<128x128xf32, #tpu.memory_space<vmem>>) target_semaphore(%run_scoped3A_227 : memref<!tpu.dma_semaphore, #tpu.memory_space<semaphore_mem>>)
      %dma_wait3A_238 = arith.constant 0 : i32
      %dma_wait3A_239 = arith.constant 0 : i32
      %dma_wait3A_240 = tpu.memref_slice %arg13[%dma_wait3A_238, %dma_wait3A_239] : memref<128x128xf32, #tpu.memory_space<vmem>> -> memref<128x128xf32, #tpu.memory_space<vmem>>
      %dma_wait3A_241 = arith.constant 0 : i32
      %dma_wait3A_242 = tpu.memref_slice %arg7[%multiple_of3A, %dma_wait3A_241] : memref<10008x128xf32, #tpu.memory_space<vmem_shared>> -> memref<128x128xf32, #tpu.memory_space<vmem_shared>>
      %dma_wait3A_243 = arith.constant 0 : i32
      %dma_wait3A_244 = arith.constant 0 : i32
      %dma_wait3A_245 = tpu.memref_slice %arg13[%dma_wait3A_243, %dma_wait3A_244] : memref<128x128xf32, #tpu.memory_space<vmem>> -> memref<128x128xf32, #tpu.memory_space<vmem>>
      %dma_wait3A_246 = arith.constant 0 : i32
      %dma_wait3A_247 = tpu.memref_slice %arg7[%multiple_of3A, %dma_wait3A_246] : memref<10008x128xf32, #tpu.memory_space<vmem_shared>> -> memref<128x128xf32, #tpu.memory_space<vmem_shared>>
      tpu.wait_dma2 semaphore(%run_scoped3A_227 : memref<!tpu.dma_semaphore, #tpu.memory_space<semaphore_mem>>) src(%dma_wait3A_247 : memref<128x128xf32, #tpu.memory_space<vmem_shared>>) dst(%dma_wait3A_245 : memref<128x128xf32, #tpu.memory_space<vmem>>)
      tpu.yield
    }) : () -> ()
    %dma_start3A_67 = arith.constant 0 : i32
    %dma_start3A_68 = arith.constant 0 : i32
    %dma_start3A_69 = tpu.memref_slice %arg13[%dma_start3A_67, %dma_start3A_68] : memref<128x128xf32, #tpu.memory_space<vmem>> -> memref<128x128xf32, #tpu.memory_space<vmem>>
    %dma_start3A_70 = arith.constant 0 : i32
    %dma_start3A_71 = tpu.memref_slice %arg6[%arg0, %multiple_of3A, %dma_start3A_70] : memref<2x10000x128xf32, #tpu.memory_space<hbm>> -> memref<1x128x128xf32, #tpu.memory_space<hbm>>
    %dma_start3A_72 = tpu.memref_squeeze %dma_start3A_71 : memref<1x128x128xf32, #tpu.memory_space<hbm>> -> memref<128x128xf32, #tpu.memory_space<hbm>>
    %dma_start3A_73 = arith.constant 0 : i32
    %dma_start3A_74 = tpu.memref_slice %arg6[%arg0, %multiple_of3A, %dma_start3A_73] : memref<2x10000x128xf32, #tpu.memory_space<hbm>> -> memref<1x128x128xf32, #tpu.memory_space<hbm>>
    %dma_start3A_75 = tpu.memref_squeeze %dma_start3A_74 : memref<1x128x128xf32, #tpu.memory_space<hbm>> -> memref<128x128xf32, #tpu.memory_space<hbm>>
    %dma_start3A_76 = arith.constant 0 : i32
    %dma_start3A_77 = arith.constant 0 : i32
    %dma_start3A_78 = tpu.memref_slice %arg13[%dma_start3A_76, %dma_start3A_77] : memref<128x128xf32, #tpu.memory_space<vmem>> -> memref<128x128xf32, #tpu.memory_space<vmem>>
    tpu.enqueue_dma source(%dma_start3A_78 : memref<128x128xf32, #tpu.memory_space<vmem>>) target(%dma_start3A_75 : memref<128x128xf32, #tpu.memory_space<hbm>>) target_semaphore(%arg16 : memref<!tpu.dma_semaphore, #tpu.memory_space<semaphore_mem>>)
    %mul3A_79 = arith.constant 624 : i32
    %mul3A_80 = arith.muli %arg1, %mul3A_79 : i32
    %add3A_81 = arith.constant 128 : i32
    %add3A_82 = arith.addi %mul3A_80, %add3A_81 : i32
    %multiple_of3A_83 = tpu.assume_multiple %add3A_82, 8 : i32
    "tpu.region"() ({
      %run_scoped3A_227 = tpu.sem_alloc : memref<!tpu.dma_semaphore, #tpu.memory_space<semaphore_mem>>
      %dma_start3A_228 = arith.constant 0 : i32
      %dma_start3A_229 = arith.constant 0 : i32
      %dma_start3A_230 = tpu.memref_slice %arg14[%dma_start3A_228, %dma_start3A_229] : memref<128x128xf32, #tpu.memory_space<vmem>> -> memref<128x128xf32, #tpu.memory_space<vmem>>
      %dma_start3A_231 = arith.constant 0 : i32
      %dma_start3A_232 = tpu.memref_slice %arg7[%multiple_of3A_83, %dma_start3A_231] : memref<10008x128xf32, #tpu.memory_space<vmem_shared>> -> memref<128x128xf32, #tpu.memory_space<vmem_shared>>
      %dma_start3A_233 = arith.constant 0 : i32
      %dma_start3A_234 = arith.constant 0 : i32
      %dma_start3A_235 = tpu.memref_slice %arg14[%dma_start3A_233, %dma_start3A_234] : memref<128x128xf32, #tpu.memory_space<vmem>> -> memref<128x128xf32, #tpu.memory_space<vmem>>
      %dma_start3A_236 = arith.constant 0 : i32
      %dma_start3A_237 = tpu.memref_slice %arg7[%multiple_of3A_83, %dma_start3A_236] : memref<10008x128xf32, #tpu.memory_space<vmem_shared>> -> memref<128x128xf32, #tpu.memory_space<vmem_shared>>
      tpu.enqueue_dma source(%dma_start3A_237 : memref<128x128xf32, #tpu.memory_space<vmem_shared>>) target(%dma_start3A_235 : memref<128x128xf32, #tpu.memory_space<vmem>>) target_semaphore(%run_scoped3A_227 : memref<!tpu.dma_semaphore, #tpu.memory_space<semaphore_mem>>)
      %dma_wait3A_238 = arith.constant 0 : i32
      %dma_wait3A_239 = arith.constant 0 : i32
      %dma_wait3A_240 = tpu.memref_slice %arg14[%dma_wait3A_238, %dma_wait3A_239] : memref<128x128xf32, #tpu.memory_space<vmem>> -> memref<128x128xf32, #tpu.memory_space<vmem>>
      %dma_wait3A_241 = arith.constant 0 : i32
      %dma_wait3A_242 = tpu.memref_slice %arg7[%multiple_of3A_83, %dma_wait3A_241] : memref<10008x128xf32, #tpu.memory_space<vmem_shared>> -> memref<128x128xf32, #tpu.memory_space<vmem_shared>>
      %dma_wait3A_243 = arith.constant 0 : i32
      %dma_wait3A_244 = arith.constant 0 : i32
      %dma_wait3A_245 = tpu.memref_slice %arg14[%dma_wait3A_243, %dma_wait3A_244] : memref<128x128xf32, #tpu.memory_space<vmem>> -> memref<128x128xf32, #tpu.memory_space<vmem>>
      %dma_wait3A_246 = arith.constant 0 : i32
      %dma_wait3A_247 = tpu.memref_slice %arg7[%multiple_of3A_83, %dma_wait3A_246] : memref<10008x128xf32, #tpu.memory_space<vmem_shared>> -> memref<128x128xf32, #tpu.memory_space<vmem_shared>>
      tpu.wait_dma2 semaphore(%run_scoped3A_227 : memref<!tpu.dma_semaphore, #tpu.memory_space<semaphore_mem>>) src(%dma_wait3A_247 : memref<128x128xf32, #tpu.memory_space<vmem_shared>>) dst(%dma_wait3A_245 : memref<128x128xf32, #tpu.memory_space<vmem>>)
      tpu.yield
    }) : () -> ()
    %dma_start3A_84 = arith.constant 0 : i32
    %dma_start3A_85 = arith.constant 0 : i32
    %dma_start3A_86 = tpu.memref_slice %arg14[%dma_start3A_84, %dma_start3A_85] : memref<128x128xf32, #tpu.memory_space<vmem>> -> memref<128x128xf32, #tpu.memory_space<vmem>>
    %dma_start3A_87 = arith.constant 0 : i32
    %dma_start3A_88 = tpu.memref_slice %arg6[%arg0, %multiple_of3A_83, %dma_start3A_87] : memref<2x10000x128xf32, #tpu.memory_space<hbm>> -> memref<1x128x128xf32, #tpu.memory_space<hbm>>
    %dma_start3A_89 = tpu.memref_squeeze %dma_start3A_88 : memref<1x128x128xf32, #tpu.memory_space<hbm>> -> memref<128x128xf32, #tpu.memory_space<hbm>>
    %dma_start3A_90 = arith.constant 0 : i32
    %dma_start3A_91 = tpu.memref_slice %arg6[%arg0, %multiple_of3A_83, %dma_start3A_90] : memref<2x10000x128xf32, #tpu.memory_space<hbm>> -> memref<1x128x128xf32, #tpu.memory_space<hbm>>
    %dma_start3A_92 = tpu.memref_squeeze %dma_start3A_91 : memref<1x128x128xf32, #tpu.memory_space<hbm>> -> memref<128x128xf32, #tpu.memory_space<hbm>>
    %dma_start3A_93 = arith.constant 0 : i32
    %dma_start3A_94 = arith.constant 0 : i32
    %dma_start3A_95 = tpu.memref_slice %arg14[%dma_start3A_93, %dma_start3A_94] : memref<128x128xf32, #tpu.memory_space<vmem>> -> memref<128x128xf32, #tpu.memory_space<vmem>>
    tpu.enqueue_dma source(%dma_start3A_95 : memref<128x128xf32, #tpu.memory_space<vmem>>) target(%dma_start3A_92 : memref<128x128xf32, #tpu.memory_space<hbm>>) target_semaphore(%arg16 : memref<!tpu.dma_semaphore, #tpu.memory_space<semaphore_mem>>)
    %dma_wait3A_96 = arith.constant 0 : i32
    %dma_wait3A_97 = arith.constant 0 : i32
    %dma_wait3A_98 = arith.constant 0 : i32
    %dma_wait3A_99 = tpu.memref_slice %arg13[%dma_wait3A_97, %dma_wait3A_98] : memref<128x128xf32, #tpu.memory_space<vmem>> -> memref<128x128xf32, #tpu.memory_space<vmem>>
    %dma_wait3A_100 = arith.constant 0 : i32
    %dma_wait3A_101 = arith.constant 0 : i32
    %dma_wait3A_102 = tpu.memref_slice %arg6[%dma_wait3A_96, %dma_wait3A_100, %dma_wait3A_101] : memref<2x10000x128xf32, #tpu.memory_space<hbm>> -> memref<1x128x128xf32, #tpu.memory_space<hbm>>
    %dma_wait3A_103 = tpu.memref_squeeze %dma_wait3A_102 : memref<1x128x128xf32, #tpu.memory_space<hbm>> -> memref<128x128xf32, #tpu.memory_space<hbm>>
    %dma_wait3A_104 = arith.constant 0 : i32
    %dma_wait3A_105 = arith.constant 0 : i32
    %dma_wait3A_106 = tpu.memref_slice %arg6[%dma_wait3A_96, %dma_wait3A_104, %dma_wait3A_105] : memref<2x10000x128xf32, #tpu.memory_space<hbm>> -> memref<1x128x128xf32, #tpu.memory_space<hbm>>
    %dma_wait3A_107 = tpu.memref_squeeze %dma_wait3A_106 : memref<1x128x128xf32, #tpu.memory_space<hbm>> -> memref<128x128xf32, #tpu.memory_space<hbm>>
    %dma_wait3A_108 = arith.constant 0 : i32
    %dma_wait3A_109 = arith.constant 0 : i32
    %dma_wait3A_110 = tpu.memref_slice %arg13[%dma_wait3A_108, %dma_wait3A_109] : memref<128x128xf32, #tpu.memory_space<vmem>> -> memref<128x128xf32, #tpu.memory_space<vmem>>
    tpu.wait_dma2 semaphore(%arg16 : memref<!tpu.dma_semaphore, #tpu.memory_space<semaphore_mem>>) src(%dma_wait3A_110 : memref<128x128xf32, #tpu.memory_space<vmem>>) dst(%dma_wait3A_107 : memref<128x128xf32, #tpu.memory_space<hbm>>)
    %mul3A_111 = arith.constant 624 : i32
    %mul3A_112 = arith.muli %arg1, %mul3A_111 : i32
    %add3A_113 = arith.constant 256 : i32
    %add3A_114 = arith.addi %mul3A_112, %add3A_113 : i32
    %multiple_of3A_115 = tpu.assume_multiple %add3A_114, 8 : i32
    "tpu.region"() ({
      %run_scoped3A_227 = tpu.sem_alloc : memref<!tpu.dma_semaphore, #tpu.memory_space<semaphore_mem>>
      %dma_start3A_228 = arith.constant 0 : i32
      %dma_start3A_229 = arith.constant 0 : i32
      %dma_start3A_230 = tpu.memref_slice %arg13[%dma_start3A_228, %dma_start3A_229] : memref<128x128xf32, #tpu.memory_space<vmem>> -> memref<128x128xf32, #tpu.memory_space<vmem>>
      %dma_start3A_231 = arith.constant 0 : i32
      %dma_start3A_232 = tpu.memref_slice %arg7[%multiple_of3A_115, %dma_start3A_231] : memref<10008x128xf32, #tpu.memory_space<vmem_shared>> -> memref<128x128xf32, #tpu.memory_space<vmem_shared>>
      %dma_start3A_233 = arith.constant 0 : i32
      %dma_start3A_234 = arith.constant 0 : i32
      %dma_start3A_235 = tpu.memref_slice %arg13[%dma_start3A_233, %dma_start3A_234] : memref<128x128xf32, #tpu.memory_space<vmem>> -> memref<128x128xf32, #tpu.memory_space<vmem>>
      %dma_start3A_236 = arith.constant 0 : i32
      %dma_start3A_237 = tpu.memref_slice %arg7[%multiple_of3A_115, %dma_start3A_236] : memref<10008x128xf32, #tpu.memory_space<vmem_shared>> -> memref<128x128xf32, #tpu.memory_space<vmem_shared>>
      tpu.enqueue_dma source(%dma_start3A_237 : memref<128x128xf32, #tpu.memory_space<vmem_shared>>) target(%dma_start3A_235 : memref<128x128xf32, #tpu.memory_space<vmem>>) target_semaphore(%run_scoped3A_227 : memref<!tpu.dma_semaphore, #tpu.memory_space<semaphore_mem>>)
      %dma_wait3A_238 = arith.constant 0 : i32
      %dma_wait3A_239 = arith.constant 0 : i32
      %dma_wait3A_240 = tpu.memref_slice %arg13[%dma_wait3A_238, %dma_wait3A_239] : memref<128x128xf32, #tpu.memory_space<vmem>> -> memref<128x128xf32, #tpu.memory_space<vmem>>
      %dma_wait3A_241 = arith.constant 0 : i32
      %dma_wait3A_242 = tpu.memref_slice %arg7[%multiple_of3A_115, %dma_wait3A_241] : memref<10008x128xf32, #tpu.memory_space<vmem_shared>> -> memref<128x128xf32, #tpu.memory_space<vmem_shared>>
      %dma_wait3A_243 = arith.constant 0 : i32
      %dma_wait3A_244 = arith.constant 0 : i32
      %dma_wait3A_245 = tpu.memref_slice %arg13[%dma_wait3A_243, %dma_wait3A_244] : memref<128x128xf32, #tpu.memory_space<vmem>> -> memref<128x128xf32, #tpu.memory_space<vmem>>
      %dma_wait3A_246 = arith.constant 0 : i32
      %dma_wait3A_247 = tpu.memref_slice %arg7[%multiple_of3A_115, %dma_wait3A_246] : memref<10008x128xf32, #tpu.memory_space<vmem_shared>> -> memref<128x128xf32, #tpu.memory_space<vmem_shared>>
      tpu.wait_dma2 semaphore(%run_scoped3A_227 : memref<!tpu.dma_semaphore, #tpu.memory_space<semaphore_mem>>) src(%dma_wait3A_247 : memref<128x128xf32, #tpu.memory_space<vmem_shared>>) dst(%dma_wait3A_245 : memref<128x128xf32, #tpu.memory_space<vmem>>)
      tpu.yield
    }) : () -> ()
    %dma_start3A_116 = arith.constant 0 : i32
    %dma_start3A_117 = arith.constant 0 : i32
    %dma_start3A_118 = tpu.memref_slice %arg13[%dma_start3A_116, %dma_start3A_117] : memref<128x128xf32, #tpu.memory_space<vmem>> -> memref<128x128xf32, #tpu.memory_space<vmem>>
    %dma_start3A_119 = arith.constant 0 : i32
    %dma_start3A_120 = tpu.memref_slice %arg6[%arg0, %multiple_of3A_115, %dma_start3A_119] : memref<2x10000x128xf32, #tpu.memory_space<hbm>> -> memref<1x128x128xf32, #tpu.memory_space<hbm>>
    %dma_start3A_121 = tpu.memref_squeeze %dma_start3A_120 : memref<1x128x128xf32, #tpu.memory_space<hbm>> -> memref<128x128xf32, #tpu.memory_space<hbm>>
    %dma_start3A_122 = arith.constant 0 : i32
    %dma_start3A_123 = tpu.memref_slice %arg6[%arg0, %multiple_of3A_115, %dma_start3A_122] : memref<2x10000x128xf32, #tpu.memory_space<hbm>> -> memref<1x128x128xf32, #tpu.memory_space<hbm>>
    %dma_start3A_124 = tpu.memref_squeeze %dma_start3A_123 : memref<1x128x128xf32, #tpu.memory_space<hbm>> -> memref<128x128xf32, #tpu.memory_space<hbm>>
    %dma_start3A_125 = arith.constant 0 : i32
    %dma_start3A_126 = arith.constant 0 : i32
    %dma_start3A_127 = tpu.memref_slice %arg13[%dma_start3A_125, %dma_start3A_126] : memref<128x128xf32, #tpu.memory_space<vmem>> -> memref<128x128xf32, #tpu.memory_space<vmem>>
    tpu.enqueue_dma source(%dma_start3A_127 : memref<128x128xf32, #tpu.memory_space<vmem>>) target(%dma_start3A_124 : memref<128x128xf32, #tpu.memory_space<hbm>>) target_semaphore(%arg16 : memref<!tpu.dma_semaphore, #tpu.memory_space<semaphore_mem>>)
    %dma_wait3A_128 = arith.constant 0 : i32
    %dma_wait3A_129 = arith.constant 0 : i32
    %dma_wait3A_130 = arith.constant 0 : i32
    %dma_wait3A_131 = tpu.memref_slice %arg13[%dma_wait3A_129, %dma_wait3A_130] : memref<128x128xf32, #tpu.memory_space<vmem>> -> memref<128x128xf32, #tpu.memory_space<vmem>>
    %dma_wait3A_132 = arith.constant 0 : i32
    %dma_wait3A_133 = arith.constant 0 : i32
    %dma_wait3A_134 = tpu.memref_slice %arg6[%dma_wait3A_128, %dma_wait3A_132, %dma_wait3A_133] : memref<2x10000x128xf32, #tpu.memory_space<hbm>> -> memref<1x128x128xf32, #tpu.memory_space<hbm>>
    %dma_wait3A_135 = tpu.memref_squeeze %dma_wait3A_134 : memref<1x128x128xf32, #tpu.memory_space<hbm>> -> memref<128x128xf32, #tpu.memory_space<hbm>>
    %dma_wait3A_136 = arith.constant 0 : i32
    %dma_wait3A_137 = arith.constant 0 : i32
    %dma_wait3A_138 = tpu.memref_slice %arg6[%dma_wait3A_128, %dma_wait3A_136, %dma_wait3A_137] : memref<2x10000x128xf32, #tpu.memory_space<hbm>> -> memref<1x128x128xf32, #tpu.memory_space<hbm>>
    %dma_wait3A_139 = tpu.memref_squeeze %dma_wait3A_138 : memref<1x128x128xf32, #tpu.memory_space<hbm>> -> memref<128x128xf32, #tpu.memory_space<hbm>>
    %dma_wait3A_140 = arith.constant 0 : i32
    %dma_wait3A_141 = arith.constant 0 : i32
    %dma_wait3A_142 = tpu.memref_slice %arg13[%dma_wait3A_140, %dma_wait3A_141] : memref<128x128xf32, #tpu.memory_space<vmem>> -> memref<128x128xf32, #tpu.memory_space<vmem>>
    tpu.wait_dma2 semaphore(%arg16 : memref<!tpu.dma_semaphore, #tpu.memory_space<semaphore_mem>>) src(%dma_wait3A_142 : memref<128x128xf32, #tpu.memory_space<vmem>>) dst(%dma_wait3A_139 : memref<128x128xf32, #tpu.memory_space<hbm>>)
    %mul3A_143 = arith.constant 624 : i32
    %mul3A_144 = arith.muli %arg1, %mul3A_143 : i32
    %add3A_145 = arith.constant 384 : i32
    %add3A_146 = arith.addi %mul3A_144, %add3A_145 : i32
    %multiple_of3A_147 = tpu.assume_multiple %add3A_146, 8 : i32
    "tpu.region"() ({
      %run_scoped3A_227 = tpu.sem_alloc : memref<!tpu.dma_semaphore, #tpu.memory_space<semaphore_mem>>
      %dma_start3A_228 = arith.constant 0 : i32
      %dma_start3A_229 = arith.constant 0 : i32
      %dma_start3A_230 = tpu.memref_slice %arg14[%dma_start3A_228, %dma_start3A_229] : memref<128x128xf32, #tpu.memory_space<vmem>> -> memref<128x128xf32, #tpu.memory_space<vmem>>
      %dma_start3A_231 = arith.constant 0 : i32
      %dma_start3A_232 = tpu.memref_slice %arg7[%multiple_of3A_147, %dma_start3A_231] : memref<10008x128xf32, #tpu.memory_space<vmem_shared>> -> memref<128x128xf32, #tpu.memory_space<vmem_shared>>
      %dma_start3A_233 = arith.constant 0 : i32
      %dma_start3A_234 = arith.constant 0 : i32
      %dma_start3A_235 = tpu.memref_slice %arg14[%dma_start3A_233, %dma_start3A_234] : memref<128x128xf32, #tpu.memory_space<vmem>> -> memref<128x128xf32, #tpu.memory_space<vmem>>
      %dma_start3A_236 = arith.constant 0 : i32
      %dma_start3A_237 = tpu.memref_slice %arg7[%multiple_of3A_147, %dma_start3A_236] : memref<10008x128xf32, #tpu.memory_space<vmem_shared>> -> memref<128x128xf32, #tpu.memory_space<vmem_shared>>
      tpu.enqueue_dma source(%dma_start3A_237 : memref<128x128xf32, #tpu.memory_space<vmem_shared>>) target(%dma_start3A_235 : memref<128x128xf32, #tpu.memory_space<vmem>>) target_semaphore(%run_scoped3A_227 : memref<!tpu.dma_semaphore, #tpu.memory_space<semaphore_mem>>)
      %dma_wait3A_238 = arith.constant 0 : i32
      %dma_wait3A_239 = arith.constant 0 : i32
      %dma_wait3A_240 = tpu.memref_slice %arg14[%dma_wait3A_238, %dma_wait3A_239] : memref<128x128xf32, #tpu.memory_space<vmem>> -> memref<128x128xf32, #tpu.memory_space<vmem>>
      %dma_wait3A_241 = arith.constant 0 : i32
      %dma_wait3A_242 = tpu.memref_slice %arg7[%multiple_of3A_147, %dma_wait3A_241] : memref<10008x128xf32, #tpu.memory_space<vmem_shared>> -> memref<128x128xf32, #tpu.memory_space<vmem_shared>>
      %dma_wait3A_243 = arith.constant 0 : i32
      %dma_wait3A_244 = arith.constant 0 : i32
      %dma_wait3A_245 = tpu.memref_slice %arg14[%dma_wait3A_243, %dma_wait3A_244] : memref<128x128xf32, #tpu.memory_space<vmem>> -> memref<128x128xf32, #tpu.memory_space<vmem>>
      %dma_wait3A_246 = arith.constant 0 : i32
      %dma_wait3A_247 = tpu.memref_slice %arg7[%multiple_of3A_147, %dma_wait3A_246] : memref<10008x128xf32, #tpu.memory_space<vmem_shared>> -> memref<128x128xf32, #tpu.memory_space<vmem_shared>>
      tpu.wait_dma2 semaphore(%run_scoped3A_227 : memref<!tpu.dma_semaphore, #tpu.memory_space<semaphore_mem>>) src(%dma_wait3A_247 : memref<128x128xf32, #tpu.memory_space<vmem_shared>>) dst(%dma_wait3A_245 : memref<128x128xf32, #tpu.memory_space<vmem>>)
      tpu.yield
    }) : () -> ()
    %dma_start3A_148 = arith.constant 0 : i32
    %dma_start3A_149 = arith.constant 0 : i32
    %dma_start3A_150 = tpu.memref_slice %arg14[%dma_start3A_148, %dma_start3A_149] : memref<128x128xf32, #tpu.memory_space<vmem>> -> memref<128x128xf32, #tpu.memory_space<vmem>>
    %dma_start3A_151 = arith.constant 0 : i32
    %dma_start3A_152 = tpu.memref_slice %arg6[%arg0, %multiple_of3A_147, %dma_start3A_151] : memref<2x10000x128xf32, #tpu.memory_space<hbm>> -> memref<1x128x128xf32, #tpu.memory_space<hbm>>
    %dma_start3A_153 = tpu.memref_squeeze %dma_start3A_152 : memref<1x128x128xf32, #tpu.memory_space<hbm>> -> memref<128x128xf32, #tpu.memory_space<hbm>>
    %dma_start3A_154 = arith.constant 0 : i32
    %dma_start3A_155 = tpu.memref_slice %arg6[%arg0, %multiple_of3A_147, %dma_start3A_154] : memref<2x10000x128xf32, #tpu.memory_space<hbm>> -> memref<1x128x128xf32, #tpu.memory_space<hbm>>
    %dma_start3A_156 = tpu.memref_squeeze %dma_start3A_155 : memref<1x128x128xf32, #tpu.memory_space<hbm>> -> memref<128x128xf32, #tpu.memory_space<hbm>>
    %dma_start3A_157 = arith.constant 0 : i32
    %dma_start3A_158 = arith.constant 0 : i32
    %dma_start3A_159 = tpu.memref_slice %arg14[%dma_start3A_157, %dma_start3A_158] : memref<128x128xf32, #tpu.memory_space<vmem>> -> memref<128x128xf32, #tpu.memory_space<vmem>>
    tpu.enqueue_dma source(%dma_start3A_159 : memref<128x128xf32, #tpu.memory_space<vmem>>) target(%dma_start3A_156 : memref<128x128xf32, #tpu.memory_space<hbm>>) target_semaphore(%arg16 : memref<!tpu.dma_semaphore, #tpu.memory_space<semaphore_mem>>)
    %dma_wait3A_160 = arith.constant 0 : i32
    %dma_wait3A_161 = arith.constant 0 : i32
    %dma_wait3A_162 = arith.constant 0 : i32
    %dma_wait3A_163 = tpu.memref_slice %arg13[%dma_wait3A_161, %dma_wait3A_162] : memref<128x128xf32, #tpu.memory_space<vmem>> -> memref<128x128xf32, #tpu.memory_space<vmem>>
    %dma_wait3A_164 = arith.constant 0 : i32
    %dma_wait3A_165 = arith.constant 0 : i32
    %dma_wait3A_166 = tpu.memref_slice %arg6[%dma_wait3A_160, %dma_wait3A_164, %dma_wait3A_165] : memref<2x10000x128xf32, #tpu.memory_space<hbm>> -> memref<1x128x128xf32, #tpu.memory_space<hbm>>
    %dma_wait3A_167 = tpu.memref_squeeze %dma_wait3A_166 : memref<1x128x128xf32, #tpu.memory_space<hbm>> -> memref<128x128xf32, #tpu.memory_space<hbm>>
    %dma_wait3A_168 = arith.constant 0 : i32
    %dma_wait3A_169 = arith.constant 0 : i32
    %dma_wait3A_170 = tpu.memref_slice %arg6[%dma_wait3A_160, %dma_wait3A_168, %dma_wait3A_169] : memref<2x10000x128xf32, #tpu.memory_space<hbm>> -> memref<1x128x128xf32, #tpu.memory_space<hbm>>
    %dma_wait3A_171 = tpu.memref_squeeze %dma_wait3A_170 : memref<1x128x128xf32, #tpu.memory_space<hbm>> -> memref<128x128xf32, #tpu.memory_space<hbm>>
    %dma_wait3A_172 = arith.constant 0 : i32
    %dma_wait3A_173 = arith.constant 0 : i32
    %dma_wait3A_174 = tpu.memref_slice %arg13[%dma_wait3A_172, %dma_wait3A_173] : memref<128x128xf32, #tpu.memory_space<vmem>> -> memref<128x128xf32, #tpu.memory_space<vmem>>
    tpu.wait_dma2 semaphore(%arg16 : memref<!tpu.dma_semaphore, #tpu.memory_space<semaphore_mem>>) src(%dma_wait3A_174 : memref<128x128xf32, #tpu.memory_space<vmem>>) dst(%dma_wait3A_171 : memref<128x128xf32, #tpu.memory_space<hbm>>)
    %mul3A_175 = arith.constant 624 : i32
    %mul3A_176 = arith.muli %arg1, %mul3A_175 : i32
    %add3A_177 = arith.constant 512 : i32
    %add3A_178 = arith.addi %mul3A_176, %add3A_177 : i32
    %multiple_of3A_179 = tpu.assume_multiple %add3A_178, 8 : i32
    "tpu.region"() ({
      %run_scoped3A_227 = tpu.sem_alloc : memref<!tpu.dma_semaphore, #tpu.memory_space<semaphore_mem>>
      %dma_start3A_228 = arith.constant 0 : i32
      %dma_start3A_229 = arith.constant 0 : i32
      %dma_start3A_230 = tpu.memref_slice %arg13[%dma_start3A_228, %dma_start3A_229] : memref<128x128xf32, #tpu.memory_space<vmem>> -> memref<112x128xf32, #tpu.memory_space<vmem>>
      %dma_start3A_231 = arith.constant 0 : i32
      %dma_start3A_232 = tpu.memref_slice %arg7[%multiple_of3A_179, %dma_start3A_231] : memref<10008x128xf32, #tpu.memory_space<vmem_shared>> -> memref<112x128xf32, #tpu.memory_space<vmem_shared>>
      %dma_start3A_233 = arith.constant 0 : i32
      %dma_start3A_234 = arith.constant 0 : i32
      %dma_start3A_235 = tpu.memref_slice %arg13[%dma_start3A_233, %dma_start3A_234] : memref<128x128xf32, #tpu.memory_space<vmem>> -> memref<112x128xf32, #tpu.memory_space<vmem>>
      %dma_start3A_236 = arith.constant 0 : i32
      %dma_start3A_237 = tpu.memref_slice %arg7[%multiple_of3A_179, %dma_start3A_236] : memref<10008x128xf32, #tpu.memory_space<vmem_shared>> -> memref<112x128xf32, #tpu.memory_space<vmem_shared>>
      tpu.enqueue_dma source(%dma_start3A_237 : memref<112x128xf32, #tpu.memory_space<vmem_shared>>) target(%dma_start3A_235 : memref<112x128xf32, #tpu.memory_space<vmem>>) target_semaphore(%run_scoped3A_227 : memref<!tpu.dma_semaphore, #tpu.memory_space<semaphore_mem>>)
      %dma_wait3A_238 = arith.constant 0 : i32
      %dma_wait3A_239 = arith.constant 0 : i32
      %dma_wait3A_240 = tpu.memref_slice %arg13[%dma_wait3A_238, %dma_wait3A_239] : memref<128x128xf32, #tpu.memory_space<vmem>> -> memref<112x128xf32, #tpu.memory_space<vmem>>
      %dma_wait3A_241 = arith.constant 0 : i32
      %dma_wait3A_242 = tpu.memref_slice %arg7[%multiple_of3A_179, %dma_wait3A_241] : memref<10008x128xf32, #tpu.memory_space<vmem_shared>> -> memref<112x128xf32, #tpu.memory_space<vmem_shared>>
      %dma_wait3A_243 = arith.constant 0 : i32
      %dma_wait3A_244 = arith.constant 0 : i32
      %dma_wait3A_245 = tpu.memref_slice %arg13[%dma_wait3A_243, %dma_wait3A_244] : memref<128x128xf32, #tpu.memory_space<vmem>> -> memref<112x128xf32, #tpu.memory_space<vmem>>
      %dma_wait3A_246 = arith.constant 0 : i32
      %dma_wait3A_247 = tpu.memref_slice %arg7[%multiple_of3A_179, %dma_wait3A_246] : memref<10008x128xf32, #tpu.memory_space<vmem_shared>> -> memref<112x128xf32, #tpu.memory_space<vmem_shared>>
      tpu.wait_dma2 semaphore(%run_scoped3A_227 : memref<!tpu.dma_semaphore, #tpu.memory_space<semaphore_mem>>) src(%dma_wait3A_247 : memref<112x128xf32, #tpu.memory_space<vmem_shared>>) dst(%dma_wait3A_245 : memref<112x128xf32, #tpu.memory_space<vmem>>)
      tpu.yield
    }) : () -> ()
    %dma_start3A_180 = arith.constant 0 : i32
    %dma_start3A_181 = arith.constant 0 : i32
    %dma_start3A_182 = tpu.memref_slice %arg13[%dma_start3A_180, %dma_start3A_181] : memref<128x128xf32, #tpu.memory_space<vmem>> -> memref<112x128xf32, #tpu.memory_space<vmem>>
    %dma_start3A_183 = arith.constant 0 : i32
    %dma_start3A_184 = tpu.memref_slice %arg6[%arg0, %multiple_of3A_179, %dma_start3A_183] : memref<2x10000x128xf32, #tpu.memory_space<hbm>> -> memref<1x112x128xf32, #tpu.memory_space<hbm>>
    %dma_start3A_185 = tpu.memref_squeeze %dma_start3A_184 : memref<1x112x128xf32, #tpu.memory_space<hbm>> -> memref<112x128xf32, #tpu.memory_space<hbm>>
    %dma_start3A_186 = arith.constant 0 : i32
    %dma_start3A_187 = tpu.memref_slice %arg6[%arg0, %multiple_of3A_179, %dma_start3A_186] : memref<2x10000x128xf32, #tpu.memory_space<hbm>> -> memref<1x112x128xf32, #tpu.memory_space<hbm>>
    %dma_start3A_188 = tpu.memref_squeeze %dma_start3A_187 : memref<1x112x128xf32, #tpu.memory_space<hbm>> -> memref<112x128xf32, #tpu.memory_space<hbm>>
    %dma_start3A_189 = arith.constant 0 : i32
    %dma_start3A_190 = arith.constant 0 : i32
    %dma_start3A_191 = tpu.memref_slice %arg13[%dma_start3A_189, %dma_start3A_190] : memref<128x128xf32, #tpu.memory_space<vmem>> -> memref<112x128xf32, #tpu.memory_space<vmem>>
    tpu.enqueue_dma source(%dma_start3A_191 : memref<112x128xf32, #tpu.memory_space<vmem>>) target(%dma_start3A_188 : memref<112x128xf32, #tpu.memory_space<hbm>>) target_semaphore(%arg16 : memref<!tpu.dma_semaphore, #tpu.memory_space<semaphore_mem>>)
    %dma_wait3A_192 = arith.constant 0 : i32
    %dma_wait3A_193 = arith.constant 0 : i32
    %dma_wait3A_194 = arith.constant 0 : i32
    %dma_wait3A_195 = tpu.memref_slice %arg13[%dma_wait3A_193, %dma_wait3A_194] : memref<128x128xf32, #tpu.memory_space<vmem>> -> memref<128x128xf32, #tpu.memory_space<vmem>>
    %dma_wait3A_196 = arith.constant 0 : i32
    %dma_wait3A_197 = arith.constant 0 : i32
    %dma_wait3A_198 = tpu.memref_slice %arg6[%dma_wait3A_192, %dma_wait3A_196, %dma_wait3A_197] : memref<2x10000x128xf32, #tpu.memory_space<hbm>> -> memref<1x128x128xf32, #tpu.memory_space<hbm>>
    %dma_wait3A_199 = tpu.memref_squeeze %dma_wait3A_198 : memref<1x128x128xf32, #tpu.memory_space<hbm>> -> memref<128x128xf32, #tpu.memory_space<hbm>>
    %dma_wait3A_200 = arith.constant 0 : i32
    %dma_wait3A_201 = arith.constant 0 : i32
    %dma_wait3A_202 = tpu.memref_slice %arg6[%dma_wait3A_192, %dma_wait3A_200, %dma_wait3A_201] : memref<2x10000x128xf32, #tpu.memory_space<hbm>> -> memref<1x128x128xf32, #tpu.memory_space<hbm>>
    %dma_wait3A_203 = tpu.memref_squeeze %dma_wait3A_202 : memref<1x128x128xf32, #tpu.memory_space<hbm>> -> memref<128x128xf32, #tpu.memory_space<hbm>>
    %dma_wait3A_204 = arith.constant 0 : i32
    %dma_wait3A_205 = arith.constant 0 : i32
    %dma_wait3A_206 = tpu.memref_slice %arg13[%dma_wait3A_204, %dma_wait3A_205] : memref<128x128xf32, #tpu.memory_space<vmem>> -> memref<128x128xf32, #tpu.memory_space<vmem>>
    tpu.wait_dma2 semaphore(%arg16 : memref<!tpu.dma_semaphore, #tpu.memory_space<semaphore_mem>>) src(%dma_wait3A_206 : memref<128x128xf32, #tpu.memory_space<vmem>>) dst(%dma_wait3A_203 : memref<128x128xf32, #tpu.memory_space<hbm>>)
    %dma_wait3A_207 = arith.constant 0 : i32
    %dma_wait3A_208 = arith.constant 0 : i32
    %dma_wait3A_209 = arith.constant 0 : i32
    %dma_wait3A_210 = tpu.memref_slice %arg13[%dma_wait3A_208, %dma_wait3A_209] : memref<128x128xf32, #tpu.memory_space<vmem>> -> memref<112x128xf32, #tpu.memory_space<vmem>>
    %dma_wait3A_211 = arith.constant 0 : i32
    %dma_wait3A_212 = arith.constant 0 : i32
    %dma_wait3A_213 = tpu.memref_slice %arg6[%dma_wait3A_207, %dma_wait3A_211, %dma_wait3A_212] : memref<2x10000x128xf32, #tpu.memory_space<hbm>> -> memref<1x112x128xf32, #tpu.memory_space<hbm>>
    %dma_wait3A_214 = tpu.memref_squeeze %dma_wait3A_213 : memref<1x112x128xf32, #tpu.memory_space<hbm>> -> memref<112x128xf32, #tpu.memory_space<hbm>>
    %dma_wait3A_215 = arith.constant 0 : i32
    %dma_wait3A_216 = arith.constant 0 : i32
    %dma_wait3A_217 = tpu.memref_slice %arg6[%dma_wait3A_207, %dma_wait3A_215, %dma_wait3A_216] : memref<2x10000x128xf32, #tpu.memory_space<hbm>> -> memref<1x112x128xf32, #tpu.memory_space<hbm>>
    %dma_wait3A_218 = tpu.memref_squeeze %dma_wait3A_217 : memref<1x112x128xf32, #tpu.memory_space<hbm>> -> memref<112x128xf32, #tpu.memory_space<hbm>>
    %dma_wait3A_219 = arith.constant 0 : i32
    %dma_wait3A_220 = arith.constant 0 : i32
    %dma_wait3A_221 = tpu.memref_slice %arg13[%dma_wait3A_219, %dma_wait3A_220] : memref<128x128xf32, #tpu.memory_space<vmem>> -> memref<112x128xf32, #tpu.memory_space<vmem>>
    tpu.wait_dma2 semaphore(%arg16 : memref<!tpu.dma_semaphore, #tpu.memory_space<semaphore_mem>>) src(%dma_wait3A_221 : memref<112x128xf32, #tpu.memory_space<vmem>>) dst(%dma_wait3A_218 : memref<112x128xf32, #tpu.memory_space<hbm>>)
    %eq3A_222 = arith.constant 15 : i32
    %eq3A_223 = arith.cmpi eq, %arg1, %eq3A_222 : i32
    %convert_element_type3A_224 = arith.extui %eq3A_223 : i1 to i32
    %cond3A_225 = arith.constant 0 : i32
    %cond3A_226 = arith.cmpi ne, %convert_element_type3A_224, %cond3A_225 : i32
    scf.if %cond3A_226 {
      "tpu.region"() ({
        %run_scoped3A_227 = tpu.sem_alloc : memref<!tpu.dma_semaphore, #tpu.memory_space<semaphore_mem>>
        %dma_start3A_228 = arith.constant 0 : i32
        %dma_start3A_229 = arith.constant 0 : i32
        %dma_start3A_230 = tpu.memref_slice %arg13[%dma_start3A_228, %dma_start3A_229] : memref<128x128xf32, #tpu.memory_space<vmem>> -> memref<16x128xf32, #tpu.memory_space<vmem>>
        %dma_start3A_231 = arith.constant 9984 : i32
        %dma_start3A_232 = arith.constant 0 : i32
        %dma_start3A_233 = tpu.memref_slice %arg7[%dma_start3A_231, %dma_start3A_232] : memref<10008x128xf32, #tpu.memory_space<vmem_shared>> -> memref<16x128xf32, #tpu.memory_space<vmem_shared>>
        %dma_start3A_234 = arith.constant 0 : i32
        %dma_start3A_235 = arith.constant 0 : i32
        %dma_start3A_236 = tpu.memref_slice %arg13[%dma_start3A_234, %dma_start3A_235] : memref<128x128xf32, #tpu.memory_space<vmem>> -> memref<16x128xf32, #tpu.memory_space<vmem>>
        %dma_start3A_237 = arith.constant 9984 : i32
        %dma_start3A_238 = arith.constant 0 : i32
        %dma_start3A_239 = tpu.memref_slice %arg7[%dma_start3A_237, %dma_start3A_238] : memref<10008x128xf32, #tpu.memory_space<vmem_shared>> -> memref<16x128xf32, #tpu.memory_space<vmem_shared>>
        tpu.enqueue_dma source(%dma_start3A_239 : memref<16x128xf32, #tpu.memory_space<vmem_shared>>) target(%dma_start3A_236 : memref<16x128xf32, #tpu.memory_space<vmem>>) target_semaphore(%run_scoped3A_227 : memref<!tpu.dma_semaphore, #tpu.memory_space<semaphore_mem>>)
        %dma_wait3A_240 = arith.constant 0 : i32
        %dma_wait3A_241 = arith.constant 0 : i32
        %dma_wait3A_242 = tpu.memref_slice %arg13[%dma_wait3A_240, %dma_wait3A_241] : memref<128x128xf32, #tpu.memory_space<vmem>> -> memref<16x128xf32, #tpu.memory_space<vmem>>
        %dma_wait3A_243 = arith.constant 9984 : i32
        %dma_wait3A_244 = arith.constant 0 : i32
        %dma_wait3A_245 = tpu.memref_slice %arg7[%dma_wait3A_243, %dma_wait3A_244] : memref<10008x128xf32, #tpu.memory_space<vmem_shared>> -> memref<16x128xf32, #tpu.memory_space<vmem_shared>>
        %dma_wait3A_246 = arith.constant 0 : i32
        %dma_wait3A_247 = arith.constant 0 : i32
        %dma_wait3A_248 = tpu.memref_slice %arg13[%dma_wait3A_246, %dma_wait3A_247] : memref<128x128xf32, #tpu.memory_space<vmem>> -> memref<16x128xf32, #tpu.memory_space<vmem>>
        %dma_wait3A_249 = arith.constant 9984 : i32
        %dma_wait3A_250 = arith.constant 0 : i32
        %dma_wait3A_251 = tpu.memref_slice %arg7[%dma_wait3A_249, %dma_wait3A_250] : memref<10008x128xf32, #tpu.memory_space<vmem_shared>> -> memref<16x128xf32, #tpu.memory_space<vmem_shared>>
        tpu.wait_dma2 semaphore(%run_scoped3A_227 : memref<!tpu.dma_semaphore, #tpu.memory_space<semaphore_mem>>) src(%dma_wait3A_251 : memref<16x128xf32, #tpu.memory_space<vmem_shared>>) dst(%dma_wait3A_248 : memref<16x128xf32, #tpu.memory_space<vmem>>)
        tpu.yield
      }) : () -> ()
      "tpu.region"() ({
        %run_scoped3A_227 = tpu.sem_alloc : memref<!tpu.dma_semaphore, #tpu.memory_space<semaphore_mem>>
        %dma_start3A_228 = arith.constant 0 : i32
        %dma_start3A_229 = arith.constant 0 : i32
        %dma_start3A_230 = tpu.memref_slice %arg13[%dma_start3A_228, %dma_start3A_229] : memref<128x128xf32, #tpu.memory_space<vmem>> -> memref<16x128xf32, #tpu.memory_space<vmem>>
        %dma_start3A_231 = arith.constant 9984 : i32
        %dma_start3A_232 = arith.constant 0 : i32
        %dma_start3A_233 = tpu.memref_slice %arg6[%arg0, %dma_start3A_231, %dma_start3A_232] : memref<2x10000x128xf32, #tpu.memory_space<hbm>> -> memref<1x16x128xf32, #tpu.memory_space<hbm>>
        %dma_start3A_234 = tpu.memref_squeeze %dma_start3A_233 : memref<1x16x128xf32, #tpu.memory_space<hbm>> -> memref<16x128xf32, #tpu.memory_space<hbm>>
        %dma_start3A_235 = arith.constant 9984 : i32
        %dma_start3A_236 = arith.constant 0 : i32
        %dma_start3A_237 = tpu.memref_slice %arg6[%arg0, %dma_start3A_235, %dma_start3A_236] : memref<2x10000x128xf32, #tpu.memory_space<hbm>> -> memref<1x16x128xf32, #tpu.memory_space<hbm>>
        %dma_start3A_238 = tpu.memref_squeeze %dma_start3A_237 : memref<1x16x128xf32, #tpu.memory_space<hbm>> -> memref<16x128xf32, #tpu.memory_space<hbm>>
        %dma_start3A_239 = arith.constant 0 : i32
        %dma_start3A_240 = arith.constant 0 : i32
        %dma_start3A_241 = tpu.memref_slice %arg13[%dma_start3A_239, %dma_start3A_240] : memref<128x128xf32, #tpu.memory_space<vmem>> -> memref<16x128xf32, #tpu.memory_space<vmem>>
        tpu.enqueue_dma source(%dma_start3A_241 : memref<16x128xf32, #tpu.memory_space<vmem>>) target(%dma_start3A_238 : memref<16x128xf32, #tpu.memory_space<hbm>>) target_semaphore(%run_scoped3A_227 : memref<!tpu.dma_semaphore, #tpu.memory_space<semaphore_mem>>)
        %dma_wait3A_242 = arith.constant 0 : i32
        %dma_wait3A_243 = arith.constant 0 : i32
        %dma_wait3A_244 = tpu.memref_slice %arg13[%dma_wait3A_242, %dma_wait3A_243] : memref<128x128xf32, #tpu.memory_space<vmem>> -> memref<16x128xf32, #tpu.memory_space<vmem>>
        %dma_wait3A_245 = arith.constant 9984 : i32
        %dma_wait3A_246 = arith.constant 0 : i32
        %dma_wait3A_247 = tpu.memref_slice %arg6[%arg0, %dma_wait3A_245, %dma_wait3A_246] : memref<2x10000x128xf32, #tpu.memory_space<hbm>> -> memref<1x16x128xf32, #tpu.memory_space<hbm>>
        %dma_wait3A_248 = tpu.memref_squeeze %dma_wait3A_247 : memref<1x16x128xf32, #tpu.memory_space<hbm>> -> memref<16x128xf32, #tpu.memory_space<hbm>>
        %dma_wait3A_249 = arith.constant 9984 : i32
        %dma_wait3A_250 = arith.constant 0 : i32
        %dma_wait3A_251 = tpu.memref_slice %arg6[%arg0, %dma_wait3A_249, %dma_wait3A_250] : memref<2x10000x128xf32, #tpu.memory_space<hbm>> -> memref<1x16x128xf32, #tpu.memory_space<hbm>>
        %dma_wait3A_252 = tpu.memref_squeeze %dma_wait3A_251 : memref<1x16x128xf32, #tpu.memory_space<hbm>> -> memref<16x128xf32, #tpu.memory_space<hbm>>
        %dma_wait3A_253 = arith.constant 0 : i32
        %dma_wait3A_254 = arith.constant 0 : i32
        %dma_wait3A_255 = tpu.memref_slice %arg13[%dma_wait3A_253, %dma_wait3A_254] : memref<128x128xf32, #tpu.memory_space<vmem>> -> memref<16x128xf32, #tpu.memory_space<vmem>>
        tpu.wait_dma2 semaphore(%run_scoped3A_227 : memref<!tpu.dma_semaphore, #tpu.memory_space<semaphore_mem>>) src(%dma_wait3A_255 : memref<16x128xf32, #tpu.memory_space<vmem>>) dst(%dma_wait3A_252 : memref<16x128xf32, #tpu.memory_space<hbm>>)
        tpu.yield
      }) : () -> ()
    } else {
    }
    return
  }
}

module attributes {stable_mosaic.version = 14 : i64} {
  func.func @_tc1_body(%arg0: i32, %arg1: memref<5000x128xf32, #tpu.memory_space<vmem>>, %arg2: memref<2x5000x1xf32, #tpu.memory_space<vmem>>, %arg3: memref<128x128xf32, #tpu.memory_space<vmem>>, %arg4: memref<1x128xf32, #tpu.memory_space<vmem>>, %arg5: memref<5000x128xf32, #tpu.memory_space<vmem>>) attributes {dimension_semantics = [#tpu.dimension_semantics<arbitrary>], iteration_bounds = array<i64: 2>, scalar_prefetch = 0 : i64, scratch_operands = 0 : i64, tpu.core_type = #tpu.core_type<tc>, window_params = [{transform_indices = @transform_0, window_bounds = array<i64: 5000, 128>}, {transform_indices = @transform_1, window_bounds = array<i64: 2, 5000, 1>}, {pipeline_mode = #tpu.pipeline_mode<synchronous>, transform_indices = @transform_2, window_bounds = array<i64: 128, 128>}, {pipeline_mode = #tpu.pipeline_mode<synchronous>, transform_indices = @transform_3, window_bounds = array<i64: 1, 128>}, {transform_indices = @transform_4, window_bounds = array<i64: 5000, 128>}]} {
    %get3A = arith.constant 0 : index
    %get3A_0 = arith.constant 0 : index
    %get3A_1 = vector.load %arg1[%get3A, %get3A_0] : memref<5000x128xf32, #tpu.memory_space<vmem>>, vector<5000x128xf32>
    %mul3A = arith.mulf %get3A_1, %get3A_1 : vector<5000x128xf32>
    %reduce_sum3A = arith.constant dense<0.000000e+00> : vector<5000xf32>
    %reduce_sum3A_2 = vector.multi_reduction <add>, %mul3A, %reduce_sum3A [1] : vector<5000x128xf32> to vector<5000xf32>
    %broadcast_in_dim3A = vector.shape_cast %reduce_sum3A_2 : vector<5000xf32> to vector<5000x1xf32>
    %sqrt3A = math.sqrt %broadcast_in_dim3A : vector<5000x1xf32>
    %max3A = arith.constant 9.99999996E-13 : f32
    %max3A_3 = vector.broadcast %max3A : f32 to vector<5000x1xf32>
    %max3A_4 = arith.maximumf %sqrt3A, %max3A_3 : vector<5000x1xf32>
    %div3A = vector.broadcast %max3A_4 : vector<5000x1xf32> to vector<5000x128xf32>
    %div3A_5 = arith.divf %get3A_1, %div3A : vector<5000x128xf32>
    %get3A_6 = arith.constant 0 : index
    %get3A_7 = arith.constant 0 : index
    %get3A_8 = arith.constant 0 : index
    %get3A_9 = vector.load %arg2[%get3A_6, %get3A_7, %get3A_8] : memref<2x5000x1xf32, #tpu.memory_space<vmem>>, vector<2x5000x1xf32>
    %slice3A = vector.extract_strided_slice %get3A_9 {offsets = [0, 0, 0], sizes = [1, 5000, 1], strides = [1, 1, 1]} : vector<2x5000x1xf32> to vector<1x5000x1xf32>
    %squeeze3A = vector.shape_cast %slice3A : vector<1x5000x1xf32> to vector<5000x1xf32>
    %slice3A_10 = vector.extract_strided_slice %get3A_9 {offsets = [1, 0, 0], sizes = [1, 5000, 1], strides = [1, 1, 1]} : vector<2x5000x1xf32> to vector<1x5000x1xf32>
    %squeeze3A_11 = vector.shape_cast %slice3A_10 : vector<1x5000x1xf32> to vector<5000x1xf32>
    %add3A = arith.addf %squeeze3A, %squeeze3A_11 : vector<5000x1xf32>
    %max3A_12 = arith.constant 1.000000e+00 : f32
    %max3A_13 = vector.broadcast %max3A_12 : f32 to vector<5000x1xf32>
    %max3A_14 = arith.maximumf %add3A, %max3A_13 : vector<5000x1xf32>
    %rsqrt3A = math.rsqrt %max3A_14 : vector<5000x1xf32>
    %get3A_15 = arith.constant 0 : index
    %get3A_16 = arith.constant 0 : index
    %get3A_17 = vector.load %arg3[%get3A_15, %get3A_16] : memref<128x128xf32, #tpu.memory_space<vmem>>, vector<128x128xf32>
    %dot_general3A = arith.constant dense<0.000000e+00> : vector<5000x128xf32>
    %dot_general3A_18 = tpu.matmul %div3A_5, %get3A_17, %dot_general3A {dimension_numbers = #tpu.dot_dimension_numbers<[1], [0], [0], [1], [0, 0, 1, 1], [], []>, transpose_lhs_hint = false} : vector<5000x128xf32>, vector<128x128xf32>, vector<5000x128xf32> -> vector<5000x128xf32>
    %get3A_19 = arith.constant 0 : index
    %get3A_20 = arith.constant 0 : index
    %get3A_21 = vector.load %arg4[%get3A_19, %get3A_20] : memref<1x128xf32, #tpu.memory_space<vmem>>, vector<1x128xf32>
    %add3A_22 = vector.broadcast %get3A_21 : vector<1x128xf32> to vector<5000x128xf32>
    %add3A_23 = arith.addf %dot_general3A_18, %add3A_22 : vector<5000x128xf32>
    %mul3A_24 = vector.broadcast %rsqrt3A : vector<5000x1xf32> to vector<5000x128xf32>
    %mul3A_25 = arith.mulf %add3A_23, %mul3A_24 : vector<5000x128xf32>
    %swap3A = arith.constant 0 : index
    %swap3A_26 = arith.constant 0 : index
    %swap3A_27 = vector.load %arg5[%swap3A, %swap3A_26] : memref<5000x128xf32, #tpu.memory_space<vmem>>, vector<5000x128xf32>
    tpu.vector_store %arg5[%swap3A, %swap3A_26], %mul3A_25 {strides = array<i32>} : memref<5000x128xf32, #tpu.memory_space<vmem>>, vector<5000x128xf32>,
    return
  }
  func.func @transform_0(%arg0: i32) -> (i32, i32) {
    %c0_i32 = arith.constant 0 : i32
    %c0_i32_0 = arith.constant 0 : i32
    return %arg0, %c0_i32 : i32, i32
  }
  func.func @transform_1(%arg0: i32) -> (i32, i32, i32) {
    %c0_i32 = arith.constant 0 : i32
    %c0_i32_0 = arith.constant 0 : i32
    %c0_i32_1 = arith.constant 0 : i32
    return %c0_i32, %arg0, %c0_i32_0 : i32, i32, i32
  }
  func.func @transform_2(%arg0: i32) -> (i32, i32) {
    %c0_i32 = arith.constant 0 : i32
    %c0_i32_0 = arith.constant 0 : i32
    %c0_i32_1 = arith.constant 0 : i32
    return %c0_i32, %c0_i32_0 : i32, i32
  }
  func.func @transform_3(%arg0: i32) -> (i32, i32) {
    %c0_i32 = arith.constant 0 : i32
    %c0_i32_0 = arith.constant 0 : i32
    %c0_i32_1 = arith.constant 0 : i32
    return %c0_i32, %c0_i32_0 : i32, i32
  }
  func.func @transform_4(%arg0: i32) -> (i32, i32) {
    %c0_i32 = arith.constant 0 : i32
    %c0_i32_0 = arith.constant 0 : i32
    return %arg0, %c0_i32 : i32, i32
  }
}

module attributes {stable_mosaic.version = 14 : i64} {
  func.func @_tc2_body(%arg0: i32, %arg1: memref<2x5000x128xf32, #tpu.memory_space<vmem>>, %arg2: memref<2x5000x1xf32, #tpu.memory_space<vmem>>, %arg3: memref<128x128xf32, #tpu.memory_space<vmem>>, %arg4: memref<1x128xf32, #tpu.memory_space<vmem>>, %arg5: memref<5000x128xf32, #tpu.memory_space<vmem>>) attributes {dimension_semantics = [#tpu.dimension_semantics<arbitrary>], iteration_bounds = array<i64: 2>, scalar_prefetch = 0 : i64, scratch_operands = 0 : i64, tpu.core_type = #tpu.core_type<tc>, window_params = [{transform_indices = @transform_0, window_bounds = array<i64: 2, 5000, 128>}, {transform_indices = @transform_1, window_bounds = array<i64: 2, 5000, 1>}, {pipeline_mode = #tpu.pipeline_mode<synchronous>, transform_indices = @transform_2, window_bounds = array<i64: 128, 128>}, {pipeline_mode = #tpu.pipeline_mode<synchronous>, transform_indices = @transform_3, window_bounds = array<i64: 1, 128>}, {transform_indices = @transform_4, window_bounds = array<i64: 5000, 128>}]} {
    %get3A = arith.constant 0 : index
    %get3A_0 = arith.constant 0 : index
    %get3A_1 = arith.constant 0 : index
    %get3A_2 = vector.load %arg1[%get3A, %get3A_0, %get3A_1] : memref<2x5000x128xf32, #tpu.memory_space<vmem>>, vector<2x5000x128xf32>
    %get3A_3 = arith.constant 0 : index
    %get3A_4 = arith.constant 0 : index
    %get3A_5 = arith.constant 0 : index
    %get3A_6 = vector.load %arg2[%get3A_3, %get3A_4, %get3A_5] : memref<2x5000x1xf32, #tpu.memory_space<vmem>>, vector<2x5000x1xf32>
    %slice3A = vector.extract_strided_slice %get3A_6 {offsets = [0, 0, 0], sizes = [1, 5000, 1], strides = [1, 1, 1]} : vector<2x5000x1xf32> to vector<1x5000x1xf32>
    %squeeze3A = vector.shape_cast %slice3A : vector<1x5000x1xf32> to vector<5000x1xf32>
    %slice3A_7 = vector.extract_strided_slice %get3A_6 {offsets = [1, 0, 0], sizes = [1, 5000, 1], strides = [1, 1, 1]} : vector<2x5000x1xf32> to vector<1x5000x1xf32>
    %squeeze3A_8 = vector.shape_cast %slice3A_7 : vector<1x5000x1xf32> to vector<5000x1xf32>
    %add3A = arith.addf %squeeze3A, %squeeze3A_8 : vector<5000x1xf32>
    %max3A = arith.constant 1.000000e+00 : f32
    %max3A_9 = vector.broadcast %max3A : f32 to vector<5000x1xf32>
    %max3A_10 = arith.maximumf %add3A, %max3A_9 : vector<5000x1xf32>
    %rsqrt3A = math.rsqrt %max3A_10 : vector<5000x1xf32>
    %slice3A_11 = vector.extract_strided_slice %get3A_2 {offsets = [0, 0, 0], sizes = [1, 5000, 128], strides = [1, 1, 1]} : vector<2x5000x128xf32> to vector<1x5000x128xf32>
    %squeeze3A_12 = vector.shape_cast %slice3A_11 : vector<1x5000x128xf32> to vector<5000x128xf32>
    %slice3A_13 = vector.extract_strided_slice %get3A_2 {offsets = [1, 0, 0], sizes = [1, 5000, 128], strides = [1, 1, 1]} : vector<2x5000x128xf32> to vector<1x5000x128xf32>
    %squeeze3A_14 = vector.shape_cast %slice3A_13 : vector<1x5000x128xf32> to vector<5000x128xf32>
    %add3A_15 = arith.addf %squeeze3A_12, %squeeze3A_14 : vector<5000x128xf32>
    %mul3A = vector.broadcast %rsqrt3A : vector<5000x1xf32> to vector<5000x128xf32>
    %mul3A_16 = arith.mulf %add3A_15, %mul3A : vector<5000x128xf32>
    %max3A_17 = arith.constant 0.000000e+00 : f32
    %max3A_18 = vector.broadcast %max3A_17 : f32 to vector<5000x128xf32>
    %max3A_19 = arith.maximumf %mul3A_16, %max3A_18 : vector<5000x128xf32>
    %get3A_20 = arith.constant 0 : index
    %get3A_21 = arith.constant 0 : index
    %get3A_22 = vector.load %arg3[%get3A_20, %get3A_21] : memref<128x128xf32, #tpu.memory_space<vmem>>, vector<128x128xf32>
    %dot_general3A = arith.constant dense<0.000000e+00> : vector<5000x128xf32>
    %dot_general3A_23 = tpu.matmul %max3A_19, %get3A_22, %dot_general3A {dimension_numbers = #tpu.dot_dimension_numbers<[1], [0], [0], [1], [0, 0, 1, 1], [], []>, transpose_lhs_hint = false} : vector<5000x128xf32>, vector<128x128xf32>, vector<5000x128xf32> -> vector<5000x128xf32>
    %get3A_24 = arith.constant 0 : index
    %get3A_25 = arith.constant 0 : index
    %get3A_26 = vector.load %arg4[%get3A_24, %get3A_25] : memref<1x128xf32, #tpu.memory_space<vmem>>, vector<1x128xf32>
    %add3A_27 = vector.broadcast %get3A_26 : vector<1x128xf32> to vector<5000x128xf32>
    %add3A_28 = arith.addf %dot_general3A_23, %add3A_27 : vector<5000x128xf32>
    %mul3A_29 = vector.broadcast %rsqrt3A : vector<5000x1xf32> to vector<5000x128xf32>
    %mul3A_30 = arith.mulf %add3A_28, %mul3A_29 : vector<5000x128xf32>
    %swap3A = arith.constant 0 : index
    %swap3A_31 = arith.constant 0 : index
    %swap3A_32 = vector.load %arg5[%swap3A, %swap3A_31] : memref<5000x128xf32, #tpu.memory_space<vmem>>, vector<5000x128xf32>
    tpu.vector_store %arg5[%swap3A, %swap3A_31], %mul3A_30 {strides = array<i32>} : memref<5000x128xf32, #tpu.memory_space<vmem>>, vector<5000x128xf32>,
    return
  }
  func.func @transform_0(%arg0: i32) -> (i32, i32, i32) {
    %c0_i32 = arith.constant 0 : i32
    %c0_i32_0 = arith.constant 0 : i32
    %c0_i32_1 = arith.constant 0 : i32
    return %c0_i32, %arg0, %c0_i32_0 : i32, i32, i32
  }
  func.func @transform_1(%arg0: i32) -> (i32, i32, i32) {
    %c0_i32 = arith.constant 0 : i32
    %c0_i32_0 = arith.constant 0 : i32
    %c0_i32_1 = arith.constant 0 : i32
    return %c0_i32, %arg0, %c0_i32_0 : i32, i32, i32
  }
  func.func @transform_2(%arg0: i32) -> (i32, i32) {
    %c0_i32 = arith.constant 0 : i32
    %c0_i32_0 = arith.constant 0 : i32
    %c0_i32_1 = arith.constant 0 : i32
    return %c0_i32, %c0_i32_0 : i32, i32
  }
  func.func @transform_3(%arg0: i32) -> (i32, i32) {
    %c0_i32 = arith.constant 0 : i32
    %c0_i32_0 = arith.constant 0 : i32
    %c0_i32_1 = arith.constant 0 : i32
    return %c0_i32, %c0_i32_0 : i32, i32
  }
  func.func @transform_4(%arg0: i32) -> (i32, i32) {
    %c0_i32 = arith.constant 0 : i32
    %c0_i32_0 = arith.constant 0 : i32
    return %arg0, %c0_i32 : i32, i32
  }
}

module attributes {stable_mosaic.version = 14 : i64} {
  func.func @_tc3_body(%arg0: i32, %arg1: memref<2x5000x128xf32, #tpu.memory_space<vmem>>, %arg2: memref<2x5000x1xf32, #tpu.memory_space<vmem>>, %arg3: memref<5000x8xf32, #tpu.memory_space<vmem>>, %arg4: memref<8x128xf32, #tpu.memory_space<vmem>>, %arg5: memref<1x128xf32, #tpu.memory_space<vmem>>, %arg6: memref<128x128xf32, #tpu.memory_space<vmem>>, %arg7: memref<128x128xf32, #tpu.memory_space<vmem>>, %arg8: memref<1x128xf32, #tpu.memory_space<vmem>>, %arg9: memref<128x128xf32, #tpu.memory_space<vmem>>, %arg10: memref<1x128xf32, #tpu.memory_space<vmem>>, %arg11: memref<5000x64xf32, #tpu.memory_space<vmem>>, %arg12: memref<5000x64xf32, #tpu.memory_space<vmem>>) attributes {dimension_semantics = [#tpu.dimension_semantics<arbitrary>], iteration_bounds = array<i64: 2>, scalar_prefetch = 0 : i64, scratch_operands = 0 : i64, tpu.core_type = #tpu.core_type<tc>, window_params = [{transform_indices = @transform_0, window_bounds = array<i64: 2, 5000, 128>}, {transform_indices = @transform_1, window_bounds = array<i64: 2, 5000, 1>}, {transform_indices = @transform_2, window_bounds = array<i64: 5000, 8>}, {pipeline_mode = #tpu.pipeline_mode<synchronous>, transform_indices = @transform_3, window_bounds = array<i64: 8, 128>}, {pipeline_mode = #tpu.pipeline_mode<synchronous>, transform_indices = @transform_4, window_bounds = array<i64: 1, 128>}, {pipeline_mode = #tpu.pipeline_mode<synchronous>, transform_indices = @transform_5, window_bounds = array<i64: 128, 128>}, {pipeline_mode = #tpu.pipeline_mode<synchronous>, transform_indices = @transform_6, window_bounds = array<i64: 128, 128>}, {pipeline_mode = #tpu.pipeline_mode<synchronous>, transform_indices = @transform_7, window_bounds = array<i64: 1, 128>}, {pipeline_mode = #tpu.pipeline_mode<synchronous>, transform_indices = @transform_8, window_bounds = array<i64: 128, 128>}, {pipeline_mode = #tpu.pipeline_mode<synchronous>, transform_indices = @transform_9, window_bounds = array<i64: 1, 128>}, {transform_indices = @transform_10, window_bounds = array<i64: 5000, 64>}, {transform_indices = @transform_11, window_bounds = array<i64: 5000, 64>}]} {
    %get3A = arith.constant 0 : index
    %get3A_0 = arith.constant 0 : index
    %get3A_1 = arith.constant 0 : index
    %get3A_2 = vector.load %arg1[%get3A, %get3A_0, %get3A_1] : memref<2x5000x128xf32, #tpu.memory_space<vmem>>, vector<2x5000x128xf32>
    %get3A_3 = arith.constant 0 : index
    %get3A_4 = arith.constant 0 : index
    %get3A_5 = arith.constant 0 : index
    %get3A_6 = vector.load %arg2[%get3A_3, %get3A_4, %get3A_5] : memref<2x5000x1xf32, #tpu.memory_space<vmem>>, vector<2x5000x1xf32>
    %slice3A = vector.extract_strided_slice %get3A_6 {offsets = [0, 0, 0], sizes = [1, 5000, 1], strides = [1, 1, 1]} : vector<2x5000x1xf32> to vector<1x5000x1xf32>
    %squeeze3A = vector.shape_cast %slice3A : vector<1x5000x1xf32> to vector<5000x1xf32>
    %slice3A_7 = vector.extract_strided_slice %get3A_6 {offsets = [1, 0, 0], sizes = [1, 5000, 1], strides = [1, 1, 1]} : vector<2x5000x1xf32> to vector<1x5000x1xf32>
    %squeeze3A_8 = vector.shape_cast %slice3A_7 : vector<1x5000x1xf32> to vector<5000x1xf32>
    %add3A = arith.addf %squeeze3A, %squeeze3A_8 : vector<5000x1xf32>
    %max3A = arith.constant 1.000000e+00 : f32
    %max3A_9 = vector.broadcast %max3A : f32 to vector<5000x1xf32>
    %max3A_10 = arith.maximumf %add3A, %max3A_9 : vector<5000x1xf32>
    %rsqrt3A = math.rsqrt %max3A_10 : vector<5000x1xf32>
    %slice3A_11 = vector.extract_strided_slice %get3A_2 {offsets = [0, 0, 0], sizes = [1, 5000, 128], strides = [1, 1, 1]} : vector<2x5000x128xf32> to vector<1x5000x128xf32>
    %squeeze3A_12 = vector.shape_cast %slice3A_11 : vector<1x5000x128xf32> to vector<5000x128xf32>
    %slice3A_13 = vector.extract_strided_slice %get3A_2 {offsets = [1, 0, 0], sizes = [1, 5000, 128], strides = [1, 1, 1]} : vector<2x5000x128xf32> to vector<1x5000x128xf32>
    %squeeze3A_14 = vector.shape_cast %slice3A_13 : vector<1x5000x128xf32> to vector<5000x128xf32>
    %add3A_15 = arith.addf %squeeze3A_12, %squeeze3A_14 : vector<5000x128xf32>
    %mul3A = vector.broadcast %rsqrt3A : vector<5000x1xf32> to vector<5000x128xf32>
    %mul3A_16 = arith.mulf %add3A_15, %mul3A : vector<5000x128xf32>
    %get3A_17 = arith.constant 0 : index
    %get3A_18 = arith.constant 0 : index
    %get3A_19 = vector.load %arg3[%get3A_17, %get3A_18] : memref<5000x8xf32, #tpu.memory_space<vmem>>, vector<5000x8xf32>
    %get3A_20 = arith.constant 0 : index
    %get3A_21 = arith.constant 0 : index
    %get3A_22 = vector.load %arg4[%get3A_20, %get3A_21] : memref<8x128xf32, #tpu.memory_space<vmem>>, vector<8x128xf32>
    %dot_general3A = arith.constant dense<0.000000e+00> : vector<5000x128xf32>
    %dot_general3A_23 = tpu.matmul %get3A_19, %get3A_22, %dot_general3A {dimension_numbers = #tpu.dot_dimension_numbers<[1], [0], [0], [1], [0, 0, 1, 1], [], []>, transpose_lhs_hint = false} : vector<5000x8xf32>, vector<8x128xf32>, vector<5000x128xf32> -> vector<5000x128xf32>
    %get3A_24 = arith.constant 0 : index
    %get3A_25 = arith.constant 0 : index
    %get3A_26 = vector.load %arg5[%get3A_24, %get3A_25] : memref<1x128xf32, #tpu.memory_space<vmem>>, vector<1x128xf32>
    %add3A_27 = vector.broadcast %get3A_26 : vector<1x128xf32> to vector<5000x128xf32>
    %add3A_28 = arith.addf %dot_general3A_23, %add3A_27 : vector<5000x128xf32>
    %get3A_29 = arith.constant 0 : index
    %get3A_30 = arith.constant 0 : index
    %get3A_31 = vector.load %arg6[%get3A_29, %get3A_30] : memref<128x128xf32, #tpu.memory_space<vmem>>, vector<128x128xf32>
    %dot_general3A_32 = arith.constant dense<0.000000e+00> : vector<5000x128xf32>
    %dot_general3A_33 = tpu.matmul %mul3A_16, %get3A_31, %dot_general3A_32 {dimension_numbers = #tpu.dot_dimension_numbers<[1], [0], [0], [1], [0, 0, 1, 1], [], []>, transpose_lhs_hint = false} : vector<5000x128xf32>, vector<128x128xf32>, vector<5000x128xf32> -> vector<5000x128xf32>
    %get3A_34 = arith.constant 0 : index
    %get3A_35 = arith.constant 0 : index
    %get3A_36 = vector.load %arg7[%get3A_34, %get3A_35] : memref<128x128xf32, #tpu.memory_space<vmem>>, vector<128x128xf32>
    %dot_general3A_37 = arith.constant dense<0.000000e+00> : vector<5000x128xf32>
    %dot_general3A_38 = tpu.matmul %add3A_28, %get3A_36, %dot_general3A_37 {dimension_numbers = #tpu.dot_dimension_numbers<[1], [0], [0], [1], [0, 0, 1, 1], [], []>, transpose_lhs_hint = false} : vector<5000x128xf32>, vector<128x128xf32>, vector<5000x128xf32> -> vector<5000x128xf32>
    %add3A_39 = arith.addf %dot_general3A_33, %dot_general3A_38 : vector<5000x128xf32>
    %get3A_40 = arith.constant 0 : index
    %get3A_41 = arith.constant 0 : index
    %get3A_42 = vector.load %arg8[%get3A_40, %get3A_41] : memref<1x128xf32, #tpu.memory_space<vmem>>, vector<1x128xf32>
    %add3A_43 = vector.broadcast %get3A_42 : vector<1x128xf32> to vector<5000x128xf32>
    %add3A_44 = arith.addf %add3A_39, %add3A_43 : vector<5000x128xf32>
    %get3A_45 = arith.constant 0 : index
    %get3A_46 = arith.constant 0 : index
    %get3A_47 = vector.load %arg9[%get3A_45, %get3A_46] : memref<128x128xf32, #tpu.memory_space<vmem>>, vector<128x128xf32>
    %dot_general3A_48 = arith.constant dense<0.000000e+00> : vector<5000x128xf32>
    %dot_general3A_49 = tpu.matmul %add3A_44, %get3A_47, %dot_general3A_48 {dimension_numbers = #tpu.dot_dimension_numbers<[1], [0], [0], [1], [0, 0, 1, 1], [], []>, transpose_lhs_hint = false} : vector<5000x128xf32>, vector<128x128xf32>, vector<5000x128xf32> -> vector<5000x128xf32>
    %get3A_50 = arith.constant 0 : index
    %get3A_51 = arith.constant 0 : index
    %get3A_52 = vector.load %arg10[%get3A_50, %get3A_51] : memref<1x128xf32, #tpu.memory_space<vmem>>, vector<1x128xf32>
    %add3A_53 = vector.broadcast %get3A_52 : vector<1x128xf32> to vector<5000x128xf32>
    %add3A_54 = arith.addf %dot_general3A_49, %add3A_53 : vector<5000x128xf32>
    %gt3A = arith.constant 0.000000e+00 : f32
    %gt3A_55 = vector.broadcast %gt3A : f32 to vector<5000x128xf32>
    %gt3A_56 = arith.cmpf ogt, %add3A_54, %gt3A_55 : vector<5000x128xf32>
    %min3A = arith.constant 0.000000e+00 : f32
    %min3A_57 = vector.broadcast %min3A : f32 to vector<5000x128xf32>
    %min3A_58 = arith.minimumf %add3A_54, %min3A_57 : vector<5000x128xf32>
    %exp3A = math.exp %min3A_58 : vector<5000x128xf32>
    %sub3A = arith.constant 1.000000e+00 : f32
    %sub3A_59 = vector.broadcast %sub3A : f32 to vector<5000x128xf32>
    %sub3A_60 = arith.subf %exp3A, %sub3A_59 : vector<5000x128xf32>
    %select_n3A = arith.select %gt3A_56, %add3A_54, %sub3A_60 : vector<5000x128xi1>, vector<5000x128xf32>
    %slice3A_61 = vector.extract_strided_slice %select_n3A {offsets = [0, 0], sizes = [5000, 64], strides = [1, 1]} : vector<5000x128xf32> to vector<5000x64xf32>
    %swap3A = arith.constant 0 : index
    %swap3A_62 = arith.constant 0 : index
    %swap3A_63 = vector.load %arg11[%swap3A, %swap3A_62] : memref<5000x64xf32, #tpu.memory_space<vmem>>, vector<5000x64xf32>
    tpu.vector_store %arg11[%swap3A, %swap3A_62], %slice3A_61 {strides = array<i32>} : memref<5000x64xf32, #tpu.memory_space<vmem>>, vector<5000x64xf32>,
    %slice3A_64 = vector.extract_strided_slice %select_n3A {offsets = [0, 64], sizes = [5000, 64], strides = [1, 1]} : vector<5000x128xf32> to vector<5000x64xf32>
    %swap3A_65 = arith.constant 0 : index
    %swap3A_66 = arith.constant 0 : index
    %swap3A_67 = vector.load %arg12[%swap3A_65, %swap3A_66] : memref<5000x64xf32, #tpu.memory_space<vmem>>, vector<5000x64xf32>
    tpu.vector_store %arg12[%swap3A_65, %swap3A_66], %slice3A_64 {strides = array<i32>} : memref<5000x64xf32, #tpu.memory_space<vmem>>, vector<5000x64xf32>,
    return
  }
  func.func @transform_0(%arg0: i32) -> (i32, i32, i32) {
    %c0_i32 = arith.constant 0 : i32
    %c0_i32_0 = arith.constant 0 : i32
    %c0_i32_1 = arith.constant 0 : i32
    return %c0_i32, %arg0, %c0_i32_0 : i32, i32, i32
  }
  func.func @transform_1(%arg0: i32) -> (i32, i32, i32) {
    %c0_i32 = arith.constant 0 : i32
    %c0_i32_0 = arith.constant 0 : i32
    %c0_i32_1 = arith.constant 0 : i32
    return %c0_i32, %arg0, %c0_i32_0 : i32, i32, i32
  }
  func.func @transform_2(%arg0: i32) -> (i32, i32) {
    %c0_i32 = arith.constant 0 : i32
    %c0_i32_0 = arith.constant 0 : i32
    return %arg0, %c0_i32 : i32, i32
  }
  func.func @transform_3(%arg0: i32) -> (i32, i32) {
    %c0_i32 = arith.constant 0 : i32
    %c0_i32_0 = arith.constant 0 : i32
    %c0_i32_1 = arith.constant 0 : i32
    return %c0_i32, %c0_i32_0 : i32, i32
  }
  func.func @transform_4(%arg0: i32) -> (i32, i32) {
    %c0_i32 = arith.constant 0 : i32
    %c0_i32_0 = arith.constant 0 : i32
    %c0_i32_1 = arith.constant 0 : i32
    return %c0_i32, %c0_i32_0 : i32, i32
  }
  func.func @transform_5(%arg0: i32) -> (i32, i32) {
    %c0_i32 = arith.constant 0 : i32
    %c0_i32_0 = arith.constant 0 : i32
    %c0_i32_1 = arith.constant 0 : i32
    return %c0_i32, %c0_i32_0 : i32, i32
  }
  func.func @transform_6(%arg0: i32) -> (i32, i32) {
    %c0_i32 = arith.constant 0 : i32
    %c0_i32_0 = arith.constant 0 : i32
    %c0_i32_1 = arith.constant 0 : i32
    return %c0_i32, %c0_i32_0 : i32, i32
  }
  func.func @transform_7(%arg0: i32) -> (i32, i32) {
    %c0_i32 = arith.constant 0 : i32
    %c0_i32_0 = arith.constant 0 : i32
    %c0_i32_1 = arith.constant 0 : i32
    return %c0_i32, %c0_i32_0 : i32, i32
  }
  func.func @transform_8(%arg0: i32) -> (i32, i32) {
    %c0_i32 = arith.constant 0 : i32
    %c0_i32_0 = arith.constant 0 : i32
    %c0_i32_1 = arith.constant 0 : i32
    return %c0_i32, %c0_i32_0 : i32, i32
  }
  func.func @transform_9(%arg0: i32) -> (i32, i32) {
    %c0_i32 = arith.constant 0 : i32
    %c0_i32_0 = arith.constant 0 : i32
    %c0_i32_1 = arith.constant 0 : i32
    return %c0_i32, %c0_i32_0 : i32, i32
  }
  func.func @transform_10(%arg0: i32) -> (i32, i32) {
    %c0_i32 = arith.constant 0 : i32
    %c0_i32_0 = arith.constant 0 : i32
    return %arg0, %c0_i32 : i32, i32
  }
  func.func @transform_11(%arg0: i32) -> (i32, i32) {
    %c0_i32 = arith.constant 0 : i32
    %c0_i32_0 = arith.constant 0 : i32
    return %arg0, %c0_i32 : i32, i32
  }
}

</mosaic_0001>

<sc_bundles>
// kernel: kernel.11.cloned.1.call-start
scs
__scs_entry_jumppad:
0x0: {  	(pc) =	sbr.rel $0x88, $3  }
0x1: {  	(tag) =	ssettag $0x0;
	lr =	simm.s32 $0x1  }
0x2: {  	[smem:$0x3F92] =	sst lr;
	_ =	strace $0xD0000000  }
0x3: {  	_ = 	snop  }
0x4: {  	_ = 	snop  }
0x5: {  	_ = 	snop  }
0x6: {  	_ = 	snop  }
0x7: {  	_ = 	snop  }
__scs_overlays_trampoline_lowered:
0x8: {  	[smem:$0x3FA1] =	sst s0  }
0x9: {  	[smem:$0x3FA2] =	sst s1  }
0xa: {  	[smem:$0x3FA3] =	sst s2  }
0xb: {  	[smem:$0x3FA4] =	sst s3  }
0xc: {  	[smem:$0x3FA5] =	sst s4  }
0xd: {  	[smem:$0x3FA6] =	sst s5  }
0xe: {  	[smem:$0x3FA7] =	sst s6  }
0xf: {  	[smem:$0x3FA8] =	sst s7  }
0x10: {  	[smem:$0x3FA9] =	sst s8  }
0x11: {  	[smem:$0x3FAA] =	sst s9;
	s0 =	simm.s32 @!p0 $0x0  }
0x12: {  	s1 =	sld [smem:$0x3F90];
	s0 =	simm.s32 @p0 $0x1  }
0x13: {  	[smem:$0x3FAB] =	sst s0;
	s0 =	simm.s32 @!p1 $0x0  }
0x14: {  	s2 =	sld [smem:$0x3F8F];
	s0 =	simm.s32 @p1 $0x1  }
0x15: {  	[smem:$0x3FAC] =	sst s0;
	s0 =	simm.s32 @!p2 $0x0  }
0x16: {  	s3 =	sld [smem:$0x3FDB];
	s0 =	simm.s32 @p2 $0x1  }
0x17: {  	s4 =	simm.s32 $0x1BF5;
	[smem:$0x3FAE] =	sst s0  }
0x18: {  	s0 =	sld [smem:$0x3F91];
	_ =	swait.ge [sflag:s4], $0x0  }
0x19: {  	s7 =	sld [smem:$0x3F92]  }
0x1a: {  	s8 =	sadd.s32 $0xFFFFE003, lr  }
0x1b: {  	s9 =	sadd.s32 $0xFFFFFEF7, lr;
	s5 =	simm.s32 $0xFFFFFFFF;
	p2 =	slt.u32 s8, $0xFFFFF086  }
0x1c: {  	p1 =	slt.u32 s9, $0xF7A;
	s5 =	simm.s32 @!p2 $0x0  }
0x1d: {  	s5 =	simm.s32 @p1 $0x1;
	p0 =	seq.s32 s7, s2  }
0x1e: {  	s7 =	smul.u32 @!p0 $0xF7A, s2;
	p2 =	seq.s32 @!p0 s5, $0x0  }
0x1f: {  	s9 =	smul.u32 $0xF7A, s1;
	s8 =	simm.s32 @!p0 $0x1BF5;
	p2 =	por !p2, p0  }
0x20: {  	[sflag:s8] =	ssyncset.s32 @!p0 $0xFFFFF086;
	s6 =	sadd.s32 @!p0 s3, s7;
	s7 =	simm.s32 @!p0 $0x108  }
0x21: {  	s3 =	sadd.s32 s3, s9;
	s6 =	sadd.s32 @!p0 $0x88, s6;
	s7 =	simm.s32 @p2 $0x1082  }
0x22: {  	[simem:s7], [sflag:s8] =	dma.local @!p0 [hbm:s6], $0xF7A  }
0x23: {  	s9 =	sor.u32 $0xD0000000, s2;
	s6 =	simm.s32 $0x108;
	_ =	swait.ge @!p0 [sflag:s8], $0x0  }
0x24: {  	s3 =	sadd.s32 $0x88, s3;
	s6 =	simm.s32 @!p1 $0x1082;
	[sflag:s4] =	ssyncset.s32 $0xFFFFF086  }
0x25: {  	[simem:s6], [sflag:s4] =	dma.local [hbm:s3], $0xF7A  }
0x26: {  	[smem:$0x3F92] =	sst s1;
	(tag) =	ssettag s2;
	_ =	strace s9  }
0x27: {  	s1 =	sld [smem:$0x3FA2]  }
0x28: {  	s2 =	sld [smem:$0x3FA3]  }
0x29: {  	s4 =	sld [smem:$0x3FA5]  }
0x2a: {  	p0 =	seq.s32 s5, $0x0;
	s5 =	sld [smem:$0x3FA6]  }
0x2b: {  	s6 =	sld [smem:$0x3FA7]  }
0x2c: {  	s7 =	sld [smem:$0x3FA8]  }
0x2d: {  	s3 =	simm.s32 $0x108;
	s8 =	sld [smem:$0x3FA9]  }
0x2e: {  	s3 =	simm.s32 @!p0 $0x1082;
	s9 =	sld [smem:$0x3FAA]  }
0x2f: {  	lr =	sadd.s32 s0, s3;
	s0 =	sld [smem:$0x3FA1]  }
0x30: {  	s3 =	sld [smem:$0x3FA4]  }
0x31: {  	[smem:$0x3FAD] =	sst s10  }
0x32: {  	s10 =	sld [smem:$0x3FAB];
	_ =	sdelay $0x3  }
0x33: {  	p0 =	seq.s32 s10, $0x1;
	s10 =	sld [smem:$0x3FAD];
	_ =	sdelay $0x3  }
0x34: {  	[smem:$0x3FAD] =	sst s10  }
0x35: {  	s10 =	sld [smem:$0x3FAC];
	_ =	sdelay $0x3  }
0x36: {  	p1 =	seq.s32 s10, $0x1;
	s10 =	sld [smem:$0x3FAD];
	_ =	sdelay $0x3  }
0x37: {  	[smem:$0x3FAD] =	sst s10  }
0x38: {  	s10 =	sld [smem:$0x3FAE]  }
0x39: {  	_ = 	snop;
	(pc) =	sbr.ind lr, $3  }
0x3a: {  	_ = 	snop  }
0x3b: {  	_ = 	snop  }
0x3c: {  	p2 =	seq.s32 s10, $0x1;
	s10 =	sld [smem:$0x3FAD]  }
0x3d: {  	_ =	shalt  }
0x3e: {  	_ =	shalt  }
0x3f: {  	_ =	shalt  }
0x40: {  	_ =	shalt  }
0x41: {  	_ =	shalt  }
0x42: {  	_ =	shalt  }
0x43: {  	_ =	shalt  }
0x44: {  	_ =	shalt  }
0x45: {  	_ =	shalt  }
0x46: {  	_ =	shalt  }
0x47: {  	_ =	shalt  }
0x48: {  	_ =	shalt  }
0x49: {  	_ =	shalt  }
0x4a: {  	_ =	shalt  }
0x4b: {  	_ =	shalt  }
0x4c: {  	_ =	shalt  }
0x4d: {  	_ =	shalt  }
0x4e: {  	_ =	shalt  }
0x4f: {  	_ =	shalt  }
0x50: {  	_ =	shalt  }
0x51: {  	_ =	shalt  }
0x52: {  	_ =	shalt  }
0x53: {  	_ =	shalt  }
0x54: {  	_ =	shalt  }
0x55: {  	_ =	shalt  }
0x56: {  	_ =	shalt  }
0x57: {  	_ =	shalt  }
0x58: {  	_ =	shalt  }
0x59: {  	_ =	shalt  }
0x5a: {  	_ =	shalt  }
0x5b: {  	_ =	shalt  }
0x5c: {  	_ =	shalt  }
0x5d: {  	_ =	shalt  }
0x5e: {  	_ =	shalt  }
0x5f: {  	_ =	shalt  }
0x60: {  	_ =	shalt  }
0x61: {  	_ =	shalt  }
0x62: {  	_ =	shalt  }
0x63: {  	_ =	shalt  }
0x64: {  	_ =	shalt  }
0x65: {  	_ =	shalt  }
0x66: {  	_ =	shalt  }
0x67: {  	_ =	shalt  }
0x68: {  	_ =	shalt  }
0x69: {  	_ =	shalt  }
0x6a: {  	_ =	shalt  }
0x6b: {  	_ =	shalt  }
0x6c: {  	_ =	shalt  }
0x6d: {  	_ =	shalt  }
0x6e: {  	_ =	shalt  }
0x6f: {  	_ =	shalt  }
0x70: {  	_ =	shalt  }
0x71: {  	_ =	shalt  }
0x72: {  	_ =	shalt  }
0x73: {  	_ =	shalt  }
0x74: {  	_ =	shalt  }
0x75: {  	_ =	shalt  }
0x76: {  	_ =	shalt  }
0x77: {  	_ =	shalt  }
0x78: {  	_ =	shalt  }
0x79: {  	_ =	shalt  }
0x7a: {  	_ =	shalt  }
0x7b: {  	_ =	shalt  }
0x7c: {  	_ =	shalt  }
0x7d: {  	_ =	shalt  }
0x7e: {  	_ =	shalt  }
0x7f: {  	_ =	shalt  }
0x80: {  	_ =	shalt  }
0x81: {  	_ =	shalt  }
0x82: {  	_ =	shalt  }
0x83: {  	_ =	shalt  }
0x84: {  	_ =	shalt  }
0x85: {  	_ =	shalt  }
0x86: {  	_ =	shalt  }
0x87: {  	_ =	shalt  }
.Lfunc_end0:
.L_simem_size_0:
called_computation.1_lowered:
.L_overlay_start_0:
0x88: {  	s2 =	sld [smem:$0x3FD9]  }
0x89: {  	s3 =	sld [smem:$0x3FFE];
	_ =	sdelay $0x1  }
0x8a: {  	s1 =	srdreg.scid  }
0x8b: {  	s0 =	sand.u32 $0x1, s1  }
0x8c: {  	s14 =	sshll.u32 s0, $0xA;
	s2 =	sadd.s32 s3, s2  }
0x8d: {  	s2 =	sadd.s32 s2, s14  }
0x8e: {  	[smem:$0x3FB9] =	sst s2  }
0x8f: {  	_ = 	snop  }
0x90: {  	s2 =	sld [smem:$0x3FD0];
	_ =	sdelay $0x2  }
0x91: {  	s15 =	simm.s32 $0xA;
	s4 =	simm.s32 $0x10  }
0x92: {  	[smem:s4], [sflag:s15] =	dma.local [hbm:s2], $0x1  }
0x93: {  	_ =	swait.eq [sflag:s15], $0x1  }
0x94: {  	[sflag:s15] =	ssyncset.done $0x0  }
0x95: {  	s16 =	sld [smem:$0x10];
	[sflag:s15] =	ssyncadd.s32 $0xFFFFFFFF  }
0x96: {  	s17 =	sld [smem:$0x11];
	(tm) =	ssettm $0x1  }
0x97: {  	s18 =	sld [smem:$0x3FFB];
	_ =	sdelay $0x3  }
0x98: {  	_ =	strace s18  }
0x99: {  	s4 =	sld [smem:$0x3FFC];
	_ =	sdelay $0x3  }
0x9a: {  	_ =	strace s4  }
0x9b: {  	s4 =	sld [smem:$0x3FFD];
	_ =	sdelay $0x3  }
0x9c: {  	_ =	strace s4  }
0x9d: {  	_ =	strace $0x8FFFFFFF  }
0x9e: {  	s19 =	sld [smem:$0x3FDB];
	_ =	sdelay $0x1  }
0x9f: {  	s5 =	simm.s32 $_scs_section_size  }
0xa0: {  	s6 =	simm.s32 $_size__tile_overlayer_lowered;
	s7 =	simm.s32 $_tile_overlayer_lowered  }
0xa1: {  	s22 =	simm.s32 $0x1BFF;
	s21 =	sshll.u32 s7, $0x1;
	s4 =	sadd.s32 s5, s19  }
0xa2: {  	s8 =	simm.s32 $0x0;
	s20 =	sshll.u32 s6, $0x1;
	s6 =	sadd.s32 s21, s4  }
0xa3: {  	[timem:s8], [sflag:s22] =	dma.local [hbm:s6], s20  }
0xa4: {  	_ =	swait.ge [sflag:s22], s20  }
0xa5: {  	s5 =	ssub.s32 $0x0, s20;
	[sflag:s22] =	ssyncset.done $0x0  }
0xa6: {  	[sflag:s22] =	ssyncadd.s32 s5;
	_ =	sdelay $0x1  }
0xa7: {  	s23 =	simm.s32 $0x1B8B  }
0xa8: {  	_ =	swait.ge [sflag:s23], $0x1  }
0xa9: {  	[sflag:s23] =	ssyncset.done $0x0  }
0xaa: {  	s25 =	simm.s32 $0x1B8E;
	s24 =	sld [smem:$0x3FFE];
	[sflag:s23] =	ssyncadd.s32 $0xFFFFFFFF  }
0xab: {  	s26 =	simm.s32 $execute0_lowered;
	[smem:$0x3FD2] =	sst s25  }
0xac: {  	s6 =	sshll.u32 s26, $0x1;
	_ =	strace $0x80000049;
	[dreg:$0x1] =	wrdreg $0xFFFFFFFF  }
0xad: {  	s28 =	simm.s32 $_size_execute0_lowered;
	s4 =	sadd.s32 s4, s6;
	[dreg:$0x0] =	wrdreg $0x0  }
0xae: {  	s6 =	sshll.u32 s28, $0x1;
	[dreg:$0x2] =	wrdreg s4  }
0xaf: {  	[dreg:$0x3] =	wrdreg s6  }
0xb0: {  	[dreg:$0x4] =	wrdreg $0xC0  }
0xb1: {  	_ =	task [dreg:s8], $0x5FFFF  }
0xb2: {  	[dreg:$0x1] =	wrdreg $0xFFFFFFFF  }
0xb3: {  	[dreg:$0x0] =	wrdreg $0x60  }
0xb4: {  	[dreg:$0x2] =	wrdreg s24  }
0xb5: {  	[dreg:$0x3] =	wrdreg s16  }
0xb6: {  	[dreg:$0x4] =	wrdreg s17  }
0xb7: {  	[dreg:$0x5] =	wrdreg $0x0  }
0xb8: {  	[dreg:$0x6] =	wrdreg $0x9  }
0xb9: {  	_ =	task.clear_ibuf [dreg:s8], $0x7FFFF;
	_ =	strace $0x90000049  }
0xba: {  	s29 =	simm.s32 $0x9;
	_ =	strace $0x8000004B  }
0xbb: {  	_ =	swait.ge [sflag:s29], $0x1  }
0xbc: {  	[sflag:s29] =	ssyncadd.s32 $0xFFFFFFFF  }
0xbd: {  	_ =	strace $0x9000004B  }
0xbe: {  	_ =	sfence  }
0xbf: {  	s30 =	sld [smem:$0x0];
	_ =	sdelay $0x2  }
0xc0: {  	s31 =	sshll.u32 s1, $0xD;
	s1 =	sshrl.u32 s1, $0x2  }
0xc1: {  	s3 =	sand.u32 $0x4000, s31;
	s1 =	sadd.s32 s1, s30  }
0xc2: {  	s0 =	sor.u32 s3, s0;
	s1 =	sshll.u32 s1, $0x11  }
0xc3: {  	s0 =	sor.u32 s1, s0  }
0xc4: {  	s0 =	sadd.s32 $0x8F2B, s0  }
0xc5: {  	[sflag:s0] =	ssyncadd.remote.s32 $0x1  }
0xc6: {  	_ =	sfence.sel $0xFFFF  }
0xc7: {  	[dreg:$0x0] =	wrdreg $0xFFFFFFFF;
	(pc) =	sbr.abs _section_cstart, $3  }
0xc8: {  	[dreg:$0x1] =	wrdreg $0xFFFFFFFF  }
0xc9: {  	_ =	task.clear_ibuf [dreg:s8], $0x2FFFF;
	_ =	strace $0x9FFFFFFF  }
0xca: {  	(tm) =	ssettm $0x7FFFFFFF  }
0xcb: {  	_ =	shalt  }
tec
execute0_lowered:
.L_overlay_start_1:
0x0: {  	(tag) =	ssettag $0x1  }
0x1: {  	s0 =	rddreg [dreg:$0x0]  }
0x2: {  	s1 =	rddreg [dreg:$0x1]  }
0x3: {  	s2 =	rddreg [dreg:$0x2];
	s4 =	srdreg.scid  }
0x4: {  	s18 =	stileid.u32;
	s3 =	rddreg [dreg:$0x3];
	s28 =	simm.s32 $0x161C0  }
0x5: {  	s29 =	simm.s32 $0x16240;
	s30 =	simm.s32 $0x1A2C0;
	s31 =	simm.s32 $0x4  }
0x6: {  	s7 =	sand.u32 $0x1, s4;
	s5 =	sshll.u32 s18, $0x1;
	s4 =	simm.s32 $0x0  }
0x7: {  	s6 =	sadd.s32 $0x51600, s0;
	s8 =	sadd.s32 $0x78800, s0;
	s11 =	smul.u32 $0x4E000, s18  }
0x8: {  	s0 =	sadd.s32 $0x79000, s0;
	s26 =	smul.u32 $0x13800, s18;
	s5 =	sor.u32 s7, s5  }
0x9: {  	[smem:$0x7FF] =	sst s4;
	s24 =	ssub.s32 $0x2, s7;
	s7 =	smul.u32 $0x138800, s7  }
0xa: {  	p0 =	sne.s32 s18, $0xF;
	s5 =	smul.u32 $0x2800, s5;
	_ =	strace $0x8000004A  }
0xb: {  	[dreg:$0x5] =	wrdreg s8;
	s10 =	sshrl.u32 s24, $0x1;
	s11 =	sshrl.u32 s11, $0x2  }
0xc: {  	s19 =	sadd.s32 $0x4000, s26;
	s20 =	sadd.s32 $0x8000, s26;
	s21 =	sadd.s32 $0xC000, s26  }
0xd: {  	s22 =	sadd.s32 $0x10000, s26;
	s8 =	ssub.s32 s24, s10;
	s14 =	sadd.s32 s19, s3  }
0xe: {  	s15 =	sadd.s32 s20, s3;
	s16 =	sadd.s32 s21, s3;
	s9 =	sshrl.u32 s5, $0x3  }
0xf: {  	s17 =	sadd.s32 s22, s3;
	s10 =	sadd.s32 s26, s7;
	s12 =	sadd.s32 s1, s9  }
0x10: {  	s10 =	sshrl.u32 s10, $0x3;
	s2 =	sadd.s32 s2, s9;
	[dreg:$0x6] =	wrdreg s12  }
0x11: {  	s24 =	sadd.s32 s7, s21;
	s10 =	sadd.s32 s0, s10;
	[dreg:$0xa] =	wrdreg s2  }
0x12: {  	s9 =	sadd.s32 s7, s20;
	s25 =	sadd.s32 $0x10, s12;
	[dreg:$0xb] =	wrdreg s10  }
0x13: {  	s13 =	sadd.s32 $0x20, s12;
	s12 =	sadd.s32 $0x30, s12;
	[dreg:$0x7] =	wrdreg s25  }
0x14: {  	s2 =	sadd.s32 s7, s19;
	s9 =	sshrl.u32 s9, $0x3;
	[dreg:$0x8] =	wrdreg s13  }
0x15: {  	s10 =	simm.s32 $0x1;
	[dreg:$0x9] =	wrdreg s12;
	s13 =	sadd.s32 s11, s3  }
0x16: {  	s2 =	sshrl.u32 s2, $0x3;
	s23 =	sadd.s32 s0, s9;
	s25 =	sadd.s32 s7, s22  }
0x17: {  	s7 =	sshrl.u32 s7, $0x3;
	s9 =	simm.s32 $0x2;
	s11 =	simm.s32 $0x3  }
0x18: {  	s12 =	simm.s32 $0x0;
	s2 =	sadd.s32 s0, s2;
	[dreg:$0xd] =	wrdreg s23  }
.Ltmp0:
0x19: {  	s26 =	sshrl.u32 s25, $0x3;
	s7 =	sadd.s32 s0, s7;
	(pc) =	sbr.rel .LBB2_1-.Ltmp0, $4  }
0x1a: {  	s23 =	sadd.s32 $0x138000, s3;
	s25 =	smax.u32 s8, $0x1;
	[dreg:$0xc] =	wrdreg s2  }
0x1b: {  	s2 =	sshrl.u32 s24, $0x3;
	s22 =	sadd.s32 s0, s26;
	s24 =	sadd.s32 $0x27000, s7  }
0x1c: {  	s26 =	simm.s32 $0x16140;
	s7 =	simm.s32 $0x162C0;
	s2 =	sadd.s32 s0, s2  }
0x1d: {  	s0 =	simm.s32 $0x160C0;
	[dreg:$0xe] =	wrdreg s2;
	s2 =	simm.s32 $0x80  }
.LBB2_4:
0x1e: {  	_ =	swait.ge [sflag:s10], $0x4000  }
0x1f: {  	[sflag:s10] =	ssyncset.done $0x0  }
0x20: {  	[sflag:s10] =	ssyncadd.s32 $0xFFFFC000  }
0x21: {  	[spmem:s3] =	stream.indirect.scatter.add.f32 [tilespmem:s30], [sflag:$0x3], $0x80, s18, s2, $0xb8;
	[tilespmem:$0x1E2C0] =	vst v63  }
0x22: {  	_ =	swait.ge [sflag:s11], $0x4000  }
0x23: {  	[sflag:s11] =	ssyncset.done $0x0  }
0x24: {  	[sflag:s11] =	ssyncadd.s32 $0xFFFFC000  }
0x25: {  	_ =	swait.ge [sflag:s11], $0x4000  }
0x26: {  	[sflag:s11] =	ssyncset.done $0x0  }
0x27: {  	[sflag:s11] =	ssyncadd.s32 $0xFFFFC000  }
0x28: {  	[bflag:$0x0] =	sbarrier.arrive $0xFFFF  }
0x29: {  	[tilespmem:s7], [sflag:$0x4] =	stream.linear.gather [spmem:s13], $0x4000, $0x38;
	[tilespmem:$0x1E2C0] =	vst v63  }
0x2a: {  	_ =	swait.ge [sflag:s31], $0x4000  }
0x2b: {  	[sflag:s31] =	ssyncset.done $0x0  }
0x2c: {  	s8 =	rddreg [dreg:$0xb];
	[sflag:s31] =	ssyncadd.s32 $0xFFFFC000  }
0x2d: {  	[hbm4b:s8+s4] =	stream.linear.scatter [tilespmem:s7], [sflag:$0x2], $0x4000, $0x38;
	[tilespmem:$0x1E2C0] =	vst v63  }
0x2e: {  	_ = 	snop  }
0x2f: {  	[tilespmem:s30], [sflag:$0x4] =	stream.linear.gather [spmem:s14], $0x4000, $0x38;
	[tilespmem:$0x1E2C0] =	vst v63  }
0x30: {  	_ =	swait.ge [sflag:s31], $0x4000  }
0x31: {  	[sflag:s31] =	ssyncset.done $0x0  }
0x32: {  	s19 =	rddreg [dreg:$0xc];
	[sflag:s31] =	ssyncadd.s32 $0xFFFFC000  }
0x33: {  	[hbm4b:s19+s4] =	stream.linear.scatter [tilespmem:s30], [sflag:$0x2], $0x4000, $0x38;
	[tilespmem:$0x1E2C0] =	vst v63  }
0x34: {  	_ =	swait.ge [sflag:s9], $0x4000  }
0x35: {  	[sflag:s9] =	ssyncset.done $0x0  }
0x36: {  	[sflag:s9] =	ssyncadd.s32 $0xFFFFC000  }
0x37: {  	[tilespmem:s7], [sflag:$0x4] =	stream.linear.gather [spmem:s15], $0x4000, $0x38;
	[tilespmem:$0x1E2C0] =	vst v63  }
0x38: {  	_ =	swait.ge [sflag:s31], $0x4000  }
0x39: {  	[sflag:s31] =	ssyncset.done $0x0  }
0x3a: {  	s20 =	rddreg [dreg:$0xd];
	[sflag:s31] =	ssyncadd.s32 $0xFFFFC000  }
0x3b: {  	[hbm4b:s20+s4] =	stream.linear.scatter [tilespmem:s7], [sflag:$0x2], $0x4000, $0x38;
	[tilespmem:$0x1E2C0] =	vst v63  }
0x3c: {  	_ =	swait.ge [sflag:s9], $0x4000  }
0x3d: {  	[sflag:s9] =	ssyncset.done $0x0  }
0x3e: {  	[sflag:s9] =	ssyncadd.s32 $0xFFFFC000  }
0x3f: {  	[tilespmem:s30], [sflag:$0x4] =	stream.linear.gather [spmem:s16], $0x4000, $0x38;
	[tilespmem:$0x1E2C0] =	vst v63  }
0x40: {  	_ =	swait.ge [sflag:s31], $0x4000  }
0x41: {  	[sflag:s31] =	ssyncset.done $0x0  }
0x42: {  	s21 =	rddreg [dreg:$0xe];
	[sflag:s31] =	ssyncadd.s32 $0xFFFFC000  }
0x43: {  	[hbm4b:s21+s4] =	stream.linear.scatter [tilespmem:s30], [sflag:$0x2], $0x4000, $0x38;
	[tilespmem:$0x1E2C0] =	vst v63  }
0x44: {  	_ =	swait.ge [sflag:s9], $0x4000  }
0x45: {  	[sflag:s9] =	ssyncset.done $0x0  }
0x46: {  	[sflag:s9] =	ssyncadd.s32 $0xFFFFC000  }
0x47: {  	[tilespmem:s7], [sflag:$0x4] =	stream.linear.gather [spmem:s17], $0x3800, $0x38;
	[tilespmem:$0x1E2C0] =	vst v63  }
0x48: {  	_ =	swait.ge [sflag:s31], $0x3800  }
0x49: {  	[sflag:s31] =	ssyncset.done $0x0  }
0x4a: {  	[sflag:s31] =	ssyncadd.s32 $0xFFFFC800  }
0x4b: {  	[hbm4b:s22+s4] =	stream.linear.scatter [tilespmem:s7], [sflag:$0x2], $0x3800, $0x38;
	[tilespmem:$0x1E2C0] =	vst v63  }
0x4c: {  	_ =	swait.ge [sflag:s9], $0x4000  }
0x4d: {  	[sflag:s9] =	ssyncset.done $0x0  }
0x4e: {  	[sflag:s9] =	ssyncadd.s32 $0xFFFFC000  }
0x4f: {  	_ =	swait.ge [sflag:s9], $0x3800  }
0x50: {  	[sflag:s9] =	ssyncset.done $0x0  }
0x51: {  	s18 =	simm.s32 @!p0 $0x4;
	s8 =	simm.s32 @!p0 $0x162C0;
	[sflag:s9] =	ssyncadd.s32 $0xFFFFC800  }
0x52: {  	[tilespmem:s8], [sflag:$0x4] =	stream.linear.gather @!p0 [spmem:s23], $0x800, $0x38;
	[tilespmem:$0x1E2C0] =	vst v63  }
0x53: {  	s12 =	sadd.s32 $0x1, s12;
	_ =	swait.ge @!p0 [sflag:s18], $0x800  }
0x54: {  	p1 =	sne.s32 s12, s25;
	[sflag:s18] =	ssyncset.done @!p0 $0x0  }
.Ltmp1:
0x55: {  	s19 =	simm.s32 @!p0 $0x0;
	[sflag:s18] =	ssyncadd.s32 @!p0 $0xFFFFF800;
	(pc) =	sbr.rel @!p1 .LBB2_5-.Ltmp1, $4  }
0x56: {  	[hbm4b:s24+s19] =	stream.linear.scatter @!p0 [tilespmem:s8], [sflag:$0x4], $0x800, $0x38;
	[tilespmem:$0x1E2C0] =	vst v63  }
0x57: {  	_ =	swait.ge @!p0 [sflag:s18], $0x800  }
0x58: {  	[sflag:s18] =	ssyncset.done @!p0 $0x0  }
0x59: {  	[sflag:s18] =	ssyncadd.s32 @!p0 $0xFFFFF800  }
.LBB2_1:
0x5a: {  	s8 =	rddreg [dreg:$0x7]  }
0x5b: {  	[tilespmem:s26], [sflag:$0x2] =	stream.linear.gather [hbm4b:s8+s4], $0x80, $0x38;
	[tilespmem:$0x1E2C0] =	vst v63  }
0x5c: {  	s21 =	rddreg [dreg:$0x8]  }
0x5d: {  	[tilespmem:s28], [sflag:$0x2] =	stream.linear.gather [hbm4b:s21+s4], $0x80, $0x38;
	[tilespmem:$0x1E2C0] =	vst v63  }
0x5e: {  	s18 =	rddreg [dreg:$0x9]  }
0x5f: {  	[tilespmem:s29], [sflag:$0x2] =	stream.linear.gather [hbm4b:s18+s4], $0x80, $0x38;
	[tilespmem:$0x1E2C0] =	vst v63  }
0x60: {  	s19 =	rddreg [dreg:$0x5]  }
0x61: {  	[tilespmem:s30], [sflag:$0x4] =	stream.linear.gather [hbm4b:s19+s4], $0x4000, $0x38;
	[tilespmem:$0x1E2C0] =	vst v63  }
0x62: {  	_ =	swait.ge [sflag:s31], $0x4000  }
0x63: {  	[sflag:s31] =	ssyncset.done $0x0  }
0x64: {  	s18 =	simm.s32 $0x138C0;
	s20 =	rddreg [dreg:$0xa];
	[sflag:s31] =	ssyncadd.s32 $0xFFFFC000  }
0x65: {  	[tilespmem:s18], [sflag:$0x4] =	stream.linear.gather [hbm4b:s20+s4], $0x2800, $0x38;
	[tilespmem:$0x1E2C0] =	vst v63  }
0x66: {  	_ =	swait.ge [sflag:s31], $0x2800  }
0x67: {  	[sflag:s31] =	ssyncset.done $0x0  }
0x68: {  	[sflag:s31] =	ssyncadd.s32 $0xFFFFD800  }
0x69: {  	[spmem:s13] =	stream.linear.scatter [tilespmem:s30], [sflag:$0x4], $0x4000, $0x38;
	[tilespmem:$0x1E2C0] =	vst v63  }
0x6a: {  	_ =	swait.ge [sflag:s31], $0x4000  }
0x6b: {  	[sflag:s31] =	ssyncset.done $0x0  }
0x6c: {  	[sflag:s31] =	ssyncadd.s32 $0xFFFFC000  }
0x6d: {  	[spmem:s14] =	stream.linear.scatter [tilespmem:s30], [sflag:$0x4], $0x4000, $0x38;
	[tilespmem:$0x1E2C0] =	vst v63  }
0x6e: {  	_ =	swait.ge [sflag:s31], $0x4000  }
0x6f: {  	[sflag:s31] =	ssyncset.done $0x0  }
0x70: {  	[sflag:s31] =	ssyncadd.s32 $0xFFFFC000  }
0x71: {  	[spmem:s15] =	stream.linear.scatter [tilespmem:s30], [sflag:$0x4], $0x4000, $0x38;
	[tilespmem:$0x1E2C0] =	vst v63  }
0x72: {  	_ =	swait.ge [sflag:s31], $0x4000  }
0x73: {  	[sflag:s31] =	ssyncset.done $0x0  }
0x74: {  	[sflag:s31] =	ssyncadd.s32 $0xFFFFC000  }
0x75: {  	[spmem:s16] =	stream.linear.scatter [tilespmem:s30], [sflag:$0x4], $0x4000, $0x38;
	[tilespmem:$0x1E2C0] =	vst v63  }
0x76: {  	_ =	swait.ge [sflag:s31], $0x4000  }
0x77: {  	[sflag:s31] =	ssyncset.done $0x0  }
0x78: {  	[sflag:s31] =	ssyncadd.s32 $0xFFFFC000  }
0x79: {  	[spmem:s17] =	stream.linear.scatter [tilespmem:s30], [sflag:$0x4], $0x3800, $0x38;
	[tilespmem:$0x1E2C0] =	vst v63  }
0x7a: {  	_ =	swait.ge [sflag:s31], $0x3800  }
0x7b: {  	[sflag:s31] =	ssyncset.done $0x0  }
0x7c: {  	s8 =	simm.s32 @!p0 $0x1A2C0;
	[sflag:s31] =	ssyncadd.s32 $0xFFFFC800  }
0x7d: {  	[spmem:s23] =	stream.linear.scatter @!p0 [tilespmem:s8], [sflag:$0x4], $0xC00, $0x38;
	[tilespmem:$0x1E2C0] =	vst v63  }
0x7e: {  	s8 =	simm.s32 @!p0 $0x4  }
0x7f: {  	_ =	swait.ge @!p0 [sflag:s8], $0xC00  }
0x80: {  	[sflag:s8] =	ssyncset.done @!p0 $0x0  }
0x81: {  	s21 =	rddreg [dreg:$0x6];
	[sflag:s8] =	ssyncadd.s32 @!p0 $0xFFFFF400  }
0x82: {  	[tilespmem:s0], [sflag:$0x4] =	stream.linear.gather [hbm4b:s21+s4], $0x80, $0x38;
	[tilespmem:$0x1E2C0] =	vst v63  }
0x83: {  	_ =	swait.ge [sflag:s31], $0x80  }
0x84: {  	[sflag:s31] =	ssyncset.done $0x0  }
0x85: {  	[sflag:s31] =	ssyncadd.s32 $0xFFFFFF80  }
0x86: {  	s18 =	simm.s32 $0x13A40;
	s8 =	simm.s32 $0x380;
	[bflag:$0x0] =	sbarrier.arrive $0xFFFF  }
0x87: {  	[tilespmem:s7], [sflag:$0x1] =	stream.indirect.gather [hbm4b:s6+s2], $0x80, s0, s2, $0xb8;
	[tilespmem:$0x1E2C0] =	vst v63  }
.LBB2_2:
0x88: {  	_ =	swait.ge [sflag:s9], $0x80  }
0x89: {  	p1 =	seq.s32 s8, $0x380;
	[sflag:s9] =	ssyncset.done $0x0  }
0x8a: {  	s19 =	simm.s32 @!p1 $0x3;
	[sflag:s9] =	ssyncadd.s32 $0xFFFFFF80  }
0x8b: {  	_ =	swait.ge @!p1 [sflag:s19], $0x4000  }
0x8c: {  	[sflag:s19] =	ssyncset.done @!p1 $0x0  }
0x8d: {  	[sflag:s19] =	ssyncadd.s32 @!p1 $0xFFFFC000  }
0x8e: {  	[tilespmem:s30], [sflag:$0x1] =	stream.indirect.gather [hbm4b:s6+s2], $0x80, s26, s2, $0xb8;
	[tilespmem:$0x1E2C0] =	vst v63  }
0x8f: {  	_ =	swait.ge [sflag:s10], $0x4000  }
0x90: {  	p1 =	seq.s32 s8, $0x2980;
	[sflag:s10] =	ssyncset.done $0x0  }
0x91: {  	s20 =	sadd.s32 $0xFFFFFE80, s18;
	s19 =	sadd.s32 @!p1 $0xFFFFFE80, s8;
	[sflag:s10] =	ssyncadd.s32 $0xFFFFC000  }
0x92: {  	[spmem:s3] =	stream.indirect.scatter.add.f32 [tilespmem:s7], [sflag:$0x3], $0x80, s20, s2, $0xb8;
	[tilespmem:$0x1E2C0] =	vst v63  }
0x93: {  	s20 =	sand.u32 @!p1 $0x7C00, s19  }
0x94: {  	s19 =	sand.u32 @!p1 $0x200, s19;
	s20 =	sadd.s32 @!p1 s5, s20  }
0x95: {  	s19 =	sor.u32 @!p1 s19, s20  }
0x96: {  	s19 =	sshrl.u32 @!p1 s19, $0x3  }
0x97: {  	s21 =	simm.s32 @!p1 $0x160C0;
	s20 =	simm.s32 @!p1 $0x0;
	s19 =	sadd.s32 @!p1 s1, s19  }
0x98: {  	[tilespmem:s21], [sflag:$0x2] =	stream.linear.gather @!p1 [hbm4b:s19+s20], $0x80, $0x38;
	[tilespmem:$0x1E2C0] =	vst v63  }
0x99: {  	_ =	swait.ge [sflag:s9], $0x80  }
0x9a: {  	[sflag:s9] =	ssyncset.done $0x0  }
0x9b: {  	[sflag:s9] =	ssyncadd.s32 $0xFFFFFF80  }
0x9c: {  	_ =	swait.ge [sflag:s11], $0x4000  }
0x9d: {  	[sflag:s11] =	ssyncset.done $0x0  }
0x9e: {  	[sflag:s11] =	ssyncadd.s32 $0xFFFFC000  }
0x9f: {  	[tilespmem:s7], [sflag:$0x1] =	stream.indirect.gather [hbm4b:s6+s2], $0x80, s28, s2, $0xb8;
	[tilespmem:$0x1E2C0] =	vst v63  }
0xa0: {  	_ =	swait.ge [sflag:s10], $0x4000  }
0xa1: {  	[sflag:s10] =	ssyncset.done $0x0  }
0xa2: {  	s21 =	sadd.s32 $0xFFFFFF00, s18;
	s19 =	sadd.s32 @!p1 $0xFFFFFF00, s8;
	[sflag:s10] =	ssyncadd.s32 $0xFFFFC000  }
0xa3: {  	[spmem:s3] =	stream.indirect.scatter.add.f32 [tilespmem:s30], [sflag:$0x3], $0x80, s21, s2, $0xb8;
	[tilespmem:$0x1E2C0] =	vst v63  }
0xa4: {  	s21 =	sand.u32 @!p1 $0x7C00, s19  }
0xa5: {  	s19 =	sand.u32 @!p1 $0x280, s19;
	s21 =	sadd.s32 @!p1 s5, s21  }
0xa6: {  	s19 =	sor.u32 @!p1 s19, s21  }
0xa7: {  	s19 =	sshrl.u32 @!p1 s19, $0x3  }
0xa8: {  	s21 =	simm.s32 @!p1 $0x16140;
	s19 =	sadd.s32 @!p1 s1, s19  }
0xa9: {  	[tilespmem:s21], [sflag:$0x2] =	stream.linear.gather @!p1 [hbm4b:s19+s20], $0x80, $0x38;
	[tilespmem:$0x1E2C0] =	vst v63  }
0xaa: {  	_ =	swait.ge [sflag:s9], $0x80  }
0xab: {  	[sflag:s9] =	ssyncset.done $0x0  }
0xac: {  	[sflag:s9] =	ssyncadd.s32 $0xFFFFFF80  }
0xad: {  	_ =	swait.ge [sflag:s11], $0x4000  }
0xae: {  	[sflag:s11] =	ssyncset.done $0x0  }
0xaf: {  	[sflag:s11] =	ssyncadd.s32 $0xFFFFC000  }
0xb0: {  	[tilespmem:s30], [sflag:$0x1] =	stream.indirect.gather [hbm4b:s6+s2], $0x80, s29, s2, $0xb8;
	[tilespmem:$0x1E2C0] =	vst v63  }
.Ltmp2:
0xb1: {  	_ = 	snop;
	(pc) =	sbr.rel @p1 .LBB2_4-.Ltmp2, $4  }
0xb2: {  	_ =	swait.ge [sflag:s10], $0x4000  }
0xb3: {  	[sflag:s10] =	ssyncset.done $0x0  }
0xb4: {  	s21 =	sadd.s32 $0xFFFFFF80, s18;
	[sflag:s10] =	ssyncadd.s32 $0xFFFFC000  }
0xb5: {  	[spmem:s3] =	stream.indirect.scatter.add.f32 [tilespmem:s7], [sflag:$0x3], $0x80, s21, s2, $0xb8;
	[tilespmem:$0x1E2C0] =	vst v63  }
0xb6: {  	s19 =	sadd.s32 $0xFFFFFF80, s8  }
0xb7: {  	s20 =	sand.u32 $0x7C00, s19  }
0xb8: {  	s19 =	sand.u32 $0x300, s19;
	s20 =	sadd.s32 s5, s20  }
0xb9: {  	s19 =	sor.u32 s19, s20  }
0xba: {  	s19 =	sshrl.u32 s19, $0x3  }
0xbb: {  	s19 =	sadd.s32 s1, s19  }
0xbc: {  	[tilespmem:s28], [sflag:$0x2] =	stream.linear.gather [hbm4b:s19+s4], $0x80, $0x38;
	[tilespmem:$0x1E2C0] =	vst v63  }
0xbd: {  	_ =	swait.ge [sflag:s9], $0x80  }
0xbe: {  	[sflag:s9] =	ssyncset.done $0x0  }
0xbf: {  	[sflag:s9] =	ssyncadd.s32 $0xFFFFFF80  }
0xc0: {  	_ =	swait.ge [sflag:s11], $0x4000  }
0xc1: {  	[sflag:s11] =	ssyncset.done $0x0  }
0xc2: {  	s20 =	sand.u32 $0x7C00, s8;
	[sflag:s11] =	ssyncadd.s32 $0xFFFFC000  }
0xc3: {  	[tilespmem:s7], [sflag:$0x1] =	stream.indirect.gather [hbm4b:s6+s2], $0x80, s0, s2, $0xb8;
	[tilespmem:$0x1E2C0] =	vst v63  }
0xc4: {  	s21 =	sand.u32 $0x380, s8;
	s19 =	sadd.s32 s5, s20;
	_ =	swait.ge [sflag:s10], $0x4000  }
.Ltmp3:
0xc5: {  	s19 =	sor.u32 s21, s19;
	[sflag:s10] =	ssyncset.done $0x0;
	(pc) =	sbr.rel .LBB2_2-.Ltmp3, $4  }
0xc6: {  	s19 =	sshrl.u32 s19, $0x3;
	[sflag:s10] =	ssyncadd.s32 $0xFFFFC000  }
0xc7: {  	[spmem:s3] =	stream.indirect.scatter.add.f32 [tilespmem:s30], [sflag:$0x3], $0x80, s18, s2, $0xb8;
	[tilespmem:$0x1E2C0] =	vst v63  }
0xc8: {  	s8 =	sadd.s32 $0x200, s8;
	s19 =	sadd.s32 s1, s19;
	s18 =	sadd.s32 $0x200, s18  }
0xc9: {  	[tilespmem:s29], [sflag:$0x2] =	stream.linear.gather [hbm4b:s19+s4], $0x80, $0x38;
	[tilespmem:$0x1E2C0] =	vst v63  }
.LBB2_5:
0xca: {  	_ =	sfence.sel $0x180000  }
0xcb: {  	[bflag:$0x0] =	sbarrier.arrive $0xFFFF  }
0xcc: {  	_ =	strace $0x9000004A  }
0xcd: {  	s0 =	stileid.u32;
	[bflag:$0x2] =	sbarrier.arrive $0xFFFF  }
0xce: {  	p0 =	sne.s32 s0, $0x0;
	s0 =	rddreg [dreg:$0x4]  }
0xcf: {  	s0 =	sadd.s32 @!p0 $0x100000, s0  }
0xd0: {  	[sflag:s0] =	ssyncadd.tile.s32 @!p0 $0x1;
	_ =	shalt  }
.Lfunc_end2:
_tile_overlayer_lowered:
.L_overlay_start_2:
0xd1: {  	(tag) =	ssettag $0x2  }
0xd2: {  	s0 =	rddreg [dreg:$0x0];
	s2 =	stileid.u32  }
0xd3: {  	s1 =	rddreg [dreg:$0x1];
	p0 =	sne.s32 s2, $0x0  }
0xd4: {  	s3 =	rddreg [dreg:$0x2];
	[bflag:$0x3] =	sbarrier.arrive $0xFFFF;
	s2 =	simm.s32 @!p0 $0x1C04  }
0xd5: {  	[timem:s3], [sflag:s2] =	dma.local @!p0 [hbm:s0], s1  }
0xd6: {  	s0 =	simm.s32 @!p0 $0x4  }
0xd7: {  	_ =	swait.ge @!p0 [sflag:s0], s1  }
0xd8: {  	s1 =	ssub.s32 @!p0 $0x0, s1;
	[sflag:s0] =	ssyncset.done @!p0 $0x0  }
0xd9: {  	[sflag:s0] =	ssyncadd.s32 @!p0 s1  }
0xda: {  	[bflag:$0x3] =	sbarrier.arrive $0xFFFF  }
0xdb: {  	_ =	shalt  }

// kernel: kernel.14.cloned.1.call-start
scs
__scs_entry_jumppad:
0x0: {  	(pc) =	sbr.rel $0x88, $3  }
0x1: {  	(tag) =	ssettag $0x0;
	lr =	simm.s32 $0x1  }
0x2: {  	[smem:$0x3F92] =	sst lr;
	_ =	strace $0xD0000000  }
0x3: {  	_ = 	snop  }
0x4: {  	_ = 	snop  }
0x5: {  	_ = 	snop  }
0x6: {  	_ = 	snop  }
0x7: {  	_ = 	snop  }
__scs_overlays_trampoline_lowered:
0x8: {  	[smem:$0x3FA1] =	sst s0  }
0x9: {  	[smem:$0x3FA2] =	sst s1  }
0xa: {  	[smem:$0x3FA3] =	sst s2  }
0xb: {  	[smem:$0x3FA4] =	sst s3  }
0xc: {  	[smem:$0x3FA5] =	sst s4  }
0xd: {  	[smem:$0x3FA6] =	sst s5  }
0xe: {  	[smem:$0x3FA7] =	sst s6  }
0xf: {  	[smem:$0x3FA8] =	sst s7  }
0x10: {  	[smem:$0x3FA9] =	sst s8  }
0x11: {  	[smem:$0x3FAA] =	sst s9;
	s0 =	simm.s32 @!p0 $0x0  }
0x12: {  	s1 =	sld [smem:$0x3F90];
	s0 =	simm.s32 @p0 $0x1  }
0x13: {  	[smem:$0x3FAB] =	sst s0;
	s0 =	simm.s32 @!p1 $0x0  }
0x14: {  	s2 =	sld [smem:$0x3F8F];
	s0 =	simm.s32 @p1 $0x1  }
0x15: {  	[smem:$0x3FAC] =	sst s0;
	s0 =	simm.s32 @!p2 $0x0  }
0x16: {  	s3 =	sld [smem:$0x3FDB];
	s0 =	simm.s32 @p2 $0x1  }
0x17: {  	s4 =	simm.s32 $0x1BF5;
	[smem:$0x3FAE] =	sst s0  }
0x18: {  	s0 =	sld [smem:$0x3F91];
	_ =	swait.ge [sflag:s4], $0x0  }
0x19: {  	s7 =	sld [smem:$0x3F92]  }
0x1a: {  	s8 =	sadd.s32 $0xFFFFE003, lr  }
0x1b: {  	s9 =	sadd.s32 $0xFFFFFEF7, lr;
	s5 =	simm.s32 $0xFFFFFFFF;
	p2 =	slt.u32 s8, $0xFFFFF086  }
0x1c: {  	p1 =	slt.u32 s9, $0xF7A;
	s5 =	simm.s32 @!p2 $0x0  }
0x1d: {  	s5 =	simm.s32 @p1 $0x1;
	p0 =	seq.s32 s7, s2  }
0x1e: {  	s7 =	smul.u32 @!p0 $0xF7A, s2;
	p2 =	seq.s32 @!p0 s5, $0x0  }
0x1f: {  	s9 =	smul.u32 $0xF7A, s1;
	s8 =	simm.s32 @!p0 $0x1BF5;
	p2 =	por !p2, p0  }
0x20: {  	[sflag:s8] =	ssyncset.s32 @!p0 $0xFFFFF086;
	s6 =	sadd.s32 @!p0 s3, s7;
	s7 =	simm.s32 @!p0 $0x108  }
0x21: {  	s3 =	sadd.s32 s3, s9;
	s6 =	sadd.s32 @!p0 $0x88, s6;
	s7 =	simm.s32 @p2 $0x1082  }
0x22: {  	[simem:s7], [sflag:s8] =	dma.local @!p0 [hbm:s6], $0xF7A  }
0x23: {  	s9 =	sor.u32 $0xD0000000, s2;
	s6 =	simm.s32 $0x108;
	_ =	swait.ge @!p0 [sflag:s8], $0x0  }
0x24: {  	s3 =	sadd.s32 $0x88, s3;
	s6 =	simm.s32 @!p1 $0x1082;
	[sflag:s4] =	ssyncset.s32 $0xFFFFF086  }
0x25: {  	[simem:s6], [sflag:s4] =	dma.local [hbm:s3], $0xF7A  }
0x26: {  	[smem:$0x3F92] =	sst s1;
	(tag) =	ssettag s2;
	_ =	strace s9  }
0x27: {  	s1 =	sld [smem:$0x3FA2]  }
0x28: {  	s2 =	sld [smem:$0x3FA3]  }
0x29: {  	s4 =	sld [smem:$0x3FA5]  }
0x2a: {  	p0 =	seq.s32 s5, $0x0;
	s5 =	sld [smem:$0x3FA6]  }
0x2b: {  	s6 =	sld [smem:$0x3FA7]  }
0x2c: {  	s7 =	sld [smem:$0x3FA8]  }
0x2d: {  	s3 =	simm.s32 $0x108;
	s8 =	sld [smem:$0x3FA9]  }
0x2e: {  	s3 =	simm.s32 @!p0 $0x1082;
	s9 =	sld [smem:$0x3FAA]  }
0x2f: {  	lr =	sadd.s32 s0, s3;
	s0 =	sld [smem:$0x3FA1]  }
0x30: {  	s3 =	sld [smem:$0x3FA4]  }
0x31: {  	[smem:$0x3FAD] =	sst s10  }
0x32: {  	s10 =	sld [smem:$0x3FAB];
	_ =	sdelay $0x3  }
0x33: {  	p0 =	seq.s32 s10, $0x1;
	s10 =	sld [smem:$0x3FAD];
	_ =	sdelay $0x3  }
0x34: {  	[smem:$0x3FAD] =	sst s10  }
0x35: {  	s10 =	sld [smem:$0x3FAC];
	_ =	sdelay $0x3  }
0x36: {  	p1 =	seq.s32 s10, $0x1;
	s10 =	sld [smem:$0x3FAD];
	_ =	sdelay $0x3  }
0x37: {  	[smem:$0x3FAD] =	sst s10  }
0x38: {  	s10 =	sld [smem:$0x3FAE]  }
0x39: {  	_ = 	snop;
	(pc) =	sbr.ind lr, $3  }
0x3a: {  	_ = 	snop  }
0x3b: {  	_ = 	snop  }
0x3c: {  	p2 =	seq.s32 s10, $0x1;
	s10 =	sld [smem:$0x3FAD]  }
0x3d: {  	_ =	shalt  }
0x3e: {  	_ =	shalt  }
0x3f: {  	_ =	shalt  }
0x40: {  	_ =	shalt  }
0x41: {  	_ =	shalt  }
0x42: {  	_ =	shalt  }
0x43: {  	_ =	shalt  }
0x44: {  	_ =	shalt  }
0x45: {  	_ =	shalt  }
0x46: {  	_ =	shalt  }
0x47: {  	_ =	shalt  }
0x48: {  	_ =	shalt  }
0x49: {  	_ =	shalt  }
0x4a: {  	_ =	shalt  }
0x4b: {  	_ =	shalt  }
0x4c: {  	_ =	shalt  }
0x4d: {  	_ =	shalt  }
0x4e: {  	_ =	shalt  }
0x4f: {  	_ =	shalt  }
0x50: {  	_ =	shalt  }
0x51: {  	_ =	shalt  }
0x52: {  	_ =	shalt  }
0x53: {  	_ =	shalt  }
0x54: {  	_ =	shalt  }
0x55: {  	_ =	shalt  }
0x56: {  	_ =	shalt  }
0x57: {  	_ =	shalt  }
0x58: {  	_ =	shalt  }
0x59: {  	_ =	shalt  }
0x5a: {  	_ =	shalt  }
0x5b: {  	_ =	shalt  }
0x5c: {  	_ =	shalt  }
0x5d: {  	_ =	shalt  }
0x5e: {  	_ =	shalt  }
0x5f: {  	_ =	shalt  }
0x60: {  	_ =	shalt  }
0x61: {  	_ =	shalt  }
0x62: {  	_ =	shalt  }
0x63: {  	_ =	shalt  }
0x64: {  	_ =	shalt  }
0x65: {  	_ =	shalt  }
0x66: {  	_ =	shalt  }
0x67: {  	_ =	shalt  }
0x68: {  	_ =	shalt  }
0x69: {  	_ =	shalt  }
0x6a: {  	_ =	shalt  }
0x6b: {  	_ =	shalt  }
0x6c: {  	_ =	shalt  }
0x6d: {  	_ =	shalt  }
0x6e: {  	_ =	shalt  }
0x6f: {  	_ =	shalt  }
0x70: {  	_ =	shalt  }
0x71: {  	_ =	shalt  }
0x72: {  	_ =	shalt  }
0x73: {  	_ =	shalt  }
0x74: {  	_ =	shalt  }
0x75: {  	_ =	shalt  }
0x76: {  	_ =	shalt  }
0x77: {  	_ =	shalt  }
0x78: {  	_ =	shalt  }
0x79: {  	_ =	shalt  }
0x7a: {  	_ =	shalt  }
0x7b: {  	_ =	shalt  }
0x7c: {  	_ =	shalt  }
0x7d: {  	_ =	shalt  }
0x7e: {  	_ =	shalt  }
0x7f: {  	_ =	shalt  }
0x80: {  	_ =	shalt  }
0x81: {  	_ =	shalt  }
0x82: {  	_ =	shalt  }
0x83: {  	_ =	shalt  }
0x84: {  	_ =	shalt  }
0x85: {  	_ =	shalt  }
0x86: {  	_ =	shalt  }
0x87: {  	_ =	shalt  }
.Lfunc_end0:
.L_simem_size_0:
called_computation.2_lowered:
.L_overlay_start_0:
0x88: {  	s2 =	sld [smem:$0x3FD9]  }
0x89: {  	s3 =	sld [smem:$0x3FFE];
	_ =	sdelay $0x1  }
0x8a: {  	s1 =	srdreg.scid  }
0x8b: {  	s0 =	sand.u32 $0x1, s1  }
0x8c: {  	s14 =	sshll.u32 s0, $0xA;
	s2 =	sadd.s32 s3, s2  }
0x8d: {  	s2 =	sadd.s32 s2, s14  }
0x8e: {  	[smem:$0x3FB9] =	sst s2  }
0x8f: {  	_ = 	snop  }
0x90: {  	s2 =	sld [smem:$0x3FD0];
	_ =	sdelay $0x2  }
0x91: {  	s15 =	simm.s32 $0xA;
	s4 =	simm.s32 $0x10  }
0x92: {  	[smem:s4], [sflag:s15] =	dma.local [hbm:s2], $0x1  }
0x93: {  	_ =	swait.eq [sflag:s15], $0x1  }
0x94: {  	[sflag:s15] =	ssyncset.done $0x0  }
0x95: {  	s16 =	sld [smem:$0x10];
	[sflag:s15] =	ssyncadd.s32 $0xFFFFFFFF  }
0x96: {  	s17 =	sld [smem:$0x11];
	(tm) =	ssettm $0x1  }
0x97: {  	s18 =	sld [smem:$0x3FFB];
	_ =	sdelay $0x3  }
0x98: {  	_ =	strace s18  }
0x99: {  	s4 =	sld [smem:$0x3FFC];
	_ =	sdelay $0x3  }
0x9a: {  	_ =	strace s4  }
0x9b: {  	s4 =	sld [smem:$0x3FFD];
	_ =	sdelay $0x3  }
0x9c: {  	_ =	strace s4  }
0x9d: {  	_ =	strace $0x8FFFFFFF  }
0x9e: {  	s19 =	sld [smem:$0x3FDB];
	_ =	sdelay $0x1  }
0x9f: {  	s5 =	simm.s32 $_scs_section_size  }
0xa0: {  	s6 =	simm.s32 $_size__tile_overlayer_lowered;
	s7 =	simm.s32 $_tile_overlayer_lowered  }
0xa1: {  	s22 =	simm.s32 $0x1BFF;
	s21 =	sshll.u32 s7, $0x1;
	s4 =	sadd.s32 s5, s19  }
0xa2: {  	s8 =	simm.s32 $0x0;
	s20 =	sshll.u32 s6, $0x1;
	s6 =	sadd.s32 s21, s4  }
0xa3: {  	[timem:s8], [sflag:s22] =	dma.local [hbm:s6], s20  }
0xa4: {  	_ =	swait.ge [sflag:s22], s20  }
0xa5: {  	s5 =	ssub.s32 $0x0, s20;
	[sflag:s22] =	ssyncset.done $0x0  }
0xa6: {  	[sflag:s22] =	ssyncadd.s32 s5;
	_ =	sdelay $0x1  }
0xa7: {  	s23 =	simm.s32 $0x1B8B  }
0xa8: {  	_ =	swait.ge [sflag:s23], $0x1  }
0xa9: {  	[sflag:s23] =	ssyncset.done $0x0  }
0xaa: {  	s25 =	simm.s32 $0x1B8E;
	s24 =	sld [smem:$0x3FFE];
	[sflag:s23] =	ssyncadd.s32 $0xFFFFFFFF  }
0xab: {  	s26 =	simm.s32 $execute0_lowered;
	[smem:$0x3FD2] =	sst s25  }
0xac: {  	s6 =	sshll.u32 s26, $0x1;
	_ =	strace $0x8000004C;
	[dreg:$0x1] =	wrdreg $0xFFFFFFFF  }
0xad: {  	s28 =	simm.s32 $_size_execute0_lowered;
	s4 =	sadd.s32 s4, s6;
	[dreg:$0x0] =	wrdreg $0x0  }
0xae: {  	s6 =	sshll.u32 s28, $0x1;
	[dreg:$0x2] =	wrdreg s4  }
0xaf: {  	[dreg:$0x3] =	wrdreg s6  }
0xb0: {  	[dreg:$0x4] =	wrdreg $0xC0  }
0xb1: {  	_ =	task [dreg:s8], $0x5FFFF  }
0xb2: {  	[dreg:$0x1] =	wrdreg $0xFFFFFFFF  }
0xb3: {  	[dreg:$0x0] =	wrdreg $0x60  }
0xb4: {  	[dreg:$0x2] =	wrdreg s24  }
0xb5: {  	[dreg:$0x3] =	wrdreg s16  }
0xb6: {  	[dreg:$0x4] =	wrdreg s17  }
0xb7: {  	[dreg:$0x5] =	wrdreg $0x0  }
0xb8: {  	[dreg:$0x6] =	wrdreg $0x9  }
0xb9: {  	_ =	task.clear_ibuf [dreg:s8], $0x7FFFF;
	_ =	strace $0x9000004C  }
0xba: {  	s29 =	simm.s32 $0x9;
	_ =	strace $0x8000004E  }
0xbb: {  	_ =	swait.ge [sflag:s29], $0x1  }
0xbc: {  	[sflag:s29] =	ssyncadd.s32 $0xFFFFFFFF  }
0xbd: {  	_ =	strace $0x9000004E  }
0xbe: {  	_ =	sfence  }
0xbf: {  	s30 =	sld [smem:$0x0];
	_ =	sdelay $0x2  }
0xc0: {  	s31 =	sshll.u32 s1, $0xD;
	s1 =	sshrl.u32 s1, $0x2  }
0xc1: {  	s3 =	sand.u32 $0x4000, s31;
	s1 =	sadd.s32 s1, s30  }
0xc2: {  	s0 =	sor.u32 s3, s0;
	s1 =	sshll.u32 s1, $0x11  }
0xc3: {  	s0 =	sor.u32 s1, s0  }
0xc4: {  	s0 =	sadd.s32 $0x8F2B, s0  }
0xc5: {  	[sflag:s0] =	ssyncadd.remote.s32 $0x1  }
0xc6: {  	_ =	sfence.sel $0xFFFF  }
0xc7: {  	[dreg:$0x0] =	wrdreg $0xFFFFFFFF;
	(pc) =	sbr.abs _section_cstart, $3  }
0xc8: {  	[dreg:$0x1] =	wrdreg $0xFFFFFFFF  }
0xc9: {  	_ =	task.clear_ibuf [dreg:s8], $0x2FFFF;
	_ =	strace $0x9FFFFFFF  }
0xca: {  	(tm) =	ssettm $0x7FFFFFFF  }
0xcb: {  	_ =	shalt  }
tec
execute0_lowered:
.L_overlay_start_1:
0x0: {  	(tag) =	ssettag $0x1  }
0x1: {  	s0 =	rddreg [dreg:$0x0]  }
0x2: {  	s1 =	rddreg [dreg:$0x1]  }
0x3: {  	s2 =	rddreg [dreg:$0x2];
	s4 =	srdreg.scid  }
0x4: {  	s18 =	stileid.u32;
	s3 =	rddreg [dreg:$0x3];
	s28 =	simm.s32 $0x161C0  }
0x5: {  	s29 =	simm.s32 $0x16240;
	s30 =	simm.s32 $0x1A2C0;
	s31 =	simm.s32 $0x4  }
0x6: {  	s7 =	sand.u32 $0x1, s4;
	s5 =	sshll.u32 s18, $0x1;
	s4 =	simm.s32 $0x0  }
0x7: {  	s6 =	sadd.s32 $0x51600, s0;
	s8 =	sadd.s32 $0x78800, s0;
	s11 =	smul.u32 $0x4E000, s18  }
0x8: {  	s0 =	sadd.s32 $0x79000, s0;
	s26 =	smul.u32 $0x13800, s18;
	s5 =	sor.u32 s7, s5  }
0x9: {  	[smem:$0x7FF] =	sst s4;
	s24 =	ssub.s32 $0x2, s7;
	s7 =	smul.u32 $0x138800, s7  }
0xa: {  	p0 =	sne.s32 s18, $0xF;
	s5 =	smul.u32 $0x2800, s5;
	_ =	strace $0x8000004D  }
0xb: {  	[dreg:$0x5] =	wrdreg s8;
	s10 =	sshrl.u32 s24, $0x1;
	s11 =	sshrl.u32 s11, $0x2  }
0xc: {  	s19 =	sadd.s32 $0x4000, s26;
	s20 =	sadd.s32 $0x8000, s26;
	s21 =	sadd.s32 $0xC000, s26  }
0xd: {  	s22 =	sadd.s32 $0x10000, s26;
	s8 =	ssub.s32 s24, s10;
	s14 =	sadd.s32 s19, s3  }
0xe: {  	s15 =	sadd.s32 s20, s3;
	s16 =	sadd.s32 s21, s3;
	s9 =	sshrl.u32 s5, $0x3  }
0xf: {  	s17 =	sadd.s32 s22, s3;
	s10 =	sadd.s32 s26, s7;
	s12 =	sadd.s32 s1, s9  }
0x10: {  	s10 =	sshrl.u32 s10, $0x3;
	s2 =	sadd.s32 s2, s9;
	[dreg:$0x6] =	wrdreg s12  }
0x11: {  	s24 =	sadd.s32 s7, s21;
	s10 =	sadd.s32 s0, s10;
	[dreg:$0xa] =	wrdreg s2  }
0x12: {  	s9 =	sadd.s32 s7, s20;
	s25 =	sadd.s32 $0x10, s12;
	[dreg:$0xb] =	wrdreg s10  }
0x13: {  	s13 =	sadd.s32 $0x20, s12;
	s12 =	sadd.s32 $0x30, s12;
	[dreg:$0x7] =	wrdreg s25  }
0x14: {  	s2 =	sadd.s32 s7, s19;
	s9 =	sshrl.u32 s9, $0x3;
	[dreg:$0x8] =	wrdreg s13  }
0x15: {  	s10 =	simm.s32 $0x1;
	[dreg:$0x9] =	wrdreg s12;
	s13 =	sadd.s32 s11, s3  }
0x16: {  	s2 =	sshrl.u32 s2, $0x3;
	s23 =	sadd.s32 s0, s9;
	s25 =	sadd.s32 s7, s22  }
0x17: {  	s7 =	sshrl.u32 s7, $0x3;
	s9 =	simm.s32 $0x2;
	s11 =	simm.s32 $0x3  }
0x18: {  	s12 =	simm.s32 $0x0;
	s2 =	sadd.s32 s0, s2;
	[dreg:$0xd] =	wrdreg s23  }
.Ltmp0:
0x19: {  	s26 =	sshrl.u32 s25, $0x3;
	s7 =	sadd.s32 s0, s7;
	(pc) =	sbr.rel .LBB2_1-.Ltmp0, $4  }
0x1a: {  	s23 =	sadd.s32 $0x138000, s3;
	s25 =	smax.u32 s8, $0x1;
	[dreg:$0xc] =	wrdreg s2  }
0x1b: {  	s2 =	sshrl.u32 s24, $0x3;
	s22 =	sadd.s32 s0, s26;
	s24 =	sadd.s32 $0x27000, s7  }
0x1c: {  	s26 =	simm.s32 $0x16140;
	s7 =	simm.s32 $0x162C0;
	s2 =	sadd.s32 s0, s2  }
0x1d: {  	s0 =	simm.s32 $0x160C0;
	[dreg:$0xe] =	wrdreg s2;
	s2 =	simm.s32 $0x80  }
.LBB2_4:
0x1e: {  	_ =	swait.ge [sflag:s10], $0x4000  }
0x1f: {  	[sflag:s10] =	ssyncset.done $0x0  }
0x20: {  	[sflag:s10] =	ssyncadd.s32 $0xFFFFC000  }
0x21: {  	[spmem:s3] =	stream.indirect.scatter.add.f32 [tilespmem:s30], [sflag:$0x3], $0x80, s18, s2, $0xb8;
	[tilespmem:$0x1E2C0] =	vst v63  }
0x22: {  	_ =	swait.ge [sflag:s11], $0x4000  }
0x23: {  	[sflag:s11] =	ssyncset.done $0x0  }
0x24: {  	[sflag:s11] =	ssyncadd.s32 $0xFFFFC000  }
0x25: {  	_ =	swait.ge [sflag:s11], $0x4000  }
0x26: {  	[sflag:s11] =	ssyncset.done $0x0  }
0x27: {  	[sflag:s11] =	ssyncadd.s32 $0xFFFFC000  }
0x28: {  	[bflag:$0x0] =	sbarrier.arrive $0xFFFF  }
0x29: {  	[tilespmem:s7], [sflag:$0x4] =	stream.linear.gather [spmem:s13], $0x4000, $0x38;
	[tilespmem:$0x1E2C0] =	vst v63  }
0x2a: {  	_ =	swait.ge [sflag:s31], $0x4000  }
0x2b: {  	[sflag:s31] =	ssyncset.done $0x0  }
0x2c: {  	s8 =	rddreg [dreg:$0xb];
	[sflag:s31] =	ssyncadd.s32 $0xFFFFC000  }
0x2d: {  	[hbm4b:s8+s4] =	stream.linear.scatter [tilespmem:s7], [sflag:$0x2], $0x4000, $0x38;
	[tilespmem:$0x1E2C0] =	vst v63  }
0x2e: {  	_ = 	snop  }
0x2f: {  	[tilespmem:s30], [sflag:$0x4] =	stream.linear.gather [spmem:s14], $0x4000, $0x38;
	[tilespmem:$0x1E2C0] =	vst v63  }
0x30: {  	_ =	swait.ge [sflag:s31], $0x4000  }
0x31: {  	[sflag:s31] =	ssyncset.done $0x0  }
0x32: {  	s19 =	rddreg [dreg:$0xc];
	[sflag:s31] =	ssyncadd.s32 $0xFFFFC000  }
0x33: {  	[hbm4b:s19+s4] =	stream.linear.scatter [tilespmem:s30], [sflag:$0x2], $0x4000, $0x38;
	[tilespmem:$0x1E2C0] =	vst v63  }
0x34: {  	_ =	swait.ge [sflag:s9], $0x4000  }
0x35: {  	[sflag:s9] =	ssyncset.done $0x0  }
0x36: {  	[sflag:s9] =	ssyncadd.s32 $0xFFFFC000  }
0x37: {  	[tilespmem:s7], [sflag:$0x4] =	stream.linear.gather [spmem:s15], $0x4000, $0x38;
	[tilespmem:$0x1E2C0] =	vst v63  }
0x38: {  	_ =	swait.ge [sflag:s31], $0x4000  }
0x39: {  	[sflag:s31] =	ssyncset.done $0x0  }
0x3a: {  	s20 =	rddreg [dreg:$0xd];
	[sflag:s31] =	ssyncadd.s32 $0xFFFFC000  }
0x3b: {  	[hbm4b:s20+s4] =	stream.linear.scatter [tilespmem:s7], [sflag:$0x2], $0x4000, $0x38;
	[tilespmem:$0x1E2C0] =	vst v63  }
0x3c: {  	_ =	swait.ge [sflag:s9], $0x4000  }
0x3d: {  	[sflag:s9] =	ssyncset.done $0x0  }
0x3e: {  	[sflag:s9] =	ssyncadd.s32 $0xFFFFC000  }
0x3f: {  	[tilespmem:s30], [sflag:$0x4] =	stream.linear.gather [spmem:s16], $0x4000, $0x38;
	[tilespmem:$0x1E2C0] =	vst v63  }
0x40: {  	_ =	swait.ge [sflag:s31], $0x4000  }
0x41: {  	[sflag:s31] =	ssyncset.done $0x0  }
0x42: {  	s21 =	rddreg [dreg:$0xe];
	[sflag:s31] =	ssyncadd.s32 $0xFFFFC000  }
0x43: {  	[hbm4b:s21+s4] =	stream.linear.scatter [tilespmem:s30], [sflag:$0x2], $0x4000, $0x38;
	[tilespmem:$0x1E2C0] =	vst v63  }
0x44: {  	_ =	swait.ge [sflag:s9], $0x4000  }
0x45: {  	[sflag:s9] =	ssyncset.done $0x0  }
0x46: {  	[sflag:s9] =	ssyncadd.s32 $0xFFFFC000  }
0x47: {  	[tilespmem:s7], [sflag:$0x4] =	stream.linear.gather [spmem:s17], $0x3800, $0x38;
	[tilespmem:$0x1E2C0] =	vst v63  }
0x48: {  	_ =	swait.ge [sflag:s31], $0x3800  }
0x49: {  	[sflag:s31] =	ssyncset.done $0x0  }
0x4a: {  	[sflag:s31] =	ssyncadd.s32 $0xFFFFC800  }
0x4b: {  	[hbm4b:s22+s4] =	stream.linear.scatter [tilespmem:s7], [sflag:$0x2], $0x3800, $0x38;
	[tilespmem:$0x1E2C0] =	vst v63  }
0x4c: {  	_ =	swait.ge [sflag:s9], $0x4000  }
0x4d: {  	[sflag:s9] =	ssyncset.done $0x0  }
0x4e: {  	[sflag:s9] =	ssyncadd.s32 $0xFFFFC000  }
0x4f: {  	_ =	swait.ge [sflag:s9], $0x3800  }
0x50: {  	[sflag:s9] =	ssyncset.done $0x0  }
0x51: {  	s18 =	simm.s32 @!p0 $0x4;
	s8 =	simm.s32 @!p0 $0x162C0;
	[sflag:s9] =	ssyncadd.s32 $0xFFFFC800  }
0x52: {  	[tilespmem:s8], [sflag:$0x4] =	stream.linear.gather @!p0 [spmem:s23], $0x800, $0x38;
	[tilespmem:$0x1E2C0] =	vst v63  }
0x53: {  	s12 =	sadd.s32 $0x1, s12;
	_ =	swait.ge @!p0 [sflag:s18], $0x800  }
0x54: {  	p1 =	sne.s32 s12, s25;
	[sflag:s18] =	ssyncset.done @!p0 $0x0  }
.Ltmp1:
0x55: {  	s19 =	simm.s32 @!p0 $0x0;
	[sflag:s18] =	ssyncadd.s32 @!p0 $0xFFFFF800;
	(pc) =	sbr.rel @!p1 .LBB2_5-.Ltmp1, $4  }
0x56: {  	[hbm4b:s24+s19] =	stream.linear.scatter @!p0 [tilespmem:s8], [sflag:$0x4], $0x800, $0x38;
	[tilespmem:$0x1E2C0] =	vst v63  }
0x57: {  	_ =	swait.ge @!p0 [sflag:s18], $0x800  }
0x58: {  	[sflag:s18] =	ssyncset.done @!p0 $0x0  }
0x59: {  	[sflag:s18] =	ssyncadd.s32 @!p0 $0xFFFFF800  }
.LBB2_1:
0x5a: {  	s8 =	rddreg [dreg:$0x7]  }
0x5b: {  	[tilespmem:s26], [sflag:$0x2] =	stream.linear.gather [hbm4b:s8+s4], $0x80, $0x38;
	[tilespmem:$0x1E2C0] =	vst v63  }
0x5c: {  	s21 =	rddreg [dreg:$0x8]  }
0x5d: {  	[tilespmem:s28], [sflag:$0x2] =	stream.linear.gather [hbm4b:s21+s4], $0x80, $0x38;
	[tilespmem:$0x1E2C0] =	vst v63  }
0x5e: {  	s18 =	rddreg [dreg:$0x9]  }
0x5f: {  	[tilespmem:s29], [sflag:$0x2] =	stream.linear.gather [hbm4b:s18+s4], $0x80, $0x38;
	[tilespmem:$0x1E2C0] =	vst v63  }
0x60: {  	s19 =	rddreg [dreg:$0x5]  }
0x61: {  	[tilespmem:s30], [sflag:$0x4] =	stream.linear.gather [hbm4b:s19+s4], $0x4000, $0x38;
	[tilespmem:$0x1E2C0] =	vst v63  }
0x62: {  	_ =	swait.ge [sflag:s31], $0x4000  }
0x63: {  	[sflag:s31] =	ssyncset.done $0x0  }
0x64: {  	s18 =	simm.s32 $0x138C0;
	s20 =	rddreg [dreg:$0xa];
	[sflag:s31] =	ssyncadd.s32 $0xFFFFC000  }
0x65: {  	[tilespmem:s18], [sflag:$0x4] =	stream.linear.gather [hbm4b:s20+s4], $0x2800, $0x38;
	[tilespmem:$0x1E2C0] =	vst v63  }
0x66: {  	_ =	swait.ge [sflag:s31], $0x2800  }
0x67: {  	[sflag:s31] =	ssyncset.done $0x0  }
0x68: {  	[sflag:s31] =	ssyncadd.s32 $0xFFFFD800  }
0x69: {  	[spmem:s13] =	stream.linear.scatter [tilespmem:s30], [sflag:$0x4], $0x4000, $0x38;
	[tilespmem:$0x1E2C0] =	vst v63  }
0x6a: {  	_ =	swait.ge [sflag:s31], $0x4000  }
0x6b: {  	[sflag:s31] =	ssyncset.done $0x0  }
0x6c: {  	[sflag:s31] =	ssyncadd.s32 $0xFFFFC000  }
0x6d: {  	[spmem:s14] =	stream.linear.scatter [tilespmem:s30], [sflag:$0x4], $0x4000, $0x38;
	[tilespmem:$0x1E2C0] =	vst v63  }
0x6e: {  	_ =	swait.ge [sflag:s31], $0x4000  }
0x6f: {  	[sflag:s31] =	ssyncset.done $0x0  }
0x70: {  	[sflag:s31] =	ssyncadd.s32 $0xFFFFC000  }
0x71: {  	[spmem:s15] =	stream.linear.scatter [tilespmem:s30], [sflag:$0x4], $0x4000, $0x38;
	[tilespmem:$0x1E2C0] =	vst v63  }
0x72: {  	_ =	swait.ge [sflag:s31], $0x4000  }
0x73: {  	[sflag:s31] =	ssyncset.done $0x0  }
0x74: {  	[sflag:s31] =	ssyncadd.s32 $0xFFFFC000  }
0x75: {  	[spmem:s16] =	stream.linear.scatter [tilespmem:s30], [sflag:$0x4], $0x4000, $0x38;
	[tilespmem:$0x1E2C0] =	vst v63  }
0x76: {  	_ =	swait.ge [sflag:s31], $0x4000  }
0x77: {  	[sflag:s31] =	ssyncset.done $0x0  }
0x78: {  	[sflag:s31] =	ssyncadd.s32 $0xFFFFC000  }
0x79: {  	[spmem:s17] =	stream.linear.scatter [tilespmem:s30], [sflag:$0x4], $0x3800, $0x38;
	[tilespmem:$0x1E2C0] =	vst v63  }
0x7a: {  	_ =	swait.ge [sflag:s31], $0x3800  }
0x7b: {  	[sflag:s31] =	ssyncset.done $0x0  }
0x7c: {  	s8 =	simm.s32 @!p0 $0x1A2C0;
	[sflag:s31] =	ssyncadd.s32 $0xFFFFC800  }
0x7d: {  	[spmem:s23] =	stream.linear.scatter @!p0 [tilespmem:s8], [sflag:$0x4], $0xC00, $0x38;
	[tilespmem:$0x1E2C0] =	vst v63  }
0x7e: {  	s8 =	simm.s32 @!p0 $0x4  }
0x7f: {  	_ =	swait.ge @!p0 [sflag:s8], $0xC00  }
0x80: {  	[sflag:s8] =	ssyncset.done @!p0 $0x0  }
0x81: {  	s21 =	rddreg [dreg:$0x6];
	[sflag:s8] =	ssyncadd.s32 @!p0 $0xFFFFF400  }
0x82: {  	[tilespmem:s0], [sflag:$0x4] =	stream.linear.gather [hbm4b:s21+s4], $0x80, $0x38;
	[tilespmem:$0x1E2C0] =	vst v63  }
0x83: {  	_ =	swait.ge [sflag:s31], $0x80  }
0x84: {  	[sflag:s31] =	ssyncset.done $0x0  }
0x85: {  	[sflag:s31] =	ssyncadd.s32 $0xFFFFFF80  }
0x86: {  	s18 =	simm.s32 $0x13A40;
	s8 =	simm.s32 $0x380;
	[bflag:$0x0] =	sbarrier.arrive $0xFFFF  }
0x87: {  	[tilespmem:s7], [sflag:$0x1] =	stream.indirect.gather [hbm4b:s6+s2], $0x80, s0, s2, $0xb8;
	[tilespmem:$0x1E2C0] =	vst v63  }
.LBB2_2:
0x88: {  	_ =	swait.ge [sflag:s9], $0x80  }
0x89: {  	p1 =	seq.s32 s8, $0x380;
	[sflag:s9] =	ssyncset.done $0x0  }
0x8a: {  	s19 =	simm.s32 @!p1 $0x3;
	[sflag:s9] =	ssyncadd.s32 $0xFFFFFF80  }
0x8b: {  	_ =	swait.ge @!p1 [sflag:s19], $0x4000  }
0x8c: {  	[sflag:s19] =	ssyncset.done @!p1 $0x0  }
0x8d: {  	[sflag:s19] =	ssyncadd.s32 @!p1 $0xFFFFC000  }
0x8e: {  	[tilespmem:s30], [sflag:$0x1] =	stream.indirect.gather [hbm4b:s6+s2], $0x80, s26, s2, $0xb8;
	[tilespmem:$0x1E2C0] =	vst v63  }
0x8f: {  	_ =	swait.ge [sflag:s10], $0x4000  }
0x90: {  	p1 =	seq.s32 s8, $0x2980;
	[sflag:s10] =	ssyncset.done $0x0  }
0x91: {  	s20 =	sadd.s32 $0xFFFFFE80, s18;
	s19 =	sadd.s32 @!p1 $0xFFFFFE80, s8;
	[sflag:s10] =	ssyncadd.s32 $0xFFFFC000  }
0x92: {  	[spmem:s3] =	stream.indirect.scatter.add.f32 [tilespmem:s7], [sflag:$0x3], $0x80, s20, s2, $0xb8;
	[tilespmem:$0x1E2C0] =	vst v63  }
0x93: {  	s20 =	sand.u32 @!p1 $0x7C00, s19  }
0x94: {  	s19 =	sand.u32 @!p1 $0x200, s19;
	s20 =	sadd.s32 @!p1 s5, s20  }
0x95: {  	s19 =	sor.u32 @!p1 s19, s20  }
0x96: {  	s19 =	sshrl.u32 @!p1 s19, $0x3  }
0x97: {  	s21 =	simm.s32 @!p1 $0x160C0;
	s20 =	simm.s32 @!p1 $0x0;
	s19 =	sadd.s32 @!p1 s1, s19  }
0x98: {  	[tilespmem:s21], [sflag:$0x2] =	stream.linear.gather @!p1 [hbm4b:s19+s20], $0x80, $0x38;
	[tilespmem:$0x1E2C0] =	vst v63  }
0x99: {  	_ =	swait.ge [sflag:s9], $0x80  }
0x9a: {  	[sflag:s9] =	ssyncset.done $0x0  }
0x9b: {  	[sflag:s9] =	ssyncadd.s32 $0xFFFFFF80  }
0x9c: {  	_ =	swait.ge [sflag:s11], $0x4000  }
0x9d: {  	[sflag:s11] =	ssyncset.done $0x0  }
0x9e: {  	[sflag:s11] =	ssyncadd.s32 $0xFFFFC000  }
0x9f: {  	[tilespmem:s7], [sflag:$0x1] =	stream.indirect.gather [hbm4b:s6+s2], $0x80, s28, s2, $0xb8;
	[tilespmem:$0x1E2C0] =	vst v63  }
0xa0: {  	_ =	swait.ge [sflag:s10], $0x4000  }
0xa1: {  	[sflag:s10] =	ssyncset.done $0x0  }
0xa2: {  	s21 =	sadd.s32 $0xFFFFFF00, s18;
	s19 =	sadd.s32 @!p1 $0xFFFFFF00, s8;
	[sflag:s10] =	ssyncadd.s32 $0xFFFFC000  }
0xa3: {  	[spmem:s3] =	stream.indirect.scatter.add.f32 [tilespmem:s30], [sflag:$0x3], $0x80, s21, s2, $0xb8;
	[tilespmem:$0x1E2C0] =	vst v63  }
0xa4: {  	s21 =	sand.u32 @!p1 $0x7C00, s19  }
0xa5: {  	s19 =	sand.u32 @!p1 $0x280, s19;
	s21 =	sadd.s32 @!p1 s5, s21  }
0xa6: {  	s19 =	sor.u32 @!p1 s19, s21  }
0xa7: {  	s19 =	sshrl.u32 @!p1 s19, $0x3  }
0xa8: {  	s21 =	simm.s32 @!p1 $0x16140;
	s19 =	sadd.s32 @!p1 s1, s19  }
0xa9: {  	[tilespmem:s21], [sflag:$0x2] =	stream.linear.gather @!p1 [hbm4b:s19+s20], $0x80, $0x38;
	[tilespmem:$0x1E2C0] =	vst v63  }
0xaa: {  	_ =	swait.ge [sflag:s9], $0x80  }
0xab: {  	[sflag:s9] =	ssyncset.done $0x0  }
0xac: {  	[sflag:s9] =	ssyncadd.s32 $0xFFFFFF80  }
0xad: {  	_ =	swait.ge [sflag:s11], $0x4000  }
0xae: {  	[sflag:s11] =	ssyncset.done $0x0  }
0xaf: {  	[sflag:s11] =	ssyncadd.s32 $0xFFFFC000  }
0xb0: {  	[tilespmem:s30], [sflag:$0x1] =	stream.indirect.gather [hbm4b:s6+s2], $0x80, s29, s2, $0xb8;
	[tilespmem:$0x1E2C0] =	vst v63  }
.Ltmp2:
0xb1: {  	_ = 	snop;
	(pc) =	sbr.rel @p1 .LBB2_4-.Ltmp2, $4  }
0xb2: {  	_ =	swait.ge [sflag:s10], $0x4000  }
0xb3: {  	[sflag:s10] =	ssyncset.done $0x0  }
0xb4: {  	s21 =	sadd.s32 $0xFFFFFF80, s18;
	[sflag:s10] =	ssyncadd.s32 $0xFFFFC000  }
0xb5: {  	[spmem:s3] =	stream.indirect.scatter.add.f32 [tilespmem:s7], [sflag:$0x3], $0x80, s21, s2, $0xb8;
	[tilespmem:$0x1E2C0] =	vst v63  }
0xb6: {  	s19 =	sadd.s32 $0xFFFFFF80, s8  }
0xb7: {  	s20 =	sand.u32 $0x7C00, s19  }
0xb8: {  	s19 =	sand.u32 $0x300, s19;
	s20 =	sadd.s32 s5, s20  }
0xb9: {  	s19 =	sor.u32 s19, s20  }
0xba: {  	s19 =	sshrl.u32 s19, $0x3  }
0xbb: {  	s19 =	sadd.s32 s1, s19  }
0xbc: {  	[tilespmem:s28], [sflag:$0x2] =	stream.linear.gather [hbm4b:s19+s4], $0x80, $0x38;
	[tilespmem:$0x1E2C0] =	vst v63  }
0xbd: {  	_ =	swait.ge [sflag:s9], $0x80  }
0xbe: {  	[sflag:s9] =	ssyncset.done $0x0  }
0xbf: {  	[sflag:s9] =	ssyncadd.s32 $0xFFFFFF80  }
0xc0: {  	_ =	swait.ge [sflag:s11], $0x4000  }
0xc1: {  	[sflag:s11] =	ssyncset.done $0x0  }
0xc2: {  	s20 =	sand.u32 $0x7C00, s8;
	[sflag:s11] =	ssyncadd.s32 $0xFFFFC000  }
0xc3: {  	[tilespmem:s7], [sflag:$0x1] =	stream.indirect.gather [hbm4b:s6+s2], $0x80, s0, s2, $0xb8;
	[tilespmem:$0x1E2C0] =	vst v63  }
0xc4: {  	s21 =	sand.u32 $0x380, s8;
	s19 =	sadd.s32 s5, s20;
	_ =	swait.ge [sflag:s10], $0x4000  }
.Ltmp3:
0xc5: {  	s19 =	sor.u32 s21, s19;
	[sflag:s10] =	ssyncset.done $0x0;
	(pc) =	sbr.rel .LBB2_2-.Ltmp3, $4  }
0xc6: {  	s19 =	sshrl.u32 s19, $0x3;
	[sflag:s10] =	ssyncadd.s32 $0xFFFFC000  }
0xc7: {  	[spmem:s3] =	stream.indirect.scatter.add.f32 [tilespmem:s30], [sflag:$0x3], $0x80, s18, s2, $0xb8;
	[tilespmem:$0x1E2C0] =	vst v63  }
0xc8: {  	s8 =	sadd.s32 $0x200, s8;
	s19 =	sadd.s32 s1, s19;
	s18 =	sadd.s32 $0x200, s18  }
0xc9: {  	[tilespmem:s29], [sflag:$0x2] =	stream.linear.gather [hbm4b:s19+s4], $0x80, $0x38;
	[tilespmem:$0x1E2C0] =	vst v63  }
.LBB2_5:
0xca: {  	_ =	sfence.sel $0x180000  }
0xcb: {  	[bflag:$0x0] =	sbarrier.arrive $0xFFFF  }
0xcc: {  	_ =	strace $0x9000004D  }
0xcd: {  	s0 =	stileid.u32;
	[bflag:$0x2] =	sbarrier.arrive $0xFFFF  }
0xce: {  	p0 =	sne.s32 s0, $0x0;
	s0 =	rddreg [dreg:$0x4]  }
0xcf: {  	s0 =	sadd.s32 @!p0 $0x100000, s0  }
0xd0: {  	[sflag:s0] =	ssyncadd.tile.s32 @!p0 $0x1;
	_ =	shalt  }
.Lfunc_end2:
_tile_overlayer_lowered:
.L_overlay_start_2:
0xd1: {  	(tag) =	ssettag $0x2  }
0xd2: {  	s0 =	rddreg [dreg:$0x0];
	s2 =	stileid.u32  }
0xd3: {  	s1 =	rddreg [dreg:$0x1];
	p0 =	sne.s32 s2, $0x0  }
0xd4: {  	s3 =	rddreg [dreg:$0x2];
	[bflag:$0x3] =	sbarrier.arrive $0xFFFF;
	s2 =	simm.s32 @!p0 $0x1C04  }
0xd5: {  	[timem:s3], [sflag:s2] =	dma.local @!p0 [hbm:s0], s1  }
0xd6: {  	s0 =	simm.s32 @!p0 $0x4  }
0xd7: {  	_ =	swait.ge @!p0 [sflag:s0], s1  }
0xd8: {  	s1 =	ssub.s32 @!p0 $0x0, s1;
	[sflag:s0] =	ssyncset.done @!p0 $0x0  }
0xd9: {  	[sflag:s0] =	ssyncadd.s32 @!p0 s1  }
0xda: {  	[bflag:$0x3] =	sbarrier.arrive $0xFFFF  }
0xdb: {  	_ =	shalt  }

// kernel: kernel.8.cloned.1.call-start
scs
__scs_entry_jumppad:
0x0: {  	(pc) =	sbr.rel $0x88, $3  }
0x1: {  	(tag) =	ssettag $0x0;
	lr =	simm.s32 $0x1  }
0x2: {  	[smem:$0x3F92] =	sst lr;
	_ =	strace $0xD0000000  }
0x3: {  	_ = 	snop  }
0x4: {  	_ = 	snop  }
0x5: {  	_ = 	snop  }
0x6: {  	_ = 	snop  }
0x7: {  	_ = 	snop  }
__scs_overlays_trampoline_lowered:
0x8: {  	[smem:$0x3FA1] =	sst s0  }
0x9: {  	[smem:$0x3FA2] =	sst s1  }
0xa: {  	[smem:$0x3FA3] =	sst s2  }
0xb: {  	[smem:$0x3FA4] =	sst s3  }
0xc: {  	[smem:$0x3FA5] =	sst s4  }
0xd: {  	[smem:$0x3FA6] =	sst s5  }
0xe: {  	[smem:$0x3FA7] =	sst s6  }
0xf: {  	[smem:$0x3FA8] =	sst s7  }
0x10: {  	[smem:$0x3FA9] =	sst s8  }
0x11: {  	[smem:$0x3FAA] =	sst s9;
	s0 =	simm.s32 @!p0 $0x0  }
0x12: {  	s1 =	sld [smem:$0x3F90];
	s0 =	simm.s32 @p0 $0x1  }
0x13: {  	[smem:$0x3FAB] =	sst s0;
	s0 =	simm.s32 @!p1 $0x0  }
0x14: {  	s2 =	sld [smem:$0x3F8F];
	s0 =	simm.s32 @p1 $0x1  }
0x15: {  	[smem:$0x3FAC] =	sst s0;
	s0 =	simm.s32 @!p2 $0x0  }
0x16: {  	s3 =	sld [smem:$0x3FDB];
	s0 =	simm.s32 @p2 $0x1  }
0x17: {  	s4 =	simm.s32 $0x1BF5;
	[smem:$0x3FAE] =	sst s0  }
0x18: {  	s0 =	sld [smem:$0x3F91];
	_ =	swait.ge [sflag:s4], $0x0  }
0x19: {  	s7 =	sld [smem:$0x3F92]  }
0x1a: {  	s8 =	sadd.s32 $0xFFFFE003, lr  }
0x1b: {  	s9 =	sadd.s32 $0xFFFFFEF7, lr;
	s5 =	simm.s32 $0xFFFFFFFF;
	p2 =	slt.u32 s8, $0xFFFFF086  }
0x1c: {  	p1 =	slt.u32 s9, $0xF7A;
	s5 =	simm.s32 @!p2 $0x0  }
0x1d: {  	s5 =	simm.s32 @p1 $0x1;
	p0 =	seq.s32 s7, s2  }
0x1e: {  	s7 =	smul.u32 @!p0 $0xF7A, s2;
	p2 =	seq.s32 @!p0 s5, $0x0  }
0x1f: {  	s9 =	smul.u32 $0xF7A, s1;
	s8 =	simm.s32 @!p0 $0x1BF5;
	p2 =	por !p2, p0  }
0x20: {  	[sflag:s8] =	ssyncset.s32 @!p0 $0xFFFFF086;
	s6 =	sadd.s32 @!p0 s3, s7;
	s7 =	simm.s32 @!p0 $0x108  }
0x21: {  	s3 =	sadd.s32 s3, s9;
	s6 =	sadd.s32 @!p0 $0x88, s6;
	s7 =	simm.s32 @p2 $0x1082  }
0x22: {  	[simem:s7], [sflag:s8] =	dma.local @!p0 [hbm:s6], $0xF7A  }
0x23: {  	s9 =	sor.u32 $0xD0000000, s2;
	s6 =	simm.s32 $0x108;
	_ =	swait.ge @!p0 [sflag:s8], $0x0  }
0x24: {  	s3 =	sadd.s32 $0x88, s3;
	s6 =	simm.s32 @!p1 $0x1082;
	[sflag:s4] =	ssyncset.s32 $0xFFFFF086  }
0x25: {  	[simem:s6], [sflag:s4] =	dma.local [hbm:s3], $0xF7A  }
0x26: {  	[smem:$0x3F92] =	sst s1;
	(tag) =	ssettag s2;
	_ =	strace s9  }
0x27: {  	s1 =	sld [smem:$0x3FA2]  }
0x28: {  	s2 =	sld [smem:$0x3FA3]  }
0x29: {  	s4 =	sld [smem:$0x3FA5]  }
0x2a: {  	p0 =	seq.s32 s5, $0x0;
	s5 =	sld [smem:$0x3FA6]  }
0x2b: {  	s6 =	sld [smem:$0x3FA7]  }
0x2c: {  	s7 =	sld [smem:$0x3FA8]  }
0x2d: {  	s3 =	simm.s32 $0x108;
	s8 =	sld [smem:$0x3FA9]  }
0x2e: {  	s3 =	simm.s32 @!p0 $0x1082;
	s9 =	sld [smem:$0x3FAA]  }
0x2f: {  	lr =	sadd.s32 s0, s3;
	s0 =	sld [smem:$0x3FA1]  }
0x30: {  	s3 =	sld [smem:$0x3FA4]  }
0x31: {  	[smem:$0x3FAD] =	sst s10  }
0x32: {  	s10 =	sld [smem:$0x3FAB];
	_ =	sdelay $0x3  }
0x33: {  	p0 =	seq.s32 s10, $0x1;
	s10 =	sld [smem:$0x3FAD];
	_ =	sdelay $0x3  }
0x34: {  	[smem:$0x3FAD] =	sst s10  }
0x35: {  	s10 =	sld [smem:$0x3FAC];
	_ =	sdelay $0x3  }
0x36: {  	p1 =	seq.s32 s10, $0x1;
	s10 =	sld [smem:$0x3FAD];
	_ =	sdelay $0x3  }
0x37: {  	[smem:$0x3FAD] =	sst s10  }
0x38: {  	s10 =	sld [smem:$0x3FAE]  }
0x39: {  	_ = 	snop;
	(pc) =	sbr.ind lr, $3  }
0x3a: {  	_ = 	snop  }
0x3b: {  	_ = 	snop  }
0x3c: {  	p2 =	seq.s32 s10, $0x1;
	s10 =	sld [smem:$0x3FAD]  }
0x3d: {  	_ =	shalt  }
0x3e: {  	_ =	shalt  }
0x3f: {  	_ =	shalt  }
0x40: {  	_ =	shalt  }
0x41: {  	_ =	shalt  }
0x42: {  	_ =	shalt  }
0x43: {  	_ =	shalt  }
0x44: {  	_ =	shalt  }
0x45: {  	_ =	shalt  }
0x46: {  	_ =	shalt  }
0x47: {  	_ =	shalt  }
0x48: {  	_ =	shalt  }
0x49: {  	_ =	shalt  }
0x4a: {  	_ =	shalt  }
0x4b: {  	_ =	shalt  }
0x4c: {  	_ =	shalt  }
0x4d: {  	_ =	shalt  }
0x4e: {  	_ =	shalt  }
0x4f: {  	_ =	shalt  }
0x50: {  	_ =	shalt  }
0x51: {  	_ =	shalt  }
0x52: {  	_ =	shalt  }
0x53: {  	_ =	shalt  }
0x54: {  	_ =	shalt  }
0x55: {  	_ =	shalt  }
0x56: {  	_ =	shalt  }
0x57: {  	_ =	shalt  }
0x58: {  	_ =	shalt  }
0x59: {  	_ =	shalt  }
0x5a: {  	_ =	shalt  }
0x5b: {  	_ =	shalt  }
0x5c: {  	_ =	shalt  }
0x5d: {  	_ =	shalt  }
0x5e: {  	_ =	shalt  }
0x5f: {  	_ =	shalt  }
0x60: {  	_ =	shalt  }
0x61: {  	_ =	shalt  }
0x62: {  	_ =	shalt  }
0x63: {  	_ =	shalt  }
0x64: {  	_ =	shalt  }
0x65: {  	_ =	shalt  }
0x66: {  	_ =	shalt  }
0x67: {  	_ =	shalt  }
0x68: {  	_ =	shalt  }
0x69: {  	_ =	shalt  }
0x6a: {  	_ =	shalt  }
0x6b: {  	_ =	shalt  }
0x6c: {  	_ =	shalt  }
0x6d: {  	_ =	shalt  }
0x6e: {  	_ =	shalt  }
0x6f: {  	_ =	shalt  }
0x70: {  	_ =	shalt  }
0x71: {  	_ =	shalt  }
0x72: {  	_ =	shalt  }
0x73: {  	_ =	shalt  }
0x74: {  	_ =	shalt  }
0x75: {  	_ =	shalt  }
0x76: {  	_ =	shalt  }
0x77: {  	_ =	shalt  }
0x78: {  	_ =	shalt  }
0x79: {  	_ =	shalt  }
0x7a: {  	_ =	shalt  }
0x7b: {  	_ =	shalt  }
0x7c: {  	_ =	shalt  }
0x7d: {  	_ =	shalt  }
0x7e: {  	_ =	shalt  }
0x7f: {  	_ =	shalt  }
0x80: {  	_ =	shalt  }
0x81: {  	_ =	shalt  }
0x82: {  	_ =	shalt  }
0x83: {  	_ =	shalt  }
0x84: {  	_ =	shalt  }
0x85: {  	_ =	shalt  }
0x86: {  	_ =	shalt  }
0x87: {  	_ =	shalt  }
.Lfunc_end0:
.L_simem_size_0:
called_computation_lowered:
.L_overlay_start_0:
0x88: {  	s2 =	sld [smem:$0x3FD9]  }
0x89: {  	s3 =	sld [smem:$0x3FFE];
	_ =	sdelay $0x1  }
0x8a: {  	s1 =	srdreg.scid  }
0x8b: {  	s0 =	sand.u32 $0x1, s1  }
0x8c: {  	s14 =	sshll.u32 s0, $0xA;
	s2 =	sadd.s32 s3, s2  }
0x8d: {  	s2 =	sadd.s32 s2, s14  }
0x8e: {  	[smem:$0x3FB9] =	sst s2  }
0x8f: {  	_ = 	snop  }
0x90: {  	s2 =	sld [smem:$0x3FD0];
	_ =	sdelay $0x2  }
0x91: {  	s15 =	simm.s32 $0xA;
	s4 =	simm.s32 $0x10  }
0x92: {  	[smem:s4], [sflag:s15] =	dma.local [hbm:s2], $0x1  }
0x93: {  	_ =	swait.eq [sflag:s15], $0x1  }
0x94: {  	[sflag:s15] =	ssyncset.done $0x0  }
0x95: {  	[sflag:s15] =	ssyncadd.s32 $0xFFFFFFFF  }
0x96: {  	s16 =	sld [smem:$0x11];
	(tm) =	ssettm $0x1  }
0x97: {  	s17 =	sld [smem:$0x3FFB];
	_ =	sdelay $0x3  }
0x98: {  	_ =	strace s17  }
0x99: {  	s3 =	sld [smem:$0x3FFC];
	_ =	sdelay $0x3  }
0x9a: {  	_ =	strace s3  }
0x9b: {  	s3 =	sld [smem:$0x3FFD];
	_ =	sdelay $0x3  }
0x9c: {  	_ =	strace s3  }
0x9d: {  	_ =	strace $0x8FFFFFFF  }
0x9e: {  	s18 =	sld [smem:$0x3FDB];
	_ =	sdelay $0x1  }
0x9f: {  	s19 =	simm.s32 $_scs_section_size  }
0xa0: {  	s5 =	simm.s32 $_size__tile_overlayer_lowered;
	s6 =	simm.s32 $_tile_overlayer_lowered  }
0xa1: {  	s22 =	simm.s32 $0x1BFF;
	s21 =	sshll.u32 s6, $0x1;
	s3 =	sadd.s32 s19, s18  }
0xa2: {  	s7 =	simm.s32 $0x0;
	s20 =	sshll.u32 s5, $0x1;
	s5 =	sadd.s32 s21, s3  }
0xa3: {  	[timem:s7], [sflag:s22] =	dma.local [hbm:s5], s20  }
0xa4: {  	_ =	swait.ge [sflag:s22], s20  }
0xa5: {  	s4 =	ssub.s32 $0x0, s20;
	[sflag:s22] =	ssyncset.done $0x0  }
0xa6: {  	[sflag:s22] =	ssyncadd.s32 s4;
	_ =	sdelay $0x1  }
0xa7: {  	s23 =	simm.s32 $0x1B8B  }
0xa8: {  	_ =	swait.ge [sflag:s23], $0x1  }
0xa9: {  	[sflag:s23] =	ssyncset.done $0x0  }
0xaa: {  	s25 =	simm.s32 $0x1B8E;
	s24 =	sld [smem:$0x3FFE];
	[sflag:s23] =	ssyncadd.s32 $0xFFFFFFFF  }
0xab: {  	s26 =	simm.s32 $execute0_lowered;
	[smem:$0x3FD2] =	sst s25  }
0xac: {  	s5 =	sshll.u32 s26, $0x1;
	_ =	strace $0x80000046;
	[dreg:$0x1] =	wrdreg $0xFFFFFFFF  }
0xad: {  	s28 =	simm.s32 $_size_execute0_lowered;
	s3 =	sadd.s32 s3, s5;
	[dreg:$0x0] =	wrdreg $0x0  }
0xae: {  	s5 =	sshll.u32 s28, $0x1;
	[dreg:$0x2] =	wrdreg s3  }
0xaf: {  	[dreg:$0x3] =	wrdreg s5  }
0xb0: {  	[dreg:$0x4] =	wrdreg $0xC0  }
0xb1: {  	_ =	task [dreg:s7], $0x5FFFF  }
0xb2: {  	[dreg:$0x1] =	wrdreg $0xFFFFFFFF  }
0xb3: {  	[dreg:$0x0] =	wrdreg $0x60  }
0xb4: {  	[dreg:$0x2] =	wrdreg s16  }
0xb5: {  	[dreg:$0x3] =	wrdreg s24  }
0xb6: {  	[dreg:$0x4] =	wrdreg $0x0  }
0xb7: {  	[dreg:$0x5] =	wrdreg $0x9  }
0xb8: {  	_ =	task.clear_ibuf [dreg:s7], $0x6FFFF;
	_ =	strace $0x90000046  }
0xb9: {  	s29 =	simm.s32 $0x9;
	_ =	strace $0x80000048  }
0xba: {  	_ =	swait.ge [sflag:s29], $0x1  }
0xbb: {  	[sflag:s29] =	ssyncadd.s32 $0xFFFFFFFF  }
0xbc: {  	_ =	strace $0x90000048  }
0xbd: {  	_ =	sfence  }
0xbe: {  	s30 =	sld [smem:$0x0];
	_ =	sdelay $0x2  }
0xbf: {  	s31 =	sshll.u32 s1, $0xD;
	s1 =	sshrl.u32 s1, $0x2  }
0xc0: {  	s3 =	sand.u32 $0x4000, s31;
	s1 =	sadd.s32 s1, s30  }
0xc1: {  	s0 =	sor.u32 s3, s0;
	s1 =	sshll.u32 s1, $0x11  }
0xc2: {  	s0 =	sor.u32 s1, s0  }
0xc3: {  	s0 =	sadd.s32 $0x8F2B, s0  }
0xc4: {  	[sflag:s0] =	ssyncadd.remote.s32 $0x1  }
0xc5: {  	_ =	sfence.sel $0xFFFF  }
0xc6: {  	[dreg:$0x0] =	wrdreg $0xFFFFFFFF;
	(pc) =	sbr.abs _section_cstart, $3  }
0xc7: {  	[dreg:$0x1] =	wrdreg $0xFFFFFFFF  }
0xc8: {  	_ =	task.clear_ibuf [dreg:s7], $0x2FFFF;
	_ =	strace $0x9FFFFFFF  }
0xc9: {  	(tm) =	ssettm $0x7FFFFFFF  }
tec
execute0_lowered:
.L_overlay_start_1:
0x0: {  	(tag) =	ssettag $0x1  }
0x1: {  	s4 =	rddreg [dreg:$0x0];
	s1 =	srdreg.scid  }
0x2: {  	s0 =	stileid.u32;
	s5 =	rddreg [dreg:$0x1]  }
0x3: {  	s2 =	rddreg [dreg:$0x2];
	s12 =	simm.s32 $0x2A78;
	s13 =	simm.s32 $0x80  }
0x4: {  	s14 =	simm.s32 $0x2CF8;
	s15 =	simm.s32 $0x1;
	s16 =	simm.s32 $0x0  }
0x5: {  	s6 =	sand.u32 $0x1, s1;
	s29 =	sshll.u32 s0, $0x1;
	s1 =	rddreg [dreg:$0x3]  }
0x6: {  	s9 =	smul.u32 $0x270, s0;
	s11 =	sadd.s32 $0x3400, s5;
	p0 =	sne.s32 s0, $0xF  }
0x7: {  	s3 =	sor.u32 s6, s29;
	s8 =	ssub.s32 $0x2, s6;
	s6 =	smul.u32 $0x2710, s6  }
0x8: {  	s7 =	smul.u32 $0x500, s3;
	s3 =	simm.s32 $0x0;
	s10 =	sshrl.u32 s8, $0x1  }
0x9: {  	s5 =	sadd.s32 s9, s2;
	[smem:$0x7FF] =	sst s3;
	s10 =	ssub.s32 s8, s10  }
0xa: {  	s30 =	sadd.s32 s9, s6;
	s6 =	sshrl.u32 s6, $0x3;
	_ =	strace $0x80000047  }
0xb: {  	s4 =	sadd.s32 s4, s7;
	s7 =	sshrl.u32 s30, $0x3;
	s31 =	sadd.s32 s11, s6  }
0xc: {  	s6 =	sadd.s32 $0x2700, s2;
	s9 =	smax.u32 s10, $0x1;
	s10 =	simm.s32 $0x278  }
0xd: {  	v0 =	vimm.f32 $0.0e+00;
	v1 =	vimm.f32 $1.000000000e+00;
	s7 =	sadd.s32 s11, s7;
	s8 =	sadd.s32 $0x4E0, s31;
	s11 =	simm.s32 $0x2  }
.LBB2_1:
0xe: {  	[tilespmem:$0x2A78] =	vst v0  }
0xf: {  	[tilespmem:$0x2A88] =	vst v0  }
0x10: {  	[tilespmem:$0x2A98] =	vst v0  }
0x11: {  	[tilespmem:$0x2AA8] =	vst v0  }
0x12: {  	[tilespmem:$0x2AB8] =	vst v0  }
0x13: {  	[tilespmem:$0x2AC8] =	vst v0  }
0x14: {  	[tilespmem:$0x2AD8] =	vst v0  }
0x15: {  	[tilespmem:$0x2AE8] =	vst v0  }
0x16: {  	[tilespmem:$0x2AF8] =	vst v0  }
0x17: {  	[tilespmem:$0x2B08] =	vst v0  }
0x18: {  	[tilespmem:$0x2B18] =	vst v0  }
0x19: {  	[tilespmem:$0x2B28] =	vst v0  }
0x1a: {  	[tilespmem:$0x2B38] =	vst v0  }
0x1b: {  	[tilespmem:$0x2B48] =	vst v0  }
0x1c: {  	[tilespmem:$0x2B58] =	vst v0  }
0x1d: {  	[tilespmem:$0x2B68] =	vst v0  }
0x1e: {  	[tilespmem:$0x2B78] =	vst v0  }
0x1f: {  	[tilespmem:$0x2B88] =	vst v0  }
0x20: {  	[tilespmem:$0x2B98] =	vst v0  }
0x21: {  	[tilespmem:$0x2BA8] =	vst v0  }
0x22: {  	[tilespmem:$0x2BB8] =	vst v0  }
0x23: {  	[tilespmem:$0x2BC8] =	vst v0  }
0x24: {  	[tilespmem:$0x2BD8] =	vst v0  }
0x25: {  	[tilespmem:$0x2BE8] =	vst v0  }
0x26: {  	[tilespmem:$0x2BF8] =	vst v0  }
0x27: {  	[tilespmem:$0x2C08] =	vst v0  }
0x28: {  	[tilespmem:$0x2C18] =	vst v0  }
0x29: {  	[tilespmem:$0x2C28] =	vst v0  }
0x2a: {  	[tilespmem:$0x2C38] =	vst v0  }
0x2b: {  	[tilespmem:$0x2C48] =	vst v0  }
0x2c: {  	[tilespmem:$0x2C58] =	vst v0  }
0x2d: {  	[tilespmem:$0x2C68] =	vst v0  }
0x2e: {  	[tilespmem:$0x2C78] =	vst v0  }
0x2f: {  	[tilespmem:$0x2C88] =	vst v0  }
0x30: {  	[tilespmem:$0x2C98] =	vst v0  }
0x31: {  	[tilespmem:$0x2CA8] =	vst v0  }
0x32: {  	[tilespmem:$0x2CB8] =	vst v0  }
0x33: {  	[tilespmem:$0x2CC8] =	vst v0  }
0x34: {  	[tilespmem:$0x2CD8] =	vst v0  }
0x35: {  	[tilespmem:$0x2CF8] =	vst v1  }
0x36: {  	[tilespmem:$0x2D08] =	vst v1  }
0x37: {  	[tilespmem:$0x2D18] =	vst v1  }
0x38: {  	[tilespmem:$0x2D28] =	vst v1  }
0x39: {  	[tilespmem:$0x2D38] =	vst v1  }
0x3a: {  	[tilespmem:$0x2D48] =	vst v1  }
0x3b: {  	[tilespmem:$0x2D58] =	vst v1  }
0x3c: {  	[tilespmem:$0x2D68] =	vst v1  }
0x3d: {  	[tilespmem:$0x2D78] =	vst v1  }
0x3e: {  	[tilespmem:s10], [sflag:$0x2] =	stream.linear.gather [hbm4b:s4+s3], $0x2800, $0x38;
	[tilespmem:$0x2DF8] =	vst v63  }
0x3f: {  	_ =	swait.ge [sflag:s11], $0x2800  }
0x40: {  	[sflag:s11] =	ssyncset.done $0x0  }
0x41: {  	[sflag:s11] =	ssyncadd.s32 $0xFFFFD800  }
0x42: {  	[spmem:s5] =	stream.linear.scatter [tilespmem:s12], [sflag:$0x2], $0x270, $0x38;
	[tilespmem:$0x2DF8] =	vst v63  }
0x43: {  	_ =	swait.ge [sflag:s11], $0x270  }
0x44: {  	[sflag:s11] =	ssyncset.done $0x0  }
0x45: {  	s17 =	simm.s32 @!p0 $0x2A78;
	[sflag:s11] =	ssyncadd.s32 $0xFFFFFD90  }
0x46: {  	[spmem:s6] =	stream.linear.scatter @!p0 [tilespmem:s17], [sflag:$0x2], $0x18, $0x38;
	[tilespmem:$0x2DF8] =	vst v63  }
0x47: {  	s17 =	simm.s32 @!p0 $0x2  }
0x48: {  	_ =	swait.ge @!p0 [sflag:s17], $0x18  }
0x49: {  	[sflag:s17] =	ssyncset.done @!p0 $0x0  }
0x4a: {  	[sflag:s17] =	ssyncadd.s32 @!p0 $0xFFFFFFE8  }
0x4b: {  	s17 =	simm.s32 $0x0;
	[bflag:$0x0] =	sbarrier.arrive $0xFFFF  }
.LBB2_2:
0x4c: {  	p1 =	sne.s32 s17, $0x9E00  }
.Ltmp0:
0x4d: {  	_ = 	snop;
	(pc) =	sbr.rel @p1 .LBB2_2-.Ltmp0, $4  }
0x4e: {  	_ = 	snop  }
0x4f: {  	s18 =	sshra.s32 s17, $0x2  }
0x50: {  	s17 =	sadd.s32 $0x200, s17;
	s18 =	sadd.s32 $0x278, s18  }
0x51: {  	[spmem:s2] =	stream.indirect.scatter.add.f32 [tilespmem:s14], [sflag:$0x1], $0x1, s18, s13, $0xb8;
	[tilespmem:$0x2DF8] =	vst v63  }
0x52: {  	_ =	swait.ge [sflag:s15], $0x80  }
0x53: {  	s17 =	simm.s32 $0x4F;
	[sflag:s15] =	ssyncset.done $0x0  }
.LBB2_4:
0x54: {  	p1 =	sne.s32 s17, $0x1;
	s17 =	sadd.s32 $0xFFFFFFFF, s17;
	[sflag:s15] =	ssyncadd.s32 $0xFFFFFF80  }
.Ltmp1:
0x55: {  	(pc) =	sbr.rel @p1 .LBB2_4-.Ltmp1, $3  }
0x56: {  	_ =	sdelay $0x1  }
0x57: {  	_ =	swait.ge [sflag:s15], $0x80  }
0x58: {  	[sflag:s15] =	ssyncset.done $0x0  }
0x59: {  	[sflag:s15] =	ssyncadd.s32 $0xFFFFFF80  }
0x5a: {  	[bflag:$0x0] =	sbarrier.arrive $0xFFFF  }
0x5b: {  	[tilespmem:s12], [sflag:$0x2] =	stream.linear.gather [spmem:s5], $0x270, $0x38;
	[tilespmem:$0x2DF8] =	vst v63  }
0x5c: {  	_ =	swait.ge [sflag:s11], $0x270  }
0x5d: {  	[sflag:s11] =	ssyncset.done $0x0  }
0x5e: {  	[sflag:s11] =	ssyncadd.s32 $0xFFFFFD90  }
0x5f: {  	[hbm4b:s7+s3] =	stream.linear.scatter [tilespmem:s12], [sflag:$0x2], $0x270, $0x38;
	[tilespmem:$0x2DF8] =	vst v63  }
0x60: {  	_ =	swait.ge [sflag:s11], $0x270  }
0x61: {  	[sflag:s11] =	ssyncset.done $0x0  }
0x62: {  	s17 =	simm.s32 @!p0 $0x2D78;
	s18 =	simm.s32 @!p0 $0x2;
	[sflag:s11] =	ssyncadd.s32 $0xFFFFFD90  }
0x63: {  	[tilespmem:s17], [sflag:$0x2] =	stream.linear.gather @!p0 [spmem:s6], $0x10, $0x38;
	[tilespmem:$0x2DF8] =	vst v63  }
0x64: {  	s16 =	sadd.s32 $0x1, s16;
	_ =	swait.ge @!p0 [sflag:s18], $0x10  }
0x65: {  	p1 =	sne.s32 s16, s9;
	[sflag:s18] =	ssyncset.done @!p0 $0x0  }
.Ltmp2:
0x66: {  	s19 =	simm.s32 @!p0 $0x0;
	[sflag:s18] =	ssyncadd.s32 @!p0 $0xFFFFFFF0;
	(pc) =	sbr.rel @p1 .LBB2_1-.Ltmp2, $4  }
0x67: {  	[hbm4b:s8+s19] =	stream.linear.scatter @!p0 [tilespmem:s17], [sflag:$0x2], $0x10, $0x38;
	[tilespmem:$0x2DF8] =	vst v63  }
0x68: {  	_ =	swait.ge @!p0 [sflag:s18], $0x10  }
0x69: {  	[sflag:s18] =	ssyncset.done @!p0 $0x0  }
0x6a: {  	[sflag:s18] =	ssyncadd.s32 @!p0 $0xFFFFFFF0  }
0x6b: {  	_ =	sfence.sel $0x180000  }
0x6c: {  	[bflag:$0x0] =	sbarrier.arrive $0xFFFF  }
0x6d: {  	p0 =	sne.s32 s0, $0x0;
	_ =	strace $0x90000047  }
0x6e: {  	s0 =	sadd.s32 @!p0 $0x100000, s1;
	[bflag:$0x2] =	sbarrier.arrive $0xFFFF  }
0x6f: {  	[sflag:s0] =	ssyncadd.tile.s32 @!p0 $0x1;
	_ =	shalt  }
.Lfunc_end2:
_tile_overlayer_lowered:
.L_overlay_start_2:
0x70: {  	(tag) =	ssettag $0x2  }
0x71: {  	s0 =	rddreg [dreg:$0x0];
	s2 =	stileid.u32  }
0x72: {  	s1 =	rddreg [dreg:$0x1];
	p0 =	sne.s32 s2, $0x0  }
0x73: {  	s3 =	rddreg [dreg:$0x2];
	[bflag:$0x3] =	sbarrier.arrive $0xFFFF;
	s2 =	simm.s32 @!p0 $0x1C02  }
0x74: {  	[timem:s3], [sflag:s2] =	dma.local @!p0 [hbm:s0], s1  }
0x75: {  	s0 =	simm.s32 @!p0 $0x2  }
0x76: {  	_ =	swait.ge @!p0 [sflag:s0], s1  }
0x77: {  	s1 =	ssub.s32 @!p0 $0x0, s1;
	[sflag:s0] =	ssyncset.done @!p0 $0x0  }
0x78: {  	[sflag:s0] =	ssyncadd.s32 @!p0 s1  }
0x79: {  	[bflag:$0x3] =	sbarrier.arrive $0xFFFF  }
0x7a: {  	_ =	shalt  }

</sc_bundles>
